<compile_context>
chip_gen: v7x
topology: tpu7x:2x2x1
jax: 0.10.2.dev20260603
libtpu: 0.0.44.dev20260713+nightly
codegen_flags: <defaults>
</compile_context>

<pallas_src>
import functools

import numpy as np
import jax
import jax.numpy as jnp
from jax import lax
from jax.experimental import pallas as pl
from jax.experimental.pallas import tpu as pltpu
from jax.experimental.pallas import tpu_sc as plsc

EMBED = 256
HEADS = 8
LEVELS = 4
POINTS = 4
HD = EMBED // HEADS
LP = LEVELS * POINTS
SPATIAL = [(64, 64), (32, 32), (16, 16), (8, 8)]
NV = sum(h * w for h, w in SPATIAL)
BS = 2
NQ = NV
TOT_ROWS = BS * NV * HEADS

BQ = 680
NQB = NQ // BQ

NW = 32
ITEMS = BS * NQ * HEADS
IW = ITEMS // NW
CI = 40
CH = IW // CI
ROWS_PER_CHUNK = CI * 4 * LP
IDX_ROWS = ROWS_PER_CHUNK // 128

_lvl = np.tile(np.repeat(np.arange(LEVELS), POINTS), HEADS)
_hh = np.repeat(np.arange(HEADS), LP)
_Wnp = np.array([w for (h, w) in SPATIAL], np.float32)[_lvl]
_Hnp = np.array([h for (h, w) in SPATIAL], np.float32)[_lvl]
_off = np.cumsum([0] + [h * w for h, w in SPATIAL])[:LEVELS]
_base = _off[_lvl].astype(np.int32)
_hlane = _hh.astype(np.int32)
_BD = np.kron(np.eye(HEADS, dtype=np.float32),
              np.ones((LP, LP), np.float32))


def _fused_body(x_ref, q_ref, wvp_ref, bvp_ref, wall_ref, ball_ref,
                refx_ref, refy_ref, wl_ref, hl_ref, base_ref, hlane_ref,
                bd_ref, v_out, iw_out):
    y = (jnp.dot(x_ref[0], wvp_ref[...], preferred_element_type=jnp.float32)
         + bvp_ref[0])
    u = lax.bitcast_convert_type(y, jnp.uint32)
    r = (u + jnp.uint32(0x7FFF) + ((u >> 16) & jnp.uint32(1))) >> 16
    packed = [r[:, h * HD:h * HD + 16] | (r[:, h * HD + 16:(h + 1) * HD] << 16)
              for h in range(HEADS)]
    v_out[0] = jnp.concatenate(packed, axis=1)

    b = pl.program_id(0)
    q = q_ref[0]
    t = jnp.dot(q, wall_ref[...], preferred_element_type=jnp.float32) + ball_ref[0]
    sox = t[:, 0:128]
    soy = t[:, 128:256]
    awr = t[:, 256:384]
    e = jnp.exp(awr)
    s = jnp.dot(e, bd_ref[...], preferred_element_type=jnp.float32)
    aw = e / s

    wv = wl_ref[0]
    hv = hl_ref[0]
    px = refx_ref[0] * wv + sox - 0.5
    py = refy_ref[0] * hv + soy - 0.5
    x0 = jnp.floor(px)
    y0 = jnp.floor(py)
    wx1 = px - x0
    wx0 = 1.0 - wx1
    wy1 = py - y0
    wy0 = 1.0 - wy1
    vx0 = ((x0 >= 0.0) & (x0 < wv)).astype(jnp.float32)
    vx1 = ((x0 >= -1.0) & (x0 < wv - 1.0)).astype(jnp.float32)
    vy0 = ((y0 >= 0.0) & (y0 < hv)).astype(jnp.float32)
    vy1 = ((y0 >= -1.0) & (y0 < hv - 1.0)).astype(jnp.float32)
    wi = wv.astype(jnp.int32)
    xi0 = jnp.clip(x0, 0.0, wv - 1.0).astype(jnp.int32)
    xi1 = jnp.clip(x0 + 1.0, 0.0, wv - 1.0).astype(jnp.int32)
    yi0 = jnp.clip(y0, 0.0, hv - 1.0).astype(jnp.int32)
    yi1 = jnp.clip(y0 + 1.0, 0.0, hv - 1.0).astype(jnp.int32)
    bbase = b * NV
    r0 = base_ref[0] + yi0 * wi + bbase
    r1 = base_ref[0] + yi1 * wi + bbase
    hl8 = hlane_ref[0]
    iw_out[0, :, 0] = jnp.clip((r0 + xi0) * HEADS + hl8, 0, TOT_ROWS - 1)
    iw_out[0, :, 1] = jnp.clip((r0 + xi1) * HEADS + hl8, 0, TOT_ROWS - 1)
    iw_out[0, :, 2] = jnp.clip((r1 + xi0) * HEADS + hl8, 0, TOT_ROWS - 1)
    iw_out[0, :, 3] = jnp.clip((r1 + xi1) * HEADS + hl8, 0, TOT_ROWS - 1)
    bc = lambda x: lax.bitcast_convert_type(x, jnp.int32)
    iw_out[0, :, 4] = bc(aw * (wx0 * wy0) * (vx0 * vy0))
    iw_out[0, :, 5] = bc(aw * (wx1 * wy0) * (vx1 * vy0))
    iw_out[0, :, 6] = bc(aw * (wx0 * wy1) * (vx0 * vy1))
    iw_out[0, :, 7] = bc(aw * (wx1 * wy1) * (vx1 * vy1))


def _post_body(s_ref, w_ref, b_ref, q_ref, out_ref):
    out_ref[0] = (
        jnp.dot(s_ref[0], w_ref[...], preferred_element_type=jnp.float32)
        + b_ref[0] + q_ref[0])


def _sc_body(table, iwh, out, iw_v, rows_v, out_v, semg0, semg1, sem_o, sem_iw):
    wid = lax.axis_index("s") * 2 + lax.axis_index("c")
    semg = [semg0, semg1]
    srcrows = [qq * 8 + c4 for qq in range(CI // 8) for c4 in range(4)]

    def fire_iw(j, par):
        pltpu.async_copy(iwh.at[wid, j], iw_v.at[par], sem_iw)

    def wait_iw(par):
        pltpu.make_async_copy(iwh.at[wid, 0], iw_v.at[par], sem_iw).wait()

    def fire_gathers(par):
        for d in range(IDX_ROWS):
            pltpu.async_copy(table.at[iw_v.at[par, srcrows[d]]],
                             rows_v.at[par, pl.ds(d * 128, 128)], semg[par])

    def drain_gathers(par):
        for d in range(IDX_ROWS):
            pltpu.make_async_copy(
                table.at[iw_v.at[par, srcrows[d]]],
                rows_v.at[par, pl.ds(d * 128, 128)], semg[par]).wait()

    def wait_out(j, par):
        pltpu.make_async_copy(out_v.at[par], out.at[wid, j], sem_o).wait()

    def chunk_step(j, par):
        @pl.when(j < CH - 1)
        def _():
            wait_iw(1 - par)
            fire_gathers(1 - par)

        drain_gathers(par)

        @pl.when(j >= 2)
        def _():
            wait_out(j - 2, par)

        def item(t, c2):
            qq = t >> 3
            h = t & 7
            a0 = jnp.zeros((16,), jnp.float32)
            b0 = jnp.zeros((16,), jnp.float32)
            a1 = jnp.zeros((16,), jnp.float32)
            b1 = jnp.zeros((16,), jnp.float32)
            for g in range(4):
                col = h * 16
                wv16 = plsc.bitcast(
                    iw_v[par, qq * 8 + 4 + g, pl.ds(col, 16)], jnp.float32)
                rbase = (qq * 4 + g) * 128 + col
                for k in range(16):
                    wk = wv16[k]
                    u = rows_v[par, rbase + k, :]
                    fe = plsc.bitcast(u << 16, jnp.float32)
                    fo = plsc.bitcast(u, jnp.float32)
                    if k & 1:
                        a1 = a1 + wk * fe
                        b1 = b1 + wk * fo
                    else:
                        a0 = a0 + wk * fe
                        b0 = b0 + wk * fo
            out_v[par, t, pl.ds(0, 16)] = a0 + a1
            out_v[par, t, pl.ds(16, 16)] = b0 + b1
            return c2

        lax.fori_loop(0, CI, item, 0)

        @pl.when(j + 2 < CH)
        def _():
            fire_iw(j + 2, par)

        pltpu.async_copy(out_v.at[par], out.at[wid, j], sem_o)

    fire_iw(0, 0)
    wait_iw(0)
    fire_gathers(0)
    fire_iw(1, 1)

    if CH % 2:
        chunk_step(0, 0)

        def outer(j2, carry):
            j = 1 + j2 * 2
            chunk_step(j, 1)
            chunk_step(j + 1, 0)
            return carry

        lax.fori_loop(0, (CH - 1) // 2, outer, 0)
        wait_out(CH - 2, 1)
        wait_out(CH - 1, 0)
    else:
        def outer(j2, carry):
            j = j2 * 2
            chunk_step(j, 0)
            chunk_step(j + 1, 1)
            return carry

        lax.fori_loop(0, CH // 2, outer, 0)
        wait_out(CH - 2, 0)
        wait_out(CH - 1, 1)


def _fused_prep(value, query, reference_points, W_vp, b_vp, W_so, b_so,
                W_aw, b_aw):
    wall_t = jnp.concatenate([W_so[0::2], W_so[1::2], W_aw], axis=0).T
    ball = jnp.concatenate([b_so[0::2], b_so[1::2], b_aw]).reshape(1, 384)
    refx = jnp.tile(jnp.repeat(reference_points[..., 0], POINTS, axis=-1),
                    (1, 1, HEADS))
    refy = jnp.tile(jnp.repeat(reference_points[..., 1], POINTS, axis=-1),
                    (1, 1, HEADS))
    wl = jnp.asarray(_Wnp).reshape(1, 128)
    hl = jnp.asarray(_Hnp).reshape(1, 128)
    basev = jnp.asarray(_base).reshape(1, 128)
    hlane = jnp.asarray(_hlane).reshape(1, 128)
    bd = jnp.asarray(_BD)

    qspec = pl.BlockSpec((1, BQ, EMBED), lambda b, i: (b, i, 0))
    cspec128 = pl.BlockSpec((1, 128), lambda b, i: (0, 0))
    lspec = pl.BlockSpec((1, BQ, 128), lambda b, i: (b, i, 0))
    vtab, iw = pl.pallas_call(
        _fused_body,
        grid=(BS, NQB),
        in_specs=[
            qspec, qspec,
            pl.BlockSpec((EMBED, EMBED), lambda b, i: (0, 0)),
            pl.BlockSpec((1, EMBED), lambda b, i: (0, 0)),
            pl.BlockSpec((EMBED, 384), lambda b, i: (0, 0)),
            pl.BlockSpec((1, 384), lambda b, i: (0, 0)),
            lspec, lspec,
            cspec128, cspec128, cspec128, cspec128,
            pl.BlockSpec((128, 128), lambda b, i: (0, 0)),
        ],
        out_specs=[
            pl.BlockSpec((1, BQ, EMBED // 2), lambda b, i: (b, i, 0)),
            pl.BlockSpec((1, BQ, 8, 128), lambda b, i: (b, i, 0, 0)),
        ],
        out_shape=[
            jax.ShapeDtypeStruct((BS, NV, EMBED // 2), jnp.uint32),
            jax.ShapeDtypeStruct((BS, NQ, 8, 128), jnp.int32),
        ],
    )(value, query, W_vp.T, b_vp.reshape(1, EMBED), wall_t, ball,
      refx, refy, wl, hl, basev, hlane, bd)
    return vtab.reshape(TOT_ROWS, HD // 2), iw.reshape(NW, CH, 2 * IDX_ROWS, 128)


def _sc_gather(table, iw_sc):
    mesh = plsc.VectorSubcoreMesh(core_axis_name="c", subcore_axis_name="s")
    f = functools.partial(
        pl.kernel,
        mesh=mesh,
        compiler_params=pltpu.CompilerParams(use_tc_tiling_on_sc=False,
                                             needs_layout_passes=False),
        out_type=jax.ShapeDtypeStruct((NW, CH, CI, HD), jnp.float32),
        scratch_types=[
            pltpu.VMEM((2, 2 * IDX_ROWS, 128), jnp.int32),
            pltpu.VMEM((2, ROWS_PER_CHUNK, HD // 2), jnp.uint32),
            pltpu.VMEM((2, CI, HD), jnp.float32),
            pltpu.SemaphoreType.DMA,
            pltpu.SemaphoreType.DMA,
            pltpu.SemaphoreType.DMA,
            pltpu.SemaphoreType.DMA,
        ],
    )(_sc_body)
    return f(table, iw_sc)


def _post(sc_out, W_op, b_op, query):
    return pl.pallas_call(
        _post_body,
        grid=(BS, NQB),
        in_specs=[
            pl.BlockSpec((1, BQ, EMBED), lambda b, i: (b, i, 0)),
            pl.BlockSpec((EMBED, EMBED), lambda b, i: (0, 0)),
            pl.BlockSpec((1, EMBED), lambda b, i: (0, 0)),
            pl.BlockSpec((1, BQ, EMBED), lambda b, i: (b, i, 0)),
        ],
        out_specs=pl.BlockSpec((1, BQ, EMBED), lambda b, i: (b, i, 0)),
        out_shape=jax.ShapeDtypeStruct((BS, NQ, EMBED), jnp.float32),
    )(sc_out, W_op.T, b_op.reshape(1, EMBED), query)


def kernel(query, value, reference_points, spatial_shapes, level_start_index,
           W_so, b_so, W_aw, b_aw, W_vp, b_vp, W_op, b_op):
    table, iw_sc = _fused_prep(value, query, reference_points, W_vp, b_vp,
                               W_so, b_so, W_aw, b_aw)
    sc_out = _sc_gather(table, iw_sc)
    sc_out = sc_out.reshape(BS, NQ, EMBED)
    return _post(sc_out, W_op, b_op, query)

# --- scband reference (transcript-rebuilt; emitter-appended) ---
"""Pipeline reference for scband-multi-scale-deformable-attention-11733850652690 (READ-ONLY COPY).

The authoritative reference and input builder live on the scoring server;
editing this copy changes nothing except your own understanding.
"""

import jax, jax.numpy as jnp
import numpy as np

EMBED = 256
HEADS = 8
LEVELS = 4
POINTS = 4
HEAD_DIM = EMBED // HEADS
SPATIAL = [(64, 64), (32, 32), (16, 16), (8, 8)]
NV = sum(h * w for h, w in SPATIAL)
BS = 2
NQ = NV


def _grid_sample(img, grid):
    # img: [N, C, H, W]; grid: [N, Q, P, 2] (x, y) in [-1, 1]
    # bilinear, padding_mode='zeros', align_corners=False (matches F.grid_sample)
    N, C, H, W = img.shape
    x = (grid[..., 0] + 1.0) * W * 0.5 - 0.5
    y = (grid[..., 1] + 1.0) * H * 0.5 - 0.5
    x0 = jnp.floor(x)
    y0 = jnp.floor(y)
    x1 = x0 + 1.0
    y1 = y0 + 1.0
    wx1 = x - x0
    wx0 = 1.0 - wx1
    wy1 = y - y0
    wy0 = 1.0 - wy1
    flat = img.reshape(N, C, H * W)

    def samp(ix, iy):
        valid = ((ix >= 0) & (ix < W) & (iy >= 0) & (iy < H)).astype(img.dtype)
        ii = (jnp.clip(iy, 0, H - 1) * W + jnp.clip(ix, 0, W - 1)).astype(jnp.int32)
        g = jnp.take_along_axis(flat, ii.reshape(N, 1, -1), axis=2)
        g = g.reshape(N, C, ix.shape[1], ix.shape[2])
        return g * valid[:, None]

    out = (samp(x0, y0) * (wx0 * wy0)[:, None]
           + samp(x1, y0) * (wx1 * wy0)[:, None]
           + samp(x0, y1) * (wx0 * wy1)[:, None]
           + samp(x1, y1) * (wx1 * wy1)[:, None])
    return out  # [N, C, Q, P]


def _msda_core(value, ss, sampling_locations, attention_weights):
    # value: [bs, nv, HEADS, HEAD_DIM]; ss: numpy [L, 2] (H, W)
    bs = value.shape[0]
    nq = sampling_locations.shape[1]
    splits = [int(h) * int(w) for h, w in ss]
    offs = np.cumsum([0] + splits)
    grids = 2.0 * sampling_locations - 1.0  # [bs, nq, HEADS, L, P, 2]
    samples = []
    for lvl in range(len(ss)):
        h, w = int(ss[lvl][0]), int(ss[lvl][1])
        v = value[:, offs[lvl]:offs[lvl + 1]]  # [bs, h*w, HEADS, HEAD_DIM]
        v = v.transpose(0, 2, 3, 1).reshape(bs * HEADS, HEAD_DIM, h, w)
        g = grids[:, :, :, lvl]  # [bs, nq, HEADS, P, 2]
        g = g.transpose(0, 2, 1, 3, 4).reshape(bs * HEADS, nq, POINTS, 2)
        samples.append(_grid_sample(v, g))
    samp = jnp.stack(samples, axis=-2)  # [bs*HEADS, HEAD_DIM, nq, L, P]
    samp = samp.reshape(bs * HEADS, HEAD_DIM, nq, LEVELS * POINTS)
    aw = attention_weights.transpose(0, 2, 1, 3, 4).reshape(bs * HEADS, 1, nq, LEVELS * POINTS)
    out = (samp * aw).sum(-1)  # [bs*HEADS, HEAD_DIM, nq]
    out = out.reshape(bs, HEADS * HEAD_DIM, nq).transpose(0, 2, 1)
    return out  # [bs, nq, EMBED]


def setup_inputs(seed: int = 0):
    key = jax.random.key(seed)
    ks = [jax.random.fold_in(key, i) for i in range(16)]
    inp = {}
    inp['query'] = jax.random.normal(ks[0], (BS, NQ, EMBED), dtype=jnp.float32)
    inp['value'] = jax.random.normal(ks[1], (BS, NV, EMBED), dtype=jnp.float32)
    inp['reference_points'] = jax.random.uniform(ks[2], (BS, NQ, LEVELS, 2), dtype=jnp.float32)
    inp['spatial_shapes'] = jnp.array(SPATIAL, dtype=jnp.int32)
    inp['level_start_index'] = jnp.array(np.cumsum([0] + [h * w for h, w in SPATIAL])[:-1], dtype=jnp.int32)
    inp['W_so'] = jax.random.normal(ks[3], (HEADS * LEVELS * POINTS * 2, EMBED), dtype=jnp.float32) * 0.02
    inp['b_so'] = jax.random.normal(ks[4], (HEADS * LEVELS * POINTS * 2,), dtype=jnp.float32) * 0.02
    inp['W_aw'] = jax.random.normal(ks[5], (HEADS * LEVELS * POINTS, EMBED), dtype=jnp.float32) * 0.02
    inp['b_aw'] = jax.random.normal(ks[6], (HEADS * LEVELS * POINTS,), dtype=jnp.float32) * 0.02
    inp['W_vp'] = jax.random.normal(ks[7], (EMBED, EMBED), dtype=jnp.float32) * 0.02
    inp['b_vp'] = jax.random.normal(ks[8], (EMBED,), dtype=jnp.float32) * 0.02
    inp['W_op'] = jax.random.normal(ks[9], (EMBED, EMBED), dtype=jnp.float32) * 0.02
    inp['b_op'] = jax.random.normal(ks[10], (EMBED,), dtype=jnp.float32) * 0.02
    return inp


def reference(query, value, reference_points, spatial_shapes, level_start_index,
              W_so, b_so, W_aw, b_aw, W_vp, b_vp, W_op, b_op):
    # batch_first=True; key=None -> value=value; identity=None -> identity=query; query_pos=None
    identity = query
    bs, nq, _ = query.shape
    nv = value.shape[1]
    ss = np.asarray(SPATIAL)
    v = value @ W_vp.T + b_vp
    v = v.reshape(bs, nv, HEADS, HEAD_DIM)
    so = (query @ W_so.T + b_so).reshape(bs, nq, HEADS, LEVELS, POINTS, 2)
    aw = (query @ W_aw.T + b_aw).reshape(bs, nq, HEADS, LEVELS * POINTS)
    aw = jax.nn.softmax(aw, axis=-1).reshape(bs, nq, HEADS, LEVELS, POINTS)
    norm = jnp.stack([spatial_shapes[..., 1], spatial_shapes[..., 0]], -1).astype(query.dtype)
    loc = reference_points[:, :, None, :, None, :] + so / norm[None, None, None, :, None, :]
    out = _msda_core(v, ss, loc, aw)
    out = out @ W_op.T + b_op
    return out + identity

if __name__ == "__main__":
    import jax
    _d = setup_inputs()
    print(jax.jit(kernel)(*tuple(_d.values())))

</pallas_src>

<mosaic_0001>
#map = affine_map<(d0, d1) -> (0, 0)>
#map1 = affine_map<(d0, d1) -> (0, 0, 0, 0)>
module attributes {stable_mosaic.version = 14 : i64} {
  func.func @_sc_body(%arg0: i32, %arg1: i32, %arg2: memref<87040x16xi32, #tpu.memory_space<hbm>>, %arg3: memref<32x68x40x128xi32, #tpu.memory_space<hbm>>, %arg4: memref<32x68x40x32xf32, #tpu.memory_space<hbm>>, %arg5: memref<2x40x128xi32, #tpu.memory_space<vmem>>, %arg6: memref<2x2560x16xi32, #tpu.memory_space<vmem>>, %arg7: memref<2x40x32xf32, #tpu.memory_space<vmem>>, %arg8: memref<!tpu.dma_semaphore, #tpu.memory_space<semaphore_mem>>, %arg9: memref<!tpu.dma_semaphore, #tpu.memory_space<semaphore_mem>>, %arg10: memref<!tpu.dma_semaphore, #tpu.memory_space<semaphore_mem>>, %arg11: memref<!tpu.dma_semaphore, #tpu.memory_space<semaphore_mem>>) attributes {dimension_semantics = [#tpu.dimension_semantics<core_parallel>, #tpu.dimension_semantics<subcore_parallel>], iteration_bounds = array<i64: 2, 16>, scalar_prefetch = 0 : i64, scratch_operands = 7 : i64, tpu.core_type = #tpu.core_type<sc_vector_subcore>, window_params = [{transform_indices = #map}, {transform_indices = #map1}, {transform_indices = #map1}]} {
    %mul3A = arith.constant 2 : i32
    %mul3A_0 = arith.muli %arg1, %mul3A : i32
    %add3A = arith.addi %mul3A_0, %arg0 : i32
    %dma_start3A = arith.constant 0 : i32
    %dma_start3A_1 = arith.constant 0 : i32
    %dma_start3A_2 = arith.constant 0 : i32
    %dma_start3A_3 = arith.constant 0 : i32
    %dma_start3A_4 = tpu.memref_slice %arg5[%dma_start3A_1, %dma_start3A_2, %dma_start3A_3] : memref<2x40x128xi32, #tpu.memory_space<vmem>> -> memref<1x40x128xi32, #tpu.memory_space<vmem>>
    %dma_start3A_5 = tpu.memref_squeeze %dma_start3A_4 : memref<1x40x128xi32, #tpu.memory_space<vmem>> -> memref<40x128xi32, #tpu.memory_space<vmem>>
    %dma_start3A_6 = arith.constant 0 : i32
    %dma_start3A_7 = arith.constant 0 : i32
    %dma_start3A_8 = tpu.memref_slice %arg3[%add3A, %dma_start3A, %dma_start3A_6, %dma_start3A_7] : memref<32x68x40x128xi32, #tpu.memory_space<hbm>> -> memref<1x1x40x128xi32, #tpu.memory_space<hbm>>
    %dma_start3A_9 = tpu.memref_squeeze %dma_start3A_8 : memref<1x1x40x128xi32, #tpu.memory_space<hbm>> -> memref<40x128xi32, #tpu.memory_space<hbm>>
    %dma_start3A_10 = arith.constant 0 : i32
    %dma_start3A_11 = arith.constant 0 : i32
    %dma_start3A_12 = tpu.memref_slice %arg5[%dma_start3A_1, %dma_start3A_10, %dma_start3A_11] : memref<2x40x128xi32, #tpu.memory_space<vmem>> -> memref<1x40x128xi32, #tpu.memory_space<vmem>>
    %dma_start3A_13 = tpu.memref_squeeze %dma_start3A_12 : memref<1x40x128xi32, #tpu.memory_space<vmem>> -> memref<40x128xi32, #tpu.memory_space<vmem>>
    %dma_start3A_14 = arith.constant 0 : i32
    %dma_start3A_15 = arith.constant 0 : i32
    %dma_start3A_16 = tpu.memref_slice %arg3[%add3A, %dma_start3A, %dma_start3A_14, %dma_start3A_15] : memref<32x68x40x128xi32, #tpu.memory_space<hbm>> -> memref<1x1x40x128xi32, #tpu.memory_space<hbm>>
    %dma_start3A_17 = tpu.memref_squeeze %dma_start3A_16 : memref<1x1x40x128xi32, #tpu.memory_space<hbm>> -> memref<40x128xi32, #tpu.memory_space<hbm>>
    tpu.enqueue_dma source(%dma_start3A_17 : memref<40x128xi32, #tpu.memory_space<hbm>>) target(%dma_start3A_13 : memref<40x128xi32, #tpu.memory_space<vmem>>) target_semaphore(%arg11 : memref<!tpu.dma_semaphore, #tpu.memory_space<semaphore_mem>>)
    %dma_wait3A = arith.constant 0 : i32
    %dma_wait3A_18 = arith.constant 0 : i32
    %dma_wait3A_19 = arith.constant 0 : i32
    %dma_wait3A_20 = arith.constant 0 : i32
    %dma_wait3A_21 = tpu.memref_slice %arg5[%dma_wait3A_18, %dma_wait3A_19, %dma_wait3A_20] : memref<2x40x128xi32, #tpu.memory_space<vmem>> -> memref<1x40x128xi32, #tpu.memory_space<vmem>>
    %dma_wait3A_22 = tpu.memref_squeeze %dma_wait3A_21 : memref<1x40x128xi32, #tpu.memory_space<vmem>> -> memref<40x128xi32, #tpu.memory_space<vmem>>
    %dma_wait3A_23 = arith.constant 0 : i32
    %dma_wait3A_24 = arith.constant 0 : i32
    %dma_wait3A_25 = tpu.memref_slice %arg3[%add3A, %dma_wait3A, %dma_wait3A_23, %dma_wait3A_24] : memref<32x68x40x128xi32, #tpu.memory_space<hbm>> -> memref<1x1x40x128xi32, #tpu.memory_space<hbm>>
    %dma_wait3A_26 = tpu.memref_squeeze %dma_wait3A_25 : memref<1x1x40x128xi32, #tpu.memory_space<hbm>> -> memref<40x128xi32, #tpu.memory_space<hbm>>
    %dma_wait3A_27 = arith.constant 0 : i32
    %dma_wait3A_28 = arith.constant 0 : i32
    %dma_wait3A_29 = tpu.memref_slice %arg5[%dma_wait3A_18, %dma_wait3A_27, %dma_wait3A_28] : memref<2x40x128xi32, #tpu.memory_space<vmem>> -> memref<1x40x128xi32, #tpu.memory_space<vmem>>
    %dma_wait3A_30 = tpu.memref_squeeze %dma_wait3A_29 : memref<1x40x128xi32, #tpu.memory_space<vmem>> -> memref<40x128xi32, #tpu.memory_space<vmem>>
    %dma_wait3A_31 = arith.constant 0 : i32
    %dma_wait3A_32 = arith.constant 0 : i32
    %dma_wait3A_33 = tpu.memref_slice %arg3[%add3A, %dma_wait3A, %dma_wait3A_31, %dma_wait3A_32] : memref<32x68x40x128xi32, #tpu.memory_space<hbm>> -> memref<1x1x40x128xi32, #tpu.memory_space<hbm>>
    %dma_wait3A_34 = tpu.memref_squeeze %dma_wait3A_33 : memref<1x1x40x128xi32, #tpu.memory_space<hbm>> -> memref<40x128xi32, #tpu.memory_space<hbm>>
    tpu.wait_dma2 semaphore(%arg11 : memref<!tpu.dma_semaphore, #tpu.memory_space<semaphore_mem>>) src(%dma_wait3A_34 : memref<40x128xi32, #tpu.memory_space<hbm>>) dst(%dma_wait3A_30 : memref<40x128xi32, #tpu.memory_space<vmem>>)
    %dma_start3A_35 = arith.constant 0 : i32
    %dma_start3A_36 = arith.constant 0 : i32
    %dma_start3A_37 = arith.constant 0 : i32
    %dma_start3A_38 = arith.constant 0 : i32
    %dma_start3A_39 = arith.constant 0 : i32
    %dma_start3A_40 = tpu.memref_slice %arg6[%dma_start3A_37, %dma_start3A_38, %dma_start3A_39] : memref<2x2560x16xi32, #tpu.memory_space<vmem>> -> memref<1x128x16xi32, #tpu.memory_space<vmem>>
    %dma_start3A_41 = tpu.memref_squeeze %dma_start3A_40 : memref<1x128x16xi32, #tpu.memory_space<vmem>> -> memref<128x16xi32, #tpu.memory_space<vmem>>
    %dma_start3A_42 = arith.constant 0 : i32
    %dma_start3A_43 = tpu.memref_slice %arg5[%dma_start3A_35, %dma_start3A_36, %dma_start3A_42] : memref<2x40x128xi32, #tpu.memory_space<vmem>> -> memref<1x1x128xi32, #tpu.memory_space<vmem>>
    %dma_start3A_44 = tpu.memref_squeeze %dma_start3A_43 : memref<1x1x128xi32, #tpu.memory_space<vmem>> -> memref<128xi32, #tpu.memory_space<vmem>>
    %dma_start3A_45 = arith.constant 0 : i32
    %dma_start3A_46 = arith.constant 0 : i32
    %dma_start3A_47 = tpu.memref_slice %arg2[%dma_start3A_45, %dma_start3A_46] : memref<87040x16xi32, #tpu.memory_space<hbm>> -> memref<87040x16xi32, #tpu.memory_space<hbm>>
    tpu.enqueue_indirect_dma source(%dma_start3A_47 : memref<87040x16xi32, #tpu.memory_space<hbm>>) target(%dma_start3A_41 : memref<128x16xi32, #tpu.memory_space<vmem>>) offsets(%dma_start3A_44 : memref<128xi32, #tpu.memory_space<vmem>>) semaphore(%arg8 : memref<!tpu.dma_semaphore, #tpu.memory_space<semaphore_mem>>)
    %dma_start3A_48 = arith.constant 0 : i32
    %dma_start3A_49 = arith.constant 1 : i32
    %dma_start3A_50 = arith.constant 0 : i32
    %dma_start3A_51 = arith.constant 128 : i32
    %dma_start3A_52 = arith.constant 0 : i32
    %dma_start3A_53 = tpu.memref_slice %arg6[%dma_start3A_50, %dma_start3A_51, %dma_start3A_52] : memref<2x2560x16xi32, #tpu.memory_space<vmem>> -> memref<1x128x16xi32, #tpu.memory_space<vmem>>
    %dma_start3A_54 = tpu.memref_squeeze %dma_start3A_53 : memref<1x128x16xi32, #tpu.memory_space<vmem>> -> memref<128x16xi32, #tpu.memory_space<vmem>>
    %dma_start3A_55 = arith.constant 0 : i32
    %dma_start3A_56 = tpu.memref_slice %arg5[%dma_start3A_48, %dma_start3A_49, %dma_start3A_55] : memref<2x40x128xi32, #tpu.memory_space<vmem>> -> memref<1x1x128xi32, #tpu.memory_space<vmem>>
    %dma_start3A_57 = tpu.memref_squeeze %dma_start3A_56 : memref<1x1x128xi32, #tpu.memory_space<vmem>> -> memref<128xi32, #tpu.memory_space<vmem>>
    %dma_start3A_58 = arith.constant 0 : i32
    %dma_start3A_59 = arith.constant 0 : i32
    %dma_start3A_60 = tpu.memref_slice %arg2[%dma_start3A_58, %dma_start3A_59] : memref<87040x16xi32, #tpu.memory_space<hbm>> -> memref<87040x16xi32, #tpu.memory_space<hbm>>
    tpu.enqueue_indirect_dma source(%dma_start3A_60 : memref<87040x16xi32, #tpu.memory_space<hbm>>) target(%dma_start3A_54 : memref<128x16xi32, #tpu.memory_space<vmem>>) offsets(%dma_start3A_57 : memref<128xi32, #tpu.memory_space<vmem>>) semaphore(%arg8 : memref<!tpu.dma_semaphore, #tpu.memory_space<semaphore_mem>>)
    %dma_start3A_61 = arith.constant 0 : i32
    %dma_start3A_62 = arith.constant 2 : i32
    %dma_start3A_63 = arith.constant 0 : i32
    %dma_start3A_64 = arith.constant 256 : i32
    %dma_start3A_65 = arith.constant 0 : i32
    %dma_start3A_66 = tpu.memref_slice %arg6[%dma_start3A_63, %dma_start3A_64, %dma_start3A_65] : memref<2x2560x16xi32, #tpu.memory_space<vmem>> -> memref<1x128x16xi32, #tpu.memory_space<vmem>>
    %dma_start3A_67 = tpu.memref_squeeze %dma_start3A_66 : memref<1x128x16xi32, #tpu.memory_space<vmem>> -> memref<128x16xi32, #tpu.memory_space<vmem>>
    %dma_start3A_68 = arith.constant 0 : i32
    %dma_start3A_69 = tpu.memref_slice %arg5[%dma_start3A_61, %dma_start3A_62, %dma_start3A_68] : memref<2x40x128xi32, #tpu.memory_space<vmem>> -> memref<1x1x128xi32, #tpu.memory_space<vmem>>
    %dma_start3A_70 = tpu.memref_squeeze %dma_start3A_69 : memref<1x1x128xi32, #tpu.memory_space<vmem>> -> memref<128xi32, #tpu.memory_space<vmem>>
    %dma_start3A_71 = arith.constant 0 : i32
    %dma_start3A_72 = arith.constant 0 : i32
    %dma_start3A_73 = tpu.memref_slice %arg2[%dma_start3A_71, %dma_start3A_72] : memref<87040x16xi32, #tpu.memory_space<hbm>> -> memref<87040x16xi32, #tpu.memory_space<hbm>>
    tpu.enqueue_indirect_dma source(%dma_start3A_73 : memref<87040x16xi32, #tpu.memory_space<hbm>>) target(%dma_start3A_67 : memref<128x16xi32, #tpu.memory_space<vmem>>) offsets(%dma_start3A_70 : memref<128xi32, #tpu.memory_space<vmem>>) semaphore(%arg8 : memref<!tpu.dma_semaphore, #tpu.memory_space<semaphore_mem>>)
    %dma_start3A_74 = arith.constant 0 : i32
    %dma_start3A_75 = arith.constant 3 : i32
    %dma_start3A_76 = arith.constant 0 : i32
    %dma_start3A_77 = arith.constant 384 : i32
    %dma_start3A_78 = arith.constant 0 : i32
    %dma_start3A_79 = tpu.memref_slice %arg6[%dma_start3A_76, %dma_start3A_77, %dma_start3A_78] : memref<2x2560x16xi32, #tpu.memory_space<vmem>> -> memref<1x128x16xi32, #tpu.memory_space<vmem>>
    %dma_start3A_80 = tpu.memref_squeeze %dma_start3A_79 : memref<1x128x16xi32, #tpu.memory_space<vmem>> -> memref<128x16xi32, #tpu.memory_space<vmem>>
    %dma_start3A_81 = arith.constant 0 : i32
    %dma_start3A_82 = tpu.memref_slice %arg5[%dma_start3A_74, %dma_start3A_75, %dma_start3A_81] : memref<2x40x128xi32, #tpu.memory_space<vmem>> -> memref<1x1x128xi32, #tpu.memory_space<vmem>>
    %dma_start3A_83 = tpu.memref_squeeze %dma_start3A_82 : memref<1x1x128xi32, #tpu.memory_space<vmem>> -> memref<128xi32, #tpu.memory_space<vmem>>
    %dma_start3A_84 = arith.constant 0 : i32
    %dma_start3A_85 = arith.constant 0 : i32
    %dma_start3A_86 = tpu.memref_slice %arg2[%dma_start3A_84, %dma_start3A_85] : memref<87040x16xi32, #tpu.memory_space<hbm>> -> memref<87040x16xi32, #tpu.memory_space<hbm>>
    tpu.enqueue_indirect_dma source(%dma_start3A_86 : memref<87040x16xi32, #tpu.memory_space<hbm>>) target(%dma_start3A_80 : memref<128x16xi32, #tpu.memory_space<vmem>>) offsets(%dma_start3A_83 : memref<128xi32, #tpu.memory_space<vmem>>) semaphore(%arg8 : memref<!tpu.dma_semaphore, #tpu.memory_space<semaphore_mem>>)
    %dma_start3A_87 = arith.constant 0 : i32
    %dma_start3A_88 = arith.constant 8 : i32
    %dma_start3A_89 = arith.constant 0 : i32
    %dma_start3A_90 = arith.constant 512 : i32
    %dma_start3A_91 = arith.constant 0 : i32
    %dma_start3A_92 = tpu.memref_slice %arg6[%dma_start3A_89, %dma_start3A_90, %dma_start3A_91] : memref<2x2560x16xi32, #tpu.memory_space<vmem>> -> memref<1x128x16xi32, #tpu.memory_space<vmem>>
    %dma_start3A_93 = tpu.memref_squeeze %dma_start3A_92 : memref<1x128x16xi32, #tpu.memory_space<vmem>> -> memref<128x16xi32, #tpu.memory_space<vmem>>
    %dma_start3A_94 = arith.constant 0 : i32
    %dma_start3A_95 = tpu.memref_slice %arg5[%dma_start3A_87, %dma_start3A_88, %dma_start3A_94] : memref<2x40x128xi32, #tpu.memory_space<vmem>> -> memref<1x1x128xi32, #tpu.memory_space<vmem>>
    %dma_start3A_96 = tpu.memref_squeeze %dma_start3A_95 : memref<1x1x128xi32, #tpu.memory_space<vmem>> -> memref<128xi32, #tpu.memory_space<vmem>>
    %dma_start3A_97 = arith.constant 0 : i32
    %dma_start3A_98 = arith.constant 0 : i32
    %dma_start3A_99 = tpu.memref_slice %arg2[%dma_start3A_97, %dma_start3A_98] : memref<87040x16xi32, #tpu.memory_space<hbm>> -> memref<87040x16xi32, #tpu.memory_space<hbm>>
    tpu.enqueue_indirect_dma source(%dma_start3A_99 : memref<87040x16xi32, #tpu.memory_space<hbm>>) target(%dma_start3A_93 : memref<128x16xi32, #tpu.memory_space<vmem>>) offsets(%dma_start3A_96 : memref<128xi32, #tpu.memory_space<vmem>>) semaphore(%arg8 : memref<!tpu.dma_semaphore, #tpu.memory_space<semaphore_mem>>)
    %dma_start3A_100 = arith.constant 0 : i32
    %dma_start3A_101 = arith.constant 9 : i32
    %dma_start3A_102 = arith.constant 0 : i32
    %dma_start3A_103 = arith.constant 640 : i32
    %dma_start3A_104 = arith.constant 0 : i32
    %dma_start3A_105 = tpu.memref_slice %arg6[%dma_start3A_102, %dma_start3A_103, %dma_start3A_104] : memref<2x2560x16xi32, #tpu.memory_space<vmem>> -> memref<1x128x16xi32, #tpu.memory_space<vmem>>
    %dma_start3A_106 = tpu.memref_squeeze %dma_start3A_105 : memref<1x128x16xi32, #tpu.memory_space<vmem>> -> memref<128x16xi32, #tpu.memory_space<vmem>>
    %dma_start3A_107 = arith.constant 0 : i32
    %dma_start3A_108 = tpu.memref_slice %arg5[%dma_start3A_100, %dma_start3A_101, %dma_start3A_107] : memref<2x40x128xi32, #tpu.memory_space<vmem>> -> memref<1x1x128xi32, #tpu.memory_space<vmem>>
    %dma_start3A_109 = tpu.memref_squeeze %dma_start3A_108 : memref<1x1x128xi32, #tpu.memory_space<vmem>> -> memref<128xi32, #tpu.memory_space<vmem>>
    %dma_start3A_110 = arith.constant 0 : i32
    %dma_start3A_111 = arith.constant 0 : i32
    %dma_start3A_112 = tpu.memref_slice %arg2[%dma_start3A_110, %dma_start3A_111] : memref<87040x16xi32, #tpu.memory_space<hbm>> -> memref<87040x16xi32, #tpu.memory_space<hbm>>
    tpu.enqueue_indirect_dma source(%dma_start3A_112 : memref<87040x16xi32, #tpu.memory_space<hbm>>) target(%dma_start3A_106 : memref<128x16xi32, #tpu.memory_space<vmem>>) offsets(%dma_start3A_109 : memref<128xi32, #tpu.memory_space<vmem>>) semaphore(%arg8 : memref<!tpu.dma_semaphore, #tpu.memory_space<semaphore_mem>>)
    %dma_start3A_113 = arith.constant 0 : i32
    %dma_start3A_114 = arith.constant 10 : i32
    %dma_start3A_115 = arith.constant 0 : i32
    %dma_start3A_116 = arith.constant 768 : i32
    %dma_start3A_117 = arith.constant 0 : i32
    %dma_start3A_118 = tpu.memref_slice %arg6[%dma_start3A_115, %dma_start3A_116, %dma_start3A_117] : memref<2x2560x16xi32, #tpu.memory_space<vmem>> -> memref<1x128x16xi32, #tpu.memory_space<vmem>>
    %dma_start3A_119 = tpu.memref_squeeze %dma_start3A_118 : memref<1x128x16xi32, #tpu.memory_space<vmem>> -> memref<128x16xi32, #tpu.memory_space<vmem>>
    %dma_start3A_120 = arith.constant 0 : i32
    %dma_start3A_121 = tpu.memref_slice %arg5[%dma_start3A_113, %dma_start3A_114, %dma_start3A_120] : memref<2x40x128xi32, #tpu.memory_space<vmem>> -> memref<1x1x128xi32, #tpu.memory_space<vmem>>
    %dma_start3A_122 = tpu.memref_squeeze %dma_start3A_121 : memref<1x1x128xi32, #tpu.memory_space<vmem>> -> memref<128xi32, #tpu.memory_space<vmem>>
    %dma_start3A_123 = arith.constant 0 : i32
    %dma_start3A_124 = arith.constant 0 : i32
    %dma_start3A_125 = tpu.memref_slice %arg2[%dma_start3A_123, %dma_start3A_124] : memref<87040x16xi32, #tpu.memory_space<hbm>> -> memref<87040x16xi32, #tpu.memory_space<hbm>>
    tpu.enqueue_indirect_dma source(%dma_start3A_125 : memref<87040x16xi32, #tpu.memory_space<hbm>>) target(%dma_start3A_119 : memref<128x16xi32, #tpu.memory_space<vmem>>) offsets(%dma_start3A_122 : memref<128xi32, #tpu.memory_space<vmem>>) semaphore(%arg8 : memref<!tpu.dma_semaphore, #tpu.memory_space<semaphore_mem>>)
    %dma_start3A_126 = arith.constant 0 : i32
    %dma_start3A_127 = arith.constant 11 : i32
    %dma_start3A_128 = arith.constant 0 : i32
    %dma_start3A_129 = arith.constant 896 : i32
    %dma_start3A_130 = arith.constant 0 : i32
    %dma_start3A_131 = tpu.memref_slice %arg6[%dma_start3A_128, %dma_start3A_129, %dma_start3A_130] : memref<2x2560x16xi32, #tpu.memory_space<vmem>> -> memref<1x128x16xi32, #tpu.memory_space<vmem>>
    %dma_start3A_132 = tpu.memref_squeeze %dma_start3A_131 : memref<1x128x16xi32, #tpu.memory_space<vmem>> -> memref<128x16xi32, #tpu.memory_space<vmem>>
    %dma_start3A_133 = arith.constant 0 : i32
    %dma_start3A_134 = tpu.memref_slice %arg5[%dma_start3A_126, %dma_start3A_127, %dma_start3A_133] : memref<2x40x128xi32, #tpu.memory_space<vmem>> -> memref<1x1x128xi32, #tpu.memory_space<vmem>>
    %dma_start3A_135 = tpu.memref_squeeze %dma_start3A_134 : memref<1x1x128xi32, #tpu.memory_space<vmem>> -> memref<128xi32, #tpu.memory_space<vmem>>
    %dma_start3A_136 = arith.constant 0 : i32
    %dma_start3A_137 = arith.constant 0 : i32
    %dma_start3A_138 = tpu.memref_slice %arg2[%dma_start3A_136, %dma_start3A_137] : memref<87040x16xi32, #tpu.memory_space<hbm>> -> memref<87040x16xi32, #tpu.memory_space<hbm>>
    tpu.enqueue_indirect_dma source(%dma_start3A_138 : memref<87040x16xi32, #tpu.memory_space<hbm>>) target(%dma_start3A_132 : memref<128x16xi32, #tpu.memory_space<vmem>>) offsets(%dma_start3A_135 : memref<128xi32, #tpu.memory_space<vmem>>) semaphore(%arg8 : memref<!tpu.dma_semaphore, #tpu.memory_space<semaphore_mem>>)
    %dma_start3A_139 = arith.constant 0 : i32
    %dma_start3A_140 = arith.constant 16 : i32
    %dma_start3A_141 = arith.constant 0 : i32
    %dma_start3A_142 = arith.constant 1024 : i32
    %dma_start3A_143 = arith.constant 0 : i32
    %dma_start3A_144 = tpu.memref_slice %arg6[%dma_start3A_141, %dma_start3A_142, %dma_start3A_143] : memref<2x2560x16xi32, #tpu.memory_space<vmem>> -> memref<1x128x16xi32, #tpu.memory_space<vmem>>
    %dma_start3A_145 = tpu.memref_squeeze %dma_start3A_144 : memref<1x128x16xi32, #tpu.memory_space<vmem>> -> memref<128x16xi32, #tpu.memory_space<vmem>>
    %dma_start3A_146 = arith.constant 0 : i32
    %dma_start3A_147 = tpu.memref_slice %arg5[%dma_start3A_139, %dma_start3A_140, %dma_start3A_146] : memref<2x40x128xi32, #tpu.memory_space<vmem>> -> memref<1x1x128xi32, #tpu.memory_space<vmem>>
    %dma_start3A_148 = tpu.memref_squeeze %dma_start3A_147 : memref<1x1x128xi32, #tpu.memory_space<vmem>> -> memref<128xi32, #tpu.memory_space<vmem>>
    %dma_start3A_149 = arith.constant 0 : i32
    %dma_start3A_150 = arith.constant 0 : i32
    %dma_start3A_151 = tpu.memref_slice %arg2[%dma_start3A_149, %dma_start3A_150] : memref<87040x16xi32, #tpu.memory_space<hbm>> -> memref<87040x16xi32, #tpu.memory_space<hbm>>
    tpu.enqueue_indirect_dma source(%dma_start3A_151 : memref<87040x16xi32, #tpu.memory_space<hbm>>) target(%dma_start3A_145 : memref<128x16xi32, #tpu.memory_space<vmem>>) offsets(%dma_start3A_148 : memref<128xi32, #tpu.memory_space<vmem>>) semaphore(%arg8 : memref<!tpu.dma_semaphore, #tpu.memory_space<semaphore_mem>>)
    %dma_start3A_152 = arith.constant 0 : i32
    %dma_start3A_153 = arith.constant 17 : i32
    %dma_start3A_154 = arith.constant 0 : i32
    %dma_start3A_155 = arith.constant 1152 : i32
    %dma_start3A_156 = arith.constant 0 : i32
    %dma_start3A_157 = tpu.memref_slice %arg6[%dma_start3A_154, %dma_start3A_155, %dma_start3A_156] : memref<2x2560x16xi32, #tpu.memory_space<vmem>> -> memref<1x128x16xi32, #tpu.memory_space<vmem>>
    %dma_start3A_158 = tpu.memref_squeeze %dma_start3A_157 : memref<1x128x16xi32, #tpu.memory_space<vmem>> -> memref<128x16xi32, #tpu.memory_space<vmem>>
    %dma_start3A_159 = arith.constant 0 : i32
    %dma_start3A_160 = tpu.memref_slice %arg5[%dma_start3A_152, %dma_start3A_153, %dma_start3A_159] : memref<2x40x128xi32, #tpu.memory_space<vmem>> -> memref<1x1x128xi32, #tpu.memory_space<vmem>>
    %dma_start3A_161 = tpu.memref_squeeze %dma_start3A_160 : memref<1x1x128xi32, #tpu.memory_space<vmem>> -> memref<128xi32, #tpu.memory_space<vmem>>
    %dma_start3A_162 = arith.constant 0 : i32
    %dma_start3A_163 = arith.constant 0 : i32
    %dma_start3A_164 = tpu.memref_slice %arg2[%dma_start3A_162, %dma_start3A_163] : memref<87040x16xi32, #tpu.memory_space<hbm>> -> memref<87040x16xi32, #tpu.memory_space<hbm>>
    tpu.enqueue_indirect_dma source(%dma_start3A_164 : memref<87040x16xi32, #tpu.memory_space<hbm>>) target(%dma_start3A_158 : memref<128x16xi32, #tpu.memory_space<vmem>>) offsets(%dma_start3A_161 : memref<128xi32, #tpu.memory_space<vmem>>) semaphore(%arg8 : memref<!tpu.dma_semaphore, #tpu.memory_space<semaphore_mem>>)
    %dma_start3A_165 = arith.constant 0 : i32
    %dma_start3A_166 = arith.constant 18 : i32
    %dma_start3A_167 = arith.constant 0 : i32
    %dma_start3A_168 = arith.constant 1280 : i32
    %dma_start3A_169 = arith.constant 0 : i32
    %dma_start3A_170 = tpu.memref_slice %arg6[%dma_start3A_167, %dma_start3A_168, %dma_start3A_169] : memref<2x2560x16xi32, #tpu.memory_space<vmem>> -> memref<1x128x16xi32, #tpu.memory_space<vmem>>
    %dma_start3A_171 = tpu.memref_squeeze %dma_start3A_170 : memref<1x128x16xi32, #tpu.memory_space<vmem>> -> memref<128x16xi32, #tpu.memory_space<vmem>>
    %dma_start3A_172 = arith.constant 0 : i32
    %dma_start3A_173 = tpu.memref_slice %arg5[%dma_start3A_165, %dma_start3A_166, %dma_start3A_172] : memref<2x40x128xi32, #tpu.memory_space<vmem>> -> memref<1x1x128xi32, #tpu.memory_space<vmem>>
    %dma_start3A_174 = tpu.memref_squeeze %dma_start3A_173 : memref<1x1x128xi32, #tpu.memory_space<vmem>> -> memref<128xi32, #tpu.memory_space<vmem>>
    %dma_start3A_175 = arith.constant 0 : i32
    %dma_start3A_176 = arith.constant 0 : i32
    %dma_start3A_177 = tpu.memref_slice %arg2[%dma_start3A_175, %dma_start3A_176] : memref<87040x16xi32, #tpu.memory_space<hbm>> -> memref<87040x16xi32, #tpu.memory_space<hbm>>
    tpu.enqueue_indirect_dma source(%dma_start3A_177 : memref<87040x16xi32, #tpu.memory_space<hbm>>) target(%dma_start3A_171 : memref<128x16xi32, #tpu.memory_space<vmem>>) offsets(%dma_start3A_174 : memref<128xi32, #tpu.memory_space<vmem>>) semaphore(%arg8 : memref<!tpu.dma_semaphore, #tpu.memory_space<semaphore_mem>>)
    %dma_start3A_178 = arith.constant 0 : i32
    %dma_start3A_179 = arith.constant 19 : i32
    %dma_start3A_180 = arith.constant 0 : i32
    %dma_start3A_181 = arith.constant 1408 : i32
    %dma_start3A_182 = arith.constant 0 : i32
    %dma_start3A_183 = tpu.memref_slice %arg6[%dma_start3A_180, %dma_start3A_181, %dma_start3A_182] : memref<2x2560x16xi32, #tpu.memory_space<vmem>> -> memref<1x128x16xi32, #tpu.memory_space<vmem>>
    %dma_start3A_184 = tpu.memref_squeeze %dma_start3A_183 : memref<1x128x16xi32, #tpu.memory_space<vmem>> -> memref<128x16xi32, #tpu.memory_space<vmem>>
    %dma_start3A_185 = arith.constant 0 : i32
    %dma_start3A_186 = tpu.memref_slice %arg5[%dma_start3A_178, %dma_start3A_179, %dma_start3A_185] : memref<2x40x128xi32, #tpu.memory_space<vmem>> -> memref<1x1x128xi32, #tpu.memory_space<vmem>>
    %dma_start3A_187 = tpu.memref_squeeze %dma_start3A_186 : memref<1x1x128xi32, #tpu.memory_space<vmem>> -> memref<128xi32, #tpu.memory_space<vmem>>
    %dma_start3A_188 = arith.constant 0 : i32
    %dma_start3A_189 = arith.constant 0 : i32
    %dma_start3A_190 = tpu.memref_slice %arg2[%dma_start3A_188, %dma_start3A_189] : memref<87040x16xi32, #tpu.memory_space<hbm>> -> memref<87040x16xi32, #tpu.memory_space<hbm>>
    tpu.enqueue_indirect_dma source(%dma_start3A_190 : memref<87040x16xi32, #tpu.memory_space<hbm>>) target(%dma_start3A_184 : memref<128x16xi32, #tpu.memory_space<vmem>>) offsets(%dma_start3A_187 : memref<128xi32, #tpu.memory_space<vmem>>) semaphore(%arg8 : memref<!tpu.dma_semaphore, #tpu.memory_space<semaphore_mem>>)
    %dma_start3A_191 = arith.constant 0 : i32
    %dma_start3A_192 = arith.constant 24 : i32
    %dma_start3A_193 = arith.constant 0 : i32
    %dma_start3A_194 = arith.constant 1536 : i32
    %dma_start3A_195 = arith.constant 0 : i32
    %dma_start3A_196 = tpu.memref_slice %arg6[%dma_start3A_193, %dma_start3A_194, %dma_start3A_195] : memref<2x2560x16xi32, #tpu.memory_space<vmem>> -> memref<1x128x16xi32, #tpu.memory_space<vmem>>
    %dma_start3A_197 = tpu.memref_squeeze %dma_start3A_196 : memref<1x128x16xi32, #tpu.memory_space<vmem>> -> memref<128x16xi32, #tpu.memory_space<vmem>>
    %dma_start3A_198 = arith.constant 0 : i32
    %dma_start3A_199 = tpu.memref_slice %arg5[%dma_start3A_191, %dma_start3A_192, %dma_start3A_198] : memref<2x40x128xi32, #tpu.memory_space<vmem>> -> memref<1x1x128xi32, #tpu.memory_space<vmem>>
    %dma_start3A_200 = tpu.memref_squeeze %dma_start3A_199 : memref<1x1x128xi32, #tpu.memory_space<vmem>> -> memref<128xi32, #tpu.memory_space<vmem>>
    %dma_start3A_201 = arith.constant 0 : i32
    %dma_start3A_202 = arith.constant 0 : i32
    %dma_start3A_203 = tpu.memref_slice %arg2[%dma_start3A_201, %dma_start3A_202] : memref<87040x16xi32, #tpu.memory_space<hbm>> -> memref<87040x16xi32, #tpu.memory_space<hbm>>
    tpu.enqueue_indirect_dma source(%dma_start3A_203 : memref<87040x16xi32, #tpu.memory_space<hbm>>) target(%dma_start3A_197 : memref<128x16xi32, #tpu.memory_space<vmem>>) offsets(%dma_start3A_200 : memref<128xi32, #tpu.memory_space<vmem>>) semaphore(%arg8 : memref<!tpu.dma_semaphore, #tpu.memory_space<semaphore_mem>>)
    %dma_start3A_204 = arith.constant 0 : i32
    %dma_start3A_205 = arith.constant 25 : i32
    %dma_start3A_206 = arith.constant 0 : i32
    %dma_start3A_207 = arith.constant 1664 : i32
    %dma_start3A_208 = arith.constant 0 : i32
    %dma_start3A_209 = tpu.memref_slice %arg6[%dma_start3A_206, %dma_start3A_207, %dma_start3A_208] : memref<2x2560x16xi32, #tpu.memory_space<vmem>> -> memref<1x128x16xi32, #tpu.memory_space<vmem>>
    %dma_start3A_210 = tpu.memref_squeeze %dma_start3A_209 : memref<1x128x16xi32, #tpu.memory_space<vmem>> -> memref<128x16xi32, #tpu.memory_space<vmem>>
    %dma_start3A_211 = arith.constant 0 : i32
    %dma_start3A_212 = tpu.memref_slice %arg5[%dma_start3A_204, %dma_start3A_205, %dma_start3A_211] : memref<2x40x128xi32, #tpu.memory_space<vmem>> -> memref<1x1x128xi32, #tpu.memory_space<vmem>>
    %dma_start3A_213 = tpu.memref_squeeze %dma_start3A_212 : memref<1x1x128xi32, #tpu.memory_space<vmem>> -> memref<128xi32, #tpu.memory_space<vmem>>
    %dma_start3A_214 = arith.constant 0 : i32
    %dma_start3A_215 = arith.constant 0 : i32
    %dma_start3A_216 = tpu.memref_slice %arg2[%dma_start3A_214, %dma_start3A_215] : memref<87040x16xi32, #tpu.memory_space<hbm>> -> memref<87040x16xi32, #tpu.memory_space<hbm>>
    tpu.enqueue_indirect_dma source(%dma_start3A_216 : memref<87040x16xi32, #tpu.memory_space<hbm>>) target(%dma_start3A_210 : memref<128x16xi32, #tpu.memory_space<vmem>>) offsets(%dma_start3A_213 : memref<128xi32, #tpu.memory_space<vmem>>) semaphore(%arg8 : memref<!tpu.dma_semaphore, #tpu.memory_space<semaphore_mem>>)
    %dma_start3A_217 = arith.constant 0 : i32
    %dma_start3A_218 = arith.constant 26 : i32
    %dma_start3A_219 = arith.constant 0 : i32
    %dma_start3A_220 = arith.constant 1792 : i32
    %dma_start3A_221 = arith.constant 0 : i32
    %dma_start3A_222 = tpu.memref_slice %arg6[%dma_start3A_219, %dma_start3A_220, %dma_start3A_221] : memref<2x2560x16xi32, #tpu.memory_space<vmem>> -> memref<1x128x16xi32, #tpu.memory_space<vmem>>
    %dma_start3A_223 = tpu.memref_squeeze %dma_start3A_222 : memref<1x128x16xi32, #tpu.memory_space<vmem>> -> memref<128x16xi32, #tpu.memory_space<vmem>>
    %dma_start3A_224 = arith.constant 0 : i32
    %dma_start3A_225 = tpu.memref_slice %arg5[%dma_start3A_217, %dma_start3A_218, %dma_start3A_224] : memref<2x40x128xi32, #tpu.memory_space<vmem>> -> memref<1x1x128xi32, #tpu.memory_space<vmem>>
    %dma_start3A_226 = tpu.memref_squeeze %dma_start3A_225 : memref<1x1x128xi32, #tpu.memory_space<vmem>> -> memref<128xi32, #tpu.memory_space<vmem>>
    %dma_start3A_227 = arith.constant 0 : i32
    %dma_start3A_228 = arith.constant 0 : i32
    %dma_start3A_229 = tpu.memref_slice %arg2[%dma_start3A_227, %dma_start3A_228] : memref<87040x16xi32, #tpu.memory_space<hbm>> -> memref<87040x16xi32, #tpu.memory_space<hbm>>
    tpu.enqueue_indirect_dma source(%dma_start3A_229 : memref<87040x16xi32, #tpu.memory_space<hbm>>) target(%dma_start3A_223 : memref<128x16xi32, #tpu.memory_space<vmem>>) offsets(%dma_start3A_226 : memref<128xi32, #tpu.memory_space<vmem>>) semaphore(%arg8 : memref<!tpu.dma_semaphore, #tpu.memory_space<semaphore_mem>>)
    %dma_start3A_230 = arith.constant 0 : i32
    %dma_start3A_231 = arith.constant 27 : i32
    %dma_start3A_232 = arith.constant 0 : i32
    %dma_start3A_233 = arith.constant 1920 : i32
    %dma_start3A_234 = arith.constant 0 : i32
    %dma_start3A_235 = tpu.memref_slice %arg6[%dma_start3A_232, %dma_start3A_233, %dma_start3A_234] : memref<2x2560x16xi32, #tpu.memory_space<vmem>> -> memref<1x128x16xi32, #tpu.memory_space<vmem>>
    %dma_start3A_236 = tpu.memref_squeeze %dma_start3A_235 : memref<1x128x16xi32, #tpu.memory_space<vmem>> -> memref<128x16xi32, #tpu.memory_space<vmem>>
    %dma_start3A_237 = arith.constant 0 : i32
    %dma_start3A_238 = tpu.memref_slice %arg5[%dma_start3A_230, %dma_start3A_231, %dma_start3A_237] : memref<2x40x128xi32, #tpu.memory_space<vmem>> -> memref<1x1x128xi32, #tpu.memory_space<vmem>>
    %dma_start3A_239 = tpu.memref_squeeze %dma_start3A_238 : memref<1x1x128xi32, #tpu.memory_space<vmem>> -> memref<128xi32, #tpu.memory_space<vmem>>
    %dma_start3A_240 = arith.constant 0 : i32
    %dma_start3A_241 = arith.constant 0 : i32
    %dma_start3A_242 = tpu.memref_slice %arg2[%dma_start3A_240, %dma_start3A_241] : memref<87040x16xi32, #tpu.memory_space<hbm>> -> memref<87040x16xi32, #tpu.memory_space<hbm>>
    tpu.enqueue_indirect_dma source(%dma_start3A_242 : memref<87040x16xi32, #tpu.memory_space<hbm>>) target(%dma_start3A_236 : memref<128x16xi32, #tpu.memory_space<vmem>>) offsets(%dma_start3A_239 : memref<128xi32, #tpu.memory_space<vmem>>) semaphore(%arg8 : memref<!tpu.dma_semaphore, #tpu.memory_space<semaphore_mem>>)
    %dma_start3A_243 = arith.constant 0 : i32
    %dma_start3A_244 = arith.constant 32 : i32
    %dma_start3A_245 = arith.constant 0 : i32
    %dma_start3A_246 = arith.constant 2048 : i32
    %dma_start3A_247 = arith.constant 0 : i32
    %dma_start3A_248 = tpu.memref_slice %arg6[%dma_start3A_245, %dma_start3A_246, %dma_start3A_247] : memref<2x2560x16xi32, #tpu.memory_space<vmem>> -> memref<1x128x16xi32, #tpu.memory_space<vmem>>
    %dma_start3A_249 = tpu.memref_squeeze %dma_start3A_248 : memref<1x128x16xi32, #tpu.memory_space<vmem>> -> memref<128x16xi32, #tpu.memory_space<vmem>>
    %dma_start3A_250 = arith.constant 0 : i32
    %dma_start3A_251 = tpu.memref_slice %arg5[%dma_start3A_243, %dma_start3A_244, %dma_start3A_250] : memref<2x40x128xi32, #tpu.memory_space<vmem>> -> memref<1x1x128xi32, #tpu.memory_space<vmem>>
    %dma_start3A_252 = tpu.memref_squeeze %dma_start3A_251 : memref<1x1x128xi32, #tpu.memory_space<vmem>> -> memref<128xi32, #tpu.memory_space<vmem>>
    %dma_start3A_253 = arith.constant 0 : i32
    %dma_start3A_254 = arith.constant 0 : i32
    %dma_start3A_255 = tpu.memref_slice %arg2[%dma_start3A_253, %dma_start3A_254] : memref<87040x16xi32, #tpu.memory_space<hbm>> -> memref<87040x16xi32, #tpu.memory_space<hbm>>
    tpu.enqueue_indirect_dma source(%dma_start3A_255 : memref<87040x16xi32, #tpu.memory_space<hbm>>) target(%dma_start3A_249 : memref<128x16xi32, #tpu.memory_space<vmem>>) offsets(%dma_start3A_252 : memref<128xi32, #tpu.memory_space<vmem>>) semaphore(%arg8 : memref<!tpu.dma_semaphore, #tpu.memory_space<semaphore_mem>>)
    %dma_start3A_256 = arith.constant 0 : i32
    %dma_start3A_257 = arith.constant 33 : i32
    %dma_start3A_258 = arith.constant 0 : i32
    %dma_start3A_259 = arith.constant 2176 : i32
    %dma_start3A_260 = arith.constant 0 : i32
    %dma_start3A_261 = tpu.memref_slice %arg6[%dma_start3A_258, %dma_start3A_259, %dma_start3A_260] : memref<2x2560x16xi32, #tpu.memory_space<vmem>> -> memref<1x128x16xi32, #tpu.memory_space<vmem>>
    %dma_start3A_262 = tpu.memref_squeeze %dma_start3A_261 : memref<1x128x16xi32, #tpu.memory_space<vmem>> -> memref<128x16xi32, #tpu.memory_space<vmem>>
    %dma_start3A_263 = arith.constant 0 : i32
    %dma_start3A_264 = tpu.memref_slice %arg5[%dma_start3A_256, %dma_start3A_257, %dma_start3A_263] : memref<2x40x128xi32, #tpu.memory_space<vmem>> -> memref<1x1x128xi32, #tpu.memory_space<vmem>>
    %dma_start3A_265 = tpu.memref_squeeze %dma_start3A_264 : memref<1x1x128xi32, #tpu.memory_space<vmem>> -> memref<128xi32, #tpu.memory_space<vmem>>
    %dma_start3A_266 = arith.constant 0 : i32
    %dma_start3A_267 = arith.constant 0 : i32
    %dma_start3A_268 = tpu.memref_slice %arg2[%dma_start3A_266, %dma_start3A_267] : memref<87040x16xi32, #tpu.memory_space<hbm>> -> memref<87040x16xi32, #tpu.memory_space<hbm>>
    tpu.enqueue_indirect_dma source(%dma_start3A_268 : memref<87040x16xi32, #tpu.memory_space<hbm>>) target(%dma_start3A_262 : memref<128x16xi32, #tpu.memory_space<vmem>>) offsets(%dma_start3A_265 : memref<128xi32, #tpu.memory_space<vmem>>) semaphore(%arg8 : memref<!tpu.dma_semaphore, #tpu.memory_space<semaphore_mem>>)
    %dma_start3A_269 = arith.constant 0 : i32
    %dma_start3A_270 = arith.constant 34 : i32
    %dma_start3A_271 = arith.constant 0 : i32
    %dma_start3A_272 = arith.constant 2304 : i32
    %dma_start3A_273 = arith.constant 0 : i32
    %dma_start3A_274 = tpu.memref_slice %arg6[%dma_start3A_271, %dma_start3A_272, %dma_start3A_273] : memref<2x2560x16xi32, #tpu.memory_space<vmem>> -> memref<1x128x16xi32, #tpu.memory_space<vmem>>
    %dma_start3A_275 = tpu.memref_squeeze %dma_start3A_274 : memref<1x128x16xi32, #tpu.memory_space<vmem>> -> memref<128x16xi32, #tpu.memory_space<vmem>>
    %dma_start3A_276 = arith.constant 0 : i32
    %dma_start3A_277 = tpu.memref_slice %arg5[%dma_start3A_269, %dma_start3A_270, %dma_start3A_276] : memref<2x40x128xi32, #tpu.memory_space<vmem>> -> memref<1x1x128xi32, #tpu.memory_space<vmem>>
    %dma_start3A_278 = tpu.memref_squeeze %dma_start3A_277 : memref<1x1x128xi32, #tpu.memory_space<vmem>> -> memref<128xi32, #tpu.memory_space<vmem>>
    %dma_start3A_279 = arith.constant 0 : i32
    %dma_start3A_280 = arith.constant 0 : i32
    %dma_start3A_281 = tpu.memref_slice %arg2[%dma_start3A_279, %dma_start3A_280] : memref<87040x16xi32, #tpu.memory_space<hbm>> -> memref<87040x16xi32, #tpu.memory_space<hbm>>
    tpu.enqueue_indirect_dma source(%dma_start3A_281 : memref<87040x16xi32, #tpu.memory_space<hbm>>) target(%dma_start3A_275 : memref<128x16xi32, #tpu.memory_space<vmem>>) offsets(%dma_start3A_278 : memref<128xi32, #tpu.memory_space<vmem>>) semaphore(%arg8 : memref<!tpu.dma_semaphore, #tpu.memory_space<semaphore_mem>>)
    %dma_start3A_282 = arith.constant 0 : i32
    %dma_start3A_283 = arith.constant 35 : i32
    %dma_start3A_284 = arith.constant 0 : i32
    %dma_start3A_285 = arith.constant 2432 : i32
    %dma_start3A_286 = arith.constant 0 : i32
    %dma_start3A_287 = tpu.memref_slice %arg6[%dma_start3A_284, %dma_start3A_285, %dma_start3A_286] : memref<2x2560x16xi32, #tpu.memory_space<vmem>> -> memref<1x128x16xi32, #tpu.memory_space<vmem>>
    %dma_start3A_288 = tpu.memref_squeeze %dma_start3A_287 : memref<1x128x16xi32, #tpu.memory_space<vmem>> -> memref<128x16xi32, #tpu.memory_space<vmem>>
    %dma_start3A_289 = arith.constant 0 : i32
    %dma_start3A_290 = tpu.memref_slice %arg5[%dma_start3A_282, %dma_start3A_283, %dma_start3A_289] : memref<2x40x128xi32, #tpu.memory_space<vmem>> -> memref<1x1x128xi32, #tpu.memory_space<vmem>>
    %dma_start3A_291 = tpu.memref_squeeze %dma_start3A_290 : memref<1x1x128xi32, #tpu.memory_space<vmem>> -> memref<128xi32, #tpu.memory_space<vmem>>
    %dma_start3A_292 = arith.constant 0 : i32
    %dma_start3A_293 = arith.constant 0 : i32
    %dma_start3A_294 = tpu.memref_slice %arg2[%dma_start3A_292, %dma_start3A_293] : memref<87040x16xi32, #tpu.memory_space<hbm>> -> memref<87040x16xi32, #tpu.memory_space<hbm>>
    tpu.enqueue_indirect_dma source(%dma_start3A_294 : memref<87040x16xi32, #tpu.memory_space<hbm>>) target(%dma_start3A_288 : memref<128x16xi32, #tpu.memory_space<vmem>>) offsets(%dma_start3A_291 : memref<128xi32, #tpu.memory_space<vmem>>) semaphore(%arg8 : memref<!tpu.dma_semaphore, #tpu.memory_space<semaphore_mem>>)
    %dma_start3A_295 = arith.constant 1 : i32
    %dma_start3A_296 = arith.constant 1 : i32
    %dma_start3A_297 = arith.constant 0 : i32
    %dma_start3A_298 = arith.constant 0 : i32
    %dma_start3A_299 = tpu.memref_slice %arg5[%dma_start3A_296, %dma_start3A_297, %dma_start3A_298] : memref<2x40x128xi32, #tpu.memory_space<vmem>> -> memref<1x40x128xi32, #tpu.memory_space<vmem>>
    %dma_start3A_300 = tpu.memref_squeeze %dma_start3A_299 : memref<1x40x128xi32, #tpu.memory_space<vmem>> -> memref<40x128xi32, #tpu.memory_space<vmem>>
    %dma_start3A_301 = arith.constant 0 : i32
    %dma_start3A_302 = arith.constant 0 : i32
    %dma_start3A_303 = tpu.memref_slice %arg3[%add3A, %dma_start3A_295, %dma_start3A_301, %dma_start3A_302] : memref<32x68x40x128xi32, #tpu.memory_space<hbm>> -> memref<1x1x40x128xi32, #tpu.memory_space<hbm>>
    %dma_start3A_304 = tpu.memref_squeeze %dma_start3A_303 : memref<1x1x40x128xi32, #tpu.memory_space<hbm>> -> memref<40x128xi32, #tpu.memory_space<hbm>>
    %dma_start3A_305 = arith.constant 0 : i32
    %dma_start3A_306 = arith.constant 0 : i32
    %dma_start3A_307 = tpu.memref_slice %arg5[%dma_start3A_296, %dma_start3A_305, %dma_start3A_306] : memref<2x40x128xi32, #tpu.memory_space<vmem>> -> memref<1x40x128xi32, #tpu.memory_space<vmem>>
    %dma_start3A_308 = tpu.memref_squeeze %dma_start3A_307 : memref<1x40x128xi32, #tpu.memory_space<vmem>> -> memref<40x128xi32, #tpu.memory_space<vmem>>
    %dma_start3A_309 = arith.constant 0 : i32
    %dma_start3A_310 = arith.constant 0 : i32
    %dma_start3A_311 = tpu.memref_slice %arg3[%add3A, %dma_start3A_295, %dma_start3A_309, %dma_start3A_310] : memref<32x68x40x128xi32, #tpu.memory_space<hbm>> -> memref<1x1x40x128xi32, #tpu.memory_space<hbm>>
    %dma_start3A_312 = tpu.memref_squeeze %dma_start3A_311 : memref<1x1x40x128xi32, #tpu.memory_space<hbm>> -> memref<40x128xi32, #tpu.memory_space<hbm>>
    tpu.enqueue_dma source(%dma_start3A_312 : memref<40x128xi32, #tpu.memory_space<hbm>>) target(%dma_start3A_308 : memref<40x128xi32, #tpu.memory_space<vmem>>) target_semaphore(%arg11 : memref<!tpu.dma_semaphore, #tpu.memory_space<semaphore_mem>>)
    %scan3A = arith.constant 0 : i32
    %scan3A_313 = arith.constant 0 : i32
    %scan3A_314 = arith.constant 34 : i32
    %scan3A_315 = arith.addi %scan3A_313, %scan3A_314 : i32
    %scan3A_316 = arith.constant 1 : i32
    scf.for %scan3A_354 = %scan3A_313 to %scan3A_315 step %scan3A_316  : i32 {
      %mul3A_355 = arith.constant 2 : i32
      %mul3A_356 = arith.muli %scan3A_354, %mul3A_355 : i32
      %lt3A = arith.constant 67 : i32
      %lt3A_357 = arith.cmpi slt, %mul3A_356, %lt3A : i32
      %convert_element_type3A = arith.extui %lt3A_357 : i1 to i32
      %cond3A = arith.constant 0 : i32
      %cond3A_358 = arith.cmpi ne, %convert_element_type3A, %cond3A : i32
      scf.if %cond3A_358 {
        %dma_wait3A_955 = arith.constant 0 : i32
        %dma_wait3A_956 = arith.constant 1 : i32
        %dma_wait3A_957 = arith.constant 0 : i32
        %dma_wait3A_958 = arith.constant 0 : i32
        %dma_wait3A_959 = tpu.memref_slice %arg5[%dma_wait3A_956, %dma_wait3A_957, %dma_wait3A_958] : memref<2x40x128xi32, #tpu.memory_space<vmem>> -> memref<1x40x128xi32, #tpu.memory_space<vmem>>
        %dma_wait3A_960 = tpu.memref_squeeze %dma_wait3A_959 : memref<1x40x128xi32, #tpu.memory_space<vmem>> -> memref<40x128xi32, #tpu.memory_space<vmem>>
        %dma_wait3A_961 = arith.constant 0 : i32
        %dma_wait3A_962 = arith.constant 0 : i32
        %dma_wait3A_963 = tpu.memref_slice %arg3[%add3A, %dma_wait3A_955, %dma_wait3A_961, %dma_wait3A_962] : memref<32x68x40x128xi32, #tpu.memory_space<hbm>> -> memref<1x1x40x128xi32, #tpu.memory_space<hbm>>
        %dma_wait3A_964 = tpu.memref_squeeze %dma_wait3A_963 : memref<1x1x40x128xi32, #tpu.memory_space<hbm>> -> memref<40x128xi32, #tpu.memory_space<hbm>>
        %dma_wait3A_965 = arith.constant 0 : i32
        %dma_wait3A_966 = arith.constant 0 : i32
        %dma_wait3A_967 = tpu.memref_slice %arg5[%dma_wait3A_956, %dma_wait3A_965, %dma_wait3A_966] : memref<2x40x128xi32, #tpu.memory_space<vmem>> -> memref<1x40x128xi32, #tpu.memory_space<vmem>>
        %dma_wait3A_968 = tpu.memref_squeeze %dma_wait3A_967 : memref<1x40x128xi32, #tpu.memory_space<vmem>> -> memref<40x128xi32, #tpu.memory_space<vmem>>
        %dma_wait3A_969 = arith.constant 0 : i32
        %dma_wait3A_970 = arith.constant 0 : i32
        %dma_wait3A_971 = tpu.memref_slice %arg3[%add3A, %dma_wait3A_955, %dma_wait3A_969, %dma_wait3A_970] : memref<32x68x40x128xi32, #tpu.memory_space<hbm>> -> memref<1x1x40x128xi32, #tpu.memory_space<hbm>>
        %dma_wait3A_972 = tpu.memref_squeeze %dma_wait3A_971 : memref<1x1x40x128xi32, #tpu.memory_space<hbm>> -> memref<40x128xi32, #tpu.memory_space<hbm>>
        tpu.wait_dma2 semaphore(%arg11 : memref<!tpu.dma_semaphore, #tpu.memory_space<semaphore_mem>>) src(%dma_wait3A_972 : memref<40x128xi32, #tpu.memory_space<hbm>>) dst(%dma_wait3A_968 : memref<40x128xi32, #tpu.memory_space<vmem>>)
        %dma_start3A_973 = arith.constant 1 : i32
        %dma_start3A_974 = arith.constant 0 : i32
        %dma_start3A_975 = arith.constant 1 : i32
        %dma_start3A_976 = arith.constant 0 : i32
        %dma_start3A_977 = arith.constant 0 : i32
        %dma_start3A_978 = tpu.memref_slice %arg6[%dma_start3A_975, %dma_start3A_976, %dma_start3A_977] : memref<2x2560x16xi32, #tpu.memory_space<vmem>> -> memref<1x128x16xi32, #tpu.memory_space<vmem>>
        %dma_start3A_979 = tpu.memref_squeeze %dma_start3A_978 : memref<1x128x16xi32, #tpu.memory_space<vmem>> -> memref<128x16xi32, #tpu.memory_space<vmem>>
        %dma_start3A_980 = arith.constant 0 : i32
        %dma_start3A_981 = tpu.memref_slice %arg5[%dma_start3A_973, %dma_start3A_974, %dma_start3A_980] : memref<2x40x128xi32, #tpu.memory_space<vmem>> -> memref<1x1x128xi32, #tpu.memory_space<vmem>>
        %dma_start3A_982 = tpu.memref_squeeze %dma_start3A_981 : memref<1x1x128xi32, #tpu.memory_space<vmem>> -> memref<128xi32, #tpu.memory_space<vmem>>
        %dma_start3A_983 = arith.constant 0 : i32
        %dma_start3A_984 = arith.constant 0 : i32
        %dma_start3A_985 = tpu.memref_slice %arg2[%dma_start3A_983, %dma_start3A_984] : memref<87040x16xi32, #tpu.memory_space<hbm>> -> memref<87040x16xi32, #tpu.memory_space<hbm>>
        tpu.enqueue_indirect_dma source(%dma_start3A_985 : memref<87040x16xi32, #tpu.memory_space<hbm>>) target(%dma_start3A_979 : memref<128x16xi32, #tpu.memory_space<vmem>>) offsets(%dma_start3A_982 : memref<128xi32, #tpu.memory_space<vmem>>) semaphore(%arg9 : memref<!tpu.dma_semaphore, #tpu.memory_space<semaphore_mem>>)
        %dma_start3A_986 = arith.constant 1 : i32
        %dma_start3A_987 = arith.constant 1 : i32
        %dma_start3A_988 = arith.constant 1 : i32
        %dma_start3A_989 = arith.constant 128 : i32
        %dma_start3A_990 = arith.constant 0 : i32
        %dma_start3A_991 = tpu.memref_slice %arg6[%dma_start3A_988, %dma_start3A_989, %dma_start3A_990] : memref<2x2560x16xi32, #tpu.memory_space<vmem>> -> memref<1x128x16xi32, #tpu.memory_space<vmem>>
        %dma_start3A_992 = tpu.memref_squeeze %dma_start3A_991 : memref<1x128x16xi32, #tpu.memory_space<vmem>> -> memref<128x16xi32, #tpu.memory_space<vmem>>
        %dma_start3A_993 = arith.constant 0 : i32
        %dma_start3A_994 = tpu.memref_slice %arg5[%dma_start3A_986, %dma_start3A_987, %dma_start3A_993] : memref<2x40x128xi32, #tpu.memory_space<vmem>> -> memref<1x1x128xi32, #tpu.memory_space<vmem>>
        %dma_start3A_995 = tpu.memref_squeeze %dma_start3A_994 : memref<1x1x128xi32, #tpu.memory_space<vmem>> -> memref<128xi32, #tpu.memory_space<vmem>>
        %dma_start3A_996 = arith.constant 0 : i32
        %dma_start3A_997 = arith.constant 0 : i32
        %dma_start3A_998 = tpu.memref_slice %arg2[%dma_start3A_996, %dma_start3A_997] : memref<87040x16xi32, #tpu.memory_space<hbm>> -> memref<87040x16xi32, #tpu.memory_space<hbm>>
        tpu.enqueue_indirect_dma source(%dma_start3A_998 : memref<87040x16xi32, #tpu.memory_space<hbm>>) target(%dma_start3A_992 : memref<128x16xi32, #tpu.memory_space<vmem>>) offsets(%dma_start3A_995 : memref<128xi32, #tpu.memory_space<vmem>>) semaphore(%arg9 : memref<!tpu.dma_semaphore, #tpu.memory_space<semaphore_mem>>)
        %dma_start3A_999 = arith.constant 1 : i32
        %dma_start3A_1000 = arith.constant 2 : i32
        %dma_start3A_1001 = arith.constant 1 : i32
        %dma_start3A_1002 = arith.constant 256 : i32
        %dma_start3A_1003 = arith.constant 0 : i32
        %dma_start3A_1004 = tpu.memref_slice %arg6[%dma_start3A_1001, %dma_start3A_1002, %dma_start3A_1003] : memref<2x2560x16xi32, #tpu.memory_space<vmem>> -> memref<1x128x16xi32, #tpu.memory_space<vmem>>
        %dma_start3A_1005 = tpu.memref_squeeze %dma_start3A_1004 : memref<1x128x16xi32, #tpu.memory_space<vmem>> -> memref<128x16xi32, #tpu.memory_space<vmem>>
        %dma_start3A_1006 = arith.constant 0 : i32
        %dma_start3A_1007 = tpu.memref_slice %arg5[%dma_start3A_999, %dma_start3A_1000, %dma_start3A_1006] : memref<2x40x128xi32, #tpu.memory_space<vmem>> -> memref<1x1x128xi32, #tpu.memory_space<vmem>>
        %dma_start3A_1008 = tpu.memref_squeeze %dma_start3A_1007 : memref<1x1x128xi32, #tpu.memory_space<vmem>> -> memref<128xi32, #tpu.memory_space<vmem>>
        %dma_start3A_1009 = arith.constant 0 : i32
        %dma_start3A_1010 = arith.constant 0 : i32
        %dma_start3A_1011 = tpu.memref_slice %arg2[%dma_start3A_1009, %dma_start3A_1010] : memref<87040x16xi32, #tpu.memory_space<hbm>> -> memref<87040x16xi32, #tpu.memory_space<hbm>>
        tpu.enqueue_indirect_dma source(%dma_start3A_1011 : memref<87040x16xi32, #tpu.memory_space<hbm>>) target(%dma_start3A_1005 : memref<128x16xi32, #tpu.memory_space<vmem>>) offsets(%dma_start3A_1008 : memref<128xi32, #tpu.memory_space<vmem>>) semaphore(%arg9 : memref<!tpu.dma_semaphore, #tpu.memory_space<semaphore_mem>>)
        %dma_start3A_1012 = arith.constant 1 : i32
        %dma_start3A_1013 = arith.constant 3 : i32
        %dma_start3A_1014 = arith.constant 1 : i32
        %dma_start3A_1015 = arith.constant 384 : i32
        %dma_start3A_1016 = arith.constant 0 : i32
        %dma_start3A_1017 = tpu.memref_slice %arg6[%dma_start3A_1014, %dma_start3A_1015, %dma_start3A_1016] : memref<2x2560x16xi32, #tpu.memory_space<vmem>> -> memref<1x128x16xi32, #tpu.memory_space<vmem>>
        %dma_start3A_1018 = tpu.memref_squeeze %dma_start3A_1017 : memref<1x128x16xi32, #tpu.memory_space<vmem>> -> memref<128x16xi32, #tpu.memory_space<vmem>>
        %dma_start3A_1019 = arith.constant 0 : i32
        %dma_start3A_1020 = tpu.memref_slice %arg5[%dma_start3A_1012, %dma_start3A_1013, %dma_start3A_1019] : memref<2x40x128xi32, #tpu.memory_space<vmem>> -> memref<1x1x128xi32, #tpu.memory_space<vmem>>
        %dma_start3A_1021 = tpu.memref_squeeze %dma_start3A_1020 : memref<1x1x128xi32, #tpu.memory_space<vmem>> -> memref<128xi32, #tpu.memory_space<vmem>>
        %dma_start3A_1022 = arith.constant 0 : i32
        %dma_start3A_1023 = arith.constant 0 : i32
        %dma_start3A_1024 = tpu.memref_slice %arg2[%dma_start3A_1022, %dma_start3A_1023] : memref<87040x16xi32, #tpu.memory_space<hbm>> -> memref<87040x16xi32, #tpu.memory_space<hbm>>
        tpu.enqueue_indirect_dma source(%dma_start3A_1024 : memref<87040x16xi32, #tpu.memory_space<hbm>>) target(%dma_start3A_1018 : memref<128x16xi32, #tpu.memory_space<vmem>>) offsets(%dma_start3A_1021 : memref<128xi32, #tpu.memory_space<vmem>>) semaphore(%arg9 : memref<!tpu.dma_semaphore, #tpu.memory_space<semaphore_mem>>)
        %dma_start3A_1025 = arith.constant 1 : i32
        %dma_start3A_1026 = arith.constant 8 : i32
        %dma_start3A_1027 = arith.constant 1 : i32
        %dma_start3A_1028 = arith.constant 512 : i32
        %dma_start3A_1029 = arith.constant 0 : i32
        %dma_start3A_1030 = tpu.memref_slice %arg6[%dma_start3A_1027, %dma_start3A_1028, %dma_start3A_1029] : memref<2x2560x16xi32, #tpu.memory_space<vmem>> -> memref<1x128x16xi32, #tpu.memory_space<vmem>>
        %dma_start3A_1031 = tpu.memref_squeeze %dma_start3A_1030 : memref<1x128x16xi32, #tpu.memory_space<vmem>> -> memref<128x16xi32, #tpu.memory_space<vmem>>
        %dma_start3A_1032 = arith.constant 0 : i32
        %dma_start3A_1033 = tpu.memref_slice %arg5[%dma_start3A_1025, %dma_start3A_1026, %dma_start3A_1032] : memref<2x40x128xi32, #tpu.memory_space<vmem>> -> memref<1x1x128xi32, #tpu.memory_space<vmem>>
        %dma_start3A_1034 = tpu.memref_squeeze %dma_start3A_1033 : memref<1x1x128xi32, #tpu.memory_space<vmem>> -> memref<128xi32, #tpu.memory_space<vmem>>
        %dma_start3A_1035 = arith.constant 0 : i32
        %dma_start3A_1036 = arith.constant 0 : i32
        %dma_start3A_1037 = tpu.memref_slice %arg2[%dma_start3A_1035, %dma_start3A_1036] : memref<87040x16xi32, #tpu.memory_space<hbm>> -> memref<87040x16xi32, #tpu.memory_space<hbm>>
        tpu.enqueue_indirect_dma source(%dma_start3A_1037 : memref<87040x16xi32, #tpu.memory_space<hbm>>) target(%dma_start3A_1031 : memref<128x16xi32, #tpu.memory_space<vmem>>) offsets(%dma_start3A_1034 : memref<128xi32, #tpu.memory_space<vmem>>) semaphore(%arg9 : memref<!tpu.dma_semaphore, #tpu.memory_space<semaphore_mem>>)
        %dma_start3A_1038 = arith.constant 1 : i32
        %dma_start3A_1039 = arith.constant 9 : i32
        %dma_start3A_1040 = arith.constant 1 : i32
        %dma_start3A_1041 = arith.constant 640 : i32
        %dma_start3A_1042 = arith.constant 0 : i32
        %dma_start3A_1043 = tpu.memref_slice %arg6[%dma_start3A_1040, %dma_start3A_1041, %dma_start3A_1042] : memref<2x2560x16xi32, #tpu.memory_space<vmem>> -> memref<1x128x16xi32, #tpu.memory_space<vmem>>
        %dma_start3A_1044 = tpu.memref_squeeze %dma_start3A_1043 : memref<1x128x16xi32, #tpu.memory_space<vmem>> -> memref<128x16xi32, #tpu.memory_space<vmem>>
        %dma_start3A_1045 = arith.constant 0 : i32
        %dma_start3A_1046 = tpu.memref_slice %arg5[%dma_start3A_1038, %dma_start3A_1039, %dma_start3A_1045] : memref<2x40x128xi32, #tpu.memory_space<vmem>> -> memref<1x1x128xi32, #tpu.memory_space<vmem>>
        %dma_start3A_1047 = tpu.memref_squeeze %dma_start3A_1046 : memref<1x1x128xi32, #tpu.memory_space<vmem>> -> memref<128xi32, #tpu.memory_space<vmem>>
        %dma_start3A_1048 = arith.constant 0 : i32
        %dma_start3A_1049 = arith.constant 0 : i32
        %dma_start3A_1050 = tpu.memref_slice %arg2[%dma_start3A_1048, %dma_start3A_1049] : memref<87040x16xi32, #tpu.memory_space<hbm>> -> memref<87040x16xi32, #tpu.memory_space<hbm>>
        tpu.enqueue_indirect_dma source(%dma_start3A_1050 : memref<87040x16xi32, #tpu.memory_space<hbm>>) target(%dma_start3A_1044 : memref<128x16xi32, #tpu.memory_space<vmem>>) offsets(%dma_start3A_1047 : memref<128xi32, #tpu.memory_space<vmem>>) semaphore(%arg9 : memref<!tpu.dma_semaphore, #tpu.memory_space<semaphore_mem>>)
        %dma_start3A_1051 = arith.constant 1 : i32
        %dma_start3A_1052 = arith.constant 10 : i32
        %dma_start3A_1053 = arith.constant 1 : i32
        %dma_start3A_1054 = arith.constant 768 : i32
        %dma_start3A_1055 = arith.constant 0 : i32
        %dma_start3A_1056 = tpu.memref_slice %arg6[%dma_start3A_1053, %dma_start3A_1054, %dma_start3A_1055] : memref<2x2560x16xi32, #tpu.memory_space<vmem>> -> memref<1x128x16xi32, #tpu.memory_space<vmem>>
        %dma_start3A_1057 = tpu.memref_squeeze %dma_start3A_1056 : memref<1x128x16xi32, #tpu.memory_space<vmem>> -> memref<128x16xi32, #tpu.memory_space<vmem>>
        %dma_start3A_1058 = arith.constant 0 : i32
        %dma_start3A_1059 = tpu.memref_slice %arg5[%dma_start3A_1051, %dma_start3A_1052, %dma_start3A_1058] : memref<2x40x128xi32, #tpu.memory_space<vmem>> -> memref<1x1x128xi32, #tpu.memory_space<vmem>>
        %dma_start3A_1060 = tpu.memref_squeeze %dma_start3A_1059 : memref<1x1x128xi32, #tpu.memory_space<vmem>> -> memref<128xi32, #tpu.memory_space<vmem>>
        %dma_start3A_1061 = arith.constant 0 : i32
        %dma_start3A_1062 = arith.constant 0 : i32
        %dma_start3A_1063 = tpu.memref_slice %arg2[%dma_start3A_1061, %dma_start3A_1062] : memref<87040x16xi32, #tpu.memory_space<hbm>> -> memref<87040x16xi32, #tpu.memory_space<hbm>>
        tpu.enqueue_indirect_dma source(%dma_start3A_1063 : memref<87040x16xi32, #tpu.memory_space<hbm>>) target(%dma_start3A_1057 : memref<128x16xi32, #tpu.memory_space<vmem>>) offsets(%dma_start3A_1060 : memref<128xi32, #tpu.memory_space<vmem>>) semaphore(%arg9 : memref<!tpu.dma_semaphore, #tpu.memory_space<semaphore_mem>>)
        %dma_start3A_1064 = arith.constant 1 : i32
        %dma_start3A_1065 = arith.constant 11 : i32
        %dma_start3A_1066 = arith.constant 1 : i32
        %dma_start3A_1067 = arith.constant 896 : i32
        %dma_start3A_1068 = arith.constant 0 : i32
        %dma_start3A_1069 = tpu.memref_slice %arg6[%dma_start3A_1066, %dma_start3A_1067, %dma_start3A_1068] : memref<2x2560x16xi32, #tpu.memory_space<vmem>> -> memref<1x128x16xi32, #tpu.memory_space<vmem>>
        %dma_start3A_1070 = tpu.memref_squeeze %dma_start3A_1069 : memref<1x128x16xi32, #tpu.memory_space<vmem>> -> memref<128x16xi32, #tpu.memory_space<vmem>>
        %dma_start3A_1071 = arith.constant 0 : i32
        %dma_start3A_1072 = tpu.memref_slice %arg5[%dma_start3A_1064, %dma_start3A_1065, %dma_start3A_1071] : memref<2x40x128xi32, #tpu.memory_space<vmem>> -> memref<1x1x128xi32, #tpu.memory_space<vmem>>
        %dma_start3A_1073 = tpu.memref_squeeze %dma_start3A_1072 : memref<1x1x128xi32, #tpu.memory_space<vmem>> -> memref<128xi32, #tpu.memory_space<vmem>>
        %dma_start3A_1074 = arith.constant 0 : i32
        %dma_start3A_1075 = arith.constant 0 : i32
        %dma_start3A_1076 = tpu.memref_slice %arg2[%dma_start3A_1074, %dma_start3A_1075] : memref<87040x16xi32, #tpu.memory_space<hbm>> -> memref<87040x16xi32, #tpu.memory_space<hbm>>
        tpu.enqueue_indirect_dma source(%dma_start3A_1076 : memref<87040x16xi32, #tpu.memory_space<hbm>>) target(%dma_start3A_1070 : memref<128x16xi32, #tpu.memory_space<vmem>>) offsets(%dma_start3A_1073 : memref<128xi32, #tpu.memory_space<vmem>>) semaphore(%arg9 : memref<!tpu.dma_semaphore, #tpu.memory_space<semaphore_mem>>)
        %dma_start3A_1077 = arith.constant 1 : i32
        %dma_start3A_1078 = arith.constant 16 : i32
        %dma_start3A_1079 = arith.constant 1 : i32
        %dma_start3A_1080 = arith.constant 1024 : i32
        %dma_start3A_1081 = arith.constant 0 : i32
        %dma_start3A_1082 = tpu.memref_slice %arg6[%dma_start3A_1079, %dma_start3A_1080, %dma_start3A_1081] : memref<2x2560x16xi32, #tpu.memory_space<vmem>> -> memref<1x128x16xi32, #tpu.memory_space<vmem>>
        %dma_start3A_1083 = tpu.memref_squeeze %dma_start3A_1082 : memref<1x128x16xi32, #tpu.memory_space<vmem>> -> memref<128x16xi32, #tpu.memory_space<vmem>>
        %dma_start3A_1084 = arith.constant 0 : i32
        %dma_start3A_1085 = tpu.memref_slice %arg5[%dma_start3A_1077, %dma_start3A_1078, %dma_start3A_1084] : memref<2x40x128xi32, #tpu.memory_space<vmem>> -> memref<1x1x128xi32, #tpu.memory_space<vmem>>
        %dma_start3A_1086 = tpu.memref_squeeze %dma_start3A_1085 : memref<1x1x128xi32, #tpu.memory_space<vmem>> -> memref<128xi32, #tpu.memory_space<vmem>>
        %dma_start3A_1087 = arith.constant 0 : i32
        %dma_start3A_1088 = arith.constant 0 : i32
        %dma_start3A_1089 = tpu.memref_slice %arg2[%dma_start3A_1087, %dma_start3A_1088] : memref<87040x16xi32, #tpu.memory_space<hbm>> -> memref<87040x16xi32, #tpu.memory_space<hbm>>
        tpu.enqueue_indirect_dma source(%dma_start3A_1089 : memref<87040x16xi32, #tpu.memory_space<hbm>>) target(%dma_start3A_1083 : memref<128x16xi32, #tpu.memory_space<vmem>>) offsets(%dma_start3A_1086 : memref<128xi32, #tpu.memory_space<vmem>>) semaphore(%arg9 : memref<!tpu.dma_semaphore, #tpu.memory_space<semaphore_mem>>)
        %dma_start3A_1090 = arith.constant 1 : i32
        %dma_start3A_1091 = arith.constant 17 : i32
        %dma_start3A_1092 = arith.constant 1 : i32
        %dma_start3A_1093 = arith.constant 1152 : i32
        %dma_start3A_1094 = arith.constant 0 : i32
        %dma_start3A_1095 = tpu.memref_slice %arg6[%dma_start3A_1092, %dma_start3A_1093, %dma_start3A_1094] : memref<2x2560x16xi32, #tpu.memory_space<vmem>> -> memref<1x128x16xi32, #tpu.memory_space<vmem>>
        %dma_start3A_1096 = tpu.memref_squeeze %dma_start3A_1095 : memref<1x128x16xi32, #tpu.memory_space<vmem>> -> memref<128x16xi32, #tpu.memory_space<vmem>>
        %dma_start3A_1097 = arith.constant 0 : i32
        %dma_start3A_1098 = tpu.memref_slice %arg5[%dma_start3A_1090, %dma_start3A_1091, %dma_start3A_1097] : memref<2x40x128xi32, #tpu.memory_space<vmem>> -> memref<1x1x128xi32, #tpu.memory_space<vmem>>
        %dma_start3A_1099 = tpu.memref_squeeze %dma_start3A_1098 : memref<1x1x128xi32, #tpu.memory_space<vmem>> -> memref<128xi32, #tpu.memory_space<vmem>>
        %dma_start3A_1100 = arith.constant 0 : i32
        %dma_start3A_1101 = arith.constant 0 : i32
        %dma_start3A_1102 = tpu.memref_slice %arg2[%dma_start3A_1100, %dma_start3A_1101] : memref<87040x16xi32, #tpu.memory_space<hbm>> -> memref<87040x16xi32, #tpu.memory_space<hbm>>
        tpu.enqueue_indirect_dma source(%dma_start3A_1102 : memref<87040x16xi32, #tpu.memory_space<hbm>>) target(%dma_start3A_1096 : memref<128x16xi32, #tpu.memory_space<vmem>>) offsets(%dma_start3A_1099 : memref<128xi32, #tpu.memory_space<vmem>>) semaphore(%arg9 : memref<!tpu.dma_semaphore, #tpu.memory_space<semaphore_mem>>)
        %dma_start3A_1103 = arith.constant 1 : i32
        %dma_start3A_1104 = arith.constant 18 : i32
        %dma_start3A_1105 = arith.constant 1 : i32
        %dma_start3A_1106 = arith.constant 1280 : i32
        %dma_start3A_1107 = arith.constant 0 : i32
        %dma_start3A_1108 = tpu.memref_slice %arg6[%dma_start3A_1105, %dma_start3A_1106, %dma_start3A_1107] : memref<2x2560x16xi32, #tpu.memory_space<vmem>> -> memref<1x128x16xi32, #tpu.memory_space<vmem>>
        %dma_start3A_1109 = tpu.memref_squeeze %dma_start3A_1108 : memref<1x128x16xi32, #tpu.memory_space<vmem>> -> memref<128x16xi32, #tpu.memory_space<vmem>>
        %dma_start3A_1110 = arith.constant 0 : i32
        %dma_start3A_1111 = tpu.memref_slice %arg5[%dma_start3A_1103, %dma_start3A_1104, %dma_start3A_1110] : memref<2x40x128xi32, #tpu.memory_space<vmem>> -> memref<1x1x128xi32, #tpu.memory_space<vmem>>
        %dma_start3A_1112 = tpu.memref_squeeze %dma_start3A_1111 : memref<1x1x128xi32, #tpu.memory_space<vmem>> -> memref<128xi32, #tpu.memory_space<vmem>>
        %dma_start3A_1113 = arith.constant 0 : i32
        %dma_start3A_1114 = arith.constant 0 : i32
        %dma_start3A_1115 = tpu.memref_slice %arg2[%dma_start3A_1113, %dma_start3A_1114] : memref<87040x16xi32, #tpu.memory_space<hbm>> -> memref<87040x16xi32, #tpu.memory_space<hbm>>
        tpu.enqueue_indirect_dma source(%dma_start3A_1115 : memref<87040x16xi32, #tpu.memory_space<hbm>>) target(%dma_start3A_1109 : memref<128x16xi32, #tpu.memory_space<vmem>>) offsets(%dma_start3A_1112 : memref<128xi32, #tpu.memory_space<vmem>>) semaphore(%arg9 : memref<!tpu.dma_semaphore, #tpu.memory_space<semaphore_mem>>)
        %dma_start3A_1116 = arith.constant 1 : i32
        %dma_start3A_1117 = arith.constant 19 : i32
        %dma_start3A_1118 = arith.constant 1 : i32
        %dma_start3A_1119 = arith.constant 1408 : i32
        %dma_start3A_1120 = arith.constant 0 : i32
        %dma_start3A_1121 = tpu.memref_slice %arg6[%dma_start3A_1118, %dma_start3A_1119, %dma_start3A_1120] : memref<2x2560x16xi32, #tpu.memory_space<vmem>> -> memref<1x128x16xi32, #tpu.memory_space<vmem>>
        %dma_start3A_1122 = tpu.memref_squeeze %dma_start3A_1121 : memref<1x128x16xi32, #tpu.memory_space<vmem>> -> memref<128x16xi32, #tpu.memory_space<vmem>>
        %dma_start3A_1123 = arith.constant 0 : i32
        %dma_start3A_1124 = tpu.memref_slice %arg5[%dma_start3A_1116, %dma_start3A_1117, %dma_start3A_1123] : memref<2x40x128xi32, #tpu.memory_space<vmem>> -> memref<1x1x128xi32, #tpu.memory_space<vmem>>
        %dma_start3A_1125 = tpu.memref_squeeze %dma_start3A_1124 : memref<1x1x128xi32, #tpu.memory_space<vmem>> -> memref<128xi32, #tpu.memory_space<vmem>>
        %dma_start3A_1126 = arith.constant 0 : i32
        %dma_start3A_1127 = arith.constant 0 : i32
        %dma_start3A_1128 = tpu.memref_slice %arg2[%dma_start3A_1126, %dma_start3A_1127] : memref<87040x16xi32, #tpu.memory_space<hbm>> -> memref<87040x16xi32, #tpu.memory_space<hbm>>
        tpu.enqueue_indirect_dma source(%dma_start3A_1128 : memref<87040x16xi32, #tpu.memory_space<hbm>>) target(%dma_start3A_1122 : memref<128x16xi32, #tpu.memory_space<vmem>>) offsets(%dma_start3A_1125 : memref<128xi32, #tpu.memory_space<vmem>>) semaphore(%arg9 : memref<!tpu.dma_semaphore, #tpu.memory_space<semaphore_mem>>)
        %dma_start3A_1129 = arith.constant 1 : i32
        %dma_start3A_1130 = arith.constant 24 : i32
        %dma_start3A_1131 = arith.constant 1 : i32
        %dma_start3A_1132 = arith.constant 1536 : i32
        %dma_start3A_1133 = arith.constant 0 : i32
        %dma_start3A_1134 = tpu.memref_slice %arg6[%dma_start3A_1131, %dma_start3A_1132, %dma_start3A_1133] : memref<2x2560x16xi32, #tpu.memory_space<vmem>> -> memref<1x128x16xi32, #tpu.memory_space<vmem>>
        %dma_start3A_1135 = tpu.memref_squeeze %dma_start3A_1134 : memref<1x128x16xi32, #tpu.memory_space<vmem>> -> memref<128x16xi32, #tpu.memory_space<vmem>>
        %dma_start3A_1136 = arith.constant 0 : i32
        %dma_start3A_1137 = tpu.memref_slice %arg5[%dma_start3A_1129, %dma_start3A_1130, %dma_start3A_1136] : memref<2x40x128xi32, #tpu.memory_space<vmem>> -> memref<1x1x128xi32, #tpu.memory_space<vmem>>
        %dma_start3A_1138 = tpu.memref_squeeze %dma_start3A_1137 : memref<1x1x128xi32, #tpu.memory_space<vmem>> -> memref<128xi32, #tpu.memory_space<vmem>>
        %dma_start3A_1139 = arith.constant 0 : i32
        %dma_start3A_1140 = arith.constant 0 : i32
        %dma_start3A_1141 = tpu.memref_slice %arg2[%dma_start3A_1139, %dma_start3A_1140] : memref<87040x16xi32, #tpu.memory_space<hbm>> -> memref<87040x16xi32, #tpu.memory_space<hbm>>
        tpu.enqueue_indirect_dma source(%dma_start3A_1141 : memref<87040x16xi32, #tpu.memory_space<hbm>>) target(%dma_start3A_1135 : memref<128x16xi32, #tpu.memory_space<vmem>>) offsets(%dma_start3A_1138 : memref<128xi32, #tpu.memory_space<vmem>>) semaphore(%arg9 : memref<!tpu.dma_semaphore, #tpu.memory_space<semaphore_mem>>)
        %dma_start3A_1142 = arith.constant 1 : i32
        %dma_start3A_1143 = arith.constant 25 : i32
        %dma_start3A_1144 = arith.constant 1 : i32
        %dma_start3A_1145 = arith.constant 1664 : i32
        %dma_start3A_1146 = arith.constant 0 : i32
        %dma_start3A_1147 = tpu.memref_slice %arg6[%dma_start3A_1144, %dma_start3A_1145, %dma_start3A_1146] : memref<2x2560x16xi32, #tpu.memory_space<vmem>> -> memref<1x128x16xi32, #tpu.memory_space<vmem>>
        %dma_start3A_1148 = tpu.memref_squeeze %dma_start3A_1147 : memref<1x128x16xi32, #tpu.memory_space<vmem>> -> memref<128x16xi32, #tpu.memory_space<vmem>>
        %dma_start3A_1149 = arith.constant 0 : i32
        %dma_start3A_1150 = tpu.memref_slice %arg5[%dma_start3A_1142, %dma_start3A_1143, %dma_start3A_1149] : memref<2x40x128xi32, #tpu.memory_space<vmem>> -> memref<1x1x128xi32, #tpu.memory_space<vmem>>
        %dma_start3A_1151 = tpu.memref_squeeze %dma_start3A_1150 : memref<1x1x128xi32, #tpu.memory_space<vmem>> -> memref<128xi32, #tpu.memory_space<vmem>>
        %dma_start3A_1152 = arith.constant 0 : i32
        %dma_start3A_1153 = arith.constant 0 : i32
        %dma_start3A_1154 = tpu.memref_slice %arg2[%dma_start3A_1152, %dma_start3A_1153] : memref<87040x16xi32, #tpu.memory_space<hbm>> -> memref<87040x16xi32, #tpu.memory_space<hbm>>
        tpu.enqueue_indirect_dma source(%dma_start3A_1154 : memref<87040x16xi32, #tpu.memory_space<hbm>>) target(%dma_start3A_1148 : memref<128x16xi32, #tpu.memory_space<vmem>>) offsets(%dma_start3A_1151 : memref<128xi32, #tpu.memory_space<vmem>>) semaphore(%arg9 : memref<!tpu.dma_semaphore, #tpu.memory_space<semaphore_mem>>)
        %dma_start3A_1155 = arith.constant 1 : i32
        %dma_start3A_1156 = arith.constant 26 : i32
        %dma_start3A_1157 = arith.constant 1 : i32
        %dma_start3A_1158 = arith.constant 1792 : i32
        %dma_start3A_1159 = arith.constant 0 : i32
        %dma_start3A_1160 = tpu.memref_slice %arg6[%dma_start3A_1157, %dma_start3A_1158, %dma_start3A_1159] : memref<2x2560x16xi32, #tpu.memory_space<vmem>> -> memref<1x128x16xi32, #tpu.memory_space<vmem>>
        %dma_start3A_1161 = tpu.memref_squeeze %dma_start3A_1160 : memref<1x128x16xi32, #tpu.memory_space<vmem>> -> memref<128x16xi32, #tpu.memory_space<vmem>>
        %dma_start3A_1162 = arith.constant 0 : i32
        %dma_start3A_1163 = tpu.memref_slice %arg5[%dma_start3A_1155, %dma_start3A_1156, %dma_start3A_1162] : memref<2x40x128xi32, #tpu.memory_space<vmem>> -> memref<1x1x128xi32, #tpu.memory_space<vmem>>
        %dma_start3A_1164 = tpu.memref_squeeze %dma_start3A_1163 : memref<1x1x128xi32, #tpu.memory_space<vmem>> -> memref<128xi32, #tpu.memory_space<vmem>>
        %dma_start3A_1165 = arith.constant 0 : i32
        %dma_start3A_1166 = arith.constant 0 : i32
        %dma_start3A_1167 = tpu.memref_slice %arg2[%dma_start3A_1165, %dma_start3A_1166] : memref<87040x16xi32, #tpu.memory_space<hbm>> -> memref<87040x16xi32, #tpu.memory_space<hbm>>
        tpu.enqueue_indirect_dma source(%dma_start3A_1167 : memref<87040x16xi32, #tpu.memory_space<hbm>>) target(%dma_start3A_1161 : memref<128x16xi32, #tpu.memory_space<vmem>>) offsets(%dma_start3A_1164 : memref<128xi32, #tpu.memory_space<vmem>>) semaphore(%arg9 : memref<!tpu.dma_semaphore, #tpu.memory_space<semaphore_mem>>)
        %dma_start3A_1168 = arith.constant 1 : i32
        %dma_start3A_1169 = arith.constant 27 : i32
        %dma_start3A_1170 = arith.constant 1 : i32
        %dma_start3A_1171 = arith.constant 1920 : i32
        %dma_start3A_1172 = arith.constant 0 : i32
        %dma_start3A_1173 = tpu.memref_slice %arg6[%dma_start3A_1170, %dma_start3A_1171, %dma_start3A_1172] : memref<2x2560x16xi32, #tpu.memory_space<vmem>> -> memref<1x128x16xi32, #tpu.memory_space<vmem>>
        %dma_start3A_1174 = tpu.memref_squeeze %dma_start3A_1173 : memref<1x128x16xi32, #tpu.memory_space<vmem>> -> memref<128x16xi32, #tpu.memory_space<vmem>>
        %dma_start3A_1175 = arith.constant 0 : i32
        %dma_start3A_1176 = tpu.memref_slice %arg5[%dma_start3A_1168, %dma_start3A_1169, %dma_start3A_1175] : memref<2x40x128xi32, #tpu.memory_space<vmem>> -> memref<1x1x128xi32, #tpu.memory_space<vmem>>
        %dma_start3A_1177 = tpu.memref_squeeze %dma_start3A_1176 : memref<1x1x128xi32, #tpu.memory_space<vmem>> -> memref<128xi32, #tpu.memory_space<vmem>>
        %dma_start3A_1178 = arith.constant 0 : i32
        %dma_start3A_1179 = arith.constant 0 : i32
        %dma_start3A_1180 = tpu.memref_slice %arg2[%dma_start3A_1178, %dma_start3A_1179] : memref<87040x16xi32, #tpu.memory_space<hbm>> -> memref<87040x16xi32, #tpu.memory_space<hbm>>
        tpu.enqueue_indirect_dma source(%dma_start3A_1180 : memref<87040x16xi32, #tpu.memory_space<hbm>>) target(%dma_start3A_1174 : memref<128x16xi32, #tpu.memory_space<vmem>>) offsets(%dma_start3A_1177 : memref<128xi32, #tpu.memory_space<vmem>>) semaphore(%arg9 : memref<!tpu.dma_semaphore, #tpu.memory_space<semaphore_mem>>)
        %dma_start3A_1181 = arith.constant 1 : i32
        %dma_start3A_1182 = arith.constant 32 : i32
        %dma_start3A_1183 = arith.constant 1 : i32
        %dma_start3A_1184 = arith.constant 2048 : i32
        %dma_start3A_1185 = arith.constant 0 : i32
        %dma_start3A_1186 = tpu.memref_slice %arg6[%dma_start3A_1183, %dma_start3A_1184, %dma_start3A_1185] : memref<2x2560x16xi32, #tpu.memory_space<vmem>> -> memref<1x128x16xi32, #tpu.memory_space<vmem>>
        %dma_start3A_1187 = tpu.memref_squeeze %dma_start3A_1186 : memref<1x128x16xi32, #tpu.memory_space<vmem>> -> memref<128x16xi32, #tpu.memory_space<vmem>>
        %dma_start3A_1188 = arith.constant 0 : i32
        %dma_start3A_1189 = tpu.memref_slice %arg5[%dma_start3A_1181, %dma_start3A_1182, %dma_start3A_1188] : memref<2x40x128xi32, #tpu.memory_space<vmem>> -> memref<1x1x128xi32, #tpu.memory_space<vmem>>
        %dma_start3A_1190 = tpu.memref_squeeze %dma_start3A_1189 : memref<1x1x128xi32, #tpu.memory_space<vmem>> -> memref<128xi32, #tpu.memory_space<vmem>>
        %dma_start3A_1191 = arith.constant 0 : i32
        %dma_start3A_1192 = arith.constant 0 : i32
        %dma_start3A_1193 = tpu.memref_slice %arg2[%dma_start3A_1191, %dma_start3A_1192] : memref<87040x16xi32, #tpu.memory_space<hbm>> -> memref<87040x16xi32, #tpu.memory_space<hbm>>
        tpu.enqueue_indirect_dma source(%dma_start3A_1193 : memref<87040x16xi32, #tpu.memory_space<hbm>>) target(%dma_start3A_1187 : memref<128x16xi32, #tpu.memory_space<vmem>>) offsets(%dma_start3A_1190 : memref<128xi32, #tpu.memory_space<vmem>>) semaphore(%arg9 : memref<!tpu.dma_semaphore, #tpu.memory_space<semaphore_mem>>)
        %dma_start3A_1194 = arith.constant 1 : i32
        %dma_start3A_1195 = arith.constant 33 : i32
        %dma_start3A_1196 = arith.constant 1 : i32
        %dma_start3A_1197 = arith.constant 2176 : i32
        %dma_start3A_1198 = arith.constant 0 : i32
        %dma_start3A_1199 = tpu.memref_slice %arg6[%dma_start3A_1196, %dma_start3A_1197, %dma_start3A_1198] : memref<2x2560x16xi32, #tpu.memory_space<vmem>> -> memref<1x128x16xi32, #tpu.memory_space<vmem>>
        %dma_start3A_1200 = tpu.memref_squeeze %dma_start3A_1199 : memref<1x128x16xi32, #tpu.memory_space<vmem>> -> memref<128x16xi32, #tpu.memory_space<vmem>>
        %dma_start3A_1201 = arith.constant 0 : i32
        %dma_start3A_1202 = tpu.memref_slice %arg5[%dma_start3A_1194, %dma_start3A_1195, %dma_start3A_1201] : memref<2x40x128xi32, #tpu.memory_space<vmem>> -> memref<1x1x128xi32, #tpu.memory_space<vmem>>
        %dma_start3A_1203 = tpu.memref_squeeze %dma_start3A_1202 : memref<1x1x128xi32, #tpu.memory_space<vmem>> -> memref<128xi32, #tpu.memory_space<vmem>>
        %dma_start3A_1204 = arith.constant 0 : i32
        %dma_start3A_1205 = arith.constant 0 : i32
        %dma_start3A_1206 = tpu.memref_slice %arg2[%dma_start3A_1204, %dma_start3A_1205] : memref<87040x16xi32, #tpu.memory_space<hbm>> -> memref<87040x16xi32, #tpu.memory_space<hbm>>
        tpu.enqueue_indirect_dma source(%dma_start3A_1206 : memref<87040x16xi32, #tpu.memory_space<hbm>>) target(%dma_start3A_1200 : memref<128x16xi32, #tpu.memory_space<vmem>>) offsets(%dma_start3A_1203 : memref<128xi32, #tpu.memory_space<vmem>>) semaphore(%arg9 : memref<!tpu.dma_semaphore, #tpu.memory_space<semaphore_mem>>)
        %dma_start3A_1207 = arith.constant 1 : i32
        %dma_start3A_1208 = arith.constant 34 : i32
        %dma_start3A_1209 = arith.constant 1 : i32
        %dma_start3A_1210 = arith.constant 2304 : i32
        %dma_start3A_1211 = arith.constant 0 : i32
        %dma_start3A_1212 = tpu.memref_slice %arg6[%dma_start3A_1209, %dma_start3A_1210, %dma_start3A_1211] : memref<2x2560x16xi32, #tpu.memory_space<vmem>> -> memref<1x128x16xi32, #tpu.memory_space<vmem>>
        %dma_start3A_1213 = tpu.memref_squeeze %dma_start3A_1212 : memref<1x128x16xi32, #tpu.memory_space<vmem>> -> memref<128x16xi32, #tpu.memory_space<vmem>>
        %dma_start3A_1214 = arith.constant 0 : i32
        %dma_start3A_1215 = tpu.memref_slice %arg5[%dma_start3A_1207, %dma_start3A_1208, %dma_start3A_1214] : memref<2x40x128xi32, #tpu.memory_space<vmem>> -> memref<1x1x128xi32, #tpu.memory_space<vmem>>
        %dma_start3A_1216 = tpu.memref_squeeze %dma_start3A_1215 : memref<1x1x128xi32, #tpu.memory_space<vmem>> -> memref<128xi32, #tpu.memory_space<vmem>>
        %dma_start3A_1217 = arith.constant 0 : i32
        %dma_start3A_1218 = arith.constant 0 : i32
        %dma_start3A_1219 = tpu.memref_slice %arg2[%dma_start3A_1217, %dma_start3A_1218] : memref<87040x16xi32, #tpu.memory_space<hbm>> -> memref<87040x16xi32, #tpu.memory_space<hbm>>
        tpu.enqueue_indirect_dma source(%dma_start3A_1219 : memref<87040x16xi32, #tpu.memory_space<hbm>>) target(%dma_start3A_1213 : memref<128x16xi32, #tpu.memory_space<vmem>>) offsets(%dma_start3A_1216 : memref<128xi32, #tpu.memory_space<vmem>>) semaphore(%arg9 : memref<!tpu.dma_semaphore, #tpu.memory_space<semaphore_mem>>)
        %dma_start3A_1220 = arith.constant 1 : i32
        %dma_start3A_1221 = arith.constant 35 : i32
        %dma_start3A_1222 = arith.constant 1 : i32
        %dma_start3A_1223 = arith.constant 2432 : i32
        %dma_start3A_1224 = arith.constant 0 : i32
        %dma_start3A_1225 = tpu.memref_slice %arg6[%dma_start3A_1222, %dma_start3A_1223, %dma_start3A_1224] : memref<2x2560x16xi32, #tpu.memory_space<vmem>> -> memref<1x128x16xi32, #tpu.memory_space<vmem>>
        %dma_start3A_1226 = tpu.memref_squeeze %dma_start3A_1225 : memref<1x128x16xi32, #tpu.memory_space<vmem>> -> memref<128x16xi32, #tpu.memory_space<vmem>>
        %dma_start3A_1227 = arith.constant 0 : i32
        %dma_start3A_1228 = tpu.memref_slice %arg5[%dma_start3A_1220, %dma_start3A_1221, %dma_start3A_1227] : memref<2x40x128xi32, #tpu.memory_space<vmem>> -> memref<1x1x128xi32, #tpu.memory_space<vmem>>
        %dma_start3A_1229 = tpu.memref_squeeze %dma_start3A_1228 : memref<1x1x128xi32, #tpu.memory_space<vmem>> -> memref<128xi32, #tpu.memory_space<vmem>>
        %dma_start3A_1230 = arith.constant 0 : i32
        %dma_start3A_1231 = arith.constant 0 : i32
        %dma_start3A_1232 = tpu.memref_slice %arg2[%dma_start3A_1230, %dma_start3A_1231] : memref<87040x16xi32, #tpu.memory_space<hbm>> -> memref<87040x16xi32, #tpu.memory_space<hbm>>
        tpu.enqueue_indirect_dma source(%dma_start3A_1232 : memref<87040x16xi32, #tpu.memory_space<hbm>>) target(%dma_start3A_1226 : memref<128x16xi32, #tpu.memory_space<vmem>>) offsets(%dma_start3A_1229 : memref<128xi32, #tpu.memory_space<vmem>>) semaphore(%arg9 : memref<!tpu.dma_semaphore, #tpu.memory_space<semaphore_mem>>)
      } else {
      }
      %dma_wait3A_359 = arith.constant 0 : i32
      %dma_wait3A_360 = arith.constant 0 : i32
      %dma_wait3A_361 = arith.constant 0 : i32
      %dma_wait3A_362 = arith.constant 0 : i32
      %dma_wait3A_363 = arith.constant 0 : i32
      %dma_wait3A_364 = tpu.memref_slice %arg6[%dma_wait3A_361, %dma_wait3A_362, %dma_wait3A_363] : memref<2x2560x16xi32, #tpu.memory_space<vmem>> -> memref<1x128x16xi32, #tpu.memory_space<vmem>>
      %dma_wait3A_365 = tpu.memref_squeeze %dma_wait3A_364 : memref<1x128x16xi32, #tpu.memory_space<vmem>> -> memref<128x16xi32, #tpu.memory_space<vmem>>
      %dma_wait3A_366 = arith.constant 0 : i32
      %dma_wait3A_367 = tpu.memref_slice %arg5[%dma_wait3A_359, %dma_wait3A_360, %dma_wait3A_366] : memref<2x40x128xi32, #tpu.memory_space<vmem>> -> memref<1x1x128xi32, #tpu.memory_space<vmem>>
      %dma_wait3A_368 = tpu.memref_squeeze %dma_wait3A_367 : memref<1x1x128xi32, #tpu.memory_space<vmem>> -> memref<128xi32, #tpu.memory_space<vmem>>
      %dma_wait3A_369 = arith.constant 0 : i32
      %dma_wait3A_370 = arith.constant 0 : i32
      %dma_wait3A_371 = tpu.memref_slice %arg2[%dma_wait3A_369, %dma_wait3A_370] : memref<87040x16xi32, #tpu.memory_space<hbm>> -> memref<87040x16xi32, #tpu.memory_space<hbm>>
      tpu.wait_indirect_dma semaphore(%arg8 : memref<!tpu.dma_semaphore, #tpu.memory_space<semaphore_mem>>) src(%dma_wait3A_371 : memref<87040x16xi32, #tpu.memory_space<hbm>>) dst(%dma_wait3A_365 : memref<128x16xi32, #tpu.memory_space<vmem>>)
      %dma_wait3A_372 = arith.constant 0 : i32
      %dma_wait3A_373 = arith.constant 1 : i32
      %dma_wait3A_374 = arith.constant 0 : i32
      %dma_wait3A_375 = arith.constant 128 : i32
      %dma_wait3A_376 = arith.constant 0 : i32
      %dma_wait3A_377 = tpu.memref_slice %arg6[%dma_wait3A_374, %dma_wait3A_375, %dma_wait3A_376] : memref<2x2560x16xi32, #tpu.memory_space<vmem>> -> memref<1x128x16xi32, #tpu.memory_space<vmem>>
      %dma_wait3A_378 = tpu.memref_squeeze %dma_wait3A_377 : memref<1x128x16xi32, #tpu.memory_space<vmem>> -> memref<128x16xi32, #tpu.memory_space<vmem>>
      %dma_wait3A_379 = arith.constant 0 : i32
      %dma_wait3A_380 = tpu.memref_slice %arg5[%dma_wait3A_372, %dma_wait3A_373, %dma_wait3A_379] : memref<2x40x128xi32, #tpu.memory_space<vmem>> -> memref<1x1x128xi32, #tpu.memory_space<vmem>>
      %dma_wait3A_381 = tpu.memref_squeeze %dma_wait3A_380 : memref<1x1x128xi32, #tpu.memory_space<vmem>> -> memref<128xi32, #tpu.memory_space<vmem>>
      %dma_wait3A_382 = arith.constant 0 : i32
      %dma_wait3A_383 = arith.constant 0 : i32
      %dma_wait3A_384 = tpu.memref_slice %arg2[%dma_wait3A_382, %dma_wait3A_383] : memref<87040x16xi32, #tpu.memory_space<hbm>> -> memref<87040x16xi32, #tpu.memory_space<hbm>>
      tpu.wait_indirect_dma semaphore(%arg8 : memref<!tpu.dma_semaphore, #tpu.memory_space<semaphore_mem>>) src(%dma_wait3A_384 : memref<87040x16xi32, #tpu.memory_space<hbm>>) dst(%dma_wait3A_378 : memref<128x16xi32, #tpu.memory_space<vmem>>)
      %dma_wait3A_385 = arith.constant 0 : i32
      %dma_wait3A_386 = arith.constant 2 : i32
      %dma_wait3A_387 = arith.constant 0 : i32
      %dma_wait3A_388 = arith.constant 256 : i32
      %dma_wait3A_389 = arith.constant 0 : i32
      %dma_wait3A_390 = tpu.memref_slice %arg6[%dma_wait3A_387, %dma_wait3A_388, %dma_wait3A_389] : memref<2x2560x16xi32, #tpu.memory_space<vmem>> -> memref<1x128x16xi32, #tpu.memory_space<vmem>>
      %dma_wait3A_391 = tpu.memref_squeeze %dma_wait3A_390 : memref<1x128x16xi32, #tpu.memory_space<vmem>> -> memref<128x16xi32, #tpu.memory_space<vmem>>
      %dma_wait3A_392 = arith.constant 0 : i32
      %dma_wait3A_393 = tpu.memref_slice %arg5[%dma_wait3A_385, %dma_wait3A_386, %dma_wait3A_392] : memref<2x40x128xi32, #tpu.memory_space<vmem>> -> memref<1x1x128xi32, #tpu.memory_space<vmem>>
      %dma_wait3A_394 = tpu.memref_squeeze %dma_wait3A_393 : memref<1x1x128xi32, #tpu.memory_space<vmem>> -> memref<128xi32, #tpu.memory_space<vmem>>
      %dma_wait3A_395 = arith.constant 0 : i32
      %dma_wait3A_396 = arith.constant 0 : i32
      %dma_wait3A_397 = tpu.memref_slice %arg2[%dma_wait3A_395, %dma_wait3A_396] : memref<87040x16xi32, #tpu.memory_space<hbm>> -> memref<87040x16xi32, #tpu.memory_space<hbm>>
      tpu.wait_indirect_dma semaphore(%arg8 : memref<!tpu.dma_semaphore, #tpu.memory_space<semaphore_mem>>) src(%dma_wait3A_397 : memref<87040x16xi32, #tpu.memory_space<hbm>>) dst(%dma_wait3A_391 : memref<128x16xi32, #tpu.memory_space<vmem>>)
      %dma_wait3A_398 = arith.constant 0 : i32
      %dma_wait3A_399 = arith.constant 3 : i32
      %dma_wait3A_400 = arith.constant 0 : i32
      %dma_wait3A_401 = arith.constant 384 : i32
      %dma_wait3A_402 = arith.constant 0 : i32
      %dma_wait3A_403 = tpu.memref_slice %arg6[%dma_wait3A_400, %dma_wait3A_401, %dma_wait3A_402] : memref<2x2560x16xi32, #tpu.memory_space<vmem>> -> memref<1x128x16xi32, #tpu.memory_space<vmem>>
      %dma_wait3A_404 = tpu.memref_squeeze %dma_wait3A_403 : memref<1x128x16xi32, #tpu.memory_space<vmem>> -> memref<128x16xi32, #tpu.memory_space<vmem>>
      %dma_wait3A_405 = arith.constant 0 : i32
      %dma_wait3A_406 = tpu.memref_slice %arg5[%dma_wait3A_398, %dma_wait3A_399, %dma_wait3A_405] : memref<2x40x128xi32, #tpu.memory_space<vmem>> -> memref<1x1x128xi32, #tpu.memory_space<vmem>>
      %dma_wait3A_407 = tpu.memref_squeeze %dma_wait3A_406 : memref<1x1x128xi32, #tpu.memory_space<vmem>> -> memref<128xi32, #tpu.memory_space<vmem>>
      %dma_wait3A_408 = arith.constant 0 : i32
      %dma_wait3A_409 = arith.constant 0 : i32
      %dma_wait3A_410 = tpu.memref_slice %arg2[%dma_wait3A_408, %dma_wait3A_409] : memref<87040x16xi32, #tpu.memory_space<hbm>> -> memref<87040x16xi32, #tpu.memory_space<hbm>>
      tpu.wait_indirect_dma semaphore(%arg8 : memref<!tpu.dma_semaphore, #tpu.memory_space<semaphore_mem>>) src(%dma_wait3A_410 : memref<87040x16xi32, #tpu.memory_space<hbm>>) dst(%dma_wait3A_404 : memref<128x16xi32, #tpu.memory_space<vmem>>)
      %dma_wait3A_411 = arith.constant 0 : i32
      %dma_wait3A_412 = arith.constant 8 : i32
      %dma_wait3A_413 = arith.constant 0 : i32
      %dma_wait3A_414 = arith.constant 512 : i32
      %dma_wait3A_415 = arith.constant 0 : i32
      %dma_wait3A_416 = tpu.memref_slice %arg6[%dma_wait3A_413, %dma_wait3A_414, %dma_wait3A_415] : memref<2x2560x16xi32, #tpu.memory_space<vmem>> -> memref<1x128x16xi32, #tpu.memory_space<vmem>>
      %dma_wait3A_417 = tpu.memref_squeeze %dma_wait3A_416 : memref<1x128x16xi32, #tpu.memory_space<vmem>> -> memref<128x16xi32, #tpu.memory_space<vmem>>
      %dma_wait3A_418 = arith.constant 0 : i32
      %dma_wait3A_419 = tpu.memref_slice %arg5[%dma_wait3A_411, %dma_wait3A_412, %dma_wait3A_418] : memref<2x40x128xi32, #tpu.memory_space<vmem>> -> memref<1x1x128xi32, #tpu.memory_space<vmem>>
      %dma_wait3A_420 = tpu.memref_squeeze %dma_wait3A_419 : memref<1x1x128xi32, #tpu.memory_space<vmem>> -> memref<128xi32, #tpu.memory_space<vmem>>
      %dma_wait3A_421 = arith.constant 0 : i32
      %dma_wait3A_422 = arith.constant 0 : i32
      %dma_wait3A_423 = tpu.memref_slice %arg2[%dma_wait3A_421, %dma_wait3A_422] : memref<87040x16xi32, #tpu.memory_space<hbm>> -> memref<87040x16xi32, #tpu.memory_space<hbm>>
      tpu.wait_indirect_dma semaphore(%arg8 : memref<!tpu.dma_semaphore, #tpu.memory_space<semaphore_mem>>) src(%dma_wait3A_423 : memref<87040x16xi32, #tpu.memory_space<hbm>>) dst(%dma_wait3A_417 : memref<128x16xi32, #tpu.memory_space<vmem>>)
      %dma_wait3A_424 = arith.constant 0 : i32
      %dma_wait3A_425 = arith.constant 9 : i32
      %dma_wait3A_426 = arith.constant 0 : i32
      %dma_wait3A_427 = arith.constant 640 : i32
      %dma_wait3A_428 = arith.constant 0 : i32
      %dma_wait3A_429 = tpu.memref_slice %arg6[%dma_wait3A_426, %dma_wait3A_427, %dma_wait3A_428] : memref<2x2560x16xi32, #tpu.memory_space<vmem>> -> memref<1x128x16xi32, #tpu.memory_space<vmem>>
      %dma_wait3A_430 = tpu.memref_squeeze %dma_wait3A_429 : memref<1x128x16xi32, #tpu.memory_space<vmem>> -> memref<128x16xi32, #tpu.memory_space<vmem>>
      %dma_wait3A_431 = arith.constant 0 : i32
      %dma_wait3A_432 = tpu.memref_slice %arg5[%dma_wait3A_424, %dma_wait3A_425, %dma_wait3A_431] : memref<2x40x128xi32, #tpu.memory_space<vmem>> -> memref<1x1x128xi32, #tpu.memory_space<vmem>>
      %dma_wait3A_433 = tpu.memref_squeeze %dma_wait3A_432 : memref<1x1x128xi32, #tpu.memory_space<vmem>> -> memref<128xi32, #tpu.memory_space<vmem>>
      %dma_wait3A_434 = arith.constant 0 : i32
      %dma_wait3A_435 = arith.constant 0 : i32
      %dma_wait3A_436 = tpu.memref_slice %arg2[%dma_wait3A_434, %dma_wait3A_435] : memref<87040x16xi32, #tpu.memory_space<hbm>> -> memref<87040x16xi32, #tpu.memory_space<hbm>>
      tpu.wait_indirect_dma semaphore(%arg8 : memref<!tpu.dma_semaphore, #tpu.memory_space<semaphore_mem>>) src(%dma_wait3A_436 : memref<87040x16xi32, #tpu.memory_space<hbm>>) dst(%dma_wait3A_430 : memref<128x16xi32, #tpu.memory_space<vmem>>)
      %dma_wait3A_437 = arith.constant 0 : i32
      %dma_wait3A_438 = arith.constant 10 : i32
      %dma_wait3A_439 = arith.constant 0 : i32
      %dma_wait3A_440 = arith.constant 768 : i32
      %dma_wait3A_441 = arith.constant 0 : i32
      %dma_wait3A_442 = tpu.memref_slice %arg6[%dma_wait3A_439, %dma_wait3A_440, %dma_wait3A_441] : memref<2x2560x16xi32, #tpu.memory_space<vmem>> -> memref<1x128x16xi32, #tpu.memory_space<vmem>>
      %dma_wait3A_443 = tpu.memref_squeeze %dma_wait3A_442 : memref<1x128x16xi32, #tpu.memory_space<vmem>> -> memref<128x16xi32, #tpu.memory_space<vmem>>
      %dma_wait3A_444 = arith.constant 0 : i32
      %dma_wait3A_445 = tpu.memref_slice %arg5[%dma_wait3A_437, %dma_wait3A_438, %dma_wait3A_444] : memref<2x40x128xi32, #tpu.memory_space<vmem>> -> memref<1x1x128xi32, #tpu.memory_space<vmem>>
      %dma_wait3A_446 = tpu.memref_squeeze %dma_wait3A_445 : memref<1x1x128xi32, #tpu.memory_space<vmem>> -> memref<128xi32, #tpu.memory_space<vmem>>
      %dma_wait3A_447 = arith.constant 0 : i32
      %dma_wait3A_448 = arith.constant 0 : i32
      %dma_wait3A_449 = tpu.memref_slice %arg2[%dma_wait3A_447, %dma_wait3A_448] : memref<87040x16xi32, #tpu.memory_space<hbm>> -> memref<87040x16xi32, #tpu.memory_space<hbm>>
      tpu.wait_indirect_dma semaphore(%arg8 : memref<!tpu.dma_semaphore, #tpu.memory_space<semaphore_mem>>) src(%dma_wait3A_449 : memref<87040x16xi32, #tpu.memory_space<hbm>>) dst(%dma_wait3A_443 : memref<128x16xi32, #tpu.memory_space<vmem>>)
      %dma_wait3A_450 = arith.constant 0 : i32
      %dma_wait3A_451 = arith.constant 11 : i32
      %dma_wait3A_452 = arith.constant 0 : i32
      %dma_wait3A_453 = arith.constant 896 : i32
      %dma_wait3A_454 = arith.constant 0 : i32
      %dma_wait3A_455 = tpu.memref_slice %arg6[%dma_wait3A_452, %dma_wait3A_453, %dma_wait3A_454] : memref<2x2560x16xi32, #tpu.memory_space<vmem>> -> memref<1x128x16xi32, #tpu.memory_space<vmem>>
      %dma_wait3A_456 = tpu.memref_squeeze %dma_wait3A_455 : memref<1x128x16xi32, #tpu.memory_space<vmem>> -> memref<128x16xi32, #tpu.memory_space<vmem>>
      %dma_wait3A_457 = arith.constant 0 : i32
      %dma_wait3A_458 = tpu.memref_slice %arg5[%dma_wait3A_450, %dma_wait3A_451, %dma_wait3A_457] : memref<2x40x128xi32, #tpu.memory_space<vmem>> -> memref<1x1x128xi32, #tpu.memory_space<vmem>>
      %dma_wait3A_459 = tpu.memref_squeeze %dma_wait3A_458 : memref<1x1x128xi32, #tpu.memory_space<vmem>> -> memref<128xi32, #tpu.memory_space<vmem>>
      %dma_wait3A_460 = arith.constant 0 : i32
      %dma_wait3A_461 = arith.constant 0 : i32
      %dma_wait3A_462 = tpu.memref_slice %arg2[%dma_wait3A_460, %dma_wait3A_461] : memref<87040x16xi32, #tpu.memory_space<hbm>> -> memref<87040x16xi32, #tpu.memory_space<hbm>>
      tpu.wait_indirect_dma semaphore(%arg8 : memref<!tpu.dma_semaphore, #tpu.memory_space<semaphore_mem>>) src(%dma_wait3A_462 : memref<87040x16xi32, #tpu.memory_space<hbm>>) dst(%dma_wait3A_456 : memref<128x16xi32, #tpu.memory_space<vmem>>)
      %dma_wait3A_463 = arith.constant 0 : i32
      %dma_wait3A_464 = arith.constant 16 : i32
      %dma_wait3A_465 = arith.constant 0 : i32
      %dma_wait3A_466 = arith.constant 1024 : i32
      %dma_wait3A_467 = arith.constant 0 : i32
      %dma_wait3A_468 = tpu.memref_slice %arg6[%dma_wait3A_465, %dma_wait3A_466, %dma_wait3A_467] : memref<2x2560x16xi32, #tpu.memory_space<vmem>> -> memref<1x128x16xi32, #tpu.memory_space<vmem>>
      %dma_wait3A_469 = tpu.memref_squeeze %dma_wait3A_468 : memref<1x128x16xi32, #tpu.memory_space<vmem>> -> memref<128x16xi32, #tpu.memory_space<vmem>>
      %dma_wait3A_470 = arith.constant 0 : i32
      %dma_wait3A_471 = tpu.memref_slice %arg5[%dma_wait3A_463, %dma_wait3A_464, %dma_wait3A_470] : memref<2x40x128xi32, #tpu.memory_space<vmem>> -> memref<1x1x128xi32, #tpu.memory_space<vmem>>
      %dma_wait3A_472 = tpu.memref_squeeze %dma_wait3A_471 : memref<1x1x128xi32, #tpu.memory_space<vmem>> -> memref<128xi32, #tpu.memory_space<vmem>>
      %dma_wait3A_473 = arith.constant 0 : i32
      %dma_wait3A_474 = arith.constant 0 : i32
      %dma_wait3A_475 = tpu.memref_slice %arg2[%dma_wait3A_473, %dma_wait3A_474] : memref<87040x16xi32, #tpu.memory_space<hbm>> -> memref<87040x16xi32, #tpu.memory_space<hbm>>
      tpu.wait_indirect_dma semaphore(%arg8 : memref<!tpu.dma_semaphore, #tpu.memory_space<semaphore_mem>>) src(%dma_wait3A_475 : memref<87040x16xi32, #tpu.memory_space<hbm>>) dst(%dma_wait3A_469 : memref<128x16xi32, #tpu.memory_space<vmem>>)
      %dma_wait3A_476 = arith.constant 0 : i32
      %dma_wait3A_477 = arith.constant 17 : i32
      %dma_wait3A_478 = arith.constant 0 : i32
      %dma_wait3A_479 = arith.constant 1152 : i32
      %dma_wait3A_480 = arith.constant 0 : i32
      %dma_wait3A_481 = tpu.memref_slice %arg6[%dma_wait3A_478, %dma_wait3A_479, %dma_wait3A_480] : memref<2x2560x16xi32, #tpu.memory_space<vmem>> -> memref<1x128x16xi32, #tpu.memory_space<vmem>>
      %dma_wait3A_482 = tpu.memref_squeeze %dma_wait3A_481 : memref<1x128x16xi32, #tpu.memory_space<vmem>> -> memref<128x16xi32, #tpu.memory_space<vmem>>
      %dma_wait3A_483 = arith.constant 0 : i32
      %dma_wait3A_484 = tpu.memref_slice %arg5[%dma_wait3A_476, %dma_wait3A_477, %dma_wait3A_483] : memref<2x40x128xi32, #tpu.memory_space<vmem>> -> memref<1x1x128xi32, #tpu.memory_space<vmem>>
      %dma_wait3A_485 = tpu.memref_squeeze %dma_wait3A_484 : memref<1x1x128xi32, #tpu.memory_space<vmem>> -> memref<128xi32, #tpu.memory_space<vmem>>
      %dma_wait3A_486 = arith.constant 0 : i32
      %dma_wait3A_487 = arith.constant 0 : i32
      %dma_wait3A_488 = tpu.memref_slice %arg2[%dma_wait3A_486, %dma_wait3A_487] : memref<87040x16xi32, #tpu.memory_space<hbm>> -> memref<87040x16xi32, #tpu.memory_space<hbm>>
      tpu.wait_indirect_dma semaphore(%arg8 : memref<!tpu.dma_semaphore, #tpu.memory_space<semaphore_mem>>) src(%dma_wait3A_488 : memref<87040x16xi32, #tpu.memory_space<hbm>>) dst(%dma_wait3A_482 : memref<128x16xi32, #tpu.memory_space<vmem>>)
      %dma_wait3A_489 = arith.constant 0 : i32
      %dma_wait3A_490 = arith.constant 18 : i32
      %dma_wait3A_491 = arith.constant 0 : i32
      %dma_wait3A_492 = arith.constant 1280 : i32
      %dma_wait3A_493 = arith.constant 0 : i32
      %dma_wait3A_494 = tpu.memref_slice %arg6[%dma_wait3A_491, %dma_wait3A_492, %dma_wait3A_493] : memref<2x2560x16xi32, #tpu.memory_space<vmem>> -> memref<1x128x16xi32, #tpu.memory_space<vmem>>
      %dma_wait3A_495 = tpu.memref_squeeze %dma_wait3A_494 : memref<1x128x16xi32, #tpu.memory_space<vmem>> -> memref<128x16xi32, #tpu.memory_space<vmem>>
      %dma_wait3A_496 = arith.constant 0 : i32
      %dma_wait3A_497 = tpu.memref_slice %arg5[%dma_wait3A_489, %dma_wait3A_490, %dma_wait3A_496] : memref<2x40x128xi32, #tpu.memory_space<vmem>> -> memref<1x1x128xi32, #tpu.memory_space<vmem>>
      %dma_wait3A_498 = tpu.memref_squeeze %dma_wait3A_497 : memref<1x1x128xi32, #tpu.memory_space<vmem>> -> memref<128xi32, #tpu.memory_space<vmem>>
      %dma_wait3A_499 = arith.constant 0 : i32
      %dma_wait3A_500 = arith.constant 0 : i32
      %dma_wait3A_501 = tpu.memref_slice %arg2[%dma_wait3A_499, %dma_wait3A_500] : memref<87040x16xi32, #tpu.memory_space<hbm>> -> memref<87040x16xi32, #tpu.memory_space<hbm>>
      tpu.wait_indirect_dma semaphore(%arg8 : memref<!tpu.dma_semaphore, #tpu.memory_space<semaphore_mem>>) src(%dma_wait3A_501 : memref<87040x16xi32, #tpu.memory_space<hbm>>) dst(%dma_wait3A_495 : memref<128x16xi32, #tpu.memory_space<vmem>>)
      %dma_wait3A_502 = arith.constant 0 : i32
      %dma_wait3A_503 = arith.constant 19 : i32
      %dma_wait3A_504 = arith.constant 0 : i32
      %dma_wait3A_505 = arith.constant 1408 : i32
      %dma_wait3A_506 = arith.constant 0 : i32
      %dma_wait3A_507 = tpu.memref_slice %arg6[%dma_wait3A_504, %dma_wait3A_505, %dma_wait3A_506] : memref<2x2560x16xi32, #tpu.memory_space<vmem>> -> memref<1x128x16xi32, #tpu.memory_space<vmem>>
      %dma_wait3A_508 = tpu.memref_squeeze %dma_wait3A_507 : memref<1x128x16xi32, #tpu.memory_space<vmem>> -> memref<128x16xi32, #tpu.memory_space<vmem>>
      %dma_wait3A_509 = arith.constant 0 : i32
      %dma_wait3A_510 = tpu.memref_slice %arg5[%dma_wait3A_502, %dma_wait3A_503, %dma_wait3A_509] : memref<2x40x128xi32, #tpu.memory_space<vmem>> -> memref<1x1x128xi32, #tpu.memory_space<vmem>>
      %dma_wait3A_511 = tpu.memref_squeeze %dma_wait3A_510 : memref<1x1x128xi32, #tpu.memory_space<vmem>> -> memref<128xi32, #tpu.memory_space<vmem>>
      %dma_wait3A_512 = arith.constant 0 : i32
      %dma_wait3A_513 = arith.constant 0 : i32
      %dma_wait3A_514 = tpu.memref_slice %arg2[%dma_wait3A_512, %dma_wait3A_513] : memref<87040x16xi32, #tpu.memory_space<hbm>> -> memref<87040x16xi32, #tpu.memory_space<hbm>>
      tpu.wait_indirect_dma semaphore(%arg8 : memref<!tpu.dma_semaphore, #tpu.memory_space<semaphore_mem>>) src(%dma_wait3A_514 : memref<87040x16xi32, #tpu.memory_space<hbm>>) dst(%dma_wait3A_508 : memref<128x16xi32, #tpu.memory_space<vmem>>)
      %dma_wait3A_515 = arith.constant 0 : i32
      %dma_wait3A_516 = arith.constant 24 : i32
      %dma_wait3A_517 = arith.constant 0 : i32
      %dma_wait3A_518 = arith.constant 1536 : i32
      %dma_wait3A_519 = arith.constant 0 : i32
      %dma_wait3A_520 = tpu.memref_slice %arg6[%dma_wait3A_517, %dma_wait3A_518, %dma_wait3A_519] : memref<2x2560x16xi32, #tpu.memory_space<vmem>> -> memref<1x128x16xi32, #tpu.memory_space<vmem>>
      %dma_wait3A_521 = tpu.memref_squeeze %dma_wait3A_520 : memref<1x128x16xi32, #tpu.memory_space<vmem>> -> memref<128x16xi32, #tpu.memory_space<vmem>>
      %dma_wait3A_522 = arith.constant 0 : i32
      %dma_wait3A_523 = tpu.memref_slice %arg5[%dma_wait3A_515, %dma_wait3A_516, %dma_wait3A_522] : memref<2x40x128xi32, #tpu.memory_space<vmem>> -> memref<1x1x128xi32, #tpu.memory_space<vmem>>
      %dma_wait3A_524 = tpu.memref_squeeze %dma_wait3A_523 : memref<1x1x128xi32, #tpu.memory_space<vmem>> -> memref<128xi32, #tpu.memory_space<vmem>>
      %dma_wait3A_525 = arith.constant 0 : i32
      %dma_wait3A_526 = arith.constant 0 : i32
      %dma_wait3A_527 = tpu.memref_slice %arg2[%dma_wait3A_525, %dma_wait3A_526] : memref<87040x16xi32, #tpu.memory_space<hbm>> -> memref<87040x16xi32, #tpu.memory_space<hbm>>
      tpu.wait_indirect_dma semaphore(%arg8 : memref<!tpu.dma_semaphore, #tpu.memory_space<semaphore_mem>>) src(%dma_wait3A_527 : memref<87040x16xi32, #tpu.memory_space<hbm>>) dst(%dma_wait3A_521 : memref<128x16xi32, #tpu.memory_space<vmem>>)
      %dma_wait3A_528 = arith.constant 0 : i32
      %dma_wait3A_529 = arith.constant 25 : i32
      %dma_wait3A_530 = arith.constant 0 : i32
      %dma_wait3A_531 = arith.constant 1664 : i32
      %dma_wait3A_532 = arith.constant 0 : i32
      %dma_wait3A_533 = tpu.memref_slice %arg6[%dma_wait3A_530, %dma_wait3A_531, %dma_wait3A_532] : memref<2x2560x16xi32, #tpu.memory_space<vmem>> -> memref<1x128x16xi32, #tpu.memory_space<vmem>>
      %dma_wait3A_534 = tpu.memref_squeeze %dma_wait3A_533 : memref<1x128x16xi32, #tpu.memory_space<vmem>> -> memref<128x16xi32, #tpu.memory_space<vmem>>
      %dma_wait3A_535 = arith.constant 0 : i32
      %dma_wait3A_536 = tpu.memref_slice %arg5[%dma_wait3A_528, %dma_wait3A_529, %dma_wait3A_535] : memref<2x40x128xi32, #tpu.memory_space<vmem>> -> memref<1x1x128xi32, #tpu.memory_space<vmem>>
      %dma_wait3A_537 = tpu.memref_squeeze %dma_wait3A_536 : memref<1x1x128xi32, #tpu.memory_space<vmem>> -> memref<128xi32, #tpu.memory_space<vmem>>
      %dma_wait3A_538 = arith.constant 0 : i32
      %dma_wait3A_539 = arith.constant 0 : i32
      %dma_wait3A_540 = tpu.memref_slice %arg2[%dma_wait3A_538, %dma_wait3A_539] : memref<87040x16xi32, #tpu.memory_space<hbm>> -> memref<87040x16xi32, #tpu.memory_space<hbm>>
      tpu.wait_indirect_dma semaphore(%arg8 : memref<!tpu.dma_semaphore, #tpu.memory_space<semaphore_mem>>) src(%dma_wait3A_540 : memref<87040x16xi32, #tpu.memory_space<hbm>>) dst(%dma_wait3A_534 : memref<128x16xi32, #tpu.memory_space<vmem>>)
      %dma_wait3A_541 = arith.constant 0 : i32
      %dma_wait3A_542 = arith.constant 26 : i32
      %dma_wait3A_543 = arith.constant 0 : i32
      %dma_wait3A_544 = arith.constant 1792 : i32
      %dma_wait3A_545 = arith.constant 0 : i32
      %dma_wait3A_546 = tpu.memref_slice %arg6[%dma_wait3A_543, %dma_wait3A_544, %dma_wait3A_545] : memref<2x2560x16xi32, #tpu.memory_space<vmem>> -> memref<1x128x16xi32, #tpu.memory_space<vmem>>
      %dma_wait3A_547 = tpu.memref_squeeze %dma_wait3A_546 : memref<1x128x16xi32, #tpu.memory_space<vmem>> -> memref<128x16xi32, #tpu.memory_space<vmem>>
      %dma_wait3A_548 = arith.constant 0 : i32
      %dma_wait3A_549 = tpu.memref_slice %arg5[%dma_wait3A_541, %dma_wait3A_542, %dma_wait3A_548] : memref<2x40x128xi32, #tpu.memory_space<vmem>> -> memref<1x1x128xi32, #tpu.memory_space<vmem>>
      %dma_wait3A_550 = tpu.memref_squeeze %dma_wait3A_549 : memref<1x1x128xi32, #tpu.memory_space<vmem>> -> memref<128xi32, #tpu.memory_space<vmem>>
      %dma_wait3A_551 = arith.constant 0 : i32
      %dma_wait3A_552 = arith.constant 0 : i32
      %dma_wait3A_553 = tpu.memref_slice %arg2[%dma_wait3A_551, %dma_wait3A_552] : memref<87040x16xi32, #tpu.memory_space<hbm>> -> memref<87040x16xi32, #tpu.memory_space<hbm>>
      tpu.wait_indirect_dma semaphore(%arg8 : memref<!tpu.dma_semaphore, #tpu.memory_space<semaphore_mem>>) src(%dma_wait3A_553 : memref<87040x16xi32, #tpu.memory_space<hbm>>) dst(%dma_wait3A_547 : memref<128x16xi32, #tpu.memory_space<vmem>>)
      %dma_wait3A_554 = arith.constant 0 : i32
      %dma_wait3A_555 = arith.constant 27 : i32
      %dma_wait3A_556 = arith.constant 0 : i32
      %dma_wait3A_557 = arith.constant 1920 : i32
      %dma_wait3A_558 = arith.constant 0 : i32
      %dma_wait3A_559 = tpu.memref_slice %arg6[%dma_wait3A_556, %dma_wait3A_557, %dma_wait3A_558] : memref<2x2560x16xi32, #tpu.memory_space<vmem>> -> memref<1x128x16xi32, #tpu.memory_space<vmem>>
      %dma_wait3A_560 = tpu.memref_squeeze %dma_wait3A_559 : memref<1x128x16xi32, #tpu.memory_space<vmem>> -> memref<128x16xi32, #tpu.memory_space<vmem>>
      %dma_wait3A_561 = arith.constant 0 : i32
      %dma_wait3A_562 = tpu.memref_slice %arg5[%dma_wait3A_554, %dma_wait3A_555, %dma_wait3A_561] : memref<2x40x128xi32, #tpu.memory_space<vmem>> -> memref<1x1x128xi32, #tpu.memory_space<vmem>>
      %dma_wait3A_563 = tpu.memref_squeeze %dma_wait3A_562 : memref<1x1x128xi32, #tpu.memory_space<vmem>> -> memref<128xi32, #tpu.memory_space<vmem>>
      %dma_wait3A_564 = arith.constant 0 : i32
      %dma_wait3A_565 = arith.constant 0 : i32
      %dma_wait3A_566 = tpu.memref_slice %arg2[%dma_wait3A_564, %dma_wait3A_565] : memref<87040x16xi32, #tpu.memory_space<hbm>> -> memref<87040x16xi32, #tpu.memory_space<hbm>>
      tpu.wait_indirect_dma semaphore(%arg8 : memref<!tpu.dma_semaphore, #tpu.memory_space<semaphore_mem>>) src(%dma_wait3A_566 : memref<87040x16xi32, #tpu.memory_space<hbm>>) dst(%dma_wait3A_560 : memref<128x16xi32, #tpu.memory_space<vmem>>)
      %dma_wait3A_567 = arith.constant 0 : i32
      %dma_wait3A_568 = arith.constant 32 : i32
      %dma_wait3A_569 = arith.constant 0 : i32
      %dma_wait3A_570 = arith.constant 2048 : i32
      %dma_wait3A_571 = arith.constant 0 : i32
      %dma_wait3A_572 = tpu.memref_slice %arg6[%dma_wait3A_569, %dma_wait3A_570, %dma_wait3A_571] : memref<2x2560x16xi32, #tpu.memory_space<vmem>> -> memref<1x128x16xi32, #tpu.memory_space<vmem>>
      %dma_wait3A_573 = tpu.memref_squeeze %dma_wait3A_572 : memref<1x128x16xi32, #tpu.memory_space<vmem>> -> memref<128x16xi32, #tpu.memory_space<vmem>>
      %dma_wait3A_574 = arith.constant 0 : i32
      %dma_wait3A_575 = tpu.memref_slice %arg5[%dma_wait3A_567, %dma_wait3A_568, %dma_wait3A_574] : memref<2x40x128xi32, #tpu.memory_space<vmem>> -> memref<1x1x128xi32, #tpu.memory_space<vmem>>
      %dma_wait3A_576 = tpu.memref_squeeze %dma_wait3A_575 : memref<1x1x128xi32, #tpu.memory_space<vmem>> -> memref<128xi32, #tpu.memory_space<vmem>>
      %dma_wait3A_577 = arith.constant 0 : i32
      %dma_wait3A_578 = arith.constant 0 : i32
      %dma_wait3A_579 = tpu.memref_slice %arg2[%dma_wait3A_577, %dma_wait3A_578] : memref<87040x16xi32, #tpu.memory_space<hbm>> -> memref<87040x16xi32, #tpu.memory_space<hbm>>
      tpu.wait_indirect_dma semaphore(%arg8 : memref<!tpu.dma_semaphore, #tpu.memory_space<semaphore_mem>>) src(%dma_wait3A_579 : memref<87040x16xi32, #tpu.memory_space<hbm>>) dst(%dma_wait3A_573 : memref<128x16xi32, #tpu.memory_space<vmem>>)
      %dma_wait3A_580 = arith.constant 0 : i32
      %dma_wait3A_581 = arith.constant 33 : i32
      %dma_wait3A_582 = arith.constant 0 : i32
      %dma_wait3A_583 = arith.constant 2176 : i32
      %dma_wait3A_584 = arith.constant 0 : i32
      %dma_wait3A_585 = tpu.memref_slice %arg6[%dma_wait3A_582, %dma_wait3A_583, %dma_wait3A_584] : memref<2x2560x16xi32, #tpu.memory_space<vmem>> -> memref<1x128x16xi32, #tpu.memory_space<vmem>>
      %dma_wait3A_586 = tpu.memref_squeeze %dma_wait3A_585 : memref<1x128x16xi32, #tpu.memory_space<vmem>> -> memref<128x16xi32, #tpu.memory_space<vmem>>
      %dma_wait3A_587 = arith.constant 0 : i32
      %dma_wait3A_588 = tpu.memref_slice %arg5[%dma_wait3A_580, %dma_wait3A_581, %dma_wait3A_587] : memref<2x40x128xi32, #tpu.memory_space<vmem>> -> memref<1x1x128xi32, #tpu.memory_space<vmem>>
      %dma_wait3A_589 = tpu.memref_squeeze %dma_wait3A_588 : memref<1x1x128xi32, #tpu.memory_space<vmem>> -> memref<128xi32, #tpu.memory_space<vmem>>
      %dma_wait3A_590 = arith.constant 0 : i32
      %dma_wait3A_591 = arith.constant 0 : i32
      %dma_wait3A_592 = tpu.memref_slice %arg2[%dma_wait3A_590, %dma_wait3A_591] : memref<87040x16xi32, #tpu.memory_space<hbm>> -> memref<87040x16xi32, #tpu.memory_space<hbm>>
      tpu.wait_indirect_dma semaphore(%arg8 : memref<!tpu.dma_semaphore, #tpu.memory_space<semaphore_mem>>) src(%dma_wait3A_592 : memref<87040x16xi32, #tpu.memory_space<hbm>>) dst(%dma_wait3A_586 : memref<128x16xi32, #tpu.memory_space<vmem>>)
      %dma_wait3A_593 = arith.constant 0 : i32
      %dma_wait3A_594 = arith.constant 34 : i32
      %dma_wait3A_595 = arith.constant 0 : i32
      %dma_wait3A_596 = arith.constant 2304 : i32
      %dma_wait3A_597 = arith.constant 0 : i32
      %dma_wait3A_598 = tpu.memref_slice %arg6[%dma_wait3A_595, %dma_wait3A_596, %dma_wait3A_597] : memref<2x2560x16xi32, #tpu.memory_space<vmem>> -> memref<1x128x16xi32, #tpu.memory_space<vmem>>
      %dma_wait3A_599 = tpu.memref_squeeze %dma_wait3A_598 : memref<1x128x16xi32, #tpu.memory_space<vmem>> -> memref<128x16xi32, #tpu.memory_space<vmem>>
      %dma_wait3A_600 = arith.constant 0 : i32
      %dma_wait3A_601 = tpu.memref_slice %arg5[%dma_wait3A_593, %dma_wait3A_594, %dma_wait3A_600] : memref<2x40x128xi32, #tpu.memory_space<vmem>> -> memref<1x1x128xi32, #tpu.memory_space<vmem>>
      %dma_wait3A_602 = tpu.memref_squeeze %dma_wait3A_601 : memref<1x1x128xi32, #tpu.memory_space<vmem>> -> memref<128xi32, #tpu.memory_space<vmem>>
      %dma_wait3A_603 = arith.constant 0 : i32
      %dma_wait3A_604 = arith.constant 0 : i32
      %dma_wait3A_605 = tpu.memref_slice %arg2[%dma_wait3A_603, %dma_wait3A_604] : memref<87040x16xi32, #tpu.memory_space<hbm>> -> memref<87040x16xi32, #tpu.memory_space<hbm>>
      tpu.wait_indirect_dma semaphore(%arg8 : memref<!tpu.dma_semaphore, #tpu.memory_space<semaphore_mem>>) src(%dma_wait3A_605 : memref<87040x16xi32, #tpu.memory_space<hbm>>) dst(%dma_wait3A_599 : memref<128x16xi32, #tpu.memory_space<vmem>>)
      %dma_wait3A_606 = arith.constant 0 : i32
      %dma_wait3A_607 = arith.constant 35 : i32
      %dma_wait3A_608 = arith.constant 0 : i32
      %dma_wait3A_609 = arith.constant 2432 : i32
      %dma_wait3A_610 = arith.constant 0 : i32
      %dma_wait3A_611 = tpu.memref_slice %arg6[%dma_wait3A_608, %dma_wait3A_609, %dma_wait3A_610] : memref<2x2560x16xi32, #tpu.memory_space<vmem>> -> memref<1x128x16xi32, #tpu.memory_space<vmem>>
      %dma_wait3A_612 = tpu.memref_squeeze %dma_wait3A_611 : memref<1x128x16xi32, #tpu.memory_space<vmem>> -> memref<128x16xi32, #tpu.memory_space<vmem>>
      %dma_wait3A_613 = arith.constant 0 : i32
      %dma_wait3A_614 = tpu.memref_slice %arg5[%dma_wait3A_606, %dma_wait3A_607, %dma_wait3A_613] : memref<2x40x128xi32, #tpu.memory_space<vmem>> -> memref<1x1x128xi32, #tpu.memory_space<vmem>>
      %dma_wait3A_615 = tpu.memref_squeeze %dma_wait3A_614 : memref<1x1x128xi32, #tpu.memory_space<vmem>> -> memref<128xi32, #tpu.memory_space<vmem>>
      %dma_wait3A_616 = arith.constant 0 : i32
      %dma_wait3A_617 = arith.constant 0 : i32
      %dma_wait3A_618 = tpu.memref_slice %arg2[%dma_wait3A_616, %dma_wait3A_617] : memref<87040x16xi32, #tpu.memory_space<hbm>> -> memref<87040x16xi32, #tpu.memory_space<hbm>>
      tpu.wait_indirect_dma semaphore(%arg8 : memref<!tpu.dma_semaphore, #tpu.memory_space<semaphore_mem>>) src(%dma_wait3A_618 : memref<87040x16xi32, #tpu.memory_space<hbm>>) dst(%dma_wait3A_612 : memref<128x16xi32, #tpu.memory_space<vmem>>)
      %ge3A = arith.constant 2 : i32
      %ge3A_619 = arith.cmpi sge, %mul3A_356, %ge3A : i32
      %convert_element_type3A_620 = arith.extui %ge3A_619 : i1 to i32
      %cond3A_621 = arith.constant 0 : i32
      %cond3A_622 = arith.cmpi ne, %convert_element_type3A_620, %cond3A_621 : i32
      scf.if %cond3A_622 {
        %sub3A = arith.constant 2 : i32
        %sub3A_955 = arith.subi %mul3A_356, %sub3A : i32
        %dma_wait3A_956 = arith.constant 0 : i32
        %dma_wait3A_957 = arith.constant 0 : i32
        %dma_wait3A_958 = arith.constant 0 : i32
        %dma_wait3A_959 = tpu.memref_slice %arg7[%dma_wait3A_956, %dma_wait3A_957, %dma_wait3A_958] : memref<2x40x32xf32, #tpu.memory_space<vmem>> -> memref<1x40x32xf32, #tpu.memory_space<vmem>>
        %dma_wait3A_960 = tpu.memref_squeeze %dma_wait3A_959 : memref<1x40x32xf32, #tpu.memory_space<vmem>> -> memref<40x32xf32, #tpu.memory_space<vmem>>
        %dma_wait3A_961 = arith.constant 0 : i32
        %dma_wait3A_962 = arith.constant 0 : i32
        %dma_wait3A_963 = tpu.memref_slice %arg4[%add3A, %sub3A_955, %dma_wait3A_961, %dma_wait3A_962] : memref<32x68x40x32xf32, #tpu.memory_space<hbm>> -> memref<1x1x40x32xf32, #tpu.memory_space<hbm>>
        %dma_wait3A_964 = tpu.memref_squeeze %dma_wait3A_963 : memref<1x1x40x32xf32, #tpu.memory_space<hbm>> -> memref<40x32xf32, #tpu.memory_space<hbm>>
        %dma_wait3A_965 = arith.constant 0 : i32
        %dma_wait3A_966 = arith.constant 0 : i32
        %dma_wait3A_967 = tpu.memref_slice %arg4[%add3A, %sub3A_955, %dma_wait3A_965, %dma_wait3A_966] : memref<32x68x40x32xf32, #tpu.memory_space<hbm>> -> memref<1x1x40x32xf32, #tpu.memory_space<hbm>>
        %dma_wait3A_968 = tpu.memref_squeeze %dma_wait3A_967 : memref<1x1x40x32xf32, #tpu.memory_space<hbm>> -> memref<40x32xf32, #tpu.memory_space<hbm>>
        %dma_wait3A_969 = arith.constant 0 : i32
        %dma_wait3A_970 = arith.constant 0 : i32
        %dma_wait3A_971 = tpu.memref_slice %arg7[%dma_wait3A_956, %dma_wait3A_969, %dma_wait3A_970] : memref<2x40x32xf32, #tpu.memory_space<vmem>> -> memref<1x40x32xf32, #tpu.memory_space<vmem>>
        %dma_wait3A_972 = tpu.memref_squeeze %dma_wait3A_971 : memref<1x40x32xf32, #tpu.memory_space<vmem>> -> memref<40x32xf32, #tpu.memory_space<vmem>>
        tpu.wait_dma2 semaphore(%arg10 : memref<!tpu.dma_semaphore, #tpu.memory_space<semaphore_mem>>) src(%dma_wait3A_972 : memref<40x32xf32, #tpu.memory_space<vmem>>) dst(%dma_wait3A_968 : memref<40x32xf32, #tpu.memory_space<hbm>>)
      } else {
      }
      %scan3A_623 = arith.constant 0 : i32
      %scan3A_624 = arith.constant 0 : i32
      %scan3A_625 = arith.constant 40 : i32
      %scan3A_626 = arith.addi %scan3A_624, %scan3A_625 : i32
      %scan3A_627 = arith.constant 1 : i32
      scf.for %scan3A_955 = %scan3A_624 to %scan3A_626 step %scan3A_627  : i32 {
        %shift_right_arithmetic3A = arith.constant 3 : i32
        %shift_right_arithmetic3A_956 = arith.shrsi %scan3A_955, %shift_right_arithmetic3A : i32
        %and3A = arith.constant 7 : i32
        %and3A_957 = arith.andi %scan3A_955, %and3A : i32
        %broadcast_in_dim3A = arith.constant 0.000000e+00 : f32
        %broadcast_in_dim3A_958 = vector.broadcast %broadcast_in_dim3A : f32 to vector<16xf32>
        %broadcast_in_dim3A_959 = arith.constant 0.000000e+00 : f32
        %broadcast_in_dim3A_960 = vector.broadcast %broadcast_in_dim3A_959 : f32 to vector<16xf32>
        %broadcast_in_dim3A_961 = arith.constant 0.000000e+00 : f32
        %broadcast_in_dim3A_962 = vector.broadcast %broadcast_in_dim3A_961 : f32 to vector<16xf32>
        %broadcast_in_dim3A_963 = arith.constant 0.000000e+00 : f32
        %broadcast_in_dim3A_964 = vector.broadcast %broadcast_in_dim3A_963 : f32 to vector<16xf32>
        %mul3A_965 = arith.constant 16 : i32
        %mul3A_966 = arith.muli %and3A_957, %mul3A_965 : i32
        %mul3A_967 = arith.constant 8 : i32
        %mul3A_968 = arith.muli %shift_right_arithmetic3A_956, %mul3A_967 : i32
        %add3A_969 = arith.constant 4 : i32
        %add3A_970 = arith.addi %mul3A_968, %add3A_969 : i32
        %add3A_971 = arith.constant 0 : i32
        %add3A_972 = arith.addi %add3A_970, %add3A_971 : i32
        %get3A = arith.constant 0 : i32
        %get3A_973 = arith.index_cast %get3A : i32 to index
        %get3A_974 = arith.index_cast %add3A_972 : i32 to index
        %get3A_975 = arith.index_cast %mul3A_966 : i32 to index
        %get3A_976 = tpu.vector_load %arg5[%get3A_973, %get3A_974, %get3A_975] {strides = array<i32>} : memref<2x40x128xi32, #tpu.memory_space<vmem>>, vector<16xi32>,
        %bitcast3A = vector.bitcast %get3A_976 : vector<16xi32> to vector<16xf32>
        %mul3A_977 = arith.constant 4 : i32
        %mul3A_978 = arith.muli %shift_right_arithmetic3A_956, %mul3A_977 : i32
        %add3A_979 = arith.constant 0 : i32
        %add3A_980 = arith.addi %mul3A_978, %add3A_979 : i32
        %mul3A_981 = arith.constant 128 : i32
        %mul3A_982 = arith.muli %add3A_980, %mul3A_981 : i32
        %add3A_983 = arith.addi %mul3A_982, %mul3A_966 : i32
        %slice3A = vector.extract_strided_slice %bitcast3A {offsets = [0], sizes = [1], strides = [1]} : vector<16xf32> to vector<1xf32>
        %squeeze3A = vector.extract %slice3A[0] : f32 from vector<1xf32>
        %add3A_984 = arith.constant 0 : i32
        %add3A_985 = arith.addi %add3A_983, %add3A_984 : i32
        %get3A_986 = arith.constant 0 : i32
        %get3A_987 = arith.index_cast %get3A_986 : i32 to index
        %get3A_988 = arith.index_cast %add3A_985 : i32 to index
        %get3A_989 = arith.constant 0 : index
        %get3A_990 = tpu.vector_load %arg6[%get3A_987, %get3A_988, %get3A_989] {strides = array<i32>} : memref<2x2560x16xi32, #tpu.memory_space<vmem>>, vector<16xi32>,
        %shift_left3A = arith.constant 16 : i32
        %shift_left3A_991 = vector.broadcast %shift_left3A : i32 to vector<16xi32>
        %shift_left3A_992 = arith.shli %get3A_990, %shift_left3A_991 : vector<16xi32>
        %bitcast3A_993 = vector.bitcast %shift_left3A_992 : vector<16xi32> to vector<16xf32>
        %bitcast3A_994 = vector.bitcast %get3A_990 : vector<16xi32> to vector<16xf32>
        %mul3A_995 = vector.broadcast %squeeze3A : f32 to vector<16xf32>
        %mul3A_996 = arith.mulf %mul3A_995, %bitcast3A_993 : vector<16xf32>
        %add3A_997 = arith.addf %broadcast_in_dim3A_958, %mul3A_996 : vector<16xf32>
        %mul3A_998 = vector.broadcast %squeeze3A : f32 to vector<16xf32>
        %mul3A_999 = arith.mulf %mul3A_998, %bitcast3A_994 : vector<16xf32>
        %add3A_1000 = arith.addf %broadcast_in_dim3A_960, %mul3A_999 : vector<16xf32>
        %slice3A_1001 = vector.extract_strided_slice %bitcast3A {offsets = [1], sizes = [1], strides = [1]} : vector<16xf32> to vector<1xf32>
        %squeeze3A_1002 = vector.extract %slice3A_1001[0] : f32 from vector<1xf32>
        %add3A_1003 = arith.constant 1 : i32
        %add3A_1004 = arith.addi %add3A_983, %add3A_1003 : i32
        %get3A_1005 = arith.constant 0 : i32
        %get3A_1006 = arith.index_cast %get3A_1005 : i32 to index
        %get3A_1007 = arith.index_cast %add3A_1004 : i32 to index
        %get3A_1008 = arith.constant 0 : index
        %get3A_1009 = tpu.vector_load %arg6[%get3A_1006, %get3A_1007, %get3A_1008] {strides = array<i32>} : memref<2x2560x16xi32, #tpu.memory_space<vmem>>, vector<16xi32>,
        %shift_left3A_1010 = arith.constant 16 : i32
        %shift_left3A_1011 = vector.broadcast %shift_left3A_1010 : i32 to vector<16xi32>
        %shift_left3A_1012 = arith.shli %get3A_1009, %shift_left3A_1011 : vector<16xi32>
        %bitcast3A_1013 = vector.bitcast %shift_left3A_1012 : vector<16xi32> to vector<16xf32>
        %bitcast3A_1014 = vector.bitcast %get3A_1009 : vector<16xi32> to vector<16xf32>
        %mul3A_1015 = vector.broadcast %squeeze3A_1002 : f32 to vector<16xf32>
        %mul3A_1016 = arith.mulf %mul3A_1015, %bitcast3A_1013 : vector<16xf32>
        %add3A_1017 = arith.addf %broadcast_in_dim3A_962, %mul3A_1016 : vector<16xf32>
        %mul3A_1018 = vector.broadcast %squeeze3A_1002 : f32 to vector<16xf32>
        %mul3A_1019 = arith.mulf %mul3A_1018, %bitcast3A_1014 : vector<16xf32>
        %add3A_1020 = arith.addf %broadcast_in_dim3A_964, %mul3A_1019 : vector<16xf32>
        %slice3A_1021 = vector.extract_strided_slice %bitcast3A {offsets = [2], sizes = [1], strides = [1]} : vector<16xf32> to vector<1xf32>
        %squeeze3A_1022 = vector.extract %slice3A_1021[0] : f32 from vector<1xf32>
        %add3A_1023 = arith.constant 2 : i32
        %add3A_1024 = arith.addi %add3A_983, %add3A_1023 : i32
        %get3A_1025 = arith.constant 0 : i32
        %get3A_1026 = arith.index_cast %get3A_1025 : i32 to index
        %get3A_1027 = arith.index_cast %add3A_1024 : i32 to index
        %get3A_1028 = arith.constant 0 : index
        %get3A_1029 = tpu.vector_load %arg6[%get3A_1026, %get3A_1027, %get3A_1028] {strides = array<i32>} : memref<2x2560x16xi32, #tpu.memory_space<vmem>>, vector<16xi32>,
        %shift_left3A_1030 = arith.constant 16 : i32
        %shift_left3A_1031 = vector.broadcast %shift_left3A_1030 : i32 to vector<16xi32>
        %shift_left3A_1032 = arith.shli %get3A_1029, %shift_left3A_1031 : vector<16xi32>
        %bitcast3A_1033 = vector.bitcast %shift_left3A_1032 : vector<16xi32> to vector<16xf32>
        %bitcast3A_1034 = vector.bitcast %get3A_1029 : vector<16xi32> to vector<16xf32>
        %mul3A_1035 = vector.broadcast %squeeze3A_1022 : f32 to vector<16xf32>
        %mul3A_1036 = arith.mulf %mul3A_1035, %bitcast3A_1033 : vector<16xf32>
        %add3A_1037 = arith.addf %add3A_997, %mul3A_1036 : vector<16xf32>
        %mul3A_1038 = vector.broadcast %squeeze3A_1022 : f32 to vector<16xf32>
        %mul3A_1039 = arith.mulf %mul3A_1038, %bitcast3A_1034 : vector<16xf32>
        %add3A_1040 = arith.addf %add3A_1000, %mul3A_1039 : vector<16xf32>
        %slice3A_1041 = vector.extract_strided_slice %bitcast3A {offsets = [3], sizes = [1], strides = [1]} : vector<16xf32> to vector<1xf32>
        %squeeze3A_1042 = vector.extract %slice3A_1041[0] : f32 from vector<1xf32>
        %add3A_1043 = arith.constant 3 : i32
        %add3A_1044 = arith.addi %add3A_983, %add3A_1043 : i32
        %get3A_1045 = arith.constant 0 : i32
        %get3A_1046 = arith.index_cast %get3A_1045 : i32 to index
        %get3A_1047 = arith.index_cast %add3A_1044 : i32 to index
        %get3A_1048 = arith.constant 0 : index
        %get3A_1049 = tpu.vector_load %arg6[%get3A_1046, %get3A_1047, %get3A_1048] {strides = array<i32>} : memref<2x2560x16xi32, #tpu.memory_space<vmem>>, vector<16xi32>,
        %shift_left3A_1050 = arith.constant 16 : i32
        %shift_left3A_1051 = vector.broadcast %shift_left3A_1050 : i32 to vector<16xi32>
        %shift_left3A_1052 = arith.shli %get3A_1049, %shift_left3A_1051 : vector<16xi32>
        %bitcast3A_1053 = vector.bitcast %shift_left3A_1052 : vector<16xi32> to vector<16xf32>
        %bitcast3A_1054 = vector.bitcast %get3A_1049 : vector<16xi32> to vector<16xf32>
        %mul3A_1055 = vector.broadcast %squeeze3A_1042 : f32 to vector<16xf32>
        %mul3A_1056 = arith.mulf %mul3A_1055, %bitcast3A_1053 : vector<16xf32>
        %add3A_1057 = arith.addf %add3A_1017, %mul3A_1056 : vector<16xf32>
        %mul3A_1058 = vector.broadcast %squeeze3A_1042 : f32 to vector<16xf32>
        %mul3A_1059 = arith.mulf %mul3A_1058, %bitcast3A_1054 : vector<16xf32>
        %add3A_1060 = arith.addf %add3A_1020, %mul3A_1059 : vector<16xf32>
        %slice3A_1061 = vector.extract_strided_slice %bitcast3A {offsets = [4], sizes = [1], strides = [1]} : vector<16xf32> to vector<1xf32>
        %squeeze3A_1062 = vector.extract %slice3A_1061[0] : f32 from vector<1xf32>
        %add3A_1063 = arith.constant 4 : i32
        %add3A_1064 = arith.addi %add3A_983, %add3A_1063 : i32
        %get3A_1065 = arith.constant 0 : i32
        %get3A_1066 = arith.index_cast %get3A_1065 : i32 to index
        %get3A_1067 = arith.index_cast %add3A_1064 : i32 to index
        %get3A_1068 = arith.constant 0 : index
        %get3A_1069 = tpu.vector_load %arg6[%get3A_1066, %get3A_1067, %get3A_1068] {strides = array<i32>} : memref<2x2560x16xi32, #tpu.memory_space<vmem>>, vector<16xi32>,
        %shift_left3A_1070 = arith.constant 16 : i32
        %shift_left3A_1071 = vector.broadcast %shift_left3A_1070 : i32 to vector<16xi32>
        %shift_left3A_1072 = arith.shli %get3A_1069, %shift_left3A_1071 : vector<16xi32>
        %bitcast3A_1073 = vector.bitcast %shift_left3A_1072 : vector<16xi32> to vector<16xf32>
        %bitcast3A_1074 = vector.bitcast %get3A_1069 : vector<16xi32> to vector<16xf32>
        %mul3A_1075 = vector.broadcast %squeeze3A_1062 : f32 to vector<16xf32>
        %mul3A_1076 = arith.mulf %mul3A_1075, %bitcast3A_1073 : vector<16xf32>
        %add3A_1077 = arith.addf %add3A_1037, %mul3A_1076 : vector<16xf32>
        %mul3A_1078 = vector.broadcast %squeeze3A_1062 : f32 to vector<16xf32>
        %mul3A_1079 = arith.mulf %mul3A_1078, %bitcast3A_1074 : vector<16xf32>
        %add3A_1080 = arith.addf %add3A_1040, %mul3A_1079 : vector<16xf32>
        %slice3A_1081 = vector.extract_strided_slice %bitcast3A {offsets = [5], sizes = [1], strides = [1]} : vector<16xf32> to vector<1xf32>
        %squeeze3A_1082 = vector.extract %slice3A_1081[0] : f32 from vector<1xf32>
        %add3A_1083 = arith.constant 5 : i32
        %add3A_1084 = arith.addi %add3A_983, %add3A_1083 : i32
        %get3A_1085 = arith.constant 0 : i32
        %get3A_1086 = arith.index_cast %get3A_1085 : i32 to index
        %get3A_1087 = arith.index_cast %add3A_1084 : i32 to index
        %get3A_1088 = arith.constant 0 : index
        %get3A_1089 = tpu.vector_load %arg6[%get3A_1086, %get3A_1087, %get3A_1088] {strides = array<i32>} : memref<2x2560x16xi32, #tpu.memory_space<vmem>>, vector<16xi32>,
        %shift_left3A_1090 = arith.constant 16 : i32
        %shift_left3A_1091 = vector.broadcast %shift_left3A_1090 : i32 to vector<16xi32>
        %shift_left3A_1092 = arith.shli %get3A_1089, %shift_left3A_1091 : vector<16xi32>
        %bitcast3A_1093 = vector.bitcast %shift_left3A_1092 : vector<16xi32> to vector<16xf32>
        %bitcast3A_1094 = vector.bitcast %get3A_1089 : vector<16xi32> to vector<16xf32>
        %mul3A_1095 = vector.broadcast %squeeze3A_1082 : f32 to vector<16xf32>
        %mul3A_1096 = arith.mulf %mul3A_1095, %bitcast3A_1093 : vector<16xf32>
        %add3A_1097 = arith.addf %add3A_1057, %mul3A_1096 : vector<16xf32>
        %mul3A_1098 = vector.broadcast %squeeze3A_1082 : f32 to vector<16xf32>
        %mul3A_1099 = arith.mulf %mul3A_1098, %bitcast3A_1094 : vector<16xf32>
        %add3A_1100 = arith.addf %add3A_1060, %mul3A_1099 : vector<16xf32>
        %slice3A_1101 = vector.extract_strided_slice %bitcast3A {offsets = [6], sizes = [1], strides = [1]} : vector<16xf32> to vector<1xf32>
        %squeeze3A_1102 = vector.extract %slice3A_1101[0] : f32 from vector<1xf32>
        %add3A_1103 = arith.constant 6 : i32
        %add3A_1104 = arith.addi %add3A_983, %add3A_1103 : i32
        %get3A_1105 = arith.constant 0 : i32
        %get3A_1106 = arith.index_cast %get3A_1105 : i32 to index
        %get3A_1107 = arith.index_cast %add3A_1104 : i32 to index
        %get3A_1108 = arith.constant 0 : index
        %get3A_1109 = tpu.vector_load %arg6[%get3A_1106, %get3A_1107, %get3A_1108] {strides = array<i32>} : memref<2x2560x16xi32, #tpu.memory_space<vmem>>, vector<16xi32>,
        %shift_left3A_1110 = arith.constant 16 : i32
        %shift_left3A_1111 = vector.broadcast %shift_left3A_1110 : i32 to vector<16xi32>
        %shift_left3A_1112 = arith.shli %get3A_1109, %shift_left3A_1111 : vector<16xi32>
        %bitcast3A_1113 = vector.bitcast %shift_left3A_1112 : vector<16xi32> to vector<16xf32>
        %bitcast3A_1114 = vector.bitcast %get3A_1109 : vector<16xi32> to vector<16xf32>
        %mul3A_1115 = vector.broadcast %squeeze3A_1102 : f32 to vector<16xf32>
        %mul3A_1116 = arith.mulf %mul3A_1115, %bitcast3A_1113 : vector<16xf32>
        %add3A_1117 = arith.addf %add3A_1077, %mul3A_1116 : vector<16xf32>
        %mul3A_1118 = vector.broadcast %squeeze3A_1102 : f32 to vector<16xf32>
        %mul3A_1119 = arith.mulf %mul3A_1118, %bitcast3A_1114 : vector<16xf32>
        %add3A_1120 = arith.addf %add3A_1080, %mul3A_1119 : vector<16xf32>
        %slice3A_1121 = vector.extract_strided_slice %bitcast3A {offsets = [7], sizes = [1], strides = [1]} : vector<16xf32> to vector<1xf32>
        %squeeze3A_1122 = vector.extract %slice3A_1121[0] : f32 from vector<1xf32>
        %add3A_1123 = arith.constant 7 : i32
        %add3A_1124 = arith.addi %add3A_983, %add3A_1123 : i32
        %get3A_1125 = arith.constant 0 : i32
        %get3A_1126 = arith.index_cast %get3A_1125 : i32 to index
        %get3A_1127 = arith.index_cast %add3A_1124 : i32 to index
        %get3A_1128 = arith.constant 0 : index
        %get3A_1129 = tpu.vector_load %arg6[%get3A_1126, %get3A_1127, %get3A_1128] {strides = array<i32>} : memref<2x2560x16xi32, #tpu.memory_space<vmem>>, vector<16xi32>,
        %shift_left3A_1130 = arith.constant 16 : i32
        %shift_left3A_1131 = vector.broadcast %shift_left3A_1130 : i32 to vector<16xi32>
        %shift_left3A_1132 = arith.shli %get3A_1129, %shift_left3A_1131 : vector<16xi32>
        %bitcast3A_1133 = vector.bitcast %shift_left3A_1132 : vector<16xi32> to vector<16xf32>
        %bitcast3A_1134 = vector.bitcast %get3A_1129 : vector<16xi32> to vector<16xf32>
        %mul3A_1135 = vector.broadcast %squeeze3A_1122 : f32 to vector<16xf32>
        %mul3A_1136 = arith.mulf %mul3A_1135, %bitcast3A_1133 : vector<16xf32>
        %add3A_1137 = arith.addf %add3A_1097, %mul3A_1136 : vector<16xf32>
        %mul3A_1138 = vector.broadcast %squeeze3A_1122 : f32 to vector<16xf32>
        %mul3A_1139 = arith.mulf %mul3A_1138, %bitcast3A_1134 : vector<16xf32>
        %add3A_1140 = arith.addf %add3A_1100, %mul3A_1139 : vector<16xf32>
        %slice3A_1141 = vector.extract_strided_slice %bitcast3A {offsets = [8], sizes = [1], strides = [1]} : vector<16xf32> to vector<1xf32>
        %squeeze3A_1142 = vector.extract %slice3A_1141[0] : f32 from vector<1xf32>
        %add3A_1143 = arith.constant 8 : i32
        %add3A_1144 = arith.addi %add3A_983, %add3A_1143 : i32
        %get3A_1145 = arith.constant 0 : i32
        %get3A_1146 = arith.index_cast %get3A_1145 : i32 to index
        %get3A_1147 = arith.index_cast %add3A_1144 : i32 to index
        %get3A_1148 = arith.constant 0 : index
        %get3A_1149 = tpu.vector_load %arg6[%get3A_1146, %get3A_1147, %get3A_1148] {strides = array<i32>} : memref<2x2560x16xi32, #tpu.memory_space<vmem>>, vector<16xi32>,
        %shift_left3A_1150 = arith.constant 16 : i32
        %shift_left3A_1151 = vector.broadcast %shift_left3A_1150 : i32 to vector<16xi32>
        %shift_left3A_1152 = arith.shli %get3A_1149, %shift_left3A_1151 : vector<16xi32>
        %bitcast3A_1153 = vector.bitcast %shift_left3A_1152 : vector<16xi32> to vector<16xf32>
        %bitcast3A_1154 = vector.bitcast %get3A_1149 : vector<16xi32> to vector<16xf32>
        %mul3A_1155 = vector.broadcast %squeeze3A_1142 : f32 to vector<16xf32>
        %mul3A_1156 = arith.mulf %mul3A_1155, %bitcast3A_1153 : vector<16xf32>
        %add3A_1157 = arith.addf %add3A_1117, %mul3A_1156 : vector<16xf32>
        %mul3A_1158 = vector.broadcast %squeeze3A_1142 : f32 to vector<16xf32>
        %mul3A_1159 = arith.mulf %mul3A_1158, %bitcast3A_1154 : vector<16xf32>
        %add3A_1160 = arith.addf %add3A_1120, %mul3A_1159 : vector<16xf32>
        %slice3A_1161 = vector.extract_strided_slice %bitcast3A {offsets = [9], sizes = [1], strides = [1]} : vector<16xf32> to vector<1xf32>
        %squeeze3A_1162 = vector.extract %slice3A_1161[0] : f32 from vector<1xf32>
        %add3A_1163 = arith.constant 9 : i32
        %add3A_1164 = arith.addi %add3A_983, %add3A_1163 : i32
        %get3A_1165 = arith.constant 0 : i32
        %get3A_1166 = arith.index_cast %get3A_1165 : i32 to index
        %get3A_1167 = arith.index_cast %add3A_1164 : i32 to index
        %get3A_1168 = arith.constant 0 : index
        %get3A_1169 = tpu.vector_load %arg6[%get3A_1166, %get3A_1167, %get3A_1168] {strides = array<i32>} : memref<2x2560x16xi32, #tpu.memory_space<vmem>>, vector<16xi32>,
        %shift_left3A_1170 = arith.constant 16 : i32
        %shift_left3A_1171 = vector.broadcast %shift_left3A_1170 : i32 to vector<16xi32>
        %shift_left3A_1172 = arith.shli %get3A_1169, %shift_left3A_1171 : vector<16xi32>
        %bitcast3A_1173 = vector.bitcast %shift_left3A_1172 : vector<16xi32> to vector<16xf32>
        %bitcast3A_1174 = vector.bitcast %get3A_1169 : vector<16xi32> to vector<16xf32>
        %mul3A_1175 = vector.broadcast %squeeze3A_1162 : f32 to vector<16xf32>
        %mul3A_1176 = arith.mulf %mul3A_1175, %bitcast3A_1173 : vector<16xf32>
        %add3A_1177 = arith.addf %add3A_1137, %mul3A_1176 : vector<16xf32>
        %mul3A_1178 = vector.broadcast %squeeze3A_1162 : f32 to vector<16xf32>
        %mul3A_1179 = arith.mulf %mul3A_1178, %bitcast3A_1174 : vector<16xf32>
        %add3A_1180 = arith.addf %add3A_1140, %mul3A_1179 : vector<16xf32>
        %slice3A_1181 = vector.extract_strided_slice %bitcast3A {offsets = [10], sizes = [1], strides = [1]} : vector<16xf32> to vector<1xf32>
        %squeeze3A_1182 = vector.extract %slice3A_1181[0] : f32 from vector<1xf32>
        %add3A_1183 = arith.constant 10 : i32
        %add3A_1184 = arith.addi %add3A_983, %add3A_1183 : i32
        %get3A_1185 = arith.constant 0 : i32
        %get3A_1186 = arith.index_cast %get3A_1185 : i32 to index
        %get3A_1187 = arith.index_cast %add3A_1184 : i32 to index
        %get3A_1188 = arith.constant 0 : index
        %get3A_1189 = tpu.vector_load %arg6[%get3A_1186, %get3A_1187, %get3A_1188] {strides = array<i32>} : memref<2x2560x16xi32, #tpu.memory_space<vmem>>, vector<16xi32>,
        %shift_left3A_1190 = arith.constant 16 : i32
        %shift_left3A_1191 = vector.broadcast %shift_left3A_1190 : i32 to vector<16xi32>
        %shift_left3A_1192 = arith.shli %get3A_1189, %shift_left3A_1191 : vector<16xi32>
        %bitcast3A_1193 = vector.bitcast %shift_left3A_1192 : vector<16xi32> to vector<16xf32>
        %bitcast3A_1194 = vector.bitcast %get3A_1189 : vector<16xi32> to vector<16xf32>
        %mul3A_1195 = vector.broadcast %squeeze3A_1182 : f32 to vector<16xf32>
        %mul3A_1196 = arith.mulf %mul3A_1195, %bitcast3A_1193 : vector<16xf32>
        %add3A_1197 = arith.addf %add3A_1157, %mul3A_1196 : vector<16xf32>
        %mul3A_1198 = vector.broadcast %squeeze3A_1182 : f32 to vector<16xf32>
        %mul3A_1199 = arith.mulf %mul3A_1198, %bitcast3A_1194 : vector<16xf32>
        %add3A_1200 = arith.addf %add3A_1160, %mul3A_1199 : vector<16xf32>
        %slice3A_1201 = vector.extract_strided_slice %bitcast3A {offsets = [11], sizes = [1], strides = [1]} : vector<16xf32> to vector<1xf32>
        %squeeze3A_1202 = vector.extract %slice3A_1201[0] : f32 from vector<1xf32>
        %add3A_1203 = arith.constant 11 : i32
        %add3A_1204 = arith.addi %add3A_983, %add3A_1203 : i32
        %get3A_1205 = arith.constant 0 : i32
        %get3A_1206 = arith.index_cast %get3A_1205 : i32 to index
        %get3A_1207 = arith.index_cast %add3A_1204 : i32 to index
        %get3A_1208 = arith.constant 0 : index
        %get3A_1209 = tpu.vector_load %arg6[%get3A_1206, %get3A_1207, %get3A_1208] {strides = array<i32>} : memref<2x2560x16xi32, #tpu.memory_space<vmem>>, vector<16xi32>,
        %shift_left3A_1210 = arith.constant 16 : i32
        %shift_left3A_1211 = vector.broadcast %shift_left3A_1210 : i32 to vector<16xi32>
        %shift_left3A_1212 = arith.shli %get3A_1209, %shift_left3A_1211 : vector<16xi32>
        %bitcast3A_1213 = vector.bitcast %shift_left3A_1212 : vector<16xi32> to vector<16xf32>
        %bitcast3A_1214 = vector.bitcast %get3A_1209 : vector<16xi32> to vector<16xf32>
        %mul3A_1215 = vector.broadcast %squeeze3A_1202 : f32 to vector<16xf32>
        %mul3A_1216 = arith.mulf %mul3A_1215, %bitcast3A_1213 : vector<16xf32>
        %add3A_1217 = arith.addf %add3A_1177, %mul3A_1216 : vector<16xf32>
        %mul3A_1218 = vector.broadcast %squeeze3A_1202 : f32 to vector<16xf32>
        %mul3A_1219 = arith.mulf %mul3A_1218, %bitcast3A_1214 : vector<16xf32>
        %add3A_1220 = arith.addf %add3A_1180, %mul3A_1219 : vector<16xf32>
        %slice3A_1221 = vector.extract_strided_slice %bitcast3A {offsets = [12], sizes = [1], strides = [1]} : vector<16xf32> to vector<1xf32>
        %squeeze3A_1222 = vector.extract %slice3A_1221[0] : f32 from vector<1xf32>
        %add3A_1223 = arith.constant 12 : i32
        %add3A_1224 = arith.addi %add3A_983, %add3A_1223 : i32
        %get3A_1225 = arith.constant 0 : i32
        %get3A_1226 = arith.index_cast %get3A_1225 : i32 to index
        %get3A_1227 = arith.index_cast %add3A_1224 : i32 to index
        %get3A_1228 = arith.constant 0 : index
        %get3A_1229 = tpu.vector_load %arg6[%get3A_1226, %get3A_1227, %get3A_1228] {strides = array<i32>} : memref<2x2560x16xi32, #tpu.memory_space<vmem>>, vector<16xi32>,
        %shift_left3A_1230 = arith.constant 16 : i32
        %shift_left3A_1231 = vector.broadcast %shift_left3A_1230 : i32 to vector<16xi32>
        %shift_left3A_1232 = arith.shli %get3A_1229, %shift_left3A_1231 : vector<16xi32>
        %bitcast3A_1233 = vector.bitcast %shift_left3A_1232 : vector<16xi32> to vector<16xf32>
        %bitcast3A_1234 = vector.bitcast %get3A_1229 : vector<16xi32> to vector<16xf32>
        %mul3A_1235 = vector.broadcast %squeeze3A_1222 : f32 to vector<16xf32>
        %mul3A_1236 = arith.mulf %mul3A_1235, %bitcast3A_1233 : vector<16xf32>
        %add3A_1237 = arith.addf %add3A_1197, %mul3A_1236 : vector<16xf32>
        %mul3A_1238 = vector.broadcast %squeeze3A_1222 : f32 to vector<16xf32>
        %mul3A_1239 = arith.mulf %mul3A_1238, %bitcast3A_1234 : vector<16xf32>
        %add3A_1240 = arith.addf %add3A_1200, %mul3A_1239 : vector<16xf32>
        %slice3A_1241 = vector.extract_strided_slice %bitcast3A {offsets = [13], sizes = [1], strides = [1]} : vector<16xf32> to vector<1xf32>
        %squeeze3A_1242 = vector.extract %slice3A_1241[0] : f32 from vector<1xf32>
        %add3A_1243 = arith.constant 13 : i32
        %add3A_1244 = arith.addi %add3A_983, %add3A_1243 : i32
        %get3A_1245 = arith.constant 0 : i32
        %get3A_1246 = arith.index_cast %get3A_1245 : i32 to index
        %get3A_1247 = arith.index_cast %add3A_1244 : i32 to index
        %get3A_1248 = arith.constant 0 : index
        %get3A_1249 = tpu.vector_load %arg6[%get3A_1246, %get3A_1247, %get3A_1248] {strides = array<i32>} : memref<2x2560x16xi32, #tpu.memory_space<vmem>>, vector<16xi32>,
        %shift_left3A_1250 = arith.constant 16 : i32
        %shift_left3A_1251 = vector.broadcast %shift_left3A_1250 : i32 to vector<16xi32>
        %shift_left3A_1252 = arith.shli %get3A_1249, %shift_left3A_1251 : vector<16xi32>
        %bitcast3A_1253 = vector.bitcast %shift_left3A_1252 : vector<16xi32> to vector<16xf32>
        %bitcast3A_1254 = vector.bitcast %get3A_1249 : vector<16xi32> to vector<16xf32>
        %mul3A_1255 = vector.broadcast %squeeze3A_1242 : f32 to vector<16xf32>
        %mul3A_1256 = arith.mulf %mul3A_1255, %bitcast3A_1253 : vector<16xf32>
        %add3A_1257 = arith.addf %add3A_1217, %mul3A_1256 : vector<16xf32>
        %mul3A_1258 = vector.broadcast %squeeze3A_1242 : f32 to vector<16xf32>
        %mul3A_1259 = arith.mulf %mul3A_1258, %bitcast3A_1254 : vector<16xf32>
        %add3A_1260 = arith.addf %add3A_1220, %mul3A_1259 : vector<16xf32>
        %slice3A_1261 = vector.extract_strided_slice %bitcast3A {offsets = [14], sizes = [1], strides = [1]} : vector<16xf32> to vector<1xf32>
        %squeeze3A_1262 = vector.extract %slice3A_1261[0] : f32 from vector<1xf32>
        %add3A_1263 = arith.constant 14 : i32
        %add3A_1264 = arith.addi %add3A_983, %add3A_1263 : i32
        %get3A_1265 = arith.constant 0 : i32
        %get3A_1266 = arith.index_cast %get3A_1265 : i32 to index
        %get3A_1267 = arith.index_cast %add3A_1264 : i32 to index
        %get3A_1268 = arith.constant 0 : index
        %get3A_1269 = tpu.vector_load %arg6[%get3A_1266, %get3A_1267, %get3A_1268] {strides = array<i32>} : memref<2x2560x16xi32, #tpu.memory_space<vmem>>, vector<16xi32>,
        %shift_left3A_1270 = arith.constant 16 : i32
        %shift_left3A_1271 = vector.broadcast %shift_left3A_1270 : i32 to vector<16xi32>
        %shift_left3A_1272 = arith.shli %get3A_1269, %shift_left3A_1271 : vector<16xi32>
        %bitcast3A_1273 = vector.bitcast %shift_left3A_1272 : vector<16xi32> to vector<16xf32>
        %bitcast3A_1274 = vector.bitcast %get3A_1269 : vector<16xi32> to vector<16xf32>
        %mul3A_1275 = vector.broadcast %squeeze3A_1262 : f32 to vector<16xf32>
        %mul3A_1276 = arith.mulf %mul3A_1275, %bitcast3A_1273 : vector<16xf32>
        %add3A_1277 = arith.addf %add3A_1237, %mul3A_1276 : vector<16xf32>
        %mul3A_1278 = vector.broadcast %squeeze3A_1262 : f32 to vector<16xf32>
        %mul3A_1279 = arith.mulf %mul3A_1278, %bitcast3A_1274 : vector<16xf32>
        %add3A_1280 = arith.addf %add3A_1240, %mul3A_1279 : vector<16xf32>
        %slice3A_1281 = vector.extract_strided_slice %bitcast3A {offsets = [15], sizes = [1], strides = [1]} : vector<16xf32> to vector<1xf32>
        %squeeze3A_1282 = vector.extract %slice3A_1281[0] : f32 from vector<1xf32>
        %add3A_1283 = arith.constant 15 : i32
        %add3A_1284 = arith.addi %add3A_983, %add3A_1283 : i32
        %get3A_1285 = arith.constant 0 : i32
        %get3A_1286 = arith.index_cast %get3A_1285 : i32 to index
        %get3A_1287 = arith.index_cast %add3A_1284 : i32 to index
        %get3A_1288 = arith.constant 0 : index
        %get3A_1289 = tpu.vector_load %arg6[%get3A_1286, %get3A_1287, %get3A_1288] {strides = array<i32>} : memref<2x2560x16xi32, #tpu.memory_space<vmem>>, vector<16xi32>,
        %shift_left3A_1290 = arith.constant 16 : i32
        %shift_left3A_1291 = vector.broadcast %shift_left3A_1290 : i32 to vector<16xi32>
        %shift_left3A_1292 = arith.shli %get3A_1289, %shift_left3A_1291 : vector<16xi32>
        %bitcast3A_1293 = vector.bitcast %shift_left3A_1292 : vector<16xi32> to vector<16xf32>
        %bitcast3A_1294 = vector.bitcast %get3A_1289 : vector<16xi32> to vector<16xf32>
        %mul3A_1295 = vector.broadcast %squeeze3A_1282 : f32 to vector<16xf32>
        %mul3A_1296 = arith.mulf %mul3A_1295, %bitcast3A_1293 : vector<16xf32>
        %add3A_1297 = arith.addf %add3A_1257, %mul3A_1296 : vector<16xf32>
        %mul3A_1298 = vector.broadcast %squeeze3A_1282 : f32 to vector<16xf32>
        %mul3A_1299 = arith.mulf %mul3A_1298, %bitcast3A_1294 : vector<16xf32>
        %add3A_1300 = arith.addf %add3A_1260, %mul3A_1299 : vector<16xf32>
        %mul3A_1301 = arith.constant 16 : i32
        %mul3A_1302 = arith.muli %and3A_957, %mul3A_1301 : i32
        %mul3A_1303 = arith.constant 8 : i32
        %mul3A_1304 = arith.muli %shift_right_arithmetic3A_956, %mul3A_1303 : i32
        %add3A_1305 = arith.constant 4 : i32
        %add3A_1306 = arith.addi %mul3A_1304, %add3A_1305 : i32
        %add3A_1307 = arith.constant 1 : i32
        %add3A_1308 = arith.addi %add3A_1306, %add3A_1307 : i32
        %get3A_1309 = arith.constant 0 : i32
        %get3A_1310 = arith.index_cast %get3A_1309 : i32 to index
        %get3A_1311 = arith.index_cast %add3A_1308 : i32 to index
        %get3A_1312 = arith.index_cast %mul3A_1302 : i32 to index
        %get3A_1313 = tpu.vector_load %arg5[%get3A_1310, %get3A_1311, %get3A_1312] {strides = array<i32>} : memref<2x40x128xi32, #tpu.memory_space<vmem>>, vector<16xi32>,
        %bitcast3A_1314 = vector.bitcast %get3A_1313 : vector<16xi32> to vector<16xf32>
        %mul3A_1315 = arith.constant 4 : i32
        %mul3A_1316 = arith.muli %shift_right_arithmetic3A_956, %mul3A_1315 : i32
        %add3A_1317 = arith.constant 1 : i32
        %add3A_1318 = arith.addi %mul3A_1316, %add3A_1317 : i32
        %mul3A_1319 = arith.constant 128 : i32
        %mul3A_1320 = arith.muli %add3A_1318, %mul3A_1319 : i32
        %add3A_1321 = arith.addi %mul3A_1320, %mul3A_1302 : i32
        %slice3A_1322 = vector.extract_strided_slice %bitcast3A_1314 {offsets = [0], sizes = [1], strides = [1]} : vector<16xf32> to vector<1xf32>
        %squeeze3A_1323 = vector.extract %slice3A_1322[0] : f32 from vector<1xf32>
        %add3A_1324 = arith.constant 0 : i32
        %add3A_1325 = arith.addi %add3A_1321, %add3A_1324 : i32
        %get3A_1326 = arith.constant 0 : i32
        %get3A_1327 = arith.index_cast %get3A_1326 : i32 to index
        %get3A_1328 = arith.index_cast %add3A_1325 : i32 to index
        %get3A_1329 = arith.constant 0 : index
        %get3A_1330 = tpu.vector_load %arg6[%get3A_1327, %get3A_1328, %get3A_1329] {strides = array<i32>} : memref<2x2560x16xi32, #tpu.memory_space<vmem>>, vector<16xi32>,
        %shift_left3A_1331 = arith.constant 16 : i32
        %shift_left3A_1332 = vector.broadcast %shift_left3A_1331 : i32 to vector<16xi32>
        %shift_left3A_1333 = arith.shli %get3A_1330, %shift_left3A_1332 : vector<16xi32>
        %bitcast3A_1334 = vector.bitcast %shift_left3A_1333 : vector<16xi32> to vector<16xf32>
        %bitcast3A_1335 = vector.bitcast %get3A_1330 : vector<16xi32> to vector<16xf32>
        %mul3A_1336 = vector.broadcast %squeeze3A_1323 : f32 to vector<16xf32>
        %mul3A_1337 = arith.mulf %mul3A_1336, %bitcast3A_1334 : vector<16xf32>
        %add3A_1338 = arith.addf %add3A_1277, %mul3A_1337 : vector<16xf32>
        %mul3A_1339 = vector.broadcast %squeeze3A_1323 : f32 to vector<16xf32>
        %mul3A_1340 = arith.mulf %mul3A_1339, %bitcast3A_1335 : vector<16xf32>
        %add3A_1341 = arith.addf %add3A_1280, %mul3A_1340 : vector<16xf32>
        %slice3A_1342 = vector.extract_strided_slice %bitcast3A_1314 {offsets = [1], sizes = [1], strides = [1]} : vector<16xf32> to vector<1xf32>
        %squeeze3A_1343 = vector.extract %slice3A_1342[0] : f32 from vector<1xf32>
        %add3A_1344 = arith.constant 1 : i32
        %add3A_1345 = arith.addi %add3A_1321, %add3A_1344 : i32
        %get3A_1346 = arith.constant 0 : i32
        %get3A_1347 = arith.index_cast %get3A_1346 : i32 to index
        %get3A_1348 = arith.index_cast %add3A_1345 : i32 to index
        %get3A_1349 = arith.constant 0 : index
        %get3A_1350 = tpu.vector_load %arg6[%get3A_1347, %get3A_1348, %get3A_1349] {strides = array<i32>} : memref<2x2560x16xi32, #tpu.memory_space<vmem>>, vector<16xi32>,
        %shift_left3A_1351 = arith.constant 16 : i32
        %shift_left3A_1352 = vector.broadcast %shift_left3A_1351 : i32 to vector<16xi32>
        %shift_left3A_1353 = arith.shli %get3A_1350, %shift_left3A_1352 : vector<16xi32>
        %bitcast3A_1354 = vector.bitcast %shift_left3A_1353 : vector<16xi32> to vector<16xf32>
        %bitcast3A_1355 = vector.bitcast %get3A_1350 : vector<16xi32> to vector<16xf32>
        %mul3A_1356 = vector.broadcast %squeeze3A_1343 : f32 to vector<16xf32>
        %mul3A_1357 = arith.mulf %mul3A_1356, %bitcast3A_1354 : vector<16xf32>
        %add3A_1358 = arith.addf %add3A_1297, %mul3A_1357 : vector<16xf32>
        %mul3A_1359 = vector.broadcast %squeeze3A_1343 : f32 to vector<16xf32>
        %mul3A_1360 = arith.mulf %mul3A_1359, %bitcast3A_1355 : vector<16xf32>
        %add3A_1361 = arith.addf %add3A_1300, %mul3A_1360 : vector<16xf32>
        %slice3A_1362 = vector.extract_strided_slice %bitcast3A_1314 {offsets = [2], sizes = [1], strides = [1]} : vector<16xf32> to vector<1xf32>
        %squeeze3A_1363 = vector.extract %slice3A_1362[0] : f32 from vector<1xf32>
        %add3A_1364 = arith.constant 2 : i32
        %add3A_1365 = arith.addi %add3A_1321, %add3A_1364 : i32
        %get3A_1366 = arith.constant 0 : i32
        %get3A_1367 = arith.index_cast %get3A_1366 : i32 to index
        %get3A_1368 = arith.index_cast %add3A_1365 : i32 to index
        %get3A_1369 = arith.constant 0 : index
        %get3A_1370 = tpu.vector_load %arg6[%get3A_1367, %get3A_1368, %get3A_1369] {strides = array<i32>} : memref<2x2560x16xi32, #tpu.memory_space<vmem>>, vector<16xi32>,
        %shift_left3A_1371 = arith.constant 16 : i32
        %shift_left3A_1372 = vector.broadcast %shift_left3A_1371 : i32 to vector<16xi32>
        %shift_left3A_1373 = arith.shli %get3A_1370, %shift_left3A_1372 : vector<16xi32>
        %bitcast3A_1374 = vector.bitcast %shift_left3A_1373 : vector<16xi32> to vector<16xf32>
        %bitcast3A_1375 = vector.bitcast %get3A_1370 : vector<16xi32> to vector<16xf32>
        %mul3A_1376 = vector.broadcast %squeeze3A_1363 : f32 to vector<16xf32>
        %mul3A_1377 = arith.mulf %mul3A_1376, %bitcast3A_1374 : vector<16xf32>
        %add3A_1378 = arith.addf %add3A_1338, %mul3A_1377 : vector<16xf32>
        %mul3A_1379 = vector.broadcast %squeeze3A_1363 : f32 to vector<16xf32>
        %mul3A_1380 = arith.mulf %mul3A_1379, %bitcast3A_1375 : vector<16xf32>
        %add3A_1381 = arith.addf %add3A_1341, %mul3A_1380 : vector<16xf32>
        %slice3A_1382 = vector.extract_strided_slice %bitcast3A_1314 {offsets = [3], sizes = [1], strides = [1]} : vector<16xf32> to vector<1xf32>
        %squeeze3A_1383 = vector.extract %slice3A_1382[0] : f32 from vector<1xf32>
        %add3A_1384 = arith.constant 3 : i32
        %add3A_1385 = arith.addi %add3A_1321, %add3A_1384 : i32
        %get3A_1386 = arith.constant 0 : i32
        %get3A_1387 = arith.index_cast %get3A_1386 : i32 to index
        %get3A_1388 = arith.index_cast %add3A_1385 : i32 to index
        %get3A_1389 = arith.constant 0 : index
        %get3A_1390 = tpu.vector_load %arg6[%get3A_1387, %get3A_1388, %get3A_1389] {strides = array<i32>} : memref<2x2560x16xi32, #tpu.memory_space<vmem>>, vector<16xi32>,
        %shift_left3A_1391 = arith.constant 16 : i32
        %shift_left3A_1392 = vector.broadcast %shift_left3A_1391 : i32 to vector<16xi32>
        %shift_left3A_1393 = arith.shli %get3A_1390, %shift_left3A_1392 : vector<16xi32>
        %bitcast3A_1394 = vector.bitcast %shift_left3A_1393 : vector<16xi32> to vector<16xf32>
        %bitcast3A_1395 = vector.bitcast %get3A_1390 : vector<16xi32> to vector<16xf32>
        %mul3A_1396 = vector.broadcast %squeeze3A_1383 : f32 to vector<16xf32>
        %mul3A_1397 = arith.mulf %mul3A_1396, %bitcast3A_1394 : vector<16xf32>
        %add3A_1398 = arith.addf %add3A_1358, %mul3A_1397 : vector<16xf32>
        %mul3A_1399 = vector.broadcast %squeeze3A_1383 : f32 to vector<16xf32>
        %mul3A_1400 = arith.mulf %mul3A_1399, %bitcast3A_1395 : vector<16xf32>
        %add3A_1401 = arith.addf %add3A_1361, %mul3A_1400 : vector<16xf32>
        %slice3A_1402 = vector.extract_strided_slice %bitcast3A_1314 {offsets = [4], sizes = [1], strides = [1]} : vector<16xf32> to vector<1xf32>
        %squeeze3A_1403 = vector.extract %slice3A_1402[0] : f32 from vector<1xf32>
        %add3A_1404 = arith.constant 4 : i32
        %add3A_1405 = arith.addi %add3A_1321, %add3A_1404 : i32
        %get3A_1406 = arith.constant 0 : i32
        %get3A_1407 = arith.index_cast %get3A_1406 : i32 to index
        %get3A_1408 = arith.index_cast %add3A_1405 : i32 to index
        %get3A_1409 = arith.constant 0 : index
        %get3A_1410 = tpu.vector_load %arg6[%get3A_1407, %get3A_1408, %get3A_1409] {strides = array<i32>} : memref<2x2560x16xi32, #tpu.memory_space<vmem>>, vector<16xi32>,
        %shift_left3A_1411 = arith.constant 16 : i32
        %shift_left3A_1412 = vector.broadcast %shift_left3A_1411 : i32 to vector<16xi32>
        %shift_left3A_1413 = arith.shli %get3A_1410, %shift_left3A_1412 : vector<16xi32>
        %bitcast3A_1414 = vector.bitcast %shift_left3A_1413 : vector<16xi32> to vector<16xf32>
        %bitcast3A_1415 = vector.bitcast %get3A_1410 : vector<16xi32> to vector<16xf32>
        %mul3A_1416 = vector.broadcast %squeeze3A_1403 : f32 to vector<16xf32>
        %mul3A_1417 = arith.mulf %mul3A_1416, %bitcast3A_1414 : vector<16xf32>
        %add3A_1418 = arith.addf %add3A_1378, %mul3A_1417 : vector<16xf32>
        %mul3A_1419 = vector.broadcast %squeeze3A_1403 : f32 to vector<16xf32>
        %mul3A_1420 = arith.mulf %mul3A_1419, %bitcast3A_1415 : vector<16xf32>
        %add3A_1421 = arith.addf %add3A_1381, %mul3A_1420 : vector<16xf32>
        %slice3A_1422 = vector.extract_strided_slice %bitcast3A_1314 {offsets = [5], sizes = [1], strides = [1]} : vector<16xf32> to vector<1xf32>
        %squeeze3A_1423 = vector.extract %slice3A_1422[0] : f32 from vector<1xf32>
        %add3A_1424 = arith.constant 5 : i32
        %add3A_1425 = arith.addi %add3A_1321, %add3A_1424 : i32
        %get3A_1426 = arith.constant 0 : i32
        %get3A_1427 = arith.index_cast %get3A_1426 : i32 to index
        %get3A_1428 = arith.index_cast %add3A_1425 : i32 to index
        %get3A_1429 = arith.constant 0 : index
        %get3A_1430 = tpu.vector_load %arg6[%get3A_1427, %get3A_1428, %get3A_1429] {strides = array<i32>} : memref<2x2560x16xi32, #tpu.memory_space<vmem>>, vector<16xi32>,
        %shift_left3A_1431 = arith.constant 16 : i32
        %shift_left3A_1432 = vector.broadcast %shift_left3A_1431 : i32 to vector<16xi32>
        %shift_left3A_1433 = arith.shli %get3A_1430, %shift_left3A_1432 : vector<16xi32>
        %bitcast3A_1434 = vector.bitcast %shift_left3A_1433 : vector<16xi32> to vector<16xf32>
        %bitcast3A_1435 = vector.bitcast %get3A_1430 : vector<16xi32> to vector<16xf32>
        %mul3A_1436 = vector.broadcast %squeeze3A_1423 : f32 to vector<16xf32>
        %mul3A_1437 = arith.mulf %mul3A_1436, %bitcast3A_1434 : vector<16xf32>
        %add3A_1438 = arith.addf %add3A_1398, %mul3A_1437 : vector<16xf32>
        %mul3A_1439 = vector.broadcast %squeeze3A_1423 : f32 to vector<16xf32>
        %mul3A_1440 = arith.mulf %mul3A_1439, %bitcast3A_1435 : vector<16xf32>
        %add3A_1441 = arith.addf %add3A_1401, %mul3A_1440 : vector<16xf32>
        %slice3A_1442 = vector.extract_strided_slice %bitcast3A_1314 {offsets = [6], sizes = [1], strides = [1]} : vector<16xf32> to vector<1xf32>
        %squeeze3A_1443 = vector.extract %slice3A_1442[0] : f32 from vector<1xf32>
        %add3A_1444 = arith.constant 6 : i32
        %add3A_1445 = arith.addi %add3A_1321, %add3A_1444 : i32
        %get3A_1446 = arith.constant 0 : i32
        %get3A_1447 = arith.index_cast %get3A_1446 : i32 to index
        %get3A_1448 = arith.index_cast %add3A_1445 : i32 to index
        %get3A_1449 = arith.constant 0 : index
        %get3A_1450 = tpu.vector_load %arg6[%get3A_1447, %get3A_1448, %get3A_1449] {strides = array<i32>} : memref<2x2560x16xi32, #tpu.memory_space<vmem>>, vector<16xi32>,
        %shift_left3A_1451 = arith.constant 16 : i32
        %shift_left3A_1452 = vector.broadcast %shift_left3A_1451 : i32 to vector<16xi32>
        %shift_left3A_1453 = arith.shli %get3A_1450, %shift_left3A_1452 : vector<16xi32>
        %bitcast3A_1454 = vector.bitcast %shift_left3A_1453 : vector<16xi32> to vector<16xf32>
        %bitcast3A_1455 = vector.bitcast %get3A_1450 : vector<16xi32> to vector<16xf32>
        %mul3A_1456 = vector.broadcast %squeeze3A_1443 : f32 to vector<16xf32>
        %mul3A_1457 = arith.mulf %mul3A_1456, %bitcast3A_1454 : vector<16xf32>
        %add3A_1458 = arith.addf %add3A_1418, %mul3A_1457 : vector<16xf32>
        %mul3A_1459 = vector.broadcast %squeeze3A_1443 : f32 to vector<16xf32>
        %mul3A_1460 = arith.mulf %mul3A_1459, %bitcast3A_1455 : vector<16xf32>
        %add3A_1461 = arith.addf %add3A_1421, %mul3A_1460 : vector<16xf32>
        %slice3A_1462 = vector.extract_strided_slice %bitcast3A_1314 {offsets = [7], sizes = [1], strides = [1]} : vector<16xf32> to vector<1xf32>
        %squeeze3A_1463 = vector.extract %slice3A_1462[0] : f32 from vector<1xf32>
        %add3A_1464 = arith.constant 7 : i32
        %add3A_1465 = arith.addi %add3A_1321, %add3A_1464 : i32
        %get3A_1466 = arith.constant 0 : i32
        %get3A_1467 = arith.index_cast %get3A_1466 : i32 to index
        %get3A_1468 = arith.index_cast %add3A_1465 : i32 to index
        %get3A_1469 = arith.constant 0 : index
        %get3A_1470 = tpu.vector_load %arg6[%get3A_1467, %get3A_1468, %get3A_1469] {strides = array<i32>} : memref<2x2560x16xi32, #tpu.memory_space<vmem>>, vector<16xi32>,
        %shift_left3A_1471 = arith.constant 16 : i32
        %shift_left3A_1472 = vector.broadcast %shift_left3A_1471 : i32 to vector<16xi32>
        %shift_left3A_1473 = arith.shli %get3A_1470, %shift_left3A_1472 : vector<16xi32>
        %bitcast3A_1474 = vector.bitcast %shift_left3A_1473 : vector<16xi32> to vector<16xf32>
        %bitcast3A_1475 = vector.bitcast %get3A_1470 : vector<16xi32> to vector<16xf32>
        %mul3A_1476 = vector.broadcast %squeeze3A_1463 : f32 to vector<16xf32>
        %mul3A_1477 = arith.mulf %mul3A_1476, %bitcast3A_1474 : vector<16xf32>
        %add3A_1478 = arith.addf %add3A_1438, %mul3A_1477 : vector<16xf32>
        %mul3A_1479 = vector.broadcast %squeeze3A_1463 : f32 to vector<16xf32>
        %mul3A_1480 = arith.mulf %mul3A_1479, %bitcast3A_1475 : vector<16xf32>
        %add3A_1481 = arith.addf %add3A_1441, %mul3A_1480 : vector<16xf32>
        %slice3A_1482 = vector.extract_strided_slice %bitcast3A_1314 {offsets = [8], sizes = [1], strides = [1]} : vector<16xf32> to vector<1xf32>
        %squeeze3A_1483 = vector.extract %slice3A_1482[0] : f32 from vector<1xf32>
        %add3A_1484 = arith.constant 8 : i32
        %add3A_1485 = arith.addi %add3A_1321, %add3A_1484 : i32
        %get3A_1486 = arith.constant 0 : i32
        %get3A_1487 = arith.index_cast %get3A_1486 : i32 to index
        %get3A_1488 = arith.index_cast %add3A_1485 : i32 to index
        %get3A_1489 = arith.constant 0 : index
        %get3A_1490 = tpu.vector_load %arg6[%get3A_1487, %get3A_1488, %get3A_1489] {strides = array<i32>} : memref<2x2560x16xi32, #tpu.memory_space<vmem>>, vector<16xi32>,
        %shift_left3A_1491 = arith.constant 16 : i32
        %shift_left3A_1492 = vector.broadcast %shift_left3A_1491 : i32 to vector<16xi32>
        %shift_left3A_1493 = arith.shli %get3A_1490, %shift_left3A_1492 : vector<16xi32>
        %bitcast3A_1494 = vector.bitcast %shift_left3A_1493 : vector<16xi32> to vector<16xf32>
        %bitcast3A_1495 = vector.bitcast %get3A_1490 : vector<16xi32> to vector<16xf32>
        %mul3A_1496 = vector.broadcast %squeeze3A_1483 : f32 to vector<16xf32>
        %mul3A_1497 = arith.mulf %mul3A_1496, %bitcast3A_1494 : vector<16xf32>
        %add3A_1498 = arith.addf %add3A_1458, %mul3A_1497 : vector<16xf32>
        %mul3A_1499 = vector.broadcast %squeeze3A_1483 : f32 to vector<16xf32>
        %mul3A_1500 = arith.mulf %mul3A_1499, %bitcast3A_1495 : vector<16xf32>
        %add3A_1501 = arith.addf %add3A_1461, %mul3A_1500 : vector<16xf32>
        %slice3A_1502 = vector.extract_strided_slice %bitcast3A_1314 {offsets = [9], sizes = [1], strides = [1]} : vector<16xf32> to vector<1xf32>
        %squeeze3A_1503 = vector.extract %slice3A_1502[0] : f32 from vector<1xf32>
        %add3A_1504 = arith.constant 9 : i32
        %add3A_1505 = arith.addi %add3A_1321, %add3A_1504 : i32
        %get3A_1506 = arith.constant 0 : i32
        %get3A_1507 = arith.index_cast %get3A_1506 : i32 to index
        %get3A_1508 = arith.index_cast %add3A_1505 : i32 to index
        %get3A_1509 = arith.constant 0 : index
        %get3A_1510 = tpu.vector_load %arg6[%get3A_1507, %get3A_1508, %get3A_1509] {strides = array<i32>} : memref<2x2560x16xi32, #tpu.memory_space<vmem>>, vector<16xi32>,
        %shift_left3A_1511 = arith.constant 16 : i32
        %shift_left3A_1512 = vector.broadcast %shift_left3A_1511 : i32 to vector<16xi32>
        %shift_left3A_1513 = arith.shli %get3A_1510, %shift_left3A_1512 : vector<16xi32>
        %bitcast3A_1514 = vector.bitcast %shift_left3A_1513 : vector<16xi32> to vector<16xf32>
        %bitcast3A_1515 = vector.bitcast %get3A_1510 : vector<16xi32> to vector<16xf32>
        %mul3A_1516 = vector.broadcast %squeeze3A_1503 : f32 to vector<16xf32>
        %mul3A_1517 = arith.mulf %mul3A_1516, %bitcast3A_1514 : vector<16xf32>
        %add3A_1518 = arith.addf %add3A_1478, %mul3A_1517 : vector<16xf32>
        %mul3A_1519 = vector.broadcast %squeeze3A_1503 : f32 to vector<16xf32>
        %mul3A_1520 = arith.mulf %mul3A_1519, %bitcast3A_1515 : vector<16xf32>
        %add3A_1521 = arith.addf %add3A_1481, %mul3A_1520 : vector<16xf32>
        %slice3A_1522 = vector.extract_strided_slice %bitcast3A_1314 {offsets = [10], sizes = [1], strides = [1]} : vector<16xf32> to vector<1xf32>
        %squeeze3A_1523 = vector.extract %slice3A_1522[0] : f32 from vector<1xf32>
        %add3A_1524 = arith.constant 10 : i32
        %add3A_1525 = arith.addi %add3A_1321, %add3A_1524 : i32
        %get3A_1526 = arith.constant 0 : i32
        %get3A_1527 = arith.index_cast %get3A_1526 : i32 to index
        %get3A_1528 = arith.index_cast %add3A_1525 : i32 to index
        %get3A_1529 = arith.constant 0 : index
        %get3A_1530 = tpu.vector_load %arg6[%get3A_1527, %get3A_1528, %get3A_1529] {strides = array<i32>} : memref<2x2560x16xi32, #tpu.memory_space<vmem>>, vector<16xi32>,
        %shift_left3A_1531 = arith.constant 16 : i32
        %shift_left3A_1532 = vector.broadcast %shift_left3A_1531 : i32 to vector<16xi32>
        %shift_left3A_1533 = arith.shli %get3A_1530, %shift_left3A_1532 : vector<16xi32>
        %bitcast3A_1534 = vector.bitcast %shift_left3A_1533 : vector<16xi32> to vector<16xf32>
        %bitcast3A_1535 = vector.bitcast %get3A_1530 : vector<16xi32> to vector<16xf32>
        %mul3A_1536 = vector.broadcast %squeeze3A_1523 : f32 to vector<16xf32>
        %mul3A_1537 = arith.mulf %mul3A_1536, %bitcast3A_1534 : vector<16xf32>
        %add3A_1538 = arith.addf %add3A_1498, %mul3A_1537 : vector<16xf32>
        %mul3A_1539 = vector.broadcast %squeeze3A_1523 : f32 to vector<16xf32>
        %mul3A_1540 = arith.mulf %mul3A_1539, %bitcast3A_1535 : vector<16xf32>
        %add3A_1541 = arith.addf %add3A_1501, %mul3A_1540 : vector<16xf32>
        %slice3A_1542 = vector.extract_strided_slice %bitcast3A_1314 {offsets = [11], sizes = [1], strides = [1]} : vector<16xf32> to vector<1xf32>
        %squeeze3A_1543 = vector.extract %slice3A_1542[0] : f32 from vector<1xf32>
        %add3A_1544 = arith.constant 11 : i32
        %add3A_1545 = arith.addi %add3A_1321, %add3A_1544 : i32
        %get3A_1546 = arith.constant 0 : i32
        %get3A_1547 = arith.index_cast %get3A_1546 : i32 to index
        %get3A_1548 = arith.index_cast %add3A_1545 : i32 to index
        %get3A_1549 = arith.constant 0 : index
        %get3A_1550 = tpu.vector_load %arg6[%get3A_1547, %get3A_1548, %get3A_1549] {strides = array<i32>} : memref<2x2560x16xi32, #tpu.memory_space<vmem>>, vector<16xi32>,
        %shift_left3A_1551 = arith.constant 16 : i32
        %shift_left3A_1552 = vector.broadcast %shift_left3A_1551 : i32 to vector<16xi32>
        %shift_left3A_1553 = arith.shli %get3A_1550, %shift_left3A_1552 : vector<16xi32>
        %bitcast3A_1554 = vector.bitcast %shift_left3A_1553 : vector<16xi32> to vector<16xf32>
        %bitcast3A_1555 = vector.bitcast %get3A_1550 : vector<16xi32> to vector<16xf32>
        %mul3A_1556 = vector.broadcast %squeeze3A_1543 : f32 to vector<16xf32>
        %mul3A_1557 = arith.mulf %mul3A_1556, %bitcast3A_1554 : vector<16xf32>
        %add3A_1558 = arith.addf %add3A_1518, %mul3A_1557 : vector<16xf32>
        %mul3A_1559 = vector.broadcast %squeeze3A_1543 : f32 to vector<16xf32>
        %mul3A_1560 = arith.mulf %mul3A_1559, %bitcast3A_1555 : vector<16xf32>
        %add3A_1561 = arith.addf %add3A_1521, %mul3A_1560 : vector<16xf32>
        %slice3A_1562 = vector.extract_strided_slice %bitcast3A_1314 {offsets = [12], sizes = [1], strides = [1]} : vector<16xf32> to vector<1xf32>
        %squeeze3A_1563 = vector.extract %slice3A_1562[0] : f32 from vector<1xf32>
        %add3A_1564 = arith.constant 12 : i32
        %add3A_1565 = arith.addi %add3A_1321, %add3A_1564 : i32
        %get3A_1566 = arith.constant 0 : i32
        %get3A_1567 = arith.index_cast %get3A_1566 : i32 to index
        %get3A_1568 = arith.index_cast %add3A_1565 : i32 to index
        %get3A_1569 = arith.constant 0 : index
        %get3A_1570 = tpu.vector_load %arg6[%get3A_1567, %get3A_1568, %get3A_1569] {strides = array<i32>} : memref<2x2560x16xi32, #tpu.memory_space<vmem>>, vector<16xi32>,
        %shift_left3A_1571 = arith.constant 16 : i32
        %shift_left3A_1572 = vector.broadcast %shift_left3A_1571 : i32 to vector<16xi32>
        %shift_left3A_1573 = arith.shli %get3A_1570, %shift_left3A_1572 : vector<16xi32>
        %bitcast3A_1574 = vector.bitcast %shift_left3A_1573 : vector<16xi32> to vector<16xf32>
        %bitcast3A_1575 = vector.bitcast %get3A_1570 : vector<16xi32> to vector<16xf32>
        %mul3A_1576 = vector.broadcast %squeeze3A_1563 : f32 to vector<16xf32>
        %mul3A_1577 = arith.mulf %mul3A_1576, %bitcast3A_1574 : vector<16xf32>
        %add3A_1578 = arith.addf %add3A_1538, %mul3A_1577 : vector<16xf32>
        %mul3A_1579 = vector.broadcast %squeeze3A_1563 : f32 to vector<16xf32>
        %mul3A_1580 = arith.mulf %mul3A_1579, %bitcast3A_1575 : vector<16xf32>
        %add3A_1581 = arith.addf %add3A_1541, %mul3A_1580 : vector<16xf32>
        %slice3A_1582 = vector.extract_strided_slice %bitcast3A_1314 {offsets = [13], sizes = [1], strides = [1]} : vector<16xf32> to vector<1xf32>
        %squeeze3A_1583 = vector.extract %slice3A_1582[0] : f32 from vector<1xf32>
        %add3A_1584 = arith.constant 13 : i32
        %add3A_1585 = arith.addi %add3A_1321, %add3A_1584 : i32
        %get3A_1586 = arith.constant 0 : i32
        %get3A_1587 = arith.index_cast %get3A_1586 : i32 to index
        %get3A_1588 = arith.index_cast %add3A_1585 : i32 to index
        %get3A_1589 = arith.constant 0 : index
        %get3A_1590 = tpu.vector_load %arg6[%get3A_1587, %get3A_1588, %get3A_1589] {strides = array<i32>} : memref<2x2560x16xi32, #tpu.memory_space<vmem>>, vector<16xi32>,
        %shift_left3A_1591 = arith.constant 16 : i32
        %shift_left3A_1592 = vector.broadcast %shift_left3A_1591 : i32 to vector<16xi32>
        %shift_left3A_1593 = arith.shli %get3A_1590, %shift_left3A_1592 : vector<16xi32>
        %bitcast3A_1594 = vector.bitcast %shift_left3A_1593 : vector<16xi32> to vector<16xf32>
        %bitcast3A_1595 = vector.bitcast %get3A_1590 : vector<16xi32> to vector<16xf32>
        %mul3A_1596 = vector.broadcast %squeeze3A_1583 : f32 to vector<16xf32>
        %mul3A_1597 = arith.mulf %mul3A_1596, %bitcast3A_1594 : vector<16xf32>
        %add3A_1598 = arith.addf %add3A_1558, %mul3A_1597 : vector<16xf32>
        %mul3A_1599 = vector.broadcast %squeeze3A_1583 : f32 to vector<16xf32>
        %mul3A_1600 = arith.mulf %mul3A_1599, %bitcast3A_1595 : vector<16xf32>
        %add3A_1601 = arith.addf %add3A_1561, %mul3A_1600 : vector<16xf32>
        %slice3A_1602 = vector.extract_strided_slice %bitcast3A_1314 {offsets = [14], sizes = [1], strides = [1]} : vector<16xf32> to vector<1xf32>
        %squeeze3A_1603 = vector.extract %slice3A_1602[0] : f32 from vector<1xf32>
        %add3A_1604 = arith.constant 14 : i32
        %add3A_1605 = arith.addi %add3A_1321, %add3A_1604 : i32
        %get3A_1606 = arith.constant 0 : i32
        %get3A_1607 = arith.index_cast %get3A_1606 : i32 to index
        %get3A_1608 = arith.index_cast %add3A_1605 : i32 to index
        %get3A_1609 = arith.constant 0 : index
        %get3A_1610 = tpu.vector_load %arg6[%get3A_1607, %get3A_1608, %get3A_1609] {strides = array<i32>} : memref<2x2560x16xi32, #tpu.memory_space<vmem>>, vector<16xi32>,
        %shift_left3A_1611 = arith.constant 16 : i32
        %shift_left3A_1612 = vector.broadcast %shift_left3A_1611 : i32 to vector<16xi32>
        %shift_left3A_1613 = arith.shli %get3A_1610, %shift_left3A_1612 : vector<16xi32>
        %bitcast3A_1614 = vector.bitcast %shift_left3A_1613 : vector<16xi32> to vector<16xf32>
        %bitcast3A_1615 = vector.bitcast %get3A_1610 : vector<16xi32> to vector<16xf32>
        %mul3A_1616 = vector.broadcast %squeeze3A_1603 : f32 to vector<16xf32>
        %mul3A_1617 = arith.mulf %mul3A_1616, %bitcast3A_1614 : vector<16xf32>
        %add3A_1618 = arith.addf %add3A_1578, %mul3A_1617 : vector<16xf32>
        %mul3A_1619 = vector.broadcast %squeeze3A_1603 : f32 to vector<16xf32>
        %mul3A_1620 = arith.mulf %mul3A_1619, %bitcast3A_1615 : vector<16xf32>
        %add3A_1621 = arith.addf %add3A_1581, %mul3A_1620 : vector<16xf32>
        %slice3A_1622 = vector.extract_strided_slice %bitcast3A_1314 {offsets = [15], sizes = [1], strides = [1]} : vector<16xf32> to vector<1xf32>
        %squeeze3A_1623 = vector.extract %slice3A_1622[0] : f32 from vector<1xf32>
        %add3A_1624 = arith.constant 15 : i32
        %add3A_1625 = arith.addi %add3A_1321, %add3A_1624 : i32
        %get3A_1626 = arith.constant 0 : i32
        %get3A_1627 = arith.index_cast %get3A_1626 : i32 to index
        %get3A_1628 = arith.index_cast %add3A_1625 : i32 to index
        %get3A_1629 = arith.constant 0 : index
        %get3A_1630 = tpu.vector_load %arg6[%get3A_1627, %get3A_1628, %get3A_1629] {strides = array<i32>} : memref<2x2560x16xi32, #tpu.memory_space<vmem>>, vector<16xi32>,
        %shift_left3A_1631 = arith.constant 16 : i32
        %shift_left3A_1632 = vector.broadcast %shift_left3A_1631 : i32 to vector<16xi32>
        %shift_left3A_1633 = arith.shli %get3A_1630, %shift_left3A_1632 : vector<16xi32>
        %bitcast3A_1634 = vector.bitcast %shift_left3A_1633 : vector<16xi32> to vector<16xf32>
        %bitcast3A_1635 = vector.bitcast %get3A_1630 : vector<16xi32> to vector<16xf32>
        %mul3A_1636 = vector.broadcast %squeeze3A_1623 : f32 to vector<16xf32>
        %mul3A_1637 = arith.mulf %mul3A_1636, %bitcast3A_1634 : vector<16xf32>
        %add3A_1638 = arith.addf %add3A_1598, %mul3A_1637 : vector<16xf32>
        %mul3A_1639 = vector.broadcast %squeeze3A_1623 : f32 to vector<16xf32>
        %mul3A_1640 = arith.mulf %mul3A_1639, %bitcast3A_1635 : vector<16xf32>
        %add3A_1641 = arith.addf %add3A_1601, %mul3A_1640 : vector<16xf32>
        %mul3A_1642 = arith.constant 16 : i32
        %mul3A_1643 = arith.muli %and3A_957, %mul3A_1642 : i32
        %mul3A_1644 = arith.constant 8 : i32
        %mul3A_1645 = arith.muli %shift_right_arithmetic3A_956, %mul3A_1644 : i32
        %add3A_1646 = arith.constant 4 : i32
        %add3A_1647 = arith.addi %mul3A_1645, %add3A_1646 : i32
        %add3A_1648 = arith.constant 2 : i32
        %add3A_1649 = arith.addi %add3A_1647, %add3A_1648 : i32
        %get3A_1650 = arith.constant 0 : i32
        %get3A_1651 = arith.index_cast %get3A_1650 : i32 to index
        %get3A_1652 = arith.index_cast %add3A_1649 : i32 to index
        %get3A_1653 = arith.index_cast %mul3A_1643 : i32 to index
        %get3A_1654 = tpu.vector_load %arg5[%get3A_1651, %get3A_1652, %get3A_1653] {strides = array<i32>} : memref<2x40x128xi32, #tpu.memory_space<vmem>>, vector<16xi32>,
        %bitcast3A_1655 = vector.bitcast %get3A_1654 : vector<16xi32> to vector<16xf32>
        %mul3A_1656 = arith.constant 4 : i32
        %mul3A_1657 = arith.muli %shift_right_arithmetic3A_956, %mul3A_1656 : i32
        %add3A_1658 = arith.constant 2 : i32
        %add3A_1659 = arith.addi %mul3A_1657, %add3A_1658 : i32
        %mul3A_1660 = arith.constant 128 : i32
        %mul3A_1661 = arith.muli %add3A_1659, %mul3A_1660 : i32
        %add3A_1662 = arith.addi %mul3A_1661, %mul3A_1643 : i32
        %slice3A_1663 = vector.extract_strided_slice %bitcast3A_1655 {offsets = [0], sizes = [1], strides = [1]} : vector<16xf32> to vector<1xf32>
        %squeeze3A_1664 = vector.extract %slice3A_1663[0] : f32 from vector<1xf32>
        %add3A_1665 = arith.constant 0 : i32
        %add3A_1666 = arith.addi %add3A_1662, %add3A_1665 : i32
        %get3A_1667 = arith.constant 0 : i32
        %get3A_1668 = arith.index_cast %get3A_1667 : i32 to index
        %get3A_1669 = arith.index_cast %add3A_1666 : i32 to index
        %get3A_1670 = arith.constant 0 : index
        %get3A_1671 = tpu.vector_load %arg6[%get3A_1668, %get3A_1669, %get3A_1670] {strides = array<i32>} : memref<2x2560x16xi32, #tpu.memory_space<vmem>>, vector<16xi32>,
        %shift_left3A_1672 = arith.constant 16 : i32
        %shift_left3A_1673 = vector.broadcast %shift_left3A_1672 : i32 to vector<16xi32>
        %shift_left3A_1674 = arith.shli %get3A_1671, %shift_left3A_1673 : vector<16xi32>
        %bitcast3A_1675 = vector.bitcast %shift_left3A_1674 : vector<16xi32> to vector<16xf32>
        %bitcast3A_1676 = vector.bitcast %get3A_1671 : vector<16xi32> to vector<16xf32>
        %mul3A_1677 = vector.broadcast %squeeze3A_1664 : f32 to vector<16xf32>
        %mul3A_1678 = arith.mulf %mul3A_1677, %bitcast3A_1675 : vector<16xf32>
        %add3A_1679 = arith.addf %add3A_1618, %mul3A_1678 : vector<16xf32>
        %mul3A_1680 = vector.broadcast %squeeze3A_1664 : f32 to vector<16xf32>
        %mul3A_1681 = arith.mulf %mul3A_1680, %bitcast3A_1676 : vector<16xf32>
        %add3A_1682 = arith.addf %add3A_1621, %mul3A_1681 : vector<16xf32>
        %slice3A_1683 = vector.extract_strided_slice %bitcast3A_1655 {offsets = [1], sizes = [1], strides = [1]} : vector<16xf32> to vector<1xf32>
        %squeeze3A_1684 = vector.extract %slice3A_1683[0] : f32 from vector<1xf32>
        %add3A_1685 = arith.constant 1 : i32
        %add3A_1686 = arith.addi %add3A_1662, %add3A_1685 : i32
        %get3A_1687 = arith.constant 0 : i32
        %get3A_1688 = arith.index_cast %get3A_1687 : i32 to index
        %get3A_1689 = arith.index_cast %add3A_1686 : i32 to index
        %get3A_1690 = arith.constant 0 : index
        %get3A_1691 = tpu.vector_load %arg6[%get3A_1688, %get3A_1689, %get3A_1690] {strides = array<i32>} : memref<2x2560x16xi32, #tpu.memory_space<vmem>>, vector<16xi32>,
        %shift_left3A_1692 = arith.constant 16 : i32
        %shift_left3A_1693 = vector.broadcast %shift_left3A_1692 : i32 to vector<16xi32>
        %shift_left3A_1694 = arith.shli %get3A_1691, %shift_left3A_1693 : vector<16xi32>
        %bitcast3A_1695 = vector.bitcast %shift_left3A_1694 : vector<16xi32> to vector<16xf32>
        %bitcast3A_1696 = vector.bitcast %get3A_1691 : vector<16xi32> to vector<16xf32>
        %mul3A_1697 = vector.broadcast %squeeze3A_1684 : f32 to vector<16xf32>
        %mul3A_1698 = arith.mulf %mul3A_1697, %bitcast3A_1695 : vector<16xf32>
        %add3A_1699 = arith.addf %add3A_1638, %mul3A_1698 : vector<16xf32>
        %mul3A_1700 = vector.broadcast %squeeze3A_1684 : f32 to vector<16xf32>
        %mul3A_1701 = arith.mulf %mul3A_1700, %bitcast3A_1696 : vector<16xf32>
        %add3A_1702 = arith.addf %add3A_1641, %mul3A_1701 : vector<16xf32>
        %slice3A_1703 = vector.extract_strided_slice %bitcast3A_1655 {offsets = [2], sizes = [1], strides = [1]} : vector<16xf32> to vector<1xf32>
        %squeeze3A_1704 = vector.extract %slice3A_1703[0] : f32 from vector<1xf32>
        %add3A_1705 = arith.constant 2 : i32
        %add3A_1706 = arith.addi %add3A_1662, %add3A_1705 : i32
        %get3A_1707 = arith.constant 0 : i32
        %get3A_1708 = arith.index_cast %get3A_1707 : i32 to index
        %get3A_1709 = arith.index_cast %add3A_1706 : i32 to index
        %get3A_1710 = arith.constant 0 : index
        %get3A_1711 = tpu.vector_load %arg6[%get3A_1708, %get3A_1709, %get3A_1710] {strides = array<i32>} : memref<2x2560x16xi32, #tpu.memory_space<vmem>>, vector<16xi32>,
        %shift_left3A_1712 = arith.constant 16 : i32
        %shift_left3A_1713 = vector.broadcast %shift_left3A_1712 : i32 to vector<16xi32>
        %shift_left3A_1714 = arith.shli %get3A_1711, %shift_left3A_1713 : vector<16xi32>
        %bitcast3A_1715 = vector.bitcast %shift_left3A_1714 : vector<16xi32> to vector<16xf32>
        %bitcast3A_1716 = vector.bitcast %get3A_1711 : vector<16xi32> to vector<16xf32>
        %mul3A_1717 = vector.broadcast %squeeze3A_1704 : f32 to vector<16xf32>
        %mul3A_1718 = arith.mulf %mul3A_1717, %bitcast3A_1715 : vector<16xf32>
        %add3A_1719 = arith.addf %add3A_1679, %mul3A_1718 : vector<16xf32>
        %mul3A_1720 = vector.broadcast %squeeze3A_1704 : f32 to vector<16xf32>
        %mul3A_1721 = arith.mulf %mul3A_1720, %bitcast3A_1716 : vector<16xf32>
        %add3A_1722 = arith.addf %add3A_1682, %mul3A_1721 : vector<16xf32>
        %slice3A_1723 = vector.extract_strided_slice %bitcast3A_1655 {offsets = [3], sizes = [1], strides = [1]} : vector<16xf32> to vector<1xf32>
        %squeeze3A_1724 = vector.extract %slice3A_1723[0] : f32 from vector<1xf32>
        %add3A_1725 = arith.constant 3 : i32
        %add3A_1726 = arith.addi %add3A_1662, %add3A_1725 : i32
        %get3A_1727 = arith.constant 0 : i32
        %get3A_1728 = arith.index_cast %get3A_1727 : i32 to index
        %get3A_1729 = arith.index_cast %add3A_1726 : i32 to index
        %get3A_1730 = arith.constant 0 : index
        %get3A_1731 = tpu.vector_load %arg6[%get3A_1728, %get3A_1729, %get3A_1730] {strides = array<i32>} : memref<2x2560x16xi32, #tpu.memory_space<vmem>>, vector<16xi32>,
        %shift_left3A_1732 = arith.constant 16 : i32
        %shift_left3A_1733 = vector.broadcast %shift_left3A_1732 : i32 to vector<16xi32>
        %shift_left3A_1734 = arith.shli %get3A_1731, %shift_left3A_1733 : vector<16xi32>
        %bitcast3A_1735 = vector.bitcast %shift_left3A_1734 : vector<16xi32> to vector<16xf32>
        %bitcast3A_1736 = vector.bitcast %get3A_1731 : vector<16xi32> to vector<16xf32>
        %mul3A_1737 = vector.broadcast %squeeze3A_1724 : f32 to vector<16xf32>
        %mul3A_1738 = arith.mulf %mul3A_1737, %bitcast3A_1735 : vector<16xf32>
        %add3A_1739 = arith.addf %add3A_1699, %mul3A_1738 : vector<16xf32>
        %mul3A_1740 = vector.broadcast %squeeze3A_1724 : f32 to vector<16xf32>
        %mul3A_1741 = arith.mulf %mul3A_1740, %bitcast3A_1736 : vector<16xf32>
        %add3A_1742 = arith.addf %add3A_1702, %mul3A_1741 : vector<16xf32>
        %slice3A_1743 = vector.extract_strided_slice %bitcast3A_1655 {offsets = [4], sizes = [1], strides = [1]} : vector<16xf32> to vector<1xf32>
        %squeeze3A_1744 = vector.extract %slice3A_1743[0] : f32 from vector<1xf32>
        %add3A_1745 = arith.constant 4 : i32
        %add3A_1746 = arith.addi %add3A_1662, %add3A_1745 : i32
        %get3A_1747 = arith.constant 0 : i32
        %get3A_1748 = arith.index_cast %get3A_1747 : i32 to index
        %get3A_1749 = arith.index_cast %add3A_1746 : i32 to index
        %get3A_1750 = arith.constant 0 : index
        %get3A_1751 = tpu.vector_load %arg6[%get3A_1748, %get3A_1749, %get3A_1750] {strides = array<i32>} : memref<2x2560x16xi32, #tpu.memory_space<vmem>>, vector<16xi32>,
        %shift_left3A_1752 = arith.constant 16 : i32
        %shift_left3A_1753 = vector.broadcast %shift_left3A_1752 : i32 to vector<16xi32>
        %shift_left3A_1754 = arith.shli %get3A_1751, %shift_left3A_1753 : vector<16xi32>
        %bitcast3A_1755 = vector.bitcast %shift_left3A_1754 : vector<16xi32> to vector<16xf32>
        %bitcast3A_1756 = vector.bitcast %get3A_1751 : vector<16xi32> to vector<16xf32>
        %mul3A_1757 = vector.broadcast %squeeze3A_1744 : f32 to vector<16xf32>
        %mul3A_1758 = arith.mulf %mul3A_1757, %bitcast3A_1755 : vector<16xf32>
        %add3A_1759 = arith.addf %add3A_1719, %mul3A_1758 : vector<16xf32>
        %mul3A_1760 = vector.broadcast %squeeze3A_1744 : f32 to vector<16xf32>
        %mul3A_1761 = arith.mulf %mul3A_1760, %bitcast3A_1756 : vector<16xf32>
        %add3A_1762 = arith.addf %add3A_1722, %mul3A_1761 : vector<16xf32>
        %slice3A_1763 = vector.extract_strided_slice %bitcast3A_1655 {offsets = [5], sizes = [1], strides = [1]} : vector<16xf32> to vector<1xf32>
        %squeeze3A_1764 = vector.extract %slice3A_1763[0] : f32 from vector<1xf32>
        %add3A_1765 = arith.constant 5 : i32
        %add3A_1766 = arith.addi %add3A_1662, %add3A_1765 : i32
        %get3A_1767 = arith.constant 0 : i32
        %get3A_1768 = arith.index_cast %get3A_1767 : i32 to index
        %get3A_1769 = arith.index_cast %add3A_1766 : i32 to index
        %get3A_1770 = arith.constant 0 : index
        %get3A_1771 = tpu.vector_load %arg6[%get3A_1768, %get3A_1769, %get3A_1770] {strides = array<i32>} : memref<2x2560x16xi32, #tpu.memory_space<vmem>>, vector<16xi32>,
        %shift_left3A_1772 = arith.constant 16 : i32
        %shift_left3A_1773 = vector.broadcast %shift_left3A_1772 : i32 to vector<16xi32>
        %shift_left3A_1774 = arith.shli %get3A_1771, %shift_left3A_1773 : vector<16xi32>
        %bitcast3A_1775 = vector.bitcast %shift_left3A_1774 : vector<16xi32> to vector<16xf32>
        %bitcast3A_1776 = vector.bitcast %get3A_1771 : vector<16xi32> to vector<16xf32>
        %mul3A_1777 = vector.broadcast %squeeze3A_1764 : f32 to vector<16xf32>
        %mul3A_1778 = arith.mulf %mul3A_1777, %bitcast3A_1775 : vector<16xf32>
        %add3A_1779 = arith.addf %add3A_1739, %mul3A_1778 : vector<16xf32>
        %mul3A_1780 = vector.broadcast %squeeze3A_1764 : f32 to vector<16xf32>
        %mul3A_1781 = arith.mulf %mul3A_1780, %bitcast3A_1776 : vector<16xf32>
        %add3A_1782 = arith.addf %add3A_1742, %mul3A_1781 : vector<16xf32>
        %slice3A_1783 = vector.extract_strided_slice %bitcast3A_1655 {offsets = [6], sizes = [1], strides = [1]} : vector<16xf32> to vector<1xf32>
        %squeeze3A_1784 = vector.extract %slice3A_1783[0] : f32 from vector<1xf32>
        %add3A_1785 = arith.constant 6 : i32
        %add3A_1786 = arith.addi %add3A_1662, %add3A_1785 : i32
        %get3A_1787 = arith.constant 0 : i32
        %get3A_1788 = arith.index_cast %get3A_1787 : i32 to index
        %get3A_1789 = arith.index_cast %add3A_1786 : i32 to index
        %get3A_1790 = arith.constant 0 : index
        %get3A_1791 = tpu.vector_load %arg6[%get3A_1788, %get3A_1789, %get3A_1790] {strides = array<i32>} : memref<2x2560x16xi32, #tpu.memory_space<vmem>>, vector<16xi32>,
        %shift_left3A_1792 = arith.constant 16 : i32
        %shift_left3A_1793 = vector.broadcast %shift_left3A_1792 : i32 to vector<16xi32>
        %shift_left3A_1794 = arith.shli %get3A_1791, %shift_left3A_1793 : vector<16xi32>
        %bitcast3A_1795 = vector.bitcast %shift_left3A_1794 : vector<16xi32> to vector<16xf32>
        %bitcast3A_1796 = vector.bitcast %get3A_1791 : vector<16xi32> to vector<16xf32>
        %mul3A_1797 = vector.broadcast %squeeze3A_1784 : f32 to vector<16xf32>
        %mul3A_1798 = arith.mulf %mul3A_1797, %bitcast3A_1795 : vector<16xf32>
        %add3A_1799 = arith.addf %add3A_1759, %mul3A_1798 : vector<16xf32>
        %mul3A_1800 = vector.broadcast %squeeze3A_1784 : f32 to vector<16xf32>
        %mul3A_1801 = arith.mulf %mul3A_1800, %bitcast3A_1796 : vector<16xf32>
        %add3A_1802 = arith.addf %add3A_1762, %mul3A_1801 : vector<16xf32>
        %slice3A_1803 = vector.extract_strided_slice %bitcast3A_1655 {offsets = [7], sizes = [1], strides = [1]} : vector<16xf32> to vector<1xf32>
        %squeeze3A_1804 = vector.extract %slice3A_1803[0] : f32 from vector<1xf32>
        %add3A_1805 = arith.constant 7 : i32
        %add3A_1806 = arith.addi %add3A_1662, %add3A_1805 : i32
        %get3A_1807 = arith.constant 0 : i32
        %get3A_1808 = arith.index_cast %get3A_1807 : i32 to index
        %get3A_1809 = arith.index_cast %add3A_1806 : i32 to index
        %get3A_1810 = arith.constant 0 : index
        %get3A_1811 = tpu.vector_load %arg6[%get3A_1808, %get3A_1809, %get3A_1810] {strides = array<i32>} : memref<2x2560x16xi32, #tpu.memory_space<vmem>>, vector<16xi32>,
        %shift_left3A_1812 = arith.constant 16 : i32
        %shift_left3A_1813 = vector.broadcast %shift_left3A_1812 : i32 to vector<16xi32>
        %shift_left3A_1814 = arith.shli %get3A_1811, %shift_left3A_1813 : vector<16xi32>
        %bitcast3A_1815 = vector.bitcast %shift_left3A_1814 : vector<16xi32> to vector<16xf32>
        %bitcast3A_1816 = vector.bitcast %get3A_1811 : vector<16xi32> to vector<16xf32>
        %mul3A_1817 = vector.broadcast %squeeze3A_1804 : f32 to vector<16xf32>
        %mul3A_1818 = arith.mulf %mul3A_1817, %bitcast3A_1815 : vector<16xf32>
        %add3A_1819 = arith.addf %add3A_1779, %mul3A_1818 : vector<16xf32>
        %mul3A_1820 = vector.broadcast %squeeze3A_1804 : f32 to vector<16xf32>
        %mul3A_1821 = arith.mulf %mul3A_1820, %bitcast3A_1816 : vector<16xf32>
        %add3A_1822 = arith.addf %add3A_1782, %mul3A_1821 : vector<16xf32>
        %slice3A_1823 = vector.extract_strided_slice %bitcast3A_1655 {offsets = [8], sizes = [1], strides = [1]} : vector<16xf32> to vector<1xf32>
        %squeeze3A_1824 = vector.extract %slice3A_1823[0] : f32 from vector<1xf32>
        %add3A_1825 = arith.constant 8 : i32
        %add3A_1826 = arith.addi %add3A_1662, %add3A_1825 : i32
        %get3A_1827 = arith.constant 0 : i32
        %get3A_1828 = arith.index_cast %get3A_1827 : i32 to index
        %get3A_1829 = arith.index_cast %add3A_1826 : i32 to index
        %get3A_1830 = arith.constant 0 : index
        %get3A_1831 = tpu.vector_load %arg6[%get3A_1828, %get3A_1829, %get3A_1830] {strides = array<i32>} : memref<2x2560x16xi32, #tpu.memory_space<vmem>>, vector<16xi32>,
        %shift_left3A_1832 = arith.constant 16 : i32
        %shift_left3A_1833 = vector.broadcast %shift_left3A_1832 : i32 to vector<16xi32>
        %shift_left3A_1834 = arith.shli %get3A_1831, %shift_left3A_1833 : vector<16xi32>
        %bitcast3A_1835 = vector.bitcast %shift_left3A_1834 : vector<16xi32> to vector<16xf32>
        %bitcast3A_1836 = vector.bitcast %get3A_1831 : vector<16xi32> to vector<16xf32>
        %mul3A_1837 = vector.broadcast %squeeze3A_1824 : f32 to vector<16xf32>
        %mul3A_1838 = arith.mulf %mul3A_1837, %bitcast3A_1835 : vector<16xf32>
        %add3A_1839 = arith.addf %add3A_1799, %mul3A_1838 : vector<16xf32>
        %mul3A_1840 = vector.broadcast %squeeze3A_1824 : f32 to vector<16xf32>
        %mul3A_1841 = arith.mulf %mul3A_1840, %bitcast3A_1836 : vector<16xf32>
        %add3A_1842 = arith.addf %add3A_1802, %mul3A_1841 : vector<16xf32>
        %slice3A_1843 = vector.extract_strided_slice %bitcast3A_1655 {offsets = [9], sizes = [1], strides = [1]} : vector<16xf32> to vector<1xf32>
        %squeeze3A_1844 = vector.extract %slice3A_1843[0] : f32 from vector<1xf32>
        %add3A_1845 = arith.constant 9 : i32
        %add3A_1846 = arith.addi %add3A_1662, %add3A_1845 : i32
        %get3A_1847 = arith.constant 0 : i32
        %get3A_1848 = arith.index_cast %get3A_1847 : i32 to index
        %get3A_1849 = arith.index_cast %add3A_1846 : i32 to index
        %get3A_1850 = arith.constant 0 : index
        %get3A_1851 = tpu.vector_load %arg6[%get3A_1848, %get3A_1849, %get3A_1850] {strides = array<i32>} : memref<2x2560x16xi32, #tpu.memory_space<vmem>>, vector<16xi32>,
        %shift_left3A_1852 = arith.constant 16 : i32
        %shift_left3A_1853 = vector.broadcast %shift_left3A_1852 : i32 to vector<16xi32>
        %shift_left3A_1854 = arith.shli %get3A_1851, %shift_left3A_1853 : vector<16xi32>
        %bitcast3A_1855 = vector.bitcast %shift_left3A_1854 : vector<16xi32> to vector<16xf32>
        %bitcast3A_1856 = vector.bitcast %get3A_1851 : vector<16xi32> to vector<16xf32>
        %mul3A_1857 = vector.broadcast %squeeze3A_1844 : f32 to vector<16xf32>
        %mul3A_1858 = arith.mulf %mul3A_1857, %bitcast3A_1855 : vector<16xf32>
        %add3A_1859 = arith.addf %add3A_1819, %mul3A_1858 : vector<16xf32>
        %mul3A_1860 = vector.broadcast %squeeze3A_1844 : f32 to vector<16xf32>
        %mul3A_1861 = arith.mulf %mul3A_1860, %bitcast3A_1856 : vector<16xf32>
        %add3A_1862 = arith.addf %add3A_1822, %mul3A_1861 : vector<16xf32>
        %slice3A_1863 = vector.extract_strided_slice %bitcast3A_1655 {offsets = [10], sizes = [1], strides = [1]} : vector<16xf32> to vector<1xf32>
        %squeeze3A_1864 = vector.extract %slice3A_1863[0] : f32 from vector<1xf32>
        %add3A_1865 = arith.constant 10 : i32
        %add3A_1866 = arith.addi %add3A_1662, %add3A_1865 : i32
        %get3A_1867 = arith.constant 0 : i32
        %get3A_1868 = arith.index_cast %get3A_1867 : i32 to index
        %get3A_1869 = arith.index_cast %add3A_1866 : i32 to index
        %get3A_1870 = arith.constant 0 : index
        %get3A_1871 = tpu.vector_load %arg6[%get3A_1868, %get3A_1869, %get3A_1870] {strides = array<i32>} : memref<2x2560x16xi32, #tpu.memory_space<vmem>>, vector<16xi32>,
        %shift_left3A_1872 = arith.constant 16 : i32
        %shift_left3A_1873 = vector.broadcast %shift_left3A_1872 : i32 to vector<16xi32>
        %shift_left3A_1874 = arith.shli %get3A_1871, %shift_left3A_1873 : vector<16xi32>
        %bitcast3A_1875 = vector.bitcast %shift_left3A_1874 : vector<16xi32> to vector<16xf32>
        %bitcast3A_1876 = vector.bitcast %get3A_1871 : vector<16xi32> to vector<16xf32>
        %mul3A_1877 = vector.broadcast %squeeze3A_1864 : f32 to vector<16xf32>
        %mul3A_1878 = arith.mulf %mul3A_1877, %bitcast3A_1875 : vector<16xf32>
        %add3A_1879 = arith.addf %add3A_1839, %mul3A_1878 : vector<16xf32>
        %mul3A_1880 = vector.broadcast %squeeze3A_1864 : f32 to vector<16xf32>
        %mul3A_1881 = arith.mulf %mul3A_1880, %bitcast3A_1876 : vector<16xf32>
        %add3A_1882 = arith.addf %add3A_1842, %mul3A_1881 : vector<16xf32>
        %slice3A_1883 = vector.extract_strided_slice %bitcast3A_1655 {offsets = [11], sizes = [1], strides = [1]} : vector<16xf32> to vector<1xf32>
        %squeeze3A_1884 = vector.extract %slice3A_1883[0] : f32 from vector<1xf32>
        %add3A_1885 = arith.constant 11 : i32
        %add3A_1886 = arith.addi %add3A_1662, %add3A_1885 : i32
        %get3A_1887 = arith.constant 0 : i32
        %get3A_1888 = arith.index_cast %get3A_1887 : i32 to index
        %get3A_1889 = arith.index_cast %add3A_1886 : i32 to index
        %get3A_1890 = arith.constant 0 : index
        %get3A_1891 = tpu.vector_load %arg6[%get3A_1888, %get3A_1889, %get3A_1890] {strides = array<i32>} : memref<2x2560x16xi32, #tpu.memory_space<vmem>>, vector<16xi32>,
        %shift_left3A_1892 = arith.constant 16 : i32
        %shift_left3A_1893 = vector.broadcast %shift_left3A_1892 : i32 to vector<16xi32>
        %shift_left3A_1894 = arith.shli %get3A_1891, %shift_left3A_1893 : vector<16xi32>
        %bitcast3A_1895 = vector.bitcast %shift_left3A_1894 : vector<16xi32> to vector<16xf32>
        %bitcast3A_1896 = vector.bitcast %get3A_1891 : vector<16xi32> to vector<16xf32>
        %mul3A_1897 = vector.broadcast %squeeze3A_1884 : f32 to vector<16xf32>
        %mul3A_1898 = arith.mulf %mul3A_1897, %bitcast3A_1895 : vector<16xf32>
        %add3A_1899 = arith.addf %add3A_1859, %mul3A_1898 : vector<16xf32>
        %mul3A_1900 = vector.broadcast %squeeze3A_1884 : f32 to vector<16xf32>
        %mul3A_1901 = arith.mulf %mul3A_1900, %bitcast3A_1896 : vector<16xf32>
        %add3A_1902 = arith.addf %add3A_1862, %mul3A_1901 : vector<16xf32>
        %slice3A_1903 = vector.extract_strided_slice %bitcast3A_1655 {offsets = [12], sizes = [1], strides = [1]} : vector<16xf32> to vector<1xf32>
        %squeeze3A_1904 = vector.extract %slice3A_1903[0] : f32 from vector<1xf32>
        %add3A_1905 = arith.constant 12 : i32
        %add3A_1906 = arith.addi %add3A_1662, %add3A_1905 : i32
        %get3A_1907 = arith.constant 0 : i32
        %get3A_1908 = arith.index_cast %get3A_1907 : i32 to index
        %get3A_1909 = arith.index_cast %add3A_1906 : i32 to index
        %get3A_1910 = arith.constant 0 : index
        %get3A_1911 = tpu.vector_load %arg6[%get3A_1908, %get3A_1909, %get3A_1910] {strides = array<i32>} : memref<2x2560x16xi32, #tpu.memory_space<vmem>>, vector<16xi32>,
        %shift_left3A_1912 = arith.constant 16 : i32
        %shift_left3A_1913 = vector.broadcast %shift_left3A_1912 : i32 to vector<16xi32>
        %shift_left3A_1914 = arith.shli %get3A_1911, %shift_left3A_1913 : vector<16xi32>
        %bitcast3A_1915 = vector.bitcast %shift_left3A_1914 : vector<16xi32> to vector<16xf32>
        %bitcast3A_1916 = vector.bitcast %get3A_1911 : vector<16xi32> to vector<16xf32>
        %mul3A_1917 = vector.broadcast %squeeze3A_1904 : f32 to vector<16xf32>
        %mul3A_1918 = arith.mulf %mul3A_1917, %bitcast3A_1915 : vector<16xf32>
        %add3A_1919 = arith.addf %add3A_1879, %mul3A_1918 : vector<16xf32>
        %mul3A_1920 = vector.broadcast %squeeze3A_1904 : f32 to vector<16xf32>
        %mul3A_1921 = arith.mulf %mul3A_1920, %bitcast3A_1916 : vector<16xf32>
        %add3A_1922 = arith.addf %add3A_1882, %mul3A_1921 : vector<16xf32>
        %slice3A_1923 = vector.extract_strided_slice %bitcast3A_1655 {offsets = [13], sizes = [1], strides = [1]} : vector<16xf32> to vector<1xf32>
        %squeeze3A_1924 = vector.extract %slice3A_1923[0] : f32 from vector<1xf32>
        %add3A_1925 = arith.constant 13 : i32
        %add3A_1926 = arith.addi %add3A_1662, %add3A_1925 : i32
        %get3A_1927 = arith.constant 0 : i32
        %get3A_1928 = arith.index_cast %get3A_1927 : i32 to index
        %get3A_1929 = arith.index_cast %add3A_1926 : i32 to index
        %get3A_1930 = arith.constant 0 : index
        %get3A_1931 = tpu.vector_load %arg6[%get3A_1928, %get3A_1929, %get3A_1930] {strides = array<i32>} : memref<2x2560x16xi32, #tpu.memory_space<vmem>>, vector<16xi32>,
        %shift_left3A_1932 = arith.constant 16 : i32
        %shift_left3A_1933 = vector.broadcast %shift_left3A_1932 : i32 to vector<16xi32>
        %shift_left3A_1934 = arith.shli %get3A_1931, %shift_left3A_1933 : vector<16xi32>
        %bitcast3A_1935 = vector.bitcast %shift_left3A_1934 : vector<16xi32> to vector<16xf32>
        %bitcast3A_1936 = vector.bitcast %get3A_1931 : vector<16xi32> to vector<16xf32>
        %mul3A_1937 = vector.broadcast %squeeze3A_1924 : f32 to vector<16xf32>
        %mul3A_1938 = arith.mulf %mul3A_1937, %bitcast3A_1935 : vector<16xf32>
        %add3A_1939 = arith.addf %add3A_1899, %mul3A_1938 : vector<16xf32>
        %mul3A_1940 = vector.broadcast %squeeze3A_1924 : f32 to vector<16xf32>
        %mul3A_1941 = arith.mulf %mul3A_1940, %bitcast3A_1936 : vector<16xf32>
        %add3A_1942 = arith.addf %add3A_1902, %mul3A_1941 : vector<16xf32>
        %slice3A_1943 = vector.extract_strided_slice %bitcast3A_1655 {offsets = [14], sizes = [1], strides = [1]} : vector<16xf32> to vector<1xf32>
        %squeeze3A_1944 = vector.extract %slice3A_1943[0] : f32 from vector<1xf32>
        %add3A_1945 = arith.constant 14 : i32
        %add3A_1946 = arith.addi %add3A_1662, %add3A_1945 : i32
        %get3A_1947 = arith.constant 0 : i32
        %get3A_1948 = arith.index_cast %get3A_1947 : i32 to index
        %get3A_1949 = arith.index_cast %add3A_1946 : i32 to index
        %get3A_1950 = arith.constant 0 : index
        %get3A_1951 = tpu.vector_load %arg6[%get3A_1948, %get3A_1949, %get3A_1950] {strides = array<i32>} : memref<2x2560x16xi32, #tpu.memory_space<vmem>>, vector<16xi32>,
        %shift_left3A_1952 = arith.constant 16 : i32
        %shift_left3A_1953 = vector.broadcast %shift_left3A_1952 : i32 to vector<16xi32>
        %shift_left3A_1954 = arith.shli %get3A_1951, %shift_left3A_1953 : vector<16xi32>
        %bitcast3A_1955 = vector.bitcast %shift_left3A_1954 : vector<16xi32> to vector<16xf32>
        %bitcast3A_1956 = vector.bitcast %get3A_1951 : vector<16xi32> to vector<16xf32>
        %mul3A_1957 = vector.broadcast %squeeze3A_1944 : f32 to vector<16xf32>
        %mul3A_1958 = arith.mulf %mul3A_1957, %bitcast3A_1955 : vector<16xf32>
        %add3A_1959 = arith.addf %add3A_1919, %mul3A_1958 : vector<16xf32>
        %mul3A_1960 = vector.broadcast %squeeze3A_1944 : f32 to vector<16xf32>
        %mul3A_1961 = arith.mulf %mul3A_1960, %bitcast3A_1956 : vector<16xf32>
        %add3A_1962 = arith.addf %add3A_1922, %mul3A_1961 : vector<16xf32>
        %slice3A_1963 = vector.extract_strided_slice %bitcast3A_1655 {offsets = [15], sizes = [1], strides = [1]} : vector<16xf32> to vector<1xf32>
        %squeeze3A_1964 = vector.extract %slice3A_1963[0] : f32 from vector<1xf32>
        %add3A_1965 = arith.constant 15 : i32
        %add3A_1966 = arith.addi %add3A_1662, %add3A_1965 : i32
        %get3A_1967 = arith.constant 0 : i32
        %get3A_1968 = arith.index_cast %get3A_1967 : i32 to index
        %get3A_1969 = arith.index_cast %add3A_1966 : i32 to index
        %get3A_1970 = arith.constant 0 : index
        %get3A_1971 = tpu.vector_load %arg6[%get3A_1968, %get3A_1969, %get3A_1970] {strides = array<i32>} : memref<2x2560x16xi32, #tpu.memory_space<vmem>>, vector<16xi32>,
        %shift_left3A_1972 = arith.constant 16 : i32
        %shift_left3A_1973 = vector.broadcast %shift_left3A_1972 : i32 to vector<16xi32>
        %shift_left3A_1974 = arith.shli %get3A_1971, %shift_left3A_1973 : vector<16xi32>
        %bitcast3A_1975 = vector.bitcast %shift_left3A_1974 : vector<16xi32> to vector<16xf32>
        %bitcast3A_1976 = vector.bitcast %get3A_1971 : vector<16xi32> to vector<16xf32>
        %mul3A_1977 = vector.broadcast %squeeze3A_1964 : f32 to vector<16xf32>
        %mul3A_1978 = arith.mulf %mul3A_1977, %bitcast3A_1975 : vector<16xf32>
        %add3A_1979 = arith.addf %add3A_1939, %mul3A_1978 : vector<16xf32>
        %mul3A_1980 = vector.broadcast %squeeze3A_1964 : f32 to vector<16xf32>
        %mul3A_1981 = arith.mulf %mul3A_1980, %bitcast3A_1976 : vector<16xf32>
        %add3A_1982 = arith.addf %add3A_1942, %mul3A_1981 : vector<16xf32>
        %mul3A_1983 = arith.constant 16 : i32
        %mul3A_1984 = arith.muli %and3A_957, %mul3A_1983 : i32
        %mul3A_1985 = arith.constant 8 : i32
        %mul3A_1986 = arith.muli %shift_right_arithmetic3A_956, %mul3A_1985 : i32
        %add3A_1987 = arith.constant 4 : i32
        %add3A_1988 = arith.addi %mul3A_1986, %add3A_1987 : i32
        %add3A_1989 = arith.constant 3 : i32
        %add3A_1990 = arith.addi %add3A_1988, %add3A_1989 : i32
        %get3A_1991 = arith.constant 0 : i32
        %get3A_1992 = arith.index_cast %get3A_1991 : i32 to index
        %get3A_1993 = arith.index_cast %add3A_1990 : i32 to index
        %get3A_1994 = arith.index_cast %mul3A_1984 : i32 to index
        %get3A_1995 = tpu.vector_load %arg5[%get3A_1992, %get3A_1993, %get3A_1994] {strides = array<i32>} : memref<2x40x128xi32, #tpu.memory_space<vmem>>, vector<16xi32>,
        %bitcast3A_1996 = vector.bitcast %get3A_1995 : vector<16xi32> to vector<16xf32>
        %mul3A_1997 = arith.constant 4 : i32
        %mul3A_1998 = arith.muli %shift_right_arithmetic3A_956, %mul3A_1997 : i32
        %add3A_1999 = arith.constant 3 : i32
        %add3A_2000 = arith.addi %mul3A_1998, %add3A_1999 : i32
        %mul3A_2001 = arith.constant 128 : i32
        %mul3A_2002 = arith.muli %add3A_2000, %mul3A_2001 : i32
        %add3A_2003 = arith.addi %mul3A_2002, %mul3A_1984 : i32
        %slice3A_2004 = vector.extract_strided_slice %bitcast3A_1996 {offsets = [0], sizes = [1], strides = [1]} : vector<16xf32> to vector<1xf32>
        %squeeze3A_2005 = vector.extract %slice3A_2004[0] : f32 from vector<1xf32>
        %add3A_2006 = arith.constant 0 : i32
        %add3A_2007 = arith.addi %add3A_2003, %add3A_2006 : i32
        %get3A_2008 = arith.constant 0 : i32
        %get3A_2009 = arith.index_cast %get3A_2008 : i32 to index
        %get3A_2010 = arith.index_cast %add3A_2007 : i32 to index
        %get3A_2011 = arith.constant 0 : index
        %get3A_2012 = tpu.vector_load %arg6[%get3A_2009, %get3A_2010, %get3A_2011] {strides = array<i32>} : memref<2x2560x16xi32, #tpu.memory_space<vmem>>, vector<16xi32>,
        %shift_left3A_2013 = arith.constant 16 : i32
        %shift_left3A_2014 = vector.broadcast %shift_left3A_2013 : i32 to vector<16xi32>
        %shift_left3A_2015 = arith.shli %get3A_2012, %shift_left3A_2014 : vector<16xi32>
        %bitcast3A_2016 = vector.bitcast %shift_left3A_2015 : vector<16xi32> to vector<16xf32>
        %bitcast3A_2017 = vector.bitcast %get3A_2012 : vector<16xi32> to vector<16xf32>
        %mul3A_2018 = vector.broadcast %squeeze3A_2005 : f32 to vector<16xf32>
        %mul3A_2019 = arith.mulf %mul3A_2018, %bitcast3A_2016 : vector<16xf32>
        %add3A_2020 = arith.addf %add3A_1959, %mul3A_2019 : vector<16xf32>
        %mul3A_2021 = vector.broadcast %squeeze3A_2005 : f32 to vector<16xf32>
        %mul3A_2022 = arith.mulf %mul3A_2021, %bitcast3A_2017 : vector<16xf32>
        %add3A_2023 = arith.addf %add3A_1962, %mul3A_2022 : vector<16xf32>
        %slice3A_2024 = vector.extract_strided_slice %bitcast3A_1996 {offsets = [1], sizes = [1], strides = [1]} : vector<16xf32> to vector<1xf32>
        %squeeze3A_2025 = vector.extract %slice3A_2024[0] : f32 from vector<1xf32>
        %add3A_2026 = arith.constant 1 : i32
        %add3A_2027 = arith.addi %add3A_2003, %add3A_2026 : i32
        %get3A_2028 = arith.constant 0 : i32
        %get3A_2029 = arith.index_cast %get3A_2028 : i32 to index
        %get3A_2030 = arith.index_cast %add3A_2027 : i32 to index
        %get3A_2031 = arith.constant 0 : index
        %get3A_2032 = tpu.vector_load %arg6[%get3A_2029, %get3A_2030, %get3A_2031] {strides = array<i32>} : memref<2x2560x16xi32, #tpu.memory_space<vmem>>, vector<16xi32>,
        %shift_left3A_2033 = arith.constant 16 : i32
        %shift_left3A_2034 = vector.broadcast %shift_left3A_2033 : i32 to vector<16xi32>
        %shift_left3A_2035 = arith.shli %get3A_2032, %shift_left3A_2034 : vector<16xi32>
        %bitcast3A_2036 = vector.bitcast %shift_left3A_2035 : vector<16xi32> to vector<16xf32>
        %bitcast3A_2037 = vector.bitcast %get3A_2032 : vector<16xi32> to vector<16xf32>
        %mul3A_2038 = vector.broadcast %squeeze3A_2025 : f32 to vector<16xf32>
        %mul3A_2039 = arith.mulf %mul3A_2038, %bitcast3A_2036 : vector<16xf32>
        %add3A_2040 = arith.addf %add3A_1979, %mul3A_2039 : vector<16xf32>
        %mul3A_2041 = vector.broadcast %squeeze3A_2025 : f32 to vector<16xf32>
        %mul3A_2042 = arith.mulf %mul3A_2041, %bitcast3A_2037 : vector<16xf32>
        %add3A_2043 = arith.addf %add3A_1982, %mul3A_2042 : vector<16xf32>
        %slice3A_2044 = vector.extract_strided_slice %bitcast3A_1996 {offsets = [2], sizes = [1], strides = [1]} : vector<16xf32> to vector<1xf32>
        %squeeze3A_2045 = vector.extract %slice3A_2044[0] : f32 from vector<1xf32>
        %add3A_2046 = arith.constant 2 : i32
        %add3A_2047 = arith.addi %add3A_2003, %add3A_2046 : i32
        %get3A_2048 = arith.constant 0 : i32
        %get3A_2049 = arith.index_cast %get3A_2048 : i32 to index
        %get3A_2050 = arith.index_cast %add3A_2047 : i32 to index
        %get3A_2051 = arith.constant 0 : index
        %get3A_2052 = tpu.vector_load %arg6[%get3A_2049, %get3A_2050, %get3A_2051] {strides = array<i32>} : memref<2x2560x16xi32, #tpu.memory_space<vmem>>, vector<16xi32>,
        %shift_left3A_2053 = arith.constant 16 : i32
        %shift_left3A_2054 = vector.broadcast %shift_left3A_2053 : i32 to vector<16xi32>
        %shift_left3A_2055 = arith.shli %get3A_2052, %shift_left3A_2054 : vector<16xi32>
        %bitcast3A_2056 = vector.bitcast %shift_left3A_2055 : vector<16xi32> to vector<16xf32>
        %bitcast3A_2057 = vector.bitcast %get3A_2052 : vector<16xi32> to vector<16xf32>
        %mul3A_2058 = vector.broadcast %squeeze3A_2045 : f32 to vector<16xf32>
        %mul3A_2059 = arith.mulf %mul3A_2058, %bitcast3A_2056 : vector<16xf32>
        %add3A_2060 = arith.addf %add3A_2020, %mul3A_2059 : vector<16xf32>
        %mul3A_2061 = vector.broadcast %squeeze3A_2045 : f32 to vector<16xf32>
        %mul3A_2062 = arith.mulf %mul3A_2061, %bitcast3A_2057 : vector<16xf32>
        %add3A_2063 = arith.addf %add3A_2023, %mul3A_2062 : vector<16xf32>
        %slice3A_2064 = vector.extract_strided_slice %bitcast3A_1996 {offsets = [3], sizes = [1], strides = [1]} : vector<16xf32> to vector<1xf32>
        %squeeze3A_2065 = vector.extract %slice3A_2064[0] : f32 from vector<1xf32>
        %add3A_2066 = arith.constant 3 : i32
        %add3A_2067 = arith.addi %add3A_2003, %add3A_2066 : i32
        %get3A_2068 = arith.constant 0 : i32
        %get3A_2069 = arith.index_cast %get3A_2068 : i32 to index
        %get3A_2070 = arith.index_cast %add3A_2067 : i32 to index
        %get3A_2071 = arith.constant 0 : index
        %get3A_2072 = tpu.vector_load %arg6[%get3A_2069, %get3A_2070, %get3A_2071] {strides = array<i32>} : memref<2x2560x16xi32, #tpu.memory_space<vmem>>, vector<16xi32>,
        %shift_left3A_2073 = arith.constant 16 : i32
        %shift_left3A_2074 = vector.broadcast %shift_left3A_2073 : i32 to vector<16xi32>
        %shift_left3A_2075 = arith.shli %get3A_2072, %shift_left3A_2074 : vector<16xi32>
        %bitcast3A_2076 = vector.bitcast %shift_left3A_2075 : vector<16xi32> to vector<16xf32>
        %bitcast3A_2077 = vector.bitcast %get3A_2072 : vector<16xi32> to vector<16xf32>
        %mul3A_2078 = vector.broadcast %squeeze3A_2065 : f32 to vector<16xf32>
        %mul3A_2079 = arith.mulf %mul3A_2078, %bitcast3A_2076 : vector<16xf32>
        %add3A_2080 = arith.addf %add3A_2040, %mul3A_2079 : vector<16xf32>
        %mul3A_2081 = vector.broadcast %squeeze3A_2065 : f32 to vector<16xf32>
        %mul3A_2082 = arith.mulf %mul3A_2081, %bitcast3A_2077 : vector<16xf32>
        %add3A_2083 = arith.addf %add3A_2043, %mul3A_2082 : vector<16xf32>
        %slice3A_2084 = vector.extract_strided_slice %bitcast3A_1996 {offsets = [4], sizes = [1], strides = [1]} : vector<16xf32> to vector<1xf32>
        %squeeze3A_2085 = vector.extract %slice3A_2084[0] : f32 from vector<1xf32>
        %add3A_2086 = arith.constant 4 : i32
        %add3A_2087 = arith.addi %add3A_2003, %add3A_2086 : i32
        %get3A_2088 = arith.constant 0 : i32
        %get3A_2089 = arith.index_cast %get3A_2088 : i32 to index
        %get3A_2090 = arith.index_cast %add3A_2087 : i32 to index
        %get3A_2091 = arith.constant 0 : index
        %get3A_2092 = tpu.vector_load %arg6[%get3A_2089, %get3A_2090, %get3A_2091] {strides = array<i32>} : memref<2x2560x16xi32, #tpu.memory_space<vmem>>, vector<16xi32>,
        %shift_left3A_2093 = arith.constant 16 : i32
        %shift_left3A_2094 = vector.broadcast %shift_left3A_2093 : i32 to vector<16xi32>
        %shift_left3A_2095 = arith.shli %get3A_2092, %shift_left3A_2094 : vector<16xi32>
        %bitcast3A_2096 = vector.bitcast %shift_left3A_2095 : vector<16xi32> to vector<16xf32>
        %bitcast3A_2097 = vector.bitcast %get3A_2092 : vector<16xi32> to vector<16xf32>
        %mul3A_2098 = vector.broadcast %squeeze3A_2085 : f32 to vector<16xf32>
        %mul3A_2099 = arith.mulf %mul3A_2098, %bitcast3A_2096 : vector<16xf32>
        %add3A_2100 = arith.addf %add3A_2060, %mul3A_2099 : vector<16xf32>
        %mul3A_2101 = vector.broadcast %squeeze3A_2085 : f32 to vector<16xf32>
        %mul3A_2102 = arith.mulf %mul3A_2101, %bitcast3A_2097 : vector<16xf32>
        %add3A_2103 = arith.addf %add3A_2063, %mul3A_2102 : vector<16xf32>
        %slice3A_2104 = vector.extract_strided_slice %bitcast3A_1996 {offsets = [5], sizes = [1], strides = [1]} : vector<16xf32> to vector<1xf32>
        %squeeze3A_2105 = vector.extract %slice3A_2104[0] : f32 from vector<1xf32>
        %add3A_2106 = arith.constant 5 : i32
        %add3A_2107 = arith.addi %add3A_2003, %add3A_2106 : i32
        %get3A_2108 = arith.constant 0 : i32
        %get3A_2109 = arith.index_cast %get3A_2108 : i32 to index
        %get3A_2110 = arith.index_cast %add3A_2107 : i32 to index
        %get3A_2111 = arith.constant 0 : index
        %get3A_2112 = tpu.vector_load %arg6[%get3A_2109, %get3A_2110, %get3A_2111] {strides = array<i32>} : memref<2x2560x16xi32, #tpu.memory_space<vmem>>, vector<16xi32>,
        %shift_left3A_2113 = arith.constant 16 : i32
        %shift_left3A_2114 = vector.broadcast %shift_left3A_2113 : i32 to vector<16xi32>
        %shift_left3A_2115 = arith.shli %get3A_2112, %shift_left3A_2114 : vector<16xi32>
        %bitcast3A_2116 = vector.bitcast %shift_left3A_2115 : vector<16xi32> to vector<16xf32>
        %bitcast3A_2117 = vector.bitcast %get3A_2112 : vector<16xi32> to vector<16xf32>
        %mul3A_2118 = vector.broadcast %squeeze3A_2105 : f32 to vector<16xf32>
        %mul3A_2119 = arith.mulf %mul3A_2118, %bitcast3A_2116 : vector<16xf32>
        %add3A_2120 = arith.addf %add3A_2080, %mul3A_2119 : vector<16xf32>
        %mul3A_2121 = vector.broadcast %squeeze3A_2105 : f32 to vector<16xf32>
        %mul3A_2122 = arith.mulf %mul3A_2121, %bitcast3A_2117 : vector<16xf32>
        %add3A_2123 = arith.addf %add3A_2083, %mul3A_2122 : vector<16xf32>
        %slice3A_2124 = vector.extract_strided_slice %bitcast3A_1996 {offsets = [6], sizes = [1], strides = [1]} : vector<16xf32> to vector<1xf32>
        %squeeze3A_2125 = vector.extract %slice3A_2124[0] : f32 from vector<1xf32>
        %add3A_2126 = arith.constant 6 : i32
        %add3A_2127 = arith.addi %add3A_2003, %add3A_2126 : i32
        %get3A_2128 = arith.constant 0 : i32
        %get3A_2129 = arith.index_cast %get3A_2128 : i32 to index
        %get3A_2130 = arith.index_cast %add3A_2127 : i32 to index
        %get3A_2131 = arith.constant 0 : index
        %get3A_2132 = tpu.vector_load %arg6[%get3A_2129, %get3A_2130, %get3A_2131] {strides = array<i32>} : memref<2x2560x16xi32, #tpu.memory_space<vmem>>, vector<16xi32>,
        %shift_left3A_2133 = arith.constant 16 : i32
        %shift_left3A_2134 = vector.broadcast %shift_left3A_2133 : i32 to vector<16xi32>
        %shift_left3A_2135 = arith.shli %get3A_2132, %shift_left3A_2134 : vector<16xi32>
        %bitcast3A_2136 = vector.bitcast %shift_left3A_2135 : vector<16xi32> to vector<16xf32>
        %bitcast3A_2137 = vector.bitcast %get3A_2132 : vector<16xi32> to vector<16xf32>
        %mul3A_2138 = vector.broadcast %squeeze3A_2125 : f32 to vector<16xf32>
        %mul3A_2139 = arith.mulf %mul3A_2138, %bitcast3A_2136 : vector<16xf32>
        %add3A_2140 = arith.addf %add3A_2100, %mul3A_2139 : vector<16xf32>
        %mul3A_2141 = vector.broadcast %squeeze3A_2125 : f32 to vector<16xf32>
        %mul3A_2142 = arith.mulf %mul3A_2141, %bitcast3A_2137 : vector<16xf32>
        %add3A_2143 = arith.addf %add3A_2103, %mul3A_2142 : vector<16xf32>
        %slice3A_2144 = vector.extract_strided_slice %bitcast3A_1996 {offsets = [7], sizes = [1], strides = [1]} : vector<16xf32> to vector<1xf32>
        %squeeze3A_2145 = vector.extract %slice3A_2144[0] : f32 from vector<1xf32>
        %add3A_2146 = arith.constant 7 : i32
        %add3A_2147 = arith.addi %add3A_2003, %add3A_2146 : i32
        %get3A_2148 = arith.constant 0 : i32
        %get3A_2149 = arith.index_cast %get3A_2148 : i32 to index
        %get3A_2150 = arith.index_cast %add3A_2147 : i32 to index
        %get3A_2151 = arith.constant 0 : index
        %get3A_2152 = tpu.vector_load %arg6[%get3A_2149, %get3A_2150, %get3A_2151] {strides = array<i32>} : memref<2x2560x16xi32, #tpu.memory_space<vmem>>, vector<16xi32>,
        %shift_left3A_2153 = arith.constant 16 : i32
        %shift_left3A_2154 = vector.broadcast %shift_left3A_2153 : i32 to vector<16xi32>
        %shift_left3A_2155 = arith.shli %get3A_2152, %shift_left3A_2154 : vector<16xi32>
        %bitcast3A_2156 = vector.bitcast %shift_left3A_2155 : vector<16xi32> to vector<16xf32>
        %bitcast3A_2157 = vector.bitcast %get3A_2152 : vector<16xi32> to vector<16xf32>
        %mul3A_2158 = vector.broadcast %squeeze3A_2145 : f32 to vector<16xf32>
        %mul3A_2159 = arith.mulf %mul3A_2158, %bitcast3A_2156 : vector<16xf32>
        %add3A_2160 = arith.addf %add3A_2120, %mul3A_2159 : vector<16xf32>
        %mul3A_2161 = vector.broadcast %squeeze3A_2145 : f32 to vector<16xf32>
        %mul3A_2162 = arith.mulf %mul3A_2161, %bitcast3A_2157 : vector<16xf32>
        %add3A_2163 = arith.addf %add3A_2123, %mul3A_2162 : vector<16xf32>
        %slice3A_2164 = vector.extract_strided_slice %bitcast3A_1996 {offsets = [8], sizes = [1], strides = [1]} : vector<16xf32> to vector<1xf32>
        %squeeze3A_2165 = vector.extract %slice3A_2164[0] : f32 from vector<1xf32>
        %add3A_2166 = arith.constant 8 : i32
        %add3A_2167 = arith.addi %add3A_2003, %add3A_2166 : i32
        %get3A_2168 = arith.constant 0 : i32
        %get3A_2169 = arith.index_cast %get3A_2168 : i32 to index
        %get3A_2170 = arith.index_cast %add3A_2167 : i32 to index
        %get3A_2171 = arith.constant 0 : index
        %get3A_2172 = tpu.vector_load %arg6[%get3A_2169, %get3A_2170, %get3A_2171] {strides = array<i32>} : memref<2x2560x16xi32, #tpu.memory_space<vmem>>, vector<16xi32>,
        %shift_left3A_2173 = arith.constant 16 : i32
        %shift_left3A_2174 = vector.broadcast %shift_left3A_2173 : i32 to vector<16xi32>
        %shift_left3A_2175 = arith.shli %get3A_2172, %shift_left3A_2174 : vector<16xi32>
        %bitcast3A_2176 = vector.bitcast %shift_left3A_2175 : vector<16xi32> to vector<16xf32>
        %bitcast3A_2177 = vector.bitcast %get3A_2172 : vector<16xi32> to vector<16xf32>
        %mul3A_2178 = vector.broadcast %squeeze3A_2165 : f32 to vector<16xf32>
        %mul3A_2179 = arith.mulf %mul3A_2178, %bitcast3A_2176 : vector<16xf32>
        %add3A_2180 = arith.addf %add3A_2140, %mul3A_2179 : vector<16xf32>
        %mul3A_2181 = vector.broadcast %squeeze3A_2165 : f32 to vector<16xf32>
        %mul3A_2182 = arith.mulf %mul3A_2181, %bitcast3A_2177 : vector<16xf32>
        %add3A_2183 = arith.addf %add3A_2143, %mul3A_2182 : vector<16xf32>
        %slice3A_2184 = vector.extract_strided_slice %bitcast3A_1996 {offsets = [9], sizes = [1], strides = [1]} : vector<16xf32> to vector<1xf32>
        %squeeze3A_2185 = vector.extract %slice3A_2184[0] : f32 from vector<1xf32>
        %add3A_2186 = arith.constant 9 : i32
        %add3A_2187 = arith.addi %add3A_2003, %add3A_2186 : i32
        %get3A_2188 = arith.constant 0 : i32
        %get3A_2189 = arith.index_cast %get3A_2188 : i32 to index
        %get3A_2190 = arith.index_cast %add3A_2187 : i32 to index
        %get3A_2191 = arith.constant 0 : index
        %get3A_2192 = tpu.vector_load %arg6[%get3A_2189, %get3A_2190, %get3A_2191] {strides = array<i32>} : memref<2x2560x16xi32, #tpu.memory_space<vmem>>, vector<16xi32>,
        %shift_left3A_2193 = arith.constant 16 : i32
        %shift_left3A_2194 = vector.broadcast %shift_left3A_2193 : i32 to vector<16xi32>
        %shift_left3A_2195 = arith.shli %get3A_2192, %shift_left3A_2194 : vector<16xi32>
        %bitcast3A_2196 = vector.bitcast %shift_left3A_2195 : vector<16xi32> to vector<16xf32>
        %bitcast3A_2197 = vector.bitcast %get3A_2192 : vector<16xi32> to vector<16xf32>
        %mul3A_2198 = vector.broadcast %squeeze3A_2185 : f32 to vector<16xf32>
        %mul3A_2199 = arith.mulf %mul3A_2198, %bitcast3A_2196 : vector<16xf32>
        %add3A_2200 = arith.addf %add3A_2160, %mul3A_2199 : vector<16xf32>
        %mul3A_2201 = vector.broadcast %squeeze3A_2185 : f32 to vector<16xf32>
        %mul3A_2202 = arith.mulf %mul3A_2201, %bitcast3A_2197 : vector<16xf32>
        %add3A_2203 = arith.addf %add3A_2163, %mul3A_2202 : vector<16xf32>
        %slice3A_2204 = vector.extract_strided_slice %bitcast3A_1996 {offsets = [10], sizes = [1], strides = [1]} : vector<16xf32> to vector<1xf32>
        %squeeze3A_2205 = vector.extract %slice3A_2204[0] : f32 from vector<1xf32>
        %add3A_2206 = arith.constant 10 : i32
        %add3A_2207 = arith.addi %add3A_2003, %add3A_2206 : i32
        %get3A_2208 = arith.constant 0 : i32
        %get3A_2209 = arith.index_cast %get3A_2208 : i32 to index
        %get3A_2210 = arith.index_cast %add3A_2207 : i32 to index
        %get3A_2211 = arith.constant 0 : index
        %get3A_2212 = tpu.vector_load %arg6[%get3A_2209, %get3A_2210, %get3A_2211] {strides = array<i32>} : memref<2x2560x16xi32, #tpu.memory_space<vmem>>, vector<16xi32>,
        %shift_left3A_2213 = arith.constant 16 : i32
        %shift_left3A_2214 = vector.broadcast %shift_left3A_2213 : i32 to vector<16xi32>
        %shift_left3A_2215 = arith.shli %get3A_2212, %shift_left3A_2214 : vector<16xi32>
        %bitcast3A_2216 = vector.bitcast %shift_left3A_2215 : vector<16xi32> to vector<16xf32>
        %bitcast3A_2217 = vector.bitcast %get3A_2212 : vector<16xi32> to vector<16xf32>
        %mul3A_2218 = vector.broadcast %squeeze3A_2205 : f32 to vector<16xf32>
        %mul3A_2219 = arith.mulf %mul3A_2218, %bitcast3A_2216 : vector<16xf32>
        %add3A_2220 = arith.addf %add3A_2180, %mul3A_2219 : vector<16xf32>
        %mul3A_2221 = vector.broadcast %squeeze3A_2205 : f32 to vector<16xf32>
        %mul3A_2222 = arith.mulf %mul3A_2221, %bitcast3A_2217 : vector<16xf32>
        %add3A_2223 = arith.addf %add3A_2183, %mul3A_2222 : vector<16xf32>
        %slice3A_2224 = vector.extract_strided_slice %bitcast3A_1996 {offsets = [11], sizes = [1], strides = [1]} : vector<16xf32> to vector<1xf32>
        %squeeze3A_2225 = vector.extract %slice3A_2224[0] : f32 from vector<1xf32>
        %add3A_2226 = arith.constant 11 : i32
        %add3A_2227 = arith.addi %add3A_2003, %add3A_2226 : i32
        %get3A_2228 = arith.constant 0 : i32
        %get3A_2229 = arith.index_cast %get3A_2228 : i32 to index
        %get3A_2230 = arith.index_cast %add3A_2227 : i32 to index
        %get3A_2231 = arith.constant 0 : index
        %get3A_2232 = tpu.vector_load %arg6[%get3A_2229, %get3A_2230, %get3A_2231] {strides = array<i32>} : memref<2x2560x16xi32, #tpu.memory_space<vmem>>, vector<16xi32>,
        %shift_left3A_2233 = arith.constant 16 : i32
        %shift_left3A_2234 = vector.broadcast %shift_left3A_2233 : i32 to vector<16xi32>
        %shift_left3A_2235 = arith.shli %get3A_2232, %shift_left3A_2234 : vector<16xi32>
        %bitcast3A_2236 = vector.bitcast %shift_left3A_2235 : vector<16xi32> to vector<16xf32>
        %bitcast3A_2237 = vector.bitcast %get3A_2232 : vector<16xi32> to vector<16xf32>
        %mul3A_2238 = vector.broadcast %squeeze3A_2225 : f32 to vector<16xf32>
        %mul3A_2239 = arith.mulf %mul3A_2238, %bitcast3A_2236 : vector<16xf32>
        %add3A_2240 = arith.addf %add3A_2200, %mul3A_2239 : vector<16xf32>
        %mul3A_2241 = vector.broadcast %squeeze3A_2225 : f32 to vector<16xf32>
        %mul3A_2242 = arith.mulf %mul3A_2241, %bitcast3A_2237 : vector<16xf32>
        %add3A_2243 = arith.addf %add3A_2203, %mul3A_2242 : vector<16xf32>
        %slice3A_2244 = vector.extract_strided_slice %bitcast3A_1996 {offsets = [12], sizes = [1], strides = [1]} : vector<16xf32> to vector<1xf32>
        %squeeze3A_2245 = vector.extract %slice3A_2244[0] : f32 from vector<1xf32>
        %add3A_2246 = arith.constant 12 : i32
        %add3A_2247 = arith.addi %add3A_2003, %add3A_2246 : i32
        %get3A_2248 = arith.constant 0 : i32
        %get3A_2249 = arith.index_cast %get3A_2248 : i32 to index
        %get3A_2250 = arith.index_cast %add3A_2247 : i32 to index
        %get3A_2251 = arith.constant 0 : index
        %get3A_2252 = tpu.vector_load %arg6[%get3A_2249, %get3A_2250, %get3A_2251] {strides = array<i32>} : memref<2x2560x16xi32, #tpu.memory_space<vmem>>, vector<16xi32>,
        %shift_left3A_2253 = arith.constant 16 : i32
        %shift_left3A_2254 = vector.broadcast %shift_left3A_2253 : i32 to vector<16xi32>
        %shift_left3A_2255 = arith.shli %get3A_2252, %shift_left3A_2254 : vector<16xi32>
        %bitcast3A_2256 = vector.bitcast %shift_left3A_2255 : vector<16xi32> to vector<16xf32>
        %bitcast3A_2257 = vector.bitcast %get3A_2252 : vector<16xi32> to vector<16xf32>
        %mul3A_2258 = vector.broadcast %squeeze3A_2245 : f32 to vector<16xf32>
        %mul3A_2259 = arith.mulf %mul3A_2258, %bitcast3A_2256 : vector<16xf32>
        %add3A_2260 = arith.addf %add3A_2220, %mul3A_2259 : vector<16xf32>
        %mul3A_2261 = vector.broadcast %squeeze3A_2245 : f32 to vector<16xf32>
        %mul3A_2262 = arith.mulf %mul3A_2261, %bitcast3A_2257 : vector<16xf32>
        %add3A_2263 = arith.addf %add3A_2223, %mul3A_2262 : vector<16xf32>
        %slice3A_2264 = vector.extract_strided_slice %bitcast3A_1996 {offsets = [13], sizes = [1], strides = [1]} : vector<16xf32> to vector<1xf32>
        %squeeze3A_2265 = vector.extract %slice3A_2264[0] : f32 from vector<1xf32>
        %add3A_2266 = arith.constant 13 : i32
        %add3A_2267 = arith.addi %add3A_2003, %add3A_2266 : i32
        %get3A_2268 = arith.constant 0 : i32
        %get3A_2269 = arith.index_cast %get3A_2268 : i32 to index
        %get3A_2270 = arith.index_cast %add3A_2267 : i32 to index
        %get3A_2271 = arith.constant 0 : index
        %get3A_2272 = tpu.vector_load %arg6[%get3A_2269, %get3A_2270, %get3A_2271] {strides = array<i32>} : memref<2x2560x16xi32, #tpu.memory_space<vmem>>, vector<16xi32>,
        %shift_left3A_2273 = arith.constant 16 : i32
        %shift_left3A_2274 = vector.broadcast %shift_left3A_2273 : i32 to vector<16xi32>
        %shift_left3A_2275 = arith.shli %get3A_2272, %shift_left3A_2274 : vector<16xi32>
        %bitcast3A_2276 = vector.bitcast %shift_left3A_2275 : vector<16xi32> to vector<16xf32>
        %bitcast3A_2277 = vector.bitcast %get3A_2272 : vector<16xi32> to vector<16xf32>
        %mul3A_2278 = vector.broadcast %squeeze3A_2265 : f32 to vector<16xf32>
        %mul3A_2279 = arith.mulf %mul3A_2278, %bitcast3A_2276 : vector<16xf32>
        %add3A_2280 = arith.addf %add3A_2240, %mul3A_2279 : vector<16xf32>
        %mul3A_2281 = vector.broadcast %squeeze3A_2265 : f32 to vector<16xf32>
        %mul3A_2282 = arith.mulf %mul3A_2281, %bitcast3A_2277 : vector<16xf32>
        %add3A_2283 = arith.addf %add3A_2243, %mul3A_2282 : vector<16xf32>
        %slice3A_2284 = vector.extract_strided_slice %bitcast3A_1996 {offsets = [14], sizes = [1], strides = [1]} : vector<16xf32> to vector<1xf32>
        %squeeze3A_2285 = vector.extract %slice3A_2284[0] : f32 from vector<1xf32>
        %add3A_2286 = arith.constant 14 : i32
        %add3A_2287 = arith.addi %add3A_2003, %add3A_2286 : i32
        %get3A_2288 = arith.constant 0 : i32
        %get3A_2289 = arith.index_cast %get3A_2288 : i32 to index
        %get3A_2290 = arith.index_cast %add3A_2287 : i32 to index
        %get3A_2291 = arith.constant 0 : index
        %get3A_2292 = tpu.vector_load %arg6[%get3A_2289, %get3A_2290, %get3A_2291] {strides = array<i32>} : memref<2x2560x16xi32, #tpu.memory_space<vmem>>, vector<16xi32>,
        %shift_left3A_2293 = arith.constant 16 : i32
        %shift_left3A_2294 = vector.broadcast %shift_left3A_2293 : i32 to vector<16xi32>
        %shift_left3A_2295 = arith.shli %get3A_2292, %shift_left3A_2294 : vector<16xi32>
        %bitcast3A_2296 = vector.bitcast %shift_left3A_2295 : vector<16xi32> to vector<16xf32>
        %bitcast3A_2297 = vector.bitcast %get3A_2292 : vector<16xi32> to vector<16xf32>
        %mul3A_2298 = vector.broadcast %squeeze3A_2285 : f32 to vector<16xf32>
        %mul3A_2299 = arith.mulf %mul3A_2298, %bitcast3A_2296 : vector<16xf32>
        %add3A_2300 = arith.addf %add3A_2260, %mul3A_2299 : vector<16xf32>
        %mul3A_2301 = vector.broadcast %squeeze3A_2285 : f32 to vector<16xf32>
        %mul3A_2302 = arith.mulf %mul3A_2301, %bitcast3A_2297 : vector<16xf32>
        %add3A_2303 = arith.addf %add3A_2263, %mul3A_2302 : vector<16xf32>
        %slice3A_2304 = vector.extract_strided_slice %bitcast3A_1996 {offsets = [15], sizes = [1], strides = [1]} : vector<16xf32> to vector<1xf32>
        %squeeze3A_2305 = vector.extract %slice3A_2304[0] : f32 from vector<1xf32>
        %add3A_2306 = arith.constant 15 : i32
        %add3A_2307 = arith.addi %add3A_2003, %add3A_2306 : i32
        %get3A_2308 = arith.constant 0 : i32
        %get3A_2309 = arith.index_cast %get3A_2308 : i32 to index
        %get3A_2310 = arith.index_cast %add3A_2307 : i32 to index
        %get3A_2311 = arith.constant 0 : index
        %get3A_2312 = tpu.vector_load %arg6[%get3A_2309, %get3A_2310, %get3A_2311] {strides = array<i32>} : memref<2x2560x16xi32, #tpu.memory_space<vmem>>, vector<16xi32>,
        %shift_left3A_2313 = arith.constant 16 : i32
        %shift_left3A_2314 = vector.broadcast %shift_left3A_2313 : i32 to vector<16xi32>
        %shift_left3A_2315 = arith.shli %get3A_2312, %shift_left3A_2314 : vector<16xi32>
        %bitcast3A_2316 = vector.bitcast %shift_left3A_2315 : vector<16xi32> to vector<16xf32>
        %bitcast3A_2317 = vector.bitcast %get3A_2312 : vector<16xi32> to vector<16xf32>
        %mul3A_2318 = vector.broadcast %squeeze3A_2305 : f32 to vector<16xf32>
        %mul3A_2319 = arith.mulf %mul3A_2318, %bitcast3A_2316 : vector<16xf32>
        %add3A_2320 = arith.addf %add3A_2280, %mul3A_2319 : vector<16xf32>
        %mul3A_2321 = vector.broadcast %squeeze3A_2305 : f32 to vector<16xf32>
        %mul3A_2322 = arith.mulf %mul3A_2321, %bitcast3A_2317 : vector<16xf32>
        %add3A_2323 = arith.addf %add3A_2283, %mul3A_2322 : vector<16xf32>
        %add3A_2324 = arith.addf %add3A_2300, %add3A_2320 : vector<16xf32>
        %swap3A = arith.constant 0 : i32
        %swap3A_2325 = arith.index_cast %swap3A : i32 to index
        %swap3A_2326 = arith.index_cast %scan3A_955 : i32 to index
        %swap3A_2327 = arith.constant 0 : index
        %swap3A_2328 = tpu.vector_load %arg7[%swap3A_2325, %swap3A_2326, %swap3A_2327] {strides = array<i32>} : memref<2x40x32xf32, #tpu.memory_space<vmem>>, vector<16xf32>,
        tpu.vector_store %arg7[%swap3A_2325, %swap3A_2326, %swap3A_2327], %add3A_2324 {strides = array<i32>} : memref<2x40x32xf32, #tpu.memory_space<vmem>>, vector<16xf32>,
        %add3A_2329 = arith.addf %add3A_2303, %add3A_2323 : vector<16xf32>
        %swap3A_2330 = arith.constant 0 : i32
        %swap3A_2331 = arith.index_cast %swap3A_2330 : i32 to index
        %swap3A_2332 = arith.index_cast %scan3A_955 : i32 to index
        %swap3A_2333 = arith.constant 16 : index
        %swap3A_2334 = tpu.vector_load %arg7[%swap3A_2331, %swap3A_2332, %swap3A_2333] {strides = array<i32>} : memref<2x40x32xf32, #tpu.memory_space<vmem>>, vector<16xf32>,
        tpu.vector_store %arg7[%swap3A_2331, %swap3A_2332, %swap3A_2333], %add3A_2329 {strides = array<i32>} : memref<2x40x32xf32, #tpu.memory_space<vmem>>, vector<16xf32>,
      }
      %scan3A_628 = arith.constant 40 : i32
      %add3A_629 = arith.constant 2 : i32
      %add3A_630 = arith.addi %mul3A_356, %add3A_629 : i32
      %lt3A_631 = arith.constant 68 : i32
      %lt3A_632 = arith.cmpi slt, %add3A_630, %lt3A_631 : i32
      %convert_element_type3A_633 = arith.extui %lt3A_632 : i1 to i32
      %cond3A_634 = arith.constant 0 : i32
      %cond3A_635 = arith.cmpi ne, %convert_element_type3A_633, %cond3A_634 : i32
      scf.if %cond3A_635 {
        %add3A_955 = arith.constant 2 : i32
        %add3A_956 = arith.addi %mul3A_356, %add3A_955 : i32
        %dma_start3A_957 = arith.constant 0 : i32
        %dma_start3A_958 = arith.constant 0 : i32
        %dma_start3A_959 = arith.constant 0 : i32
        %dma_start3A_960 = tpu.memref_slice %arg5[%dma_start3A_957, %dma_start3A_958, %dma_start3A_959] : memref<2x40x128xi32, #tpu.memory_space<vmem>> -> memref<1x40x128xi32, #tpu.memory_space<vmem>>
        %dma_start3A_961 = tpu.memref_squeeze %dma_start3A_960 : memref<1x40x128xi32, #tpu.memory_space<vmem>> -> memref<40x128xi32, #tpu.memory_space<vmem>>
        %dma_start3A_962 = arith.constant 0 : i32
        %dma_start3A_963 = arith.constant 0 : i32
        %dma_start3A_964 = tpu.memref_slice %arg3[%add3A, %add3A_956, %dma_start3A_962, %dma_start3A_963] : memref<32x68x40x128xi32, #tpu.memory_space<hbm>> -> memref<1x1x40x128xi32, #tpu.memory_space<hbm>>
        %dma_start3A_965 = tpu.memref_squeeze %dma_start3A_964 : memref<1x1x40x128xi32, #tpu.memory_space<hbm>> -> memref<40x128xi32, #tpu.memory_space<hbm>>
        %dma_start3A_966 = arith.constant 0 : i32
        %dma_start3A_967 = arith.constant 0 : i32
        %dma_start3A_968 = tpu.memref_slice %arg5[%dma_start3A_957, %dma_start3A_966, %dma_start3A_967] : memref<2x40x128xi32, #tpu.memory_space<vmem>> -> memref<1x40x128xi32, #tpu.memory_space<vmem>>
        %dma_start3A_969 = tpu.memref_squeeze %dma_start3A_968 : memref<1x40x128xi32, #tpu.memory_space<vmem>> -> memref<40x128xi32, #tpu.memory_space<vmem>>
        %dma_start3A_970 = arith.constant 0 : i32
        %dma_start3A_971 = arith.constant 0 : i32
        %dma_start3A_972 = tpu.memref_slice %arg3[%add3A, %add3A_956, %dma_start3A_970, %dma_start3A_971] : memref<32x68x40x128xi32, #tpu.memory_space<hbm>> -> memref<1x1x40x128xi32, #tpu.memory_space<hbm>>
        %dma_start3A_973 = tpu.memref_squeeze %dma_start3A_972 : memref<1x1x40x128xi32, #tpu.memory_space<hbm>> -> memref<40x128xi32, #tpu.memory_space<hbm>>
        tpu.enqueue_dma source(%dma_start3A_973 : memref<40x128xi32, #tpu.memory_space<hbm>>) target(%dma_start3A_969 : memref<40x128xi32, #tpu.memory_space<vmem>>) target_semaphore(%arg11 : memref<!tpu.dma_semaphore, #tpu.memory_space<semaphore_mem>>)
      } else {
      }
      %dma_start3A_636 = arith.constant 0 : i32
      %dma_start3A_637 = arith.constant 0 : i32
      %dma_start3A_638 = arith.constant 0 : i32
      %dma_start3A_639 = tpu.memref_slice %arg7[%dma_start3A_636, %dma_start3A_637, %dma_start3A_638] : memref<2x40x32xf32, #tpu.memory_space<vmem>> -> memref<1x40x32xf32, #tpu.memory_space<vmem>>
      %dma_start3A_640 = tpu.memref_squeeze %dma_start3A_639 : memref<1x40x32xf32, #tpu.memory_space<vmem>> -> memref<40x32xf32, #tpu.memory_space<vmem>>
      %dma_start3A_641 = arith.constant 0 : i32
      %dma_start3A_642 = arith.constant 0 : i32
      %dma_start3A_643 = tpu.memref_slice %arg4[%add3A, %mul3A_356, %dma_start3A_641, %dma_start3A_642] : memref<32x68x40x32xf32, #tpu.memory_space<hbm>> -> memref<1x1x40x32xf32, #tpu.memory_space<hbm>>
      %dma_start3A_644 = tpu.memref_squeeze %dma_start3A_643 : memref<1x1x40x32xf32, #tpu.memory_space<hbm>> -> memref<40x32xf32, #tpu.memory_space<hbm>>
      %dma_start3A_645 = arith.constant 0 : i32
      %dma_start3A_646 = arith.constant 0 : i32
      %dma_start3A_647 = tpu.memref_slice %arg4[%add3A, %mul3A_356, %dma_start3A_645, %dma_start3A_646] : memref<32x68x40x32xf32, #tpu.memory_space<hbm>> -> memref<1x1x40x32xf32, #tpu.memory_space<hbm>>
      %dma_start3A_648 = tpu.memref_squeeze %dma_start3A_647 : memref<1x1x40x32xf32, #tpu.memory_space<hbm>> -> memref<40x32xf32, #tpu.memory_space<hbm>>
      %dma_start3A_649 = arith.constant 0 : i32
      %dma_start3A_650 = arith.constant 0 : i32
      %dma_start3A_651 = tpu.memref_slice %arg7[%dma_start3A_636, %dma_start3A_649, %dma_start3A_650] : memref<2x40x32xf32, #tpu.memory_space<vmem>> -> memref<1x40x32xf32, #tpu.memory_space<vmem>>
      %dma_start3A_652 = tpu.memref_squeeze %dma_start3A_651 : memref<1x40x32xf32, #tpu.memory_space<vmem>> -> memref<40x32xf32, #tpu.memory_space<vmem>>
      tpu.enqueue_dma source(%dma_start3A_652 : memref<40x32xf32, #tpu.memory_space<vmem>>) target(%dma_start3A_648 : memref<40x32xf32, #tpu.memory_space<hbm>>) target_semaphore(%arg10 : memref<!tpu.dma_semaphore, #tpu.memory_space<semaphore_mem>>)
      %add3A_653 = arith.constant 1 : i32
      %add3A_654 = arith.addi %mul3A_356, %add3A_653 : i32
      %lt3A_655 = arith.constant 67 : i32
      %lt3A_656 = arith.cmpi slt, %add3A_654, %lt3A_655 : i32
      %convert_element_type3A_657 = arith.extui %lt3A_656 : i1 to i32
      %cond3A_658 = arith.constant 0 : i32
      %cond3A_659 = arith.cmpi ne, %convert_element_type3A_657, %cond3A_658 : i32
      scf.if %cond3A_659 {
        %dma_wait3A_955 = arith.constant 0 : i32
        %dma_wait3A_956 = arith.constant 0 : i32
        %dma_wait3A_957 = arith.constant 0 : i32
        %dma_wait3A_958 = arith.constant 0 : i32
        %dma_wait3A_959 = tpu.memref_slice %arg5[%dma_wait3A_956, %dma_wait3A_957, %dma_wait3A_958] : memref<2x40x128xi32, #tpu.memory_space<vmem>> -> memref<1x40x128xi32, #tpu.memory_space<vmem>>
        %dma_wait3A_960 = tpu.memref_squeeze %dma_wait3A_959 : memref<1x40x128xi32, #tpu.memory_space<vmem>> -> memref<40x128xi32, #tpu.memory_space<vmem>>
        %dma_wait3A_961 = arith.constant 0 : i32
        %dma_wait3A_962 = arith.constant 0 : i32
        %dma_wait3A_963 = tpu.memref_slice %arg3[%add3A, %dma_wait3A_955, %dma_wait3A_961, %dma_wait3A_962] : memref<32x68x40x128xi32, #tpu.memory_space<hbm>> -> memref<1x1x40x128xi32, #tpu.memory_space<hbm>>
        %dma_wait3A_964 = tpu.memref_squeeze %dma_wait3A_963 : memref<1x1x40x128xi32, #tpu.memory_space<hbm>> -> memref<40x128xi32, #tpu.memory_space<hbm>>
        %dma_wait3A_965 = arith.constant 0 : i32
        %dma_wait3A_966 = arith.constant 0 : i32
        %dma_wait3A_967 = tpu.memref_slice %arg5[%dma_wait3A_956, %dma_wait3A_965, %dma_wait3A_966] : memref<2x40x128xi32, #tpu.memory_space<vmem>> -> memref<1x40x128xi32, #tpu.memory_space<vmem>>
        %dma_wait3A_968 = tpu.memref_squeeze %dma_wait3A_967 : memref<1x40x128xi32, #tpu.memory_space<vmem>> -> memref<40x128xi32, #tpu.memory_space<vmem>>
        %dma_wait3A_969 = arith.constant 0 : i32
        %dma_wait3A_970 = arith.constant 0 : i32
        %dma_wait3A_971 = tpu.memref_slice %arg3[%add3A, %dma_wait3A_955, %dma_wait3A_969, %dma_wait3A_970] : memref<32x68x40x128xi32, #tpu.memory_space<hbm>> -> memref<1x1x40x128xi32, #tpu.memory_space<hbm>>
        %dma_wait3A_972 = tpu.memref_squeeze %dma_wait3A_971 : memref<1x1x40x128xi32, #tpu.memory_space<hbm>> -> memref<40x128xi32, #tpu.memory_space<hbm>>
        tpu.wait_dma2 semaphore(%arg11 : memref<!tpu.dma_semaphore, #tpu.memory_space<semaphore_mem>>) src(%dma_wait3A_972 : memref<40x128xi32, #tpu.memory_space<hbm>>) dst(%dma_wait3A_968 : memref<40x128xi32, #tpu.memory_space<vmem>>)
        %dma_start3A_973 = arith.constant 0 : i32
        %dma_start3A_974 = arith.constant 0 : i32
        %dma_start3A_975 = arith.constant 0 : i32
        %dma_start3A_976 = arith.constant 0 : i32
        %dma_start3A_977 = arith.constant 0 : i32
        %dma_start3A_978 = tpu.memref_slice %arg6[%dma_start3A_975, %dma_start3A_976, %dma_start3A_977] : memref<2x2560x16xi32, #tpu.memory_space<vmem>> -> memref<1x128x16xi32, #tpu.memory_space<vmem>>
        %dma_start3A_979 = tpu.memref_squeeze %dma_start3A_978 : memref<1x128x16xi32, #tpu.memory_space<vmem>> -> memref<128x16xi32, #tpu.memory_space<vmem>>
        %dma_start3A_980 = arith.constant 0 : i32
        %dma_start3A_981 = tpu.memref_slice %arg5[%dma_start3A_973, %dma_start3A_974, %dma_start3A_980] : memref<2x40x128xi32, #tpu.memory_space<vmem>> -> memref<1x1x128xi32, #tpu.memory_space<vmem>>
        %dma_start3A_982 = tpu.memref_squeeze %dma_start3A_981 : memref<1x1x128xi32, #tpu.memory_space<vmem>> -> memref<128xi32, #tpu.memory_space<vmem>>
        %dma_start3A_983 = arith.constant 0 : i32
        %dma_start3A_984 = arith.constant 0 : i32
        %dma_start3A_985 = tpu.memref_slice %arg2[%dma_start3A_983, %dma_start3A_984] : memref<87040x16xi32, #tpu.memory_space<hbm>> -> memref<87040x16xi32, #tpu.memory_space<hbm>>
        tpu.enqueue_indirect_dma source(%dma_start3A_985 : memref<87040x16xi32, #tpu.memory_space<hbm>>) target(%dma_start3A_979 : memref<128x16xi32, #tpu.memory_space<vmem>>) offsets(%dma_start3A_982 : memref<128xi32, #tpu.memory_space<vmem>>) semaphore(%arg8 : memref<!tpu.dma_semaphore, #tpu.memory_space<semaphore_mem>>)
        %dma_start3A_986 = arith.constant 0 : i32
        %dma_start3A_987 = arith.constant 1 : i32
        %dma_start3A_988 = arith.constant 0 : i32
        %dma_start3A_989 = arith.constant 128 : i32
        %dma_start3A_990 = arith.constant 0 : i32
        %dma_start3A_991 = tpu.memref_slice %arg6[%dma_start3A_988, %dma_start3A_989, %dma_start3A_990] : memref<2x2560x16xi32, #tpu.memory_space<vmem>> -> memref<1x128x16xi32, #tpu.memory_space<vmem>>
        %dma_start3A_992 = tpu.memref_squeeze %dma_start3A_991 : memref<1x128x16xi32, #tpu.memory_space<vmem>> -> memref<128x16xi32, #tpu.memory_space<vmem>>
        %dma_start3A_993 = arith.constant 0 : i32
        %dma_start3A_994 = tpu.memref_slice %arg5[%dma_start3A_986, %dma_start3A_987, %dma_start3A_993] : memref<2x40x128xi32, #tpu.memory_space<vmem>> -> memref<1x1x128xi32, #tpu.memory_space<vmem>>
        %dma_start3A_995 = tpu.memref_squeeze %dma_start3A_994 : memref<1x1x128xi32, #tpu.memory_space<vmem>> -> memref<128xi32, #tpu.memory_space<vmem>>
        %dma_start3A_996 = arith.constant 0 : i32
        %dma_start3A_997 = arith.constant 0 : i32
        %dma_start3A_998 = tpu.memref_slice %arg2[%dma_start3A_996, %dma_start3A_997] : memref<87040x16xi32, #tpu.memory_space<hbm>> -> memref<87040x16xi32, #tpu.memory_space<hbm>>
        tpu.enqueue_indirect_dma source(%dma_start3A_998 : memref<87040x16xi32, #tpu.memory_space<hbm>>) target(%dma_start3A_992 : memref<128x16xi32, #tpu.memory_space<vmem>>) offsets(%dma_start3A_995 : memref<128xi32, #tpu.memory_space<vmem>>) semaphore(%arg8 : memref<!tpu.dma_semaphore, #tpu.memory_space<semaphore_mem>>)
        %dma_start3A_999 = arith.constant 0 : i32
        %dma_start3A_1000 = arith.constant 2 : i32
        %dma_start3A_1001 = arith.constant 0 : i32
        %dma_start3A_1002 = arith.constant 256 : i32
        %dma_start3A_1003 = arith.constant 0 : i32
        %dma_start3A_1004 = tpu.memref_slice %arg6[%dma_start3A_1001, %dma_start3A_1002, %dma_start3A_1003] : memref<2x2560x16xi32, #tpu.memory_space<vmem>> -> memref<1x128x16xi32, #tpu.memory_space<vmem>>
        %dma_start3A_1005 = tpu.memref_squeeze %dma_start3A_1004 : memref<1x128x16xi32, #tpu.memory_space<vmem>> -> memref<128x16xi32, #tpu.memory_space<vmem>>
        %dma_start3A_1006 = arith.constant 0 : i32
        %dma_start3A_1007 = tpu.memref_slice %arg5[%dma_start3A_999, %dma_start3A_1000, %dma_start3A_1006] : memref<2x40x128xi32, #tpu.memory_space<vmem>> -> memref<1x1x128xi32, #tpu.memory_space<vmem>>
        %dma_start3A_1008 = tpu.memref_squeeze %dma_start3A_1007 : memref<1x1x128xi32, #tpu.memory_space<vmem>> -> memref<128xi32, #tpu.memory_space<vmem>>
        %dma_start3A_1009 = arith.constant 0 : i32
        %dma_start3A_1010 = arith.constant 0 : i32
        %dma_start3A_1011 = tpu.memref_slice %arg2[%dma_start3A_1009, %dma_start3A_1010] : memref<87040x16xi32, #tpu.memory_space<hbm>> -> memref<87040x16xi32, #tpu.memory_space<hbm>>
        tpu.enqueue_indirect_dma source(%dma_start3A_1011 : memref<87040x16xi32, #tpu.memory_space<hbm>>) target(%dma_start3A_1005 : memref<128x16xi32, #tpu.memory_space<vmem>>) offsets(%dma_start3A_1008 : memref<128xi32, #tpu.memory_space<vmem>>) semaphore(%arg8 : memref<!tpu.dma_semaphore, #tpu.memory_space<semaphore_mem>>)
        %dma_start3A_1012 = arith.constant 0 : i32
        %dma_start3A_1013 = arith.constant 3 : i32
        %dma_start3A_1014 = arith.constant 0 : i32
        %dma_start3A_1015 = arith.constant 384 : i32
        %dma_start3A_1016 = arith.constant 0 : i32
        %dma_start3A_1017 = tpu.memref_slice %arg6[%dma_start3A_1014, %dma_start3A_1015, %dma_start3A_1016] : memref<2x2560x16xi32, #tpu.memory_space<vmem>> -> memref<1x128x16xi32, #tpu.memory_space<vmem>>
        %dma_start3A_1018 = tpu.memref_squeeze %dma_start3A_1017 : memref<1x128x16xi32, #tpu.memory_space<vmem>> -> memref<128x16xi32, #tpu.memory_space<vmem>>
        %dma_start3A_1019 = arith.constant 0 : i32
        %dma_start3A_1020 = tpu.memref_slice %arg5[%dma_start3A_1012, %dma_start3A_1013, %dma_start3A_1019] : memref<2x40x128xi32, #tpu.memory_space<vmem>> -> memref<1x1x128xi32, #tpu.memory_space<vmem>>
        %dma_start3A_1021 = tpu.memref_squeeze %dma_start3A_1020 : memref<1x1x128xi32, #tpu.memory_space<vmem>> -> memref<128xi32, #tpu.memory_space<vmem>>
        %dma_start3A_1022 = arith.constant 0 : i32
        %dma_start3A_1023 = arith.constant 0 : i32
        %dma_start3A_1024 = tpu.memref_slice %arg2[%dma_start3A_1022, %dma_start3A_1023] : memref<87040x16xi32, #tpu.memory_space<hbm>> -> memref<87040x16xi32, #tpu.memory_space<hbm>>
        tpu.enqueue_indirect_dma source(%dma_start3A_1024 : memref<87040x16xi32, #tpu.memory_space<hbm>>) target(%dma_start3A_1018 : memref<128x16xi32, #tpu.memory_space<vmem>>) offsets(%dma_start3A_1021 : memref<128xi32, #tpu.memory_space<vmem>>) semaphore(%arg8 : memref<!tpu.dma_semaphore, #tpu.memory_space<semaphore_mem>>)
        %dma_start3A_1025 = arith.constant 0 : i32
        %dma_start3A_1026 = arith.constant 8 : i32
        %dma_start3A_1027 = arith.constant 0 : i32
        %dma_start3A_1028 = arith.constant 512 : i32
        %dma_start3A_1029 = arith.constant 0 : i32
        %dma_start3A_1030 = tpu.memref_slice %arg6[%dma_start3A_1027, %dma_start3A_1028, %dma_start3A_1029] : memref<2x2560x16xi32, #tpu.memory_space<vmem>> -> memref<1x128x16xi32, #tpu.memory_space<vmem>>
        %dma_start3A_1031 = tpu.memref_squeeze %dma_start3A_1030 : memref<1x128x16xi32, #tpu.memory_space<vmem>> -> memref<128x16xi32, #tpu.memory_space<vmem>>
        %dma_start3A_1032 = arith.constant 0 : i32
        %dma_start3A_1033 = tpu.memref_slice %arg5[%dma_start3A_1025, %dma_start3A_1026, %dma_start3A_1032] : memref<2x40x128xi32, #tpu.memory_space<vmem>> -> memref<1x1x128xi32, #tpu.memory_space<vmem>>
        %dma_start3A_1034 = tpu.memref_squeeze %dma_start3A_1033 : memref<1x1x128xi32, #tpu.memory_space<vmem>> -> memref<128xi32, #tpu.memory_space<vmem>>
        %dma_start3A_1035 = arith.constant 0 : i32
        %dma_start3A_1036 = arith.constant 0 : i32
        %dma_start3A_1037 = tpu.memref_slice %arg2[%dma_start3A_1035, %dma_start3A_1036] : memref<87040x16xi32, #tpu.memory_space<hbm>> -> memref<87040x16xi32, #tpu.memory_space<hbm>>
        tpu.enqueue_indirect_dma source(%dma_start3A_1037 : memref<87040x16xi32, #tpu.memory_space<hbm>>) target(%dma_start3A_1031 : memref<128x16xi32, #tpu.memory_space<vmem>>) offsets(%dma_start3A_1034 : memref<128xi32, #tpu.memory_space<vmem>>) semaphore(%arg8 : memref<!tpu.dma_semaphore, #tpu.memory_space<semaphore_mem>>)
        %dma_start3A_1038 = arith.constant 0 : i32
        %dma_start3A_1039 = arith.constant 9 : i32
        %dma_start3A_1040 = arith.constant 0 : i32
        %dma_start3A_1041 = arith.constant 640 : i32
        %dma_start3A_1042 = arith.constant 0 : i32
        %dma_start3A_1043 = tpu.memref_slice %arg6[%dma_start3A_1040, %dma_start3A_1041, %dma_start3A_1042] : memref<2x2560x16xi32, #tpu.memory_space<vmem>> -> memref<1x128x16xi32, #tpu.memory_space<vmem>>
        %dma_start3A_1044 = tpu.memref_squeeze %dma_start3A_1043 : memref<1x128x16xi32, #tpu.memory_space<vmem>> -> memref<128x16xi32, #tpu.memory_space<vmem>>
        %dma_start3A_1045 = arith.constant 0 : i32
        %dma_start3A_1046 = tpu.memref_slice %arg5[%dma_start3A_1038, %dma_start3A_1039, %dma_start3A_1045] : memref<2x40x128xi32, #tpu.memory_space<vmem>> -> memref<1x1x128xi32, #tpu.memory_space<vmem>>
        %dma_start3A_1047 = tpu.memref_squeeze %dma_start3A_1046 : memref<1x1x128xi32, #tpu.memory_space<vmem>> -> memref<128xi32, #tpu.memory_space<vmem>>
        %dma_start3A_1048 = arith.constant 0 : i32
        %dma_start3A_1049 = arith.constant 0 : i32
        %dma_start3A_1050 = tpu.memref_slice %arg2[%dma_start3A_1048, %dma_start3A_1049] : memref<87040x16xi32, #tpu.memory_space<hbm>> -> memref<87040x16xi32, #tpu.memory_space<hbm>>
        tpu.enqueue_indirect_dma source(%dma_start3A_1050 : memref<87040x16xi32, #tpu.memory_space<hbm>>) target(%dma_start3A_1044 : memref<128x16xi32, #tpu.memory_space<vmem>>) offsets(%dma_start3A_1047 : memref<128xi32, #tpu.memory_space<vmem>>) semaphore(%arg8 : memref<!tpu.dma_semaphore, #tpu.memory_space<semaphore_mem>>)
        %dma_start3A_1051 = arith.constant 0 : i32
        %dma_start3A_1052 = arith.constant 10 : i32
        %dma_start3A_1053 = arith.constant 0 : i32
        %dma_start3A_1054 = arith.constant 768 : i32
        %dma_start3A_1055 = arith.constant 0 : i32
        %dma_start3A_1056 = tpu.memref_slice %arg6[%dma_start3A_1053, %dma_start3A_1054, %dma_start3A_1055] : memref<2x2560x16xi32, #tpu.memory_space<vmem>> -> memref<1x128x16xi32, #tpu.memory_space<vmem>>
        %dma_start3A_1057 = tpu.memref_squeeze %dma_start3A_1056 : memref<1x128x16xi32, #tpu.memory_space<vmem>> -> memref<128x16xi32, #tpu.memory_space<vmem>>
        %dma_start3A_1058 = arith.constant 0 : i32
        %dma_start3A_1059 = tpu.memref_slice %arg5[%dma_start3A_1051, %dma_start3A_1052, %dma_start3A_1058] : memref<2x40x128xi32, #tpu.memory_space<vmem>> -> memref<1x1x128xi32, #tpu.memory_space<vmem>>
        %dma_start3A_1060 = tpu.memref_squeeze %dma_start3A_1059 : memref<1x1x128xi32, #tpu.memory_space<vmem>> -> memref<128xi32, #tpu.memory_space<vmem>>
        %dma_start3A_1061 = arith.constant 0 : i32
        %dma_start3A_1062 = arith.constant 0 : i32
        %dma_start3A_1063 = tpu.memref_slice %arg2[%dma_start3A_1061, %dma_start3A_1062] : memref<87040x16xi32, #tpu.memory_space<hbm>> -> memref<87040x16xi32, #tpu.memory_space<hbm>>
        tpu.enqueue_indirect_dma source(%dma_start3A_1063 : memref<87040x16xi32, #tpu.memory_space<hbm>>) target(%dma_start3A_1057 : memref<128x16xi32, #tpu.memory_space<vmem>>) offsets(%dma_start3A_1060 : memref<128xi32, #tpu.memory_space<vmem>>) semaphore(%arg8 : memref<!tpu.dma_semaphore, #tpu.memory_space<semaphore_mem>>)
        %dma_start3A_1064 = arith.constant 0 : i32
        %dma_start3A_1065 = arith.constant 11 : i32
        %dma_start3A_1066 = arith.constant 0 : i32
        %dma_start3A_1067 = arith.constant 896 : i32
        %dma_start3A_1068 = arith.constant 0 : i32
        %dma_start3A_1069 = tpu.memref_slice %arg6[%dma_start3A_1066, %dma_start3A_1067, %dma_start3A_1068] : memref<2x2560x16xi32, #tpu.memory_space<vmem>> -> memref<1x128x16xi32, #tpu.memory_space<vmem>>
        %dma_start3A_1070 = tpu.memref_squeeze %dma_start3A_1069 : memref<1x128x16xi32, #tpu.memory_space<vmem>> -> memref<128x16xi32, #tpu.memory_space<vmem>>
        %dma_start3A_1071 = arith.constant 0 : i32
        %dma_start3A_1072 = tpu.memref_slice %arg5[%dma_start3A_1064, %dma_start3A_1065, %dma_start3A_1071] : memref<2x40x128xi32, #tpu.memory_space<vmem>> -> memref<1x1x128xi32, #tpu.memory_space<vmem>>
        %dma_start3A_1073 = tpu.memref_squeeze %dma_start3A_1072 : memref<1x1x128xi32, #tpu.memory_space<vmem>> -> memref<128xi32, #tpu.memory_space<vmem>>
        %dma_start3A_1074 = arith.constant 0 : i32
        %dma_start3A_1075 = arith.constant 0 : i32
        %dma_start3A_1076 = tpu.memref_slice %arg2[%dma_start3A_1074, %dma_start3A_1075] : memref<87040x16xi32, #tpu.memory_space<hbm>> -> memref<87040x16xi32, #tpu.memory_space<hbm>>
        tpu.enqueue_indirect_dma source(%dma_start3A_1076 : memref<87040x16xi32, #tpu.memory_space<hbm>>) target(%dma_start3A_1070 : memref<128x16xi32, #tpu.memory_space<vmem>>) offsets(%dma_start3A_1073 : memref<128xi32, #tpu.memory_space<vmem>>) semaphore(%arg8 : memref<!tpu.dma_semaphore, #tpu.memory_space<semaphore_mem>>)
        %dma_start3A_1077 = arith.constant 0 : i32
        %dma_start3A_1078 = arith.constant 16 : i32
        %dma_start3A_1079 = arith.constant 0 : i32
        %dma_start3A_1080 = arith.constant 1024 : i32
        %dma_start3A_1081 = arith.constant 0 : i32
        %dma_start3A_1082 = tpu.memref_slice %arg6[%dma_start3A_1079, %dma_start3A_1080, %dma_start3A_1081] : memref<2x2560x16xi32, #tpu.memory_space<vmem>> -> memref<1x128x16xi32, #tpu.memory_space<vmem>>
        %dma_start3A_1083 = tpu.memref_squeeze %dma_start3A_1082 : memref<1x128x16xi32, #tpu.memory_space<vmem>> -> memref<128x16xi32, #tpu.memory_space<vmem>>
        %dma_start3A_1084 = arith.constant 0 : i32
        %dma_start3A_1085 = tpu.memref_slice %arg5[%dma_start3A_1077, %dma_start3A_1078, %dma_start3A_1084] : memref<2x40x128xi32, #tpu.memory_space<vmem>> -> memref<1x1x128xi32, #tpu.memory_space<vmem>>
        %dma_start3A_1086 = tpu.memref_squeeze %dma_start3A_1085 : memref<1x1x128xi32, #tpu.memory_space<vmem>> -> memref<128xi32, #tpu.memory_space<vmem>>
        %dma_start3A_1087 = arith.constant 0 : i32
        %dma_start3A_1088 = arith.constant 0 : i32
        %dma_start3A_1089 = tpu.memref_slice %arg2[%dma_start3A_1087, %dma_start3A_1088] : memref<87040x16xi32, #tpu.memory_space<hbm>> -> memref<87040x16xi32, #tpu.memory_space<hbm>>
        tpu.enqueue_indirect_dma source(%dma_start3A_1089 : memref<87040x16xi32, #tpu.memory_space<hbm>>) target(%dma_start3A_1083 : memref<128x16xi32, #tpu.memory_space<vmem>>) offsets(%dma_start3A_1086 : memref<128xi32, #tpu.memory_space<vmem>>) semaphore(%arg8 : memref<!tpu.dma_semaphore, #tpu.memory_space<semaphore_mem>>)
        %dma_start3A_1090 = arith.constant 0 : i32
        %dma_start3A_1091 = arith.constant 17 : i32
        %dma_start3A_1092 = arith.constant 0 : i32
        %dma_start3A_1093 = arith.constant 1152 : i32
        %dma_start3A_1094 = arith.constant 0 : i32
        %dma_start3A_1095 = tpu.memref_slice %arg6[%dma_start3A_1092, %dma_start3A_1093, %dma_start3A_1094] : memref<2x2560x16xi32, #tpu.memory_space<vmem>> -> memref<1x128x16xi32, #tpu.memory_space<vmem>>
        %dma_start3A_1096 = tpu.memref_squeeze %dma_start3A_1095 : memref<1x128x16xi32, #tpu.memory_space<vmem>> -> memref<128x16xi32, #tpu.memory_space<vmem>>
        %dma_start3A_1097 = arith.constant 0 : i32
        %dma_start3A_1098 = tpu.memref_slice %arg5[%dma_start3A_1090, %dma_start3A_1091, %dma_start3A_1097] : memref<2x40x128xi32, #tpu.memory_space<vmem>> -> memref<1x1x128xi32, #tpu.memory_space<vmem>>
        %dma_start3A_1099 = tpu.memref_squeeze %dma_start3A_1098 : memref<1x1x128xi32, #tpu.memory_space<vmem>> -> memref<128xi32, #tpu.memory_space<vmem>>
        %dma_start3A_1100 = arith.constant 0 : i32
        %dma_start3A_1101 = arith.constant 0 : i32
        %dma_start3A_1102 = tpu.memref_slice %arg2[%dma_start3A_1100, %dma_start3A_1101] : memref<87040x16xi32, #tpu.memory_space<hbm>> -> memref<87040x16xi32, #tpu.memory_space<hbm>>
        tpu.enqueue_indirect_dma source(%dma_start3A_1102 : memref<87040x16xi32, #tpu.memory_space<hbm>>) target(%dma_start3A_1096 : memref<128x16xi32, #tpu.memory_space<vmem>>) offsets(%dma_start3A_1099 : memref<128xi32, #tpu.memory_space<vmem>>) semaphore(%arg8 : memref<!tpu.dma_semaphore, #tpu.memory_space<semaphore_mem>>)
        %dma_start3A_1103 = arith.constant 0 : i32
        %dma_start3A_1104 = arith.constant 18 : i32
        %dma_start3A_1105 = arith.constant 0 : i32
        %dma_start3A_1106 = arith.constant 1280 : i32
        %dma_start3A_1107 = arith.constant 0 : i32
        %dma_start3A_1108 = tpu.memref_slice %arg6[%dma_start3A_1105, %dma_start3A_1106, %dma_start3A_1107] : memref<2x2560x16xi32, #tpu.memory_space<vmem>> -> memref<1x128x16xi32, #tpu.memory_space<vmem>>
        %dma_start3A_1109 = tpu.memref_squeeze %dma_start3A_1108 : memref<1x128x16xi32, #tpu.memory_space<vmem>> -> memref<128x16xi32, #tpu.memory_space<vmem>>
        %dma_start3A_1110 = arith.constant 0 : i32
        %dma_start3A_1111 = tpu.memref_slice %arg5[%dma_start3A_1103, %dma_start3A_1104, %dma_start3A_1110] : memref<2x40x128xi32, #tpu.memory_space<vmem>> -> memref<1x1x128xi32, #tpu.memory_space<vmem>>
        %dma_start3A_1112 = tpu.memref_squeeze %dma_start3A_1111 : memref<1x1x128xi32, #tpu.memory_space<vmem>> -> memref<128xi32, #tpu.memory_space<vmem>>
        %dma_start3A_1113 = arith.constant 0 : i32
        %dma_start3A_1114 = arith.constant 0 : i32
        %dma_start3A_1115 = tpu.memref_slice %arg2[%dma_start3A_1113, %dma_start3A_1114] : memref<87040x16xi32, #tpu.memory_space<hbm>> -> memref<87040x16xi32, #tpu.memory_space<hbm>>
        tpu.enqueue_indirect_dma source(%dma_start3A_1115 : memref<87040x16xi32, #tpu.memory_space<hbm>>) target(%dma_start3A_1109 : memref<128x16xi32, #tpu.memory_space<vmem>>) offsets(%dma_start3A_1112 : memref<128xi32, #tpu.memory_space<vmem>>) semaphore(%arg8 : memref<!tpu.dma_semaphore, #tpu.memory_space<semaphore_mem>>)
        %dma_start3A_1116 = arith.constant 0 : i32
        %dma_start3A_1117 = arith.constant 19 : i32
        %dma_start3A_1118 = arith.constant 0 : i32
        %dma_start3A_1119 = arith.constant 1408 : i32
        %dma_start3A_1120 = arith.constant 0 : i32
        %dma_start3A_1121 = tpu.memref_slice %arg6[%dma_start3A_1118, %dma_start3A_1119, %dma_start3A_1120] : memref<2x2560x16xi32, #tpu.memory_space<vmem>> -> memref<1x128x16xi32, #tpu.memory_space<vmem>>
        %dma_start3A_1122 = tpu.memref_squeeze %dma_start3A_1121 : memref<1x128x16xi32, #tpu.memory_space<vmem>> -> memref<128x16xi32, #tpu.memory_space<vmem>>
        %dma_start3A_1123 = arith.constant 0 : i32
        %dma_start3A_1124 = tpu.memref_slice %arg5[%dma_start3A_1116, %dma_start3A_1117, %dma_start3A_1123] : memref<2x40x128xi32, #tpu.memory_space<vmem>> -> memref<1x1x128xi32, #tpu.memory_space<vmem>>
        %dma_start3A_1125 = tpu.memref_squeeze %dma_start3A_1124 : memref<1x1x128xi32, #tpu.memory_space<vmem>> -> memref<128xi32, #tpu.memory_space<vmem>>
        %dma_start3A_1126 = arith.constant 0 : i32
        %dma_start3A_1127 = arith.constant 0 : i32
        %dma_start3A_1128 = tpu.memref_slice %arg2[%dma_start3A_1126, %dma_start3A_1127] : memref<87040x16xi32, #tpu.memory_space<hbm>> -> memref<87040x16xi32, #tpu.memory_space<hbm>>
        tpu.enqueue_indirect_dma source(%dma_start3A_1128 : memref<87040x16xi32, #tpu.memory_space<hbm>>) target(%dma_start3A_1122 : memref<128x16xi32, #tpu.memory_space<vmem>>) offsets(%dma_start3A_1125 : memref<128xi32, #tpu.memory_space<vmem>>) semaphore(%arg8 : memref<!tpu.dma_semaphore, #tpu.memory_space<semaphore_mem>>)
        %dma_start3A_1129 = arith.constant 0 : i32
        %dma_start3A_1130 = arith.constant 24 : i32
        %dma_start3A_1131 = arith.constant 0 : i32
        %dma_start3A_1132 = arith.constant 1536 : i32
        %dma_start3A_1133 = arith.constant 0 : i32
        %dma_start3A_1134 = tpu.memref_slice %arg6[%dma_start3A_1131, %dma_start3A_1132, %dma_start3A_1133] : memref<2x2560x16xi32, #tpu.memory_space<vmem>> -> memref<1x128x16xi32, #tpu.memory_space<vmem>>
        %dma_start3A_1135 = tpu.memref_squeeze %dma_start3A_1134 : memref<1x128x16xi32, #tpu.memory_space<vmem>> -> memref<128x16xi32, #tpu.memory_space<vmem>>
        %dma_start3A_1136 = arith.constant 0 : i32
        %dma_start3A_1137 = tpu.memref_slice %arg5[%dma_start3A_1129, %dma_start3A_1130, %dma_start3A_1136] : memref<2x40x128xi32, #tpu.memory_space<vmem>> -> memref<1x1x128xi32, #tpu.memory_space<vmem>>
        %dma_start3A_1138 = tpu.memref_squeeze %dma_start3A_1137 : memref<1x1x128xi32, #tpu.memory_space<vmem>> -> memref<128xi32, #tpu.memory_space<vmem>>
        %dma_start3A_1139 = arith.constant 0 : i32
        %dma_start3A_1140 = arith.constant 0 : i32
        %dma_start3A_1141 = tpu.memref_slice %arg2[%dma_start3A_1139, %dma_start3A_1140] : memref<87040x16xi32, #tpu.memory_space<hbm>> -> memref<87040x16xi32, #tpu.memory_space<hbm>>
        tpu.enqueue_indirect_dma source(%dma_start3A_1141 : memref<87040x16xi32, #tpu.memory_space<hbm>>) target(%dma_start3A_1135 : memref<128x16xi32, #tpu.memory_space<vmem>>) offsets(%dma_start3A_1138 : memref<128xi32, #tpu.memory_space<vmem>>) semaphore(%arg8 : memref<!tpu.dma_semaphore, #tpu.memory_space<semaphore_mem>>)
        %dma_start3A_1142 = arith.constant 0 : i32
        %dma_start3A_1143 = arith.constant 25 : i32
        %dma_start3A_1144 = arith.constant 0 : i32
        %dma_start3A_1145 = arith.constant 1664 : i32
        %dma_start3A_1146 = arith.constant 0 : i32
        %dma_start3A_1147 = tpu.memref_slice %arg6[%dma_start3A_1144, %dma_start3A_1145, %dma_start3A_1146] : memref<2x2560x16xi32, #tpu.memory_space<vmem>> -> memref<1x128x16xi32, #tpu.memory_space<vmem>>
        %dma_start3A_1148 = tpu.memref_squeeze %dma_start3A_1147 : memref<1x128x16xi32, #tpu.memory_space<vmem>> -> memref<128x16xi32, #tpu.memory_space<vmem>>
        %dma_start3A_1149 = arith.constant 0 : i32
        %dma_start3A_1150 = tpu.memref_slice %arg5[%dma_start3A_1142, %dma_start3A_1143, %dma_start3A_1149] : memref<2x40x128xi32, #tpu.memory_space<vmem>> -> memref<1x1x128xi32, #tpu.memory_space<vmem>>
        %dma_start3A_1151 = tpu.memref_squeeze %dma_start3A_1150 : memref<1x1x128xi32, #tpu.memory_space<vmem>> -> memref<128xi32, #tpu.memory_space<vmem>>
        %dma_start3A_1152 = arith.constant 0 : i32
        %dma_start3A_1153 = arith.constant 0 : i32
        %dma_start3A_1154 = tpu.memref_slice %arg2[%dma_start3A_1152, %dma_start3A_1153] : memref<87040x16xi32, #tpu.memory_space<hbm>> -> memref<87040x16xi32, #tpu.memory_space<hbm>>
        tpu.enqueue_indirect_dma source(%dma_start3A_1154 : memref<87040x16xi32, #tpu.memory_space<hbm>>) target(%dma_start3A_1148 : memref<128x16xi32, #tpu.memory_space<vmem>>) offsets(%dma_start3A_1151 : memref<128xi32, #tpu.memory_space<vmem>>) semaphore(%arg8 : memref<!tpu.dma_semaphore, #tpu.memory_space<semaphore_mem>>)
        %dma_start3A_1155 = arith.constant 0 : i32
        %dma_start3A_1156 = arith.constant 26 : i32
        %dma_start3A_1157 = arith.constant 0 : i32
        %dma_start3A_1158 = arith.constant 1792 : i32
        %dma_start3A_1159 = arith.constant 0 : i32
        %dma_start3A_1160 = tpu.memref_slice %arg6[%dma_start3A_1157, %dma_start3A_1158, %dma_start3A_1159] : memref<2x2560x16xi32, #tpu.memory_space<vmem>> -> memref<1x128x16xi32, #tpu.memory_space<vmem>>
        %dma_start3A_1161 = tpu.memref_squeeze %dma_start3A_1160 : memref<1x128x16xi32, #tpu.memory_space<vmem>> -> memref<128x16xi32, #tpu.memory_space<vmem>>
        %dma_start3A_1162 = arith.constant 0 : i32
        %dma_start3A_1163 = tpu.memref_slice %arg5[%dma_start3A_1155, %dma_start3A_1156, %dma_start3A_1162] : memref<2x40x128xi32, #tpu.memory_space<vmem>> -> memref<1x1x128xi32, #tpu.memory_space<vmem>>
        %dma_start3A_1164 = tpu.memref_squeeze %dma_start3A_1163 : memref<1x1x128xi32, #tpu.memory_space<vmem>> -> memref<128xi32, #tpu.memory_space<vmem>>
        %dma_start3A_1165 = arith.constant 0 : i32
        %dma_start3A_1166 = arith.constant 0 : i32
        %dma_start3A_1167 = tpu.memref_slice %arg2[%dma_start3A_1165, %dma_start3A_1166] : memref<87040x16xi32, #tpu.memory_space<hbm>> -> memref<87040x16xi32, #tpu.memory_space<hbm>>
        tpu.enqueue_indirect_dma source(%dma_start3A_1167 : memref<87040x16xi32, #tpu.memory_space<hbm>>) target(%dma_start3A_1161 : memref<128x16xi32, #tpu.memory_space<vmem>>) offsets(%dma_start3A_1164 : memref<128xi32, #tpu.memory_space<vmem>>) semaphore(%arg8 : memref<!tpu.dma_semaphore, #tpu.memory_space<semaphore_mem>>)
        %dma_start3A_1168 = arith.constant 0 : i32
        %dma_start3A_1169 = arith.constant 27 : i32
        %dma_start3A_1170 = arith.constant 0 : i32
        %dma_start3A_1171 = arith.constant 1920 : i32
        %dma_start3A_1172 = arith.constant 0 : i32
        %dma_start3A_1173 = tpu.memref_slice %arg6[%dma_start3A_1170, %dma_start3A_1171, %dma_start3A_1172] : memref<2x2560x16xi32, #tpu.memory_space<vmem>> -> memref<1x128x16xi32, #tpu.memory_space<vmem>>
        %dma_start3A_1174 = tpu.memref_squeeze %dma_start3A_1173 : memref<1x128x16xi32, #tpu.memory_space<vmem>> -> memref<128x16xi32, #tpu.memory_space<vmem>>
        %dma_start3A_1175 = arith.constant 0 : i32
        %dma_start3A_1176 = tpu.memref_slice %arg5[%dma_start3A_1168, %dma_start3A_1169, %dma_start3A_1175] : memref<2x40x128xi32, #tpu.memory_space<vmem>> -> memref<1x1x128xi32, #tpu.memory_space<vmem>>
        %dma_start3A_1177 = tpu.memref_squeeze %dma_start3A_1176 : memref<1x1x128xi32, #tpu.memory_space<vmem>> -> memref<128xi32, #tpu.memory_space<vmem>>
        %dma_start3A_1178 = arith.constant 0 : i32
        %dma_start3A_1179 = arith.constant 0 : i32
        %dma_start3A_1180 = tpu.memref_slice %arg2[%dma_start3A_1178, %dma_start3A_1179] : memref<87040x16xi32, #tpu.memory_space<hbm>> -> memref<87040x16xi32, #tpu.memory_space<hbm>>
        tpu.enqueue_indirect_dma source(%dma_start3A_1180 : memref<87040x16xi32, #tpu.memory_space<hbm>>) target(%dma_start3A_1174 : memref<128x16xi32, #tpu.memory_space<vmem>>) offsets(%dma_start3A_1177 : memref<128xi32, #tpu.memory_space<vmem>>) semaphore(%arg8 : memref<!tpu.dma_semaphore, #tpu.memory_space<semaphore_mem>>)
        %dma_start3A_1181 = arith.constant 0 : i32
        %dma_start3A_1182 = arith.constant 32 : i32
        %dma_start3A_1183 = arith.constant 0 : i32
        %dma_start3A_1184 = arith.constant 2048 : i32
        %dma_start3A_1185 = arith.constant 0 : i32
        %dma_start3A_1186 = tpu.memref_slice %arg6[%dma_start3A_1183, %dma_start3A_1184, %dma_start3A_1185] : memref<2x2560x16xi32, #tpu.memory_space<vmem>> -> memref<1x128x16xi32, #tpu.memory_space<vmem>>
        %dma_start3A_1187 = tpu.memref_squeeze %dma_start3A_1186 : memref<1x128x16xi32, #tpu.memory_space<vmem>> -> memref<128x16xi32, #tpu.memory_space<vmem>>
        %dma_start3A_1188 = arith.constant 0 : i32
        %dma_start3A_1189 = tpu.memref_slice %arg5[%dma_start3A_1181, %dma_start3A_1182, %dma_start3A_1188] : memref<2x40x128xi32, #tpu.memory_space<vmem>> -> memref<1x1x128xi32, #tpu.memory_space<vmem>>
        %dma_start3A_1190 = tpu.memref_squeeze %dma_start3A_1189 : memref<1x1x128xi32, #tpu.memory_space<vmem>> -> memref<128xi32, #tpu.memory_space<vmem>>
        %dma_start3A_1191 = arith.constant 0 : i32
        %dma_start3A_1192 = arith.constant 0 : i32
        %dma_start3A_1193 = tpu.memref_slice %arg2[%dma_start3A_1191, %dma_start3A_1192] : memref<87040x16xi32, #tpu.memory_space<hbm>> -> memref<87040x16xi32, #tpu.memory_space<hbm>>
        tpu.enqueue_indirect_dma source(%dma_start3A_1193 : memref<87040x16xi32, #tpu.memory_space<hbm>>) target(%dma_start3A_1187 : memref<128x16xi32, #tpu.memory_space<vmem>>) offsets(%dma_start3A_1190 : memref<128xi32, #tpu.memory_space<vmem>>) semaphore(%arg8 : memref<!tpu.dma_semaphore, #tpu.memory_space<semaphore_mem>>)
        %dma_start3A_1194 = arith.constant 0 : i32
        %dma_start3A_1195 = arith.constant 33 : i32
        %dma_start3A_1196 = arith.constant 0 : i32
        %dma_start3A_1197 = arith.constant 2176 : i32
        %dma_start3A_1198 = arith.constant 0 : i32
        %dma_start3A_1199 = tpu.memref_slice %arg6[%dma_start3A_1196, %dma_start3A_1197, %dma_start3A_1198] : memref<2x2560x16xi32, #tpu.memory_space<vmem>> -> memref<1x128x16xi32, #tpu.memory_space<vmem>>
        %dma_start3A_1200 = tpu.memref_squeeze %dma_start3A_1199 : memref<1x128x16xi32, #tpu.memory_space<vmem>> -> memref<128x16xi32, #tpu.memory_space<vmem>>
        %dma_start3A_1201 = arith.constant 0 : i32
        %dma_start3A_1202 = tpu.memref_slice %arg5[%dma_start3A_1194, %dma_start3A_1195, %dma_start3A_1201] : memref<2x40x128xi32, #tpu.memory_space<vmem>> -> memref<1x1x128xi32, #tpu.memory_space<vmem>>
        %dma_start3A_1203 = tpu.memref_squeeze %dma_start3A_1202 : memref<1x1x128xi32, #tpu.memory_space<vmem>> -> memref<128xi32, #tpu.memory_space<vmem>>
        %dma_start3A_1204 = arith.constant 0 : i32
        %dma_start3A_1205 = arith.constant 0 : i32
        %dma_start3A_1206 = tpu.memref_slice %arg2[%dma_start3A_1204, %dma_start3A_1205] : memref<87040x16xi32, #tpu.memory_space<hbm>> -> memref<87040x16xi32, #tpu.memory_space<hbm>>
        tpu.enqueue_indirect_dma source(%dma_start3A_1206 : memref<87040x16xi32, #tpu.memory_space<hbm>>) target(%dma_start3A_1200 : memref<128x16xi32, #tpu.memory_space<vmem>>) offsets(%dma_start3A_1203 : memref<128xi32, #tpu.memory_space<vmem>>) semaphore(%arg8 : memref<!tpu.dma_semaphore, #tpu.memory_space<semaphore_mem>>)
        %dma_start3A_1207 = arith.constant 0 : i32
        %dma_start3A_1208 = arith.constant 34 : i32
        %dma_start3A_1209 = arith.constant 0 : i32
        %dma_start3A_1210 = arith.constant 2304 : i32
        %dma_start3A_1211 = arith.constant 0 : i32
        %dma_start3A_1212 = tpu.memref_slice %arg6[%dma_start3A_1209, %dma_start3A_1210, %dma_start3A_1211] : memref<2x2560x16xi32, #tpu.memory_space<vmem>> -> memref<1x128x16xi32, #tpu.memory_space<vmem>>
        %dma_start3A_1213 = tpu.memref_squeeze %dma_start3A_1212 : memref<1x128x16xi32, #tpu.memory_space<vmem>> -> memref<128x16xi32, #tpu.memory_space<vmem>>
        %dma_start3A_1214 = arith.constant 0 : i32
        %dma_start3A_1215 = tpu.memref_slice %arg5[%dma_start3A_1207, %dma_start3A_1208, %dma_start3A_1214] : memref<2x40x128xi32, #tpu.memory_space<vmem>> -> memref<1x1x128xi32, #tpu.memory_space<vmem>>
        %dma_start3A_1216 = tpu.memref_squeeze %dma_start3A_1215 : memref<1x1x128xi32, #tpu.memory_space<vmem>> -> memref<128xi32, #tpu.memory_space<vmem>>
        %dma_start3A_1217 = arith.constant 0 : i32
        %dma_start3A_1218 = arith.constant 0 : i32
        %dma_start3A_1219 = tpu.memref_slice %arg2[%dma_start3A_1217, %dma_start3A_1218] : memref<87040x16xi32, #tpu.memory_space<hbm>> -> memref<87040x16xi32, #tpu.memory_space<hbm>>
        tpu.enqueue_indirect_dma source(%dma_start3A_1219 : memref<87040x16xi32, #tpu.memory_space<hbm>>) target(%dma_start3A_1213 : memref<128x16xi32, #tpu.memory_space<vmem>>) offsets(%dma_start3A_1216 : memref<128xi32, #tpu.memory_space<vmem>>) semaphore(%arg8 : memref<!tpu.dma_semaphore, #tpu.memory_space<semaphore_mem>>)
        %dma_start3A_1220 = arith.constant 0 : i32
        %dma_start3A_1221 = arith.constant 35 : i32
        %dma_start3A_1222 = arith.constant 0 : i32
        %dma_start3A_1223 = arith.constant 2432 : i32
        %dma_start3A_1224 = arith.constant 0 : i32
        %dma_start3A_1225 = tpu.memref_slice %arg6[%dma_start3A_1222, %dma_start3A_1223, %dma_start3A_1224] : memref<2x2560x16xi32, #tpu.memory_space<vmem>> -> memref<1x128x16xi32, #tpu.memory_space<vmem>>
        %dma_start3A_1226 = tpu.memref_squeeze %dma_start3A_1225 : memref<1x128x16xi32, #tpu.memory_space<vmem>> -> memref<128x16xi32, #tpu.memory_space<vmem>>
        %dma_start3A_1227 = arith.constant 0 : i32
        %dma_start3A_1228 = tpu.memref_slice %arg5[%dma_start3A_1220, %dma_start3A_1221, %dma_start3A_1227] : memref<2x40x128xi32, #tpu.memory_space<vmem>> -> memref<1x1x128xi32, #tpu.memory_space<vmem>>
        %dma_start3A_1229 = tpu.memref_squeeze %dma_start3A_1228 : memref<1x1x128xi32, #tpu.memory_space<vmem>> -> memref<128xi32, #tpu.memory_space<vmem>>
        %dma_start3A_1230 = arith.constant 0 : i32
        %dma_start3A_1231 = arith.constant 0 : i32
        %dma_start3A_1232 = tpu.memref_slice %arg2[%dma_start3A_1230, %dma_start3A_1231] : memref<87040x16xi32, #tpu.memory_space<hbm>> -> memref<87040x16xi32, #tpu.memory_space<hbm>>
        tpu.enqueue_indirect_dma source(%dma_start3A_1232 : memref<87040x16xi32, #tpu.memory_space<hbm>>) target(%dma_start3A_1226 : memref<128x16xi32, #tpu.memory_space<vmem>>) offsets(%dma_start3A_1229 : memref<128xi32, #tpu.memory_space<vmem>>) semaphore(%arg8 : memref<!tpu.dma_semaphore, #tpu.memory_space<semaphore_mem>>)
      } else {
      }
      %dma_wait3A_660 = arith.constant 1 : i32
      %dma_wait3A_661 = arith.constant 0 : i32
      %dma_wait3A_662 = arith.constant 1 : i32
      %dma_wait3A_663 = arith.constant 0 : i32
      %dma_wait3A_664 = arith.constant 0 : i32
      %dma_wait3A_665 = tpu.memref_slice %arg6[%dma_wait3A_662, %dma_wait3A_663, %dma_wait3A_664] : memref<2x2560x16xi32, #tpu.memory_space<vmem>> -> memref<1x128x16xi32, #tpu.memory_space<vmem>>
      %dma_wait3A_666 = tpu.memref_squeeze %dma_wait3A_665 : memref<1x128x16xi32, #tpu.memory_space<vmem>> -> memref<128x16xi32, #tpu.memory_space<vmem>>
      %dma_wait3A_667 = arith.constant 0 : i32
      %dma_wait3A_668 = tpu.memref_slice %arg5[%dma_wait3A_660, %dma_wait3A_661, %dma_wait3A_667] : memref<2x40x128xi32, #tpu.memory_space<vmem>> -> memref<1x1x128xi32, #tpu.memory_space<vmem>>
      %dma_wait3A_669 = tpu.memref_squeeze %dma_wait3A_668 : memref<1x1x128xi32, #tpu.memory_space<vmem>> -> memref<128xi32, #tpu.memory_space<vmem>>
      %dma_wait3A_670 = arith.constant 0 : i32
      %dma_wait3A_671 = arith.constant 0 : i32
      %dma_wait3A_672 = tpu.memref_slice %arg2[%dma_wait3A_670, %dma_wait3A_671] : memref<87040x16xi32, #tpu.memory_space<hbm>> -> memref<87040x16xi32, #tpu.memory_space<hbm>>
      tpu.wait_indirect_dma semaphore(%arg9 : memref<!tpu.dma_semaphore, #tpu.memory_space<semaphore_mem>>) src(%dma_wait3A_672 : memref<87040x16xi32, #tpu.memory_space<hbm>>) dst(%dma_wait3A_666 : memref<128x16xi32, #tpu.memory_space<vmem>>)
      %dma_wait3A_673 = arith.constant 1 : i32
      %dma_wait3A_674 = arith.constant 1 : i32
      %dma_wait3A_675 = arith.constant 1 : i32
      %dma_wait3A_676 = arith.constant 128 : i32
      %dma_wait3A_677 = arith.constant 0 : i32
      %dma_wait3A_678 = tpu.memref_slice %arg6[%dma_wait3A_675, %dma_wait3A_676, %dma_wait3A_677] : memref<2x2560x16xi32, #tpu.memory_space<vmem>> -> memref<1x128x16xi32, #tpu.memory_space<vmem>>
      %dma_wait3A_679 = tpu.memref_squeeze %dma_wait3A_678 : memref<1x128x16xi32, #tpu.memory_space<vmem>> -> memref<128x16xi32, #tpu.memory_space<vmem>>
      %dma_wait3A_680 = arith.constant 0 : i32
      %dma_wait3A_681 = tpu.memref_slice %arg5[%dma_wait3A_673, %dma_wait3A_674, %dma_wait3A_680] : memref<2x40x128xi32, #tpu.memory_space<vmem>> -> memref<1x1x128xi32, #tpu.memory_space<vmem>>
      %dma_wait3A_682 = tpu.memref_squeeze %dma_wait3A_681 : memref<1x1x128xi32, #tpu.memory_space<vmem>> -> memref<128xi32, #tpu.memory_space<vmem>>
      %dma_wait3A_683 = arith.constant 0 : i32
      %dma_wait3A_684 = arith.constant 0 : i32
      %dma_wait3A_685 = tpu.memref_slice %arg2[%dma_wait3A_683, %dma_wait3A_684] : memref<87040x16xi32, #tpu.memory_space<hbm>> -> memref<87040x16xi32, #tpu.memory_space<hbm>>
      tpu.wait_indirect_dma semaphore(%arg9 : memref<!tpu.dma_semaphore, #tpu.memory_space<semaphore_mem>>) src(%dma_wait3A_685 : memref<87040x16xi32, #tpu.memory_space<hbm>>) dst(%dma_wait3A_679 : memref<128x16xi32, #tpu.memory_space<vmem>>)
      %dma_wait3A_686 = arith.constant 1 : i32
      %dma_wait3A_687 = arith.constant 2 : i32
      %dma_wait3A_688 = arith.constant 1 : i32
      %dma_wait3A_689 = arith.constant 256 : i32
      %dma_wait3A_690 = arith.constant 0 : i32
      %dma_wait3A_691 = tpu.memref_slice %arg6[%dma_wait3A_688, %dma_wait3A_689, %dma_wait3A_690] : memref<2x2560x16xi32, #tpu.memory_space<vmem>> -> memref<1x128x16xi32, #tpu.memory_space<vmem>>
      %dma_wait3A_692 = tpu.memref_squeeze %dma_wait3A_691 : memref<1x128x16xi32, #tpu.memory_space<vmem>> -> memref<128x16xi32, #tpu.memory_space<vmem>>
      %dma_wait3A_693 = arith.constant 0 : i32
      %dma_wait3A_694 = tpu.memref_slice %arg5[%dma_wait3A_686, %dma_wait3A_687, %dma_wait3A_693] : memref<2x40x128xi32, #tpu.memory_space<vmem>> -> memref<1x1x128xi32, #tpu.memory_space<vmem>>
      %dma_wait3A_695 = tpu.memref_squeeze %dma_wait3A_694 : memref<1x1x128xi32, #tpu.memory_space<vmem>> -> memref<128xi32, #tpu.memory_space<vmem>>
      %dma_wait3A_696 = arith.constant 0 : i32
      %dma_wait3A_697 = arith.constant 0 : i32
      %dma_wait3A_698 = tpu.memref_slice %arg2[%dma_wait3A_696, %dma_wait3A_697] : memref<87040x16xi32, #tpu.memory_space<hbm>> -> memref<87040x16xi32, #tpu.memory_space<hbm>>
      tpu.wait_indirect_dma semaphore(%arg9 : memref<!tpu.dma_semaphore, #tpu.memory_space<semaphore_mem>>) src(%dma_wait3A_698 : memref<87040x16xi32, #tpu.memory_space<hbm>>) dst(%dma_wait3A_692 : memref<128x16xi32, #tpu.memory_space<vmem>>)
      %dma_wait3A_699 = arith.constant 1 : i32
      %dma_wait3A_700 = arith.constant 3 : i32
      %dma_wait3A_701 = arith.constant 1 : i32
      %dma_wait3A_702 = arith.constant 384 : i32
      %dma_wait3A_703 = arith.constant 0 : i32
      %dma_wait3A_704 = tpu.memref_slice %arg6[%dma_wait3A_701, %dma_wait3A_702, %dma_wait3A_703] : memref<2x2560x16xi32, #tpu.memory_space<vmem>> -> memref<1x128x16xi32, #tpu.memory_space<vmem>>
      %dma_wait3A_705 = tpu.memref_squeeze %dma_wait3A_704 : memref<1x128x16xi32, #tpu.memory_space<vmem>> -> memref<128x16xi32, #tpu.memory_space<vmem>>
      %dma_wait3A_706 = arith.constant 0 : i32
      %dma_wait3A_707 = tpu.memref_slice %arg5[%dma_wait3A_699, %dma_wait3A_700, %dma_wait3A_706] : memref<2x40x128xi32, #tpu.memory_space<vmem>> -> memref<1x1x128xi32, #tpu.memory_space<vmem>>
      %dma_wait3A_708 = tpu.memref_squeeze %dma_wait3A_707 : memref<1x1x128xi32, #tpu.memory_space<vmem>> -> memref<128xi32, #tpu.memory_space<vmem>>
      %dma_wait3A_709 = arith.constant 0 : i32
      %dma_wait3A_710 = arith.constant 0 : i32
      %dma_wait3A_711 = tpu.memref_slice %arg2[%dma_wait3A_709, %dma_wait3A_710] : memref<87040x16xi32, #tpu.memory_space<hbm>> -> memref<87040x16xi32, #tpu.memory_space<hbm>>
      tpu.wait_indirect_dma semaphore(%arg9 : memref<!tpu.dma_semaphore, #tpu.memory_space<semaphore_mem>>) src(%dma_wait3A_711 : memref<87040x16xi32, #tpu.memory_space<hbm>>) dst(%dma_wait3A_705 : memref<128x16xi32, #tpu.memory_space<vmem>>)
      %dma_wait3A_712 = arith.constant 1 : i32
      %dma_wait3A_713 = arith.constant 8 : i32
      %dma_wait3A_714 = arith.constant 1 : i32
      %dma_wait3A_715 = arith.constant 512 : i32
      %dma_wait3A_716 = arith.constant 0 : i32
      %dma_wait3A_717 = tpu.memref_slice %arg6[%dma_wait3A_714, %dma_wait3A_715, %dma_wait3A_716] : memref<2x2560x16xi32, #tpu.memory_space<vmem>> -> memref<1x128x16xi32, #tpu.memory_space<vmem>>
      %dma_wait3A_718 = tpu.memref_squeeze %dma_wait3A_717 : memref<1x128x16xi32, #tpu.memory_space<vmem>> -> memref<128x16xi32, #tpu.memory_space<vmem>>
      %dma_wait3A_719 = arith.constant 0 : i32
      %dma_wait3A_720 = tpu.memref_slice %arg5[%dma_wait3A_712, %dma_wait3A_713, %dma_wait3A_719] : memref<2x40x128xi32, #tpu.memory_space<vmem>> -> memref<1x1x128xi32, #tpu.memory_space<vmem>>
      %dma_wait3A_721 = tpu.memref_squeeze %dma_wait3A_720 : memref<1x1x128xi32, #tpu.memory_space<vmem>> -> memref<128xi32, #tpu.memory_space<vmem>>
      %dma_wait3A_722 = arith.constant 0 : i32
      %dma_wait3A_723 = arith.constant 0 : i32
      %dma_wait3A_724 = tpu.memref_slice %arg2[%dma_wait3A_722, %dma_wait3A_723] : memref<87040x16xi32, #tpu.memory_space<hbm>> -> memref<87040x16xi32, #tpu.memory_space<hbm>>
      tpu.wait_indirect_dma semaphore(%arg9 : memref<!tpu.dma_semaphore, #tpu.memory_space<semaphore_mem>>) src(%dma_wait3A_724 : memref<87040x16xi32, #tpu.memory_space<hbm>>) dst(%dma_wait3A_718 : memref<128x16xi32, #tpu.memory_space<vmem>>)
      %dma_wait3A_725 = arith.constant 1 : i32
      %dma_wait3A_726 = arith.constant 9 : i32
      %dma_wait3A_727 = arith.constant 1 : i32
      %dma_wait3A_728 = arith.constant 640 : i32
      %dma_wait3A_729 = arith.constant 0 : i32
      %dma_wait3A_730 = tpu.memref_slice %arg6[%dma_wait3A_727, %dma_wait3A_728, %dma_wait3A_729] : memref<2x2560x16xi32, #tpu.memory_space<vmem>> -> memref<1x128x16xi32, #tpu.memory_space<vmem>>
      %dma_wait3A_731 = tpu.memref_squeeze %dma_wait3A_730 : memref<1x128x16xi32, #tpu.memory_space<vmem>> -> memref<128x16xi32, #tpu.memory_space<vmem>>
      %dma_wait3A_732 = arith.constant 0 : i32
      %dma_wait3A_733 = tpu.memref_slice %arg5[%dma_wait3A_725, %dma_wait3A_726, %dma_wait3A_732] : memref<2x40x128xi32, #tpu.memory_space<vmem>> -> memref<1x1x128xi32, #tpu.memory_space<vmem>>
      %dma_wait3A_734 = tpu.memref_squeeze %dma_wait3A_733 : memref<1x1x128xi32, #tpu.memory_space<vmem>> -> memref<128xi32, #tpu.memory_space<vmem>>
      %dma_wait3A_735 = arith.constant 0 : i32
      %dma_wait3A_736 = arith.constant 0 : i32
      %dma_wait3A_737 = tpu.memref_slice %arg2[%dma_wait3A_735, %dma_wait3A_736] : memref<87040x16xi32, #tpu.memory_space<hbm>> -> memref<87040x16xi32, #tpu.memory_space<hbm>>
      tpu.wait_indirect_dma semaphore(%arg9 : memref<!tpu.dma_semaphore, #tpu.memory_space<semaphore_mem>>) src(%dma_wait3A_737 : memref<87040x16xi32, #tpu.memory_space<hbm>>) dst(%dma_wait3A_731 : memref<128x16xi32, #tpu.memory_space<vmem>>)
      %dma_wait3A_738 = arith.constant 1 : i32
      %dma_wait3A_739 = arith.constant 10 : i32
      %dma_wait3A_740 = arith.constant 1 : i32
      %dma_wait3A_741 = arith.constant 768 : i32
      %dma_wait3A_742 = arith.constant 0 : i32
      %dma_wait3A_743 = tpu.memref_slice %arg6[%dma_wait3A_740, %dma_wait3A_741, %dma_wait3A_742] : memref<2x2560x16xi32, #tpu.memory_space<vmem>> -> memref<1x128x16xi32, #tpu.memory_space<vmem>>
      %dma_wait3A_744 = tpu.memref_squeeze %dma_wait3A_743 : memref<1x128x16xi32, #tpu.memory_space<vmem>> -> memref<128x16xi32, #tpu.memory_space<vmem>>
      %dma_wait3A_745 = arith.constant 0 : i32
      %dma_wait3A_746 = tpu.memref_slice %arg5[%dma_wait3A_738, %dma_wait3A_739, %dma_wait3A_745] : memref<2x40x128xi32, #tpu.memory_space<vmem>> -> memref<1x1x128xi32, #tpu.memory_space<vmem>>
      %dma_wait3A_747 = tpu.memref_squeeze %dma_wait3A_746 : memref<1x1x128xi32, #tpu.memory_space<vmem>> -> memref<128xi32, #tpu.memory_space<vmem>>
      %dma_wait3A_748 = arith.constant 0 : i32
      %dma_wait3A_749 = arith.constant 0 : i32
      %dma_wait3A_750 = tpu.memref_slice %arg2[%dma_wait3A_748, %dma_wait3A_749] : memref<87040x16xi32, #tpu.memory_space<hbm>> -> memref<87040x16xi32, #tpu.memory_space<hbm>>
      tpu.wait_indirect_dma semaphore(%arg9 : memref<!tpu.dma_semaphore, #tpu.memory_space<semaphore_mem>>) src(%dma_wait3A_750 : memref<87040x16xi32, #tpu.memory_space<hbm>>) dst(%dma_wait3A_744 : memref<128x16xi32, #tpu.memory_space<vmem>>)
      %dma_wait3A_751 = arith.constant 1 : i32
      %dma_wait3A_752 = arith.constant 11 : i32
      %dma_wait3A_753 = arith.constant 1 : i32
      %dma_wait3A_754 = arith.constant 896 : i32
      %dma_wait3A_755 = arith.constant 0 : i32
      %dma_wait3A_756 = tpu.memref_slice %arg6[%dma_wait3A_753, %dma_wait3A_754, %dma_wait3A_755] : memref<2x2560x16xi32, #tpu.memory_space<vmem>> -> memref<1x128x16xi32, #tpu.memory_space<vmem>>
      %dma_wait3A_757 = tpu.memref_squeeze %dma_wait3A_756 : memref<1x128x16xi32, #tpu.memory_space<vmem>> -> memref<128x16xi32, #tpu.memory_space<vmem>>
      %dma_wait3A_758 = arith.constant 0 : i32
      %dma_wait3A_759 = tpu.memref_slice %arg5[%dma_wait3A_751, %dma_wait3A_752, %dma_wait3A_758] : memref<2x40x128xi32, #tpu.memory_space<vmem>> -> memref<1x1x128xi32, #tpu.memory_space<vmem>>
      %dma_wait3A_760 = tpu.memref_squeeze %dma_wait3A_759 : memref<1x1x128xi32, #tpu.memory_space<vmem>> -> memref<128xi32, #tpu.memory_space<vmem>>
      %dma_wait3A_761 = arith.constant 0 : i32
      %dma_wait3A_762 = arith.constant 0 : i32
      %dma_wait3A_763 = tpu.memref_slice %arg2[%dma_wait3A_761, %dma_wait3A_762] : memref<87040x16xi32, #tpu.memory_space<hbm>> -> memref<87040x16xi32, #tpu.memory_space<hbm>>
      tpu.wait_indirect_dma semaphore(%arg9 : memref<!tpu.dma_semaphore, #tpu.memory_space<semaphore_mem>>) src(%dma_wait3A_763 : memref<87040x16xi32, #tpu.memory_space<hbm>>) dst(%dma_wait3A_757 : memref<128x16xi32, #tpu.memory_space<vmem>>)
      %dma_wait3A_764 = arith.constant 1 : i32
      %dma_wait3A_765 = arith.constant 16 : i32
      %dma_wait3A_766 = arith.constant 1 : i32
      %dma_wait3A_767 = arith.constant 1024 : i32
      %dma_wait3A_768 = arith.constant 0 : i32
      %dma_wait3A_769 = tpu.memref_slice %arg6[%dma_wait3A_766, %dma_wait3A_767, %dma_wait3A_768] : memref<2x2560x16xi32, #tpu.memory_space<vmem>> -> memref<1x128x16xi32, #tpu.memory_space<vmem>>
      %dma_wait3A_770 = tpu.memref_squeeze %dma_wait3A_769 : memref<1x128x16xi32, #tpu.memory_space<vmem>> -> memref<128x16xi32, #tpu.memory_space<vmem>>
      %dma_wait3A_771 = arith.constant 0 : i32
      %dma_wait3A_772 = tpu.memref_slice %arg5[%dma_wait3A_764, %dma_wait3A_765, %dma_wait3A_771] : memref<2x40x128xi32, #tpu.memory_space<vmem>> -> memref<1x1x128xi32, #tpu.memory_space<vmem>>
      %dma_wait3A_773 = tpu.memref_squeeze %dma_wait3A_772 : memref<1x1x128xi32, #tpu.memory_space<vmem>> -> memref<128xi32, #tpu.memory_space<vmem>>
      %dma_wait3A_774 = arith.constant 0 : i32
      %dma_wait3A_775 = arith.constant 0 : i32
      %dma_wait3A_776 = tpu.memref_slice %arg2[%dma_wait3A_774, %dma_wait3A_775] : memref<87040x16xi32, #tpu.memory_space<hbm>> -> memref<87040x16xi32, #tpu.memory_space<hbm>>
      tpu.wait_indirect_dma semaphore(%arg9 : memref<!tpu.dma_semaphore, #tpu.memory_space<semaphore_mem>>) src(%dma_wait3A_776 : memref<87040x16xi32, #tpu.memory_space<hbm>>) dst(%dma_wait3A_770 : memref<128x16xi32, #tpu.memory_space<vmem>>)
      %dma_wait3A_777 = arith.constant 1 : i32
      %dma_wait3A_778 = arith.constant 17 : i32
      %dma_wait3A_779 = arith.constant 1 : i32
      %dma_wait3A_780 = arith.constant 1152 : i32
      %dma_wait3A_781 = arith.constant 0 : i32
      %dma_wait3A_782 = tpu.memref_slice %arg6[%dma_wait3A_779, %dma_wait3A_780, %dma_wait3A_781] : memref<2x2560x16xi32, #tpu.memory_space<vmem>> -> memref<1x128x16xi32, #tpu.memory_space<vmem>>
      %dma_wait3A_783 = tpu.memref_squeeze %dma_wait3A_782 : memref<1x128x16xi32, #tpu.memory_space<vmem>> -> memref<128x16xi32, #tpu.memory_space<vmem>>
      %dma_wait3A_784 = arith.constant 0 : i32
      %dma_wait3A_785 = tpu.memref_slice %arg5[%dma_wait3A_777, %dma_wait3A_778, %dma_wait3A_784] : memref<2x40x128xi32, #tpu.memory_space<vmem>> -> memref<1x1x128xi32, #tpu.memory_space<vmem>>
      %dma_wait3A_786 = tpu.memref_squeeze %dma_wait3A_785 : memref<1x1x128xi32, #tpu.memory_space<vmem>> -> memref<128xi32, #tpu.memory_space<vmem>>
      %dma_wait3A_787 = arith.constant 0 : i32
      %dma_wait3A_788 = arith.constant 0 : i32
      %dma_wait3A_789 = tpu.memref_slice %arg2[%dma_wait3A_787, %dma_wait3A_788] : memref<87040x16xi32, #tpu.memory_space<hbm>> -> memref<87040x16xi32, #tpu.memory_space<hbm>>
      tpu.wait_indirect_dma semaphore(%arg9 : memref<!tpu.dma_semaphore, #tpu.memory_space<semaphore_mem>>) src(%dma_wait3A_789 : memref<87040x16xi32, #tpu.memory_space<hbm>>) dst(%dma_wait3A_783 : memref<128x16xi32, #tpu.memory_space<vmem>>)
      %dma_wait3A_790 = arith.constant 1 : i32
      %dma_wait3A_791 = arith.constant 18 : i32
      %dma_wait3A_792 = arith.constant 1 : i32
      %dma_wait3A_793 = arith.constant 1280 : i32
      %dma_wait3A_794 = arith.constant 0 : i32
      %dma_wait3A_795 = tpu.memref_slice %arg6[%dma_wait3A_792, %dma_wait3A_793, %dma_wait3A_794] : memref<2x2560x16xi32, #tpu.memory_space<vmem>> -> memref<1x128x16xi32, #tpu.memory_space<vmem>>
      %dma_wait3A_796 = tpu.memref_squeeze %dma_wait3A_795 : memref<1x128x16xi32, #tpu.memory_space<vmem>> -> memref<128x16xi32, #tpu.memory_space<vmem>>
      %dma_wait3A_797 = arith.constant 0 : i32
      %dma_wait3A_798 = tpu.memref_slice %arg5[%dma_wait3A_790, %dma_wait3A_791, %dma_wait3A_797] : memref<2x40x128xi32, #tpu.memory_space<vmem>> -> memref<1x1x128xi32, #tpu.memory_space<vmem>>
      %dma_wait3A_799 = tpu.memref_squeeze %dma_wait3A_798 : memref<1x1x128xi32, #tpu.memory_space<vmem>> -> memref<128xi32, #tpu.memory_space<vmem>>
      %dma_wait3A_800 = arith.constant 0 : i32
      %dma_wait3A_801 = arith.constant 0 : i32
      %dma_wait3A_802 = tpu.memref_slice %arg2[%dma_wait3A_800, %dma_wait3A_801] : memref<87040x16xi32, #tpu.memory_space<hbm>> -> memref<87040x16xi32, #tpu.memory_space<hbm>>
      tpu.wait_indirect_dma semaphore(%arg9 : memref<!tpu.dma_semaphore, #tpu.memory_space<semaphore_mem>>) src(%dma_wait3A_802 : memref<87040x16xi32, #tpu.memory_space<hbm>>) dst(%dma_wait3A_796 : memref<128x16xi32, #tpu.memory_space<vmem>>)
      %dma_wait3A_803 = arith.constant 1 : i32
      %dma_wait3A_804 = arith.constant 19 : i32
      %dma_wait3A_805 = arith.constant 1 : i32
      %dma_wait3A_806 = arith.constant 1408 : i32
      %dma_wait3A_807 = arith.constant 0 : i32
      %dma_wait3A_808 = tpu.memref_slice %arg6[%dma_wait3A_805, %dma_wait3A_806, %dma_wait3A_807] : memref<2x2560x16xi32, #tpu.memory_space<vmem>> -> memref<1x128x16xi32, #tpu.memory_space<vmem>>
      %dma_wait3A_809 = tpu.memref_squeeze %dma_wait3A_808 : memref<1x128x16xi32, #tpu.memory_space<vmem>> -> memref<128x16xi32, #tpu.memory_space<vmem>>
      %dma_wait3A_810 = arith.constant 0 : i32
      %dma_wait3A_811 = tpu.memref_slice %arg5[%dma_wait3A_803, %dma_wait3A_804, %dma_wait3A_810] : memref<2x40x128xi32, #tpu.memory_space<vmem>> -> memref<1x1x128xi32, #tpu.memory_space<vmem>>
      %dma_wait3A_812 = tpu.memref_squeeze %dma_wait3A_811 : memref<1x1x128xi32, #tpu.memory_space<vmem>> -> memref<128xi32, #tpu.memory_space<vmem>>
      %dma_wait3A_813 = arith.constant 0 : i32
      %dma_wait3A_814 = arith.constant 0 : i32
      %dma_wait3A_815 = tpu.memref_slice %arg2[%dma_wait3A_813, %dma_wait3A_814] : memref<87040x16xi32, #tpu.memory_space<hbm>> -> memref<87040x16xi32, #tpu.memory_space<hbm>>
      tpu.wait_indirect_dma semaphore(%arg9 : memref<!tpu.dma_semaphore, #tpu.memory_space<semaphore_mem>>) src(%dma_wait3A_815 : memref<87040x16xi32, #tpu.memory_space<hbm>>) dst(%dma_wait3A_809 : memref<128x16xi32, #tpu.memory_space<vmem>>)
      %dma_wait3A_816 = arith.constant 1 : i32
      %dma_wait3A_817 = arith.constant 24 : i32
      %dma_wait3A_818 = arith.constant 1 : i32
      %dma_wait3A_819 = arith.constant 1536 : i32
      %dma_wait3A_820 = arith.constant 0 : i32
      %dma_wait3A_821 = tpu.memref_slice %arg6[%dma_wait3A_818, %dma_wait3A_819, %dma_wait3A_820] : memref<2x2560x16xi32, #tpu.memory_space<vmem>> -> memref<1x128x16xi32, #tpu.memory_space<vmem>>
      %dma_wait3A_822 = tpu.memref_squeeze %dma_wait3A_821 : memref<1x128x16xi32, #tpu.memory_space<vmem>> -> memref<128x16xi32, #tpu.memory_space<vmem>>
      %dma_wait3A_823 = arith.constant 0 : i32
      %dma_wait3A_824 = tpu.memref_slice %arg5[%dma_wait3A_816, %dma_wait3A_817, %dma_wait3A_823] : memref<2x40x128xi32, #tpu.memory_space<vmem>> -> memref<1x1x128xi32, #tpu.memory_space<vmem>>
      %dma_wait3A_825 = tpu.memref_squeeze %dma_wait3A_824 : memref<1x1x128xi32, #tpu.memory_space<vmem>> -> memref<128xi32, #tpu.memory_space<vmem>>
      %dma_wait3A_826 = arith.constant 0 : i32
      %dma_wait3A_827 = arith.constant 0 : i32
      %dma_wait3A_828 = tpu.memref_slice %arg2[%dma_wait3A_826, %dma_wait3A_827] : memref<87040x16xi32, #tpu.memory_space<hbm>> -> memref<87040x16xi32, #tpu.memory_space<hbm>>
      tpu.wait_indirect_dma semaphore(%arg9 : memref<!tpu.dma_semaphore, #tpu.memory_space<semaphore_mem>>) src(%dma_wait3A_828 : memref<87040x16xi32, #tpu.memory_space<hbm>>) dst(%dma_wait3A_822 : memref<128x16xi32, #tpu.memory_space<vmem>>)
      %dma_wait3A_829 = arith.constant 1 : i32
      %dma_wait3A_830 = arith.constant 25 : i32
      %dma_wait3A_831 = arith.constant 1 : i32
      %dma_wait3A_832 = arith.constant 1664 : i32
      %dma_wait3A_833 = arith.constant 0 : i32
      %dma_wait3A_834 = tpu.memref_slice %arg6[%dma_wait3A_831, %dma_wait3A_832, %dma_wait3A_833] : memref<2x2560x16xi32, #tpu.memory_space<vmem>> -> memref<1x128x16xi32, #tpu.memory_space<vmem>>
      %dma_wait3A_835 = tpu.memref_squeeze %dma_wait3A_834 : memref<1x128x16xi32, #tpu.memory_space<vmem>> -> memref<128x16xi32, #tpu.memory_space<vmem>>
      %dma_wait3A_836 = arith.constant 0 : i32
      %dma_wait3A_837 = tpu.memref_slice %arg5[%dma_wait3A_829, %dma_wait3A_830, %dma_wait3A_836] : memref<2x40x128xi32, #tpu.memory_space<vmem>> -> memref<1x1x128xi32, #tpu.memory_space<vmem>>
      %dma_wait3A_838 = tpu.memref_squeeze %dma_wait3A_837 : memref<1x1x128xi32, #tpu.memory_space<vmem>> -> memref<128xi32, #tpu.memory_space<vmem>>
      %dma_wait3A_839 = arith.constant 0 : i32
      %dma_wait3A_840 = arith.constant 0 : i32
      %dma_wait3A_841 = tpu.memref_slice %arg2[%dma_wait3A_839, %dma_wait3A_840] : memref<87040x16xi32, #tpu.memory_space<hbm>> -> memref<87040x16xi32, #tpu.memory_space<hbm>>
      tpu.wait_indirect_dma semaphore(%arg9 : memref<!tpu.dma_semaphore, #tpu.memory_space<semaphore_mem>>) src(%dma_wait3A_841 : memref<87040x16xi32, #tpu.memory_space<hbm>>) dst(%dma_wait3A_835 : memref<128x16xi32, #tpu.memory_space<vmem>>)
      %dma_wait3A_842 = arith.constant 1 : i32
      %dma_wait3A_843 = arith.constant 26 : i32
      %dma_wait3A_844 = arith.constant 1 : i32
      %dma_wait3A_845 = arith.constant 1792 : i32
      %dma_wait3A_846 = arith.constant 0 : i32
      %dma_wait3A_847 = tpu.memref_slice %arg6[%dma_wait3A_844, %dma_wait3A_845, %dma_wait3A_846] : memref<2x2560x16xi32, #tpu.memory_space<vmem>> -> memref<1x128x16xi32, #tpu.memory_space<vmem>>
      %dma_wait3A_848 = tpu.memref_squeeze %dma_wait3A_847 : memref<1x128x16xi32, #tpu.memory_space<vmem>> -> memref<128x16xi32, #tpu.memory_space<vmem>>
      %dma_wait3A_849 = arith.constant 0 : i32
      %dma_wait3A_850 = tpu.memref_slice %arg5[%dma_wait3A_842, %dma_wait3A_843, %dma_wait3A_849] : memref<2x40x128xi32, #tpu.memory_space<vmem>> -> memref<1x1x128xi32, #tpu.memory_space<vmem>>
      %dma_wait3A_851 = tpu.memref_squeeze %dma_wait3A_850 : memref<1x1x128xi32, #tpu.memory_space<vmem>> -> memref<128xi32, #tpu.memory_space<vmem>>
      %dma_wait3A_852 = arith.constant 0 : i32
      %dma_wait3A_853 = arith.constant 0 : i32
      %dma_wait3A_854 = tpu.memref_slice %arg2[%dma_wait3A_852, %dma_wait3A_853] : memref<87040x16xi32, #tpu.memory_space<hbm>> -> memref<87040x16xi32, #tpu.memory_space<hbm>>
      tpu.wait_indirect_dma semaphore(%arg9 : memref<!tpu.dma_semaphore, #tpu.memory_space<semaphore_mem>>) src(%dma_wait3A_854 : memref<87040x16xi32, #tpu.memory_space<hbm>>) dst(%dma_wait3A_848 : memref<128x16xi32, #tpu.memory_space<vmem>>)
      %dma_wait3A_855 = arith.constant 1 : i32
      %dma_wait3A_856 = arith.constant 27 : i32
      %dma_wait3A_857 = arith.constant 1 : i32
      %dma_wait3A_858 = arith.constant 1920 : i32
      %dma_wait3A_859 = arith.constant 0 : i32
      %dma_wait3A_860 = tpu.memref_slice %arg6[%dma_wait3A_857, %dma_wait3A_858, %dma_wait3A_859] : memref<2x2560x16xi32, #tpu.memory_space<vmem>> -> memref<1x128x16xi32, #tpu.memory_space<vmem>>
      %dma_wait3A_861 = tpu.memref_squeeze %dma_wait3A_860 : memref<1x128x16xi32, #tpu.memory_space<vmem>> -> memref<128x16xi32, #tpu.memory_space<vmem>>
      %dma_wait3A_862 = arith.constant 0 : i32
      %dma_wait3A_863 = tpu.memref_slice %arg5[%dma_wait3A_855, %dma_wait3A_856, %dma_wait3A_862] : memref<2x40x128xi32, #tpu.memory_space<vmem>> -> memref<1x1x128xi32, #tpu.memory_space<vmem>>
      %dma_wait3A_864 = tpu.memref_squeeze %dma_wait3A_863 : memref<1x1x128xi32, #tpu.memory_space<vmem>> -> memref<128xi32, #tpu.memory_space<vmem>>
      %dma_wait3A_865 = arith.constant 0 : i32
      %dma_wait3A_866 = arith.constant 0 : i32
      %dma_wait3A_867 = tpu.memref_slice %arg2[%dma_wait3A_865, %dma_wait3A_866] : memref<87040x16xi32, #tpu.memory_space<hbm>> -> memref<87040x16xi32, #tpu.memory_space<hbm>>
      tpu.wait_indirect_dma semaphore(%arg9 : memref<!tpu.dma_semaphore, #tpu.memory_space<semaphore_mem>>) src(%dma_wait3A_867 : memref<87040x16xi32, #tpu.memory_space<hbm>>) dst(%dma_wait3A_861 : memref<128x16xi32, #tpu.memory_space<vmem>>)
      %dma_wait3A_868 = arith.constant 1 : i32
      %dma_wait3A_869 = arith.constant 32 : i32
      %dma_wait3A_870 = arith.constant 1 : i32
      %dma_wait3A_871 = arith.constant 2048 : i32
      %dma_wait3A_872 = arith.constant 0 : i32
      %dma_wait3A_873 = tpu.memref_slice %arg6[%dma_wait3A_870, %dma_wait3A_871, %dma_wait3A_872] : memref<2x2560x16xi32, #tpu.memory_space<vmem>> -> memref<1x128x16xi32, #tpu.memory_space<vmem>>
      %dma_wait3A_874 = tpu.memref_squeeze %dma_wait3A_873 : memref<1x128x16xi32, #tpu.memory_space<vmem>> -> memref<128x16xi32, #tpu.memory_space<vmem>>
      %dma_wait3A_875 = arith.constant 0 : i32
      %dma_wait3A_876 = tpu.memref_slice %arg5[%dma_wait3A_868, %dma_wait3A_869, %dma_wait3A_875] : memref<2x40x128xi32, #tpu.memory_space<vmem>> -> memref<1x1x128xi32, #tpu.memory_space<vmem>>
      %dma_wait3A_877 = tpu.memref_squeeze %dma_wait3A_876 : memref<1x1x128xi32, #tpu.memory_space<vmem>> -> memref<128xi32, #tpu.memory_space<vmem>>
      %dma_wait3A_878 = arith.constant 0 : i32
      %dma_wait3A_879 = arith.constant 0 : i32
      %dma_wait3A_880 = tpu.memref_slice %arg2[%dma_wait3A_878, %dma_wait3A_879] : memref<87040x16xi32, #tpu.memory_space<hbm>> -> memref<87040x16xi32, #tpu.memory_space<hbm>>
      tpu.wait_indirect_dma semaphore(%arg9 : memref<!tpu.dma_semaphore, #tpu.memory_space<semaphore_mem>>) src(%dma_wait3A_880 : memref<87040x16xi32, #tpu.memory_space<hbm>>) dst(%dma_wait3A_874 : memref<128x16xi32, #tpu.memory_space<vmem>>)
      %dma_wait3A_881 = arith.constant 1 : i32
      %dma_wait3A_882 = arith.constant 33 : i32
      %dma_wait3A_883 = arith.constant 1 : i32
      %dma_wait3A_884 = arith.constant 2176 : i32
      %dma_wait3A_885 = arith.constant 0 : i32
      %dma_wait3A_886 = tpu.memref_slice %arg6[%dma_wait3A_883, %dma_wait3A_884, %dma_wait3A_885] : memref<2x2560x16xi32, #tpu.memory_space<vmem>> -> memref<1x128x16xi32, #tpu.memory_space<vmem>>
      %dma_wait3A_887 = tpu.memref_squeeze %dma_wait3A_886 : memref<1x128x16xi32, #tpu.memory_space<vmem>> -> memref<128x16xi32, #tpu.memory_space<vmem>>
      %dma_wait3A_888 = arith.constant 0 : i32
      %dma_wait3A_889 = tpu.memref_slice %arg5[%dma_wait3A_881, %dma_wait3A_882, %dma_wait3A_888] : memref<2x40x128xi32, #tpu.memory_space<vmem>> -> memref<1x1x128xi32, #tpu.memory_space<vmem>>
      %dma_wait3A_890 = tpu.memref_squeeze %dma_wait3A_889 : memref<1x1x128xi32, #tpu.memory_space<vmem>> -> memref<128xi32, #tpu.memory_space<vmem>>
      %dma_wait3A_891 = arith.constant 0 : i32
      %dma_wait3A_892 = arith.constant 0 : i32
      %dma_wait3A_893 = tpu.memref_slice %arg2[%dma_wait3A_891, %dma_wait3A_892] : memref<87040x16xi32, #tpu.memory_space<hbm>> -> memref<87040x16xi32, #tpu.memory_space<hbm>>
      tpu.wait_indirect_dma semaphore(%arg9 : memref<!tpu.dma_semaphore, #tpu.memory_space<semaphore_mem>>) src(%dma_wait3A_893 : memref<87040x16xi32, #tpu.memory_space<hbm>>) dst(%dma_wait3A_887 : memref<128x16xi32, #tpu.memory_space<vmem>>)
      %dma_wait3A_894 = arith.constant 1 : i32
      %dma_wait3A_895 = arith.constant 34 : i32
      %dma_wait3A_896 = arith.constant 1 : i32
      %dma_wait3A_897 = arith.constant 2304 : i32
      %dma_wait3A_898 = arith.constant 0 : i32
      %dma_wait3A_899 = tpu.memref_slice %arg6[%dma_wait3A_896, %dma_wait3A_897, %dma_wait3A_898] : memref<2x2560x16xi32, #tpu.memory_space<vmem>> -> memref<1x128x16xi32, #tpu.memory_space<vmem>>
      %dma_wait3A_900 = tpu.memref_squeeze %dma_wait3A_899 : memref<1x128x16xi32, #tpu.memory_space<vmem>> -> memref<128x16xi32, #tpu.memory_space<vmem>>
      %dma_wait3A_901 = arith.constant 0 : i32
      %dma_wait3A_902 = tpu.memref_slice %arg5[%dma_wait3A_894, %dma_wait3A_895, %dma_wait3A_901] : memref<2x40x128xi32, #tpu.memory_space<vmem>> -> memref<1x1x128xi32, #tpu.memory_space<vmem>>
      %dma_wait3A_903 = tpu.memref_squeeze %dma_wait3A_902 : memref<1x1x128xi32, #tpu.memory_space<vmem>> -> memref<128xi32, #tpu.memory_space<vmem>>
      %dma_wait3A_904 = arith.constant 0 : i32
      %dma_wait3A_905 = arith.constant 0 : i32
      %dma_wait3A_906 = tpu.memref_slice %arg2[%dma_wait3A_904, %dma_wait3A_905] : memref<87040x16xi32, #tpu.memory_space<hbm>> -> memref<87040x16xi32, #tpu.memory_space<hbm>>
      tpu.wait_indirect_dma semaphore(%arg9 : memref<!tpu.dma_semaphore, #tpu.memory_space<semaphore_mem>>) src(%dma_wait3A_906 : memref<87040x16xi32, #tpu.memory_space<hbm>>) dst(%dma_wait3A_900 : memref<128x16xi32, #tpu.memory_space<vmem>>)
      %dma_wait3A_907 = arith.constant 1 : i32
      %dma_wait3A_908 = arith.constant 35 : i32
      %dma_wait3A_909 = arith.constant 1 : i32
      %dma_wait3A_910 = arith.constant 2432 : i32
      %dma_wait3A_911 = arith.constant 0 : i32
      %dma_wait3A_912 = tpu.memref_slice %arg6[%dma_wait3A_909, %dma_wait3A_910, %dma_wait3A_911] : memref<2x2560x16xi32, #tpu.memory_space<vmem>> -> memref<1x128x16xi32, #tpu.memory_space<vmem>>
      %dma_wait3A_913 = tpu.memref_squeeze %dma_wait3A_912 : memref<1x128x16xi32, #tpu.memory_space<vmem>> -> memref<128x16xi32, #tpu.memory_space<vmem>>
      %dma_wait3A_914 = arith.constant 0 : i32
      %dma_wait3A_915 = tpu.memref_slice %arg5[%dma_wait3A_907, %dma_wait3A_908, %dma_wait3A_914] : memref<2x40x128xi32, #tpu.memory_space<vmem>> -> memref<1x1x128xi32, #tpu.memory_space<vmem>>
      %dma_wait3A_916 = tpu.memref_squeeze %dma_wait3A_915 : memref<1x1x128xi32, #tpu.memory_space<vmem>> -> memref<128xi32, #tpu.memory_space<vmem>>
      %dma_wait3A_917 = arith.constant 0 : i32
      %dma_wait3A_918 = arith.constant 0 : i32
      %dma_wait3A_919 = tpu.memref_slice %arg2[%dma_wait3A_917, %dma_wait3A_918] : memref<87040x16xi32, #tpu.memory_space<hbm>> -> memref<87040x16xi32, #tpu.memory_space<hbm>>
      tpu.wait_indirect_dma semaphore(%arg9 : memref<!tpu.dma_semaphore, #tpu.memory_space<semaphore_mem>>) src(%dma_wait3A_919 : memref<87040x16xi32, #tpu.memory_space<hbm>>) dst(%dma_wait3A_913 : memref<128x16xi32, #tpu.memory_space<vmem>>)
      %ge3A_920 = arith.constant 2 : i32
      %ge3A_921 = arith.cmpi sge, %add3A_654, %ge3A_920 : i32
      %convert_element_type3A_922 = arith.extui %ge3A_921 : i1 to i32
      %cond3A_923 = arith.constant 0 : i32
      %cond3A_924 = arith.cmpi ne, %convert_element_type3A_922, %cond3A_923 : i32
      scf.if %cond3A_924 {
        %sub3A = arith.constant 2 : i32
        %sub3A_955 = arith.subi %add3A_654, %sub3A : i32
        %dma_wait3A_956 = arith.constant 1 : i32
        %dma_wait3A_957 = arith.constant 0 : i32
        %dma_wait3A_958 = arith.constant 0 : i32
        %dma_wait3A_959 = tpu.memref_slice %arg7[%dma_wait3A_956, %dma_wait3A_957, %dma_wait3A_958] : memref<2x40x32xf32, #tpu.memory_space<vmem>> -> memref<1x40x32xf32, #tpu.memory_space<vmem>>
        %dma_wait3A_960 = tpu.memref_squeeze %dma_wait3A_959 : memref<1x40x32xf32, #tpu.memory_space<vmem>> -> memref<40x32xf32, #tpu.memory_space<vmem>>
        %dma_wait3A_961 = arith.constant 0 : i32
        %dma_wait3A_962 = arith.constant 0 : i32
        %dma_wait3A_963 = tpu.memref_slice %arg4[%add3A, %sub3A_955, %dma_wait3A_961, %dma_wait3A_962] : memref<32x68x40x32xf32, #tpu.memory_space<hbm>> -> memref<1x1x40x32xf32, #tpu.memory_space<hbm>>
        %dma_wait3A_964 = tpu.memref_squeeze %dma_wait3A_963 : memref<1x1x40x32xf32, #tpu.memory_space<hbm>> -> memref<40x32xf32, #tpu.memory_space<hbm>>
        %dma_wait3A_965 = arith.constant 0 : i32
        %dma_wait3A_966 = arith.constant 0 : i32
        %dma_wait3A_967 = tpu.memref_slice %arg4[%add3A, %sub3A_955, %dma_wait3A_965, %dma_wait3A_966] : memref<32x68x40x32xf32, #tpu.memory_space<hbm>> -> memref<1x1x40x32xf32, #tpu.memory_space<hbm>>
        %dma_wait3A_968 = tpu.memref_squeeze %dma_wait3A_967 : memref<1x1x40x32xf32, #tpu.memory_space<hbm>> -> memref<40x32xf32, #tpu.memory_space<hbm>>
        %dma_wait3A_969 = arith.constant 0 : i32
        %dma_wait3A_970 = arith.constant 0 : i32
        %dma_wait3A_971 = tpu.memref_slice %arg7[%dma_wait3A_956, %dma_wait3A_969, %dma_wait3A_970] : memref<2x40x32xf32, #tpu.memory_space<vmem>> -> memref<1x40x32xf32, #tpu.memory_space<vmem>>
        %dma_wait3A_972 = tpu.memref_squeeze %dma_wait3A_971 : memref<1x40x32xf32, #tpu.memory_space<vmem>> -> memref<40x32xf32, #tpu.memory_space<vmem>>
        tpu.wait_dma2 semaphore(%arg10 : memref<!tpu.dma_semaphore, #tpu.memory_space<semaphore_mem>>) src(%dma_wait3A_972 : memref<40x32xf32, #tpu.memory_space<vmem>>) dst(%dma_wait3A_968 : memref<40x32xf32, #tpu.memory_space<hbm>>)
      } else {
      }
      %scan3A_925 = arith.constant 0 : i32
      %scan3A_926 = arith.constant 0 : i32
      %scan3A_927 = arith.constant 40 : i32
      %scan3A_928 = arith.addi %scan3A_926, %scan3A_927 : i32
      %scan3A_929 = arith.constant 1 : i32
      scf.for %scan3A_955 = %scan3A_926 to %scan3A_928 step %scan3A_929  : i32 {
        %shift_right_arithmetic3A = arith.constant 3 : i32
        %shift_right_arithmetic3A_956 = arith.shrsi %scan3A_955, %shift_right_arithmetic3A : i32
        %and3A = arith.constant 7 : i32
        %and3A_957 = arith.andi %scan3A_955, %and3A : i32
        %broadcast_in_dim3A = arith.constant 0.000000e+00 : f32
        %broadcast_in_dim3A_958 = vector.broadcast %broadcast_in_dim3A : f32 to vector<16xf32>
        %broadcast_in_dim3A_959 = arith.constant 0.000000e+00 : f32
        %broadcast_in_dim3A_960 = vector.broadcast %broadcast_in_dim3A_959 : f32 to vector<16xf32>
        %broadcast_in_dim3A_961 = arith.constant 0.000000e+00 : f32
        %broadcast_in_dim3A_962 = vector.broadcast %broadcast_in_dim3A_961 : f32 to vector<16xf32>
        %broadcast_in_dim3A_963 = arith.constant 0.000000e+00 : f32
        %broadcast_in_dim3A_964 = vector.broadcast %broadcast_in_dim3A_963 : f32 to vector<16xf32>
        %mul3A_965 = arith.constant 16 : i32
        %mul3A_966 = arith.muli %and3A_957, %mul3A_965 : i32
        %mul3A_967 = arith.constant 8 : i32
        %mul3A_968 = arith.muli %shift_right_arithmetic3A_956, %mul3A_967 : i32
        %add3A_969 = arith.constant 4 : i32
        %add3A_970 = arith.addi %mul3A_968, %add3A_969 : i32
        %add3A_971 = arith.constant 0 : i32
        %add3A_972 = arith.addi %add3A_970, %add3A_971 : i32
        %get3A = arith.constant 1 : i32
        %get3A_973 = arith.index_cast %get3A : i32 to index
        %get3A_974 = arith.index_cast %add3A_972 : i32 to index
        %get3A_975 = arith.index_cast %mul3A_966 : i32 to index
        %get3A_976 = tpu.vector_load %arg5[%get3A_973, %get3A_974, %get3A_975] {strides = array<i32>} : memref<2x40x128xi32, #tpu.memory_space<vmem>>, vector<16xi32>,
        %bitcast3A = vector.bitcast %get3A_976 : vector<16xi32> to vector<16xf32>
        %mul3A_977 = arith.constant 4 : i32
        %mul3A_978 = arith.muli %shift_right_arithmetic3A_956, %mul3A_977 : i32
        %add3A_979 = arith.constant 0 : i32
        %add3A_980 = arith.addi %mul3A_978, %add3A_979 : i32
        %mul3A_981 = arith.constant 128 : i32
        %mul3A_982 = arith.muli %add3A_980, %mul3A_981 : i32
        %add3A_983 = arith.addi %mul3A_982, %mul3A_966 : i32
        %slice3A = vector.extract_strided_slice %bitcast3A {offsets = [0], sizes = [1], strides = [1]} : vector<16xf32> to vector<1xf32>
        %squeeze3A = vector.extract %slice3A[0] : f32 from vector<1xf32>
        %add3A_984 = arith.constant 0 : i32
        %add3A_985 = arith.addi %add3A_983, %add3A_984 : i32
        %get3A_986 = arith.constant 1 : i32
        %get3A_987 = arith.index_cast %get3A_986 : i32 to index
        %get3A_988 = arith.index_cast %add3A_985 : i32 to index
        %get3A_989 = arith.constant 0 : index
        %get3A_990 = tpu.vector_load %arg6[%get3A_987, %get3A_988, %get3A_989] {strides = array<i32>} : memref<2x2560x16xi32, #tpu.memory_space<vmem>>, vector<16xi32>,
        %shift_left3A = arith.constant 16 : i32
        %shift_left3A_991 = vector.broadcast %shift_left3A : i32 to vector<16xi32>
        %shift_left3A_992 = arith.shli %get3A_990, %shift_left3A_991 : vector<16xi32>
        %bitcast3A_993 = vector.bitcast %shift_left3A_992 : vector<16xi32> to vector<16xf32>
        %bitcast3A_994 = vector.bitcast %get3A_990 : vector<16xi32> to vector<16xf32>
        %mul3A_995 = vector.broadcast %squeeze3A : f32 to vector<16xf32>
        %mul3A_996 = arith.mulf %mul3A_995, %bitcast3A_993 : vector<16xf32>
        %add3A_997 = arith.addf %broadcast_in_dim3A_958, %mul3A_996 : vector<16xf32>
        %mul3A_998 = vector.broadcast %squeeze3A : f32 to vector<16xf32>
        %mul3A_999 = arith.mulf %mul3A_998, %bitcast3A_994 : vector<16xf32>
        %add3A_1000 = arith.addf %broadcast_in_dim3A_960, %mul3A_999 : vector<16xf32>
        %slice3A_1001 = vector.extract_strided_slice %bitcast3A {offsets = [1], sizes = [1], strides = [1]} : vector<16xf32> to vector<1xf32>
        %squeeze3A_1002 = vector.extract %slice3A_1001[0] : f32 from vector<1xf32>
        %add3A_1003 = arith.constant 1 : i32
        %add3A_1004 = arith.addi %add3A_983, %add3A_1003 : i32
        %get3A_1005 = arith.constant 1 : i32
        %get3A_1006 = arith.index_cast %get3A_1005 : i32 to index
        %get3A_1007 = arith.index_cast %add3A_1004 : i32 to index
        %get3A_1008 = arith.constant 0 : index
        %get3A_1009 = tpu.vector_load %arg6[%get3A_1006, %get3A_1007, %get3A_1008] {strides = array<i32>} : memref<2x2560x16xi32, #tpu.memory_space<vmem>>, vector<16xi32>,
        %shift_left3A_1010 = arith.constant 16 : i32
        %shift_left3A_1011 = vector.broadcast %shift_left3A_1010 : i32 to vector<16xi32>
        %shift_left3A_1012 = arith.shli %get3A_1009, %shift_left3A_1011 : vector<16xi32>
        %bitcast3A_1013 = vector.bitcast %shift_left3A_1012 : vector<16xi32> to vector<16xf32>
        %bitcast3A_1014 = vector.bitcast %get3A_1009 : vector<16xi32> to vector<16xf32>
        %mul3A_1015 = vector.broadcast %squeeze3A_1002 : f32 to vector<16xf32>
        %mul3A_1016 = arith.mulf %mul3A_1015, %bitcast3A_1013 : vector<16xf32>
        %add3A_1017 = arith.addf %broadcast_in_dim3A_962, %mul3A_1016 : vector<16xf32>
        %mul3A_1018 = vector.broadcast %squeeze3A_1002 : f32 to vector<16xf32>
        %mul3A_1019 = arith.mulf %mul3A_1018, %bitcast3A_1014 : vector<16xf32>
        %add3A_1020 = arith.addf %broadcast_in_dim3A_964, %mul3A_1019 : vector<16xf32>
        %slice3A_1021 = vector.extract_strided_slice %bitcast3A {offsets = [2], sizes = [1], strides = [1]} : vector<16xf32> to vector<1xf32>
        %squeeze3A_1022 = vector.extract %slice3A_1021[0] : f32 from vector<1xf32>
        %add3A_1023 = arith.constant 2 : i32
        %add3A_1024 = arith.addi %add3A_983, %add3A_1023 : i32
        %get3A_1025 = arith.constant 1 : i32
        %get3A_1026 = arith.index_cast %get3A_1025 : i32 to index
        %get3A_1027 = arith.index_cast %add3A_1024 : i32 to index
        %get3A_1028 = arith.constant 0 : index
        %get3A_1029 = tpu.vector_load %arg6[%get3A_1026, %get3A_1027, %get3A_1028] {strides = array<i32>} : memref<2x2560x16xi32, #tpu.memory_space<vmem>>, vector<16xi32>,
        %shift_left3A_1030 = arith.constant 16 : i32
        %shift_left3A_1031 = vector.broadcast %shift_left3A_1030 : i32 to vector<16xi32>
        %shift_left3A_1032 = arith.shli %get3A_1029, %shift_left3A_1031 : vector<16xi32>
        %bitcast3A_1033 = vector.bitcast %shift_left3A_1032 : vector<16xi32> to vector<16xf32>
        %bitcast3A_1034 = vector.bitcast %get3A_1029 : vector<16xi32> to vector<16xf32>
        %mul3A_1035 = vector.broadcast %squeeze3A_1022 : f32 to vector<16xf32>
        %mul3A_1036 = arith.mulf %mul3A_1035, %bitcast3A_1033 : vector<16xf32>
        %add3A_1037 = arith.addf %add3A_997, %mul3A_1036 : vector<16xf32>
        %mul3A_1038 = vector.broadcast %squeeze3A_1022 : f32 to vector<16xf32>
        %mul3A_1039 = arith.mulf %mul3A_1038, %bitcast3A_1034 : vector<16xf32>
        %add3A_1040 = arith.addf %add3A_1000, %mul3A_1039 : vector<16xf32>
        %slice3A_1041 = vector.extract_strided_slice %bitcast3A {offsets = [3], sizes = [1], strides = [1]} : vector<16xf32> to vector<1xf32>
        %squeeze3A_1042 = vector.extract %slice3A_1041[0] : f32 from vector<1xf32>
        %add3A_1043 = arith.constant 3 : i32
        %add3A_1044 = arith.addi %add3A_983, %add3A_1043 : i32
        %get3A_1045 = arith.constant 1 : i32
        %get3A_1046 = arith.index_cast %get3A_1045 : i32 to index
        %get3A_1047 = arith.index_cast %add3A_1044 : i32 to index
        %get3A_1048 = arith.constant 0 : index
        %get3A_1049 = tpu.vector_load %arg6[%get3A_1046, %get3A_1047, %get3A_1048] {strides = array<i32>} : memref<2x2560x16xi32, #tpu.memory_space<vmem>>, vector<16xi32>,
        %shift_left3A_1050 = arith.constant 16 : i32
        %shift_left3A_1051 = vector.broadcast %shift_left3A_1050 : i32 to vector<16xi32>
        %shift_left3A_1052 = arith.shli %get3A_1049, %shift_left3A_1051 : vector<16xi32>
        %bitcast3A_1053 = vector.bitcast %shift_left3A_1052 : vector<16xi32> to vector<16xf32>
        %bitcast3A_1054 = vector.bitcast %get3A_1049 : vector<16xi32> to vector<16xf32>
        %mul3A_1055 = vector.broadcast %squeeze3A_1042 : f32 to vector<16xf32>
        %mul3A_1056 = arith.mulf %mul3A_1055, %bitcast3A_1053 : vector<16xf32>
        %add3A_1057 = arith.addf %add3A_1017, %mul3A_1056 : vector<16xf32>
        %mul3A_1058 = vector.broadcast %squeeze3A_1042 : f32 to vector<16xf32>
        %mul3A_1059 = arith.mulf %mul3A_1058, %bitcast3A_1054 : vector<16xf32>
        %add3A_1060 = arith.addf %add3A_1020, %mul3A_1059 : vector<16xf32>
        %slice3A_1061 = vector.extract_strided_slice %bitcast3A {offsets = [4], sizes = [1], strides = [1]} : vector<16xf32> to vector<1xf32>
        %squeeze3A_1062 = vector.extract %slice3A_1061[0] : f32 from vector<1xf32>
        %add3A_1063 = arith.constant 4 : i32
        %add3A_1064 = arith.addi %add3A_983, %add3A_1063 : i32
        %get3A_1065 = arith.constant 1 : i32
        %get3A_1066 = arith.index_cast %get3A_1065 : i32 to index
        %get3A_1067 = arith.index_cast %add3A_1064 : i32 to index
        %get3A_1068 = arith.constant 0 : index
        %get3A_1069 = tpu.vector_load %arg6[%get3A_1066, %get3A_1067, %get3A_1068] {strides = array<i32>} : memref<2x2560x16xi32, #tpu.memory_space<vmem>>, vector<16xi32>,
        %shift_left3A_1070 = arith.constant 16 : i32
        %shift_left3A_1071 = vector.broadcast %shift_left3A_1070 : i32 to vector<16xi32>
        %shift_left3A_1072 = arith.shli %get3A_1069, %shift_left3A_1071 : vector<16xi32>
        %bitcast3A_1073 = vector.bitcast %shift_left3A_1072 : vector<16xi32> to vector<16xf32>
        %bitcast3A_1074 = vector.bitcast %get3A_1069 : vector<16xi32> to vector<16xf32>
        %mul3A_1075 = vector.broadcast %squeeze3A_1062 : f32 to vector<16xf32>
        %mul3A_1076 = arith.mulf %mul3A_1075, %bitcast3A_1073 : vector<16xf32>
        %add3A_1077 = arith.addf %add3A_1037, %mul3A_1076 : vector<16xf32>
        %mul3A_1078 = vector.broadcast %squeeze3A_1062 : f32 to vector<16xf32>
        %mul3A_1079 = arith.mulf %mul3A_1078, %bitcast3A_1074 : vector<16xf32>
        %add3A_1080 = arith.addf %add3A_1040, %mul3A_1079 : vector<16xf32>
        %slice3A_1081 = vector.extract_strided_slice %bitcast3A {offsets = [5], sizes = [1], strides = [1]} : vector<16xf32> to vector<1xf32>
        %squeeze3A_1082 = vector.extract %slice3A_1081[0] : f32 from vector<1xf32>
        %add3A_1083 = arith.constant 5 : i32
        %add3A_1084 = arith.addi %add3A_983, %add3A_1083 : i32
        %get3A_1085 = arith.constant 1 : i32
        %get3A_1086 = arith.index_cast %get3A_1085 : i32 to index
        %get3A_1087 = arith.index_cast %add3A_1084 : i32 to index
        %get3A_1088 = arith.constant 0 : index
        %get3A_1089 = tpu.vector_load %arg6[%get3A_1086, %get3A_1087, %get3A_1088] {strides = array<i32>} : memref<2x2560x16xi32, #tpu.memory_space<vmem>>, vector<16xi32>,
        %shift_left3A_1090 = arith.constant 16 : i32
        %shift_left3A_1091 = vector.broadcast %shift_left3A_1090 : i32 to vector<16xi32>
        %shift_left3A_1092 = arith.shli %get3A_1089, %shift_left3A_1091 : vector<16xi32>
        %bitcast3A_1093 = vector.bitcast %shift_left3A_1092 : vector<16xi32> to vector<16xf32>
        %bitcast3A_1094 = vector.bitcast %get3A_1089 : vector<16xi32> to vector<16xf32>
        %mul3A_1095 = vector.broadcast %squeeze3A_1082 : f32 to vector<16xf32>
        %mul3A_1096 = arith.mulf %mul3A_1095, %bitcast3A_1093 : vector<16xf32>
        %add3A_1097 = arith.addf %add3A_1057, %mul3A_1096 : vector<16xf32>
        %mul3A_1098 = vector.broadcast %squeeze3A_1082 : f32 to vector<16xf32>
        %mul3A_1099 = arith.mulf %mul3A_1098, %bitcast3A_1094 : vector<16xf32>
        %add3A_1100 = arith.addf %add3A_1060, %mul3A_1099 : vector<16xf32>
        %slice3A_1101 = vector.extract_strided_slice %bitcast3A {offsets = [6], sizes = [1], strides = [1]} : vector<16xf32> to vector<1xf32>
        %squeeze3A_1102 = vector.extract %slice3A_1101[0] : f32 from vector<1xf32>
        %add3A_1103 = arith.constant 6 : i32
        %add3A_1104 = arith.addi %add3A_983, %add3A_1103 : i32
        %get3A_1105 = arith.constant 1 : i32
        %get3A_1106 = arith.index_cast %get3A_1105 : i32 to index
        %get3A_1107 = arith.index_cast %add3A_1104 : i32 to index
        %get3A_1108 = arith.constant 0 : index
        %get3A_1109 = tpu.vector_load %arg6[%get3A_1106, %get3A_1107, %get3A_1108] {strides = array<i32>} : memref<2x2560x16xi32, #tpu.memory_space<vmem>>, vector<16xi32>,
        %shift_left3A_1110 = arith.constant 16 : i32
        %shift_left3A_1111 = vector.broadcast %shift_left3A_1110 : i32 to vector<16xi32>
        %shift_left3A_1112 = arith.shli %get3A_1109, %shift_left3A_1111 : vector<16xi32>
        %bitcast3A_1113 = vector.bitcast %shift_left3A_1112 : vector<16xi32> to vector<16xf32>
        %bitcast3A_1114 = vector.bitcast %get3A_1109 : vector<16xi32> to vector<16xf32>
        %mul3A_1115 = vector.broadcast %squeeze3A_1102 : f32 to vector<16xf32>
        %mul3A_1116 = arith.mulf %mul3A_1115, %bitcast3A_1113 : vector<16xf32>
        %add3A_1117 = arith.addf %add3A_1077, %mul3A_1116 : vector<16xf32>
        %mul3A_1118 = vector.broadcast %squeeze3A_1102 : f32 to vector<16xf32>
        %mul3A_1119 = arith.mulf %mul3A_1118, %bitcast3A_1114 : vector<16xf32>
        %add3A_1120 = arith.addf %add3A_1080, %mul3A_1119 : vector<16xf32>
        %slice3A_1121 = vector.extract_strided_slice %bitcast3A {offsets = [7], sizes = [1], strides = [1]} : vector<16xf32> to vector<1xf32>
        %squeeze3A_1122 = vector.extract %slice3A_1121[0] : f32 from vector<1xf32>
        %add3A_1123 = arith.constant 7 : i32
        %add3A_1124 = arith.addi %add3A_983, %add3A_1123 : i32
        %get3A_1125 = arith.constant 1 : i32
        %get3A_1126 = arith.index_cast %get3A_1125 : i32 to index
        %get3A_1127 = arith.index_cast %add3A_1124 : i32 to index
        %get3A_1128 = arith.constant 0 : index
        %get3A_1129 = tpu.vector_load %arg6[%get3A_1126, %get3A_1127, %get3A_1128] {strides = array<i32>} : memref<2x2560x16xi32, #tpu.memory_space<vmem>>, vector<16xi32>,
        %shift_left3A_1130 = arith.constant 16 : i32
        %shift_left3A_1131 = vector.broadcast %shift_left3A_1130 : i32 to vector<16xi32>
        %shift_left3A_1132 = arith.shli %get3A_1129, %shift_left3A_1131 : vector<16xi32>
        %bitcast3A_1133 = vector.bitcast %shift_left3A_1132 : vector<16xi32> to vector<16xf32>
        %bitcast3A_1134 = vector.bitcast %get3A_1129 : vector<16xi32> to vector<16xf32>
        %mul3A_1135 = vector.broadcast %squeeze3A_1122 : f32 to vector<16xf32>
        %mul3A_1136 = arith.mulf %mul3A_1135, %bitcast3A_1133 : vector<16xf32>
        %add3A_1137 = arith.addf %add3A_1097, %mul3A_1136 : vector<16xf32>
        %mul3A_1138 = vector.broadcast %squeeze3A_1122 : f32 to vector<16xf32>
        %mul3A_1139 = arith.mulf %mul3A_1138, %bitcast3A_1134 : vector<16xf32>
        %add3A_1140 = arith.addf %add3A_1100, %mul3A_1139 : vector<16xf32>
        %slice3A_1141 = vector.extract_strided_slice %bitcast3A {offsets = [8], sizes = [1], strides = [1]} : vector<16xf32> to vector<1xf32>
        %squeeze3A_1142 = vector.extract %slice3A_1141[0] : f32 from vector<1xf32>
        %add3A_1143 = arith.constant 8 : i32
        %add3A_1144 = arith.addi %add3A_983, %add3A_1143 : i32
        %get3A_1145 = arith.constant 1 : i32
        %get3A_1146 = arith.index_cast %get3A_1145 : i32 to index
        %get3A_1147 = arith.index_cast %add3A_1144 : i32 to index
        %get3A_1148 = arith.constant 0 : index
        %get3A_1149 = tpu.vector_load %arg6[%get3A_1146, %get3A_1147, %get3A_1148] {strides = array<i32>} : memref<2x2560x16xi32, #tpu.memory_space<vmem>>, vector<16xi32>,
        %shift_left3A_1150 = arith.constant 16 : i32
        %shift_left3A_1151 = vector.broadcast %shift_left3A_1150 : i32 to vector<16xi32>
        %shift_left3A_1152 = arith.shli %get3A_1149, %shift_left3A_1151 : vector<16xi32>
        %bitcast3A_1153 = vector.bitcast %shift_left3A_1152 : vector<16xi32> to vector<16xf32>
        %bitcast3A_1154 = vector.bitcast %get3A_1149 : vector<16xi32> to vector<16xf32>
        %mul3A_1155 = vector.broadcast %squeeze3A_1142 : f32 to vector<16xf32>
        %mul3A_1156 = arith.mulf %mul3A_1155, %bitcast3A_1153 : vector<16xf32>
        %add3A_1157 = arith.addf %add3A_1117, %mul3A_1156 : vector<16xf32>
        %mul3A_1158 = vector.broadcast %squeeze3A_1142 : f32 to vector<16xf32>
        %mul3A_1159 = arith.mulf %mul3A_1158, %bitcast3A_1154 : vector<16xf32>
        %add3A_1160 = arith.addf %add3A_1120, %mul3A_1159 : vector<16xf32>
        %slice3A_1161 = vector.extract_strided_slice %bitcast3A {offsets = [9], sizes = [1], strides = [1]} : vector<16xf32> to vector<1xf32>
        %squeeze3A_1162 = vector.extract %slice3A_1161[0] : f32 from vector<1xf32>
        %add3A_1163 = arith.constant 9 : i32
        %add3A_1164 = arith.addi %add3A_983, %add3A_1163 : i32
        %get3A_1165 = arith.constant 1 : i32
        %get3A_1166 = arith.index_cast %get3A_1165 : i32 to index
        %get3A_1167 = arith.index_cast %add3A_1164 : i32 to index
        %get3A_1168 = arith.constant 0 : index
        %get3A_1169 = tpu.vector_load %arg6[%get3A_1166, %get3A_1167, %get3A_1168] {strides = array<i32>} : memref<2x2560x16xi32, #tpu.memory_space<vmem>>, vector<16xi32>,
        %shift_left3A_1170 = arith.constant 16 : i32
        %shift_left3A_1171 = vector.broadcast %shift_left3A_1170 : i32 to vector<16xi32>
        %shift_left3A_1172 = arith.shli %get3A_1169, %shift_left3A_1171 : vector<16xi32>
        %bitcast3A_1173 = vector.bitcast %shift_left3A_1172 : vector<16xi32> to vector<16xf32>
        %bitcast3A_1174 = vector.bitcast %get3A_1169 : vector<16xi32> to vector<16xf32>
        %mul3A_1175 = vector.broadcast %squeeze3A_1162 : f32 to vector<16xf32>
        %mul3A_1176 = arith.mulf %mul3A_1175, %bitcast3A_1173 : vector<16xf32>
        %add3A_1177 = arith.addf %add3A_1137, %mul3A_1176 : vector<16xf32>
        %mul3A_1178 = vector.broadcast %squeeze3A_1162 : f32 to vector<16xf32>
        %mul3A_1179 = arith.mulf %mul3A_1178, %bitcast3A_1174 : vector<16xf32>
        %add3A_1180 = arith.addf %add3A_1140, %mul3A_1179 : vector<16xf32>
        %slice3A_1181 = vector.extract_strided_slice %bitcast3A {offsets = [10], sizes = [1], strides = [1]} : vector<16xf32> to vector<1xf32>
        %squeeze3A_1182 = vector.extract %slice3A_1181[0] : f32 from vector<1xf32>
        %add3A_1183 = arith.constant 10 : i32
        %add3A_1184 = arith.addi %add3A_983, %add3A_1183 : i32
        %get3A_1185 = arith.constant 1 : i32
        %get3A_1186 = arith.index_cast %get3A_1185 : i32 to index
        %get3A_1187 = arith.index_cast %add3A_1184 : i32 to index
        %get3A_1188 = arith.constant 0 : index
        %get3A_1189 = tpu.vector_load %arg6[%get3A_1186, %get3A_1187, %get3A_1188] {strides = array<i32>} : memref<2x2560x16xi32, #tpu.memory_space<vmem>>, vector<16xi32>,
        %shift_left3A_1190 = arith.constant 16 : i32
        %shift_left3A_1191 = vector.broadcast %shift_left3A_1190 : i32 to vector<16xi32>
        %shift_left3A_1192 = arith.shli %get3A_1189, %shift_left3A_1191 : vector<16xi32>
        %bitcast3A_1193 = vector.bitcast %shift_left3A_1192 : vector<16xi32> to vector<16xf32>
        %bitcast3A_1194 = vector.bitcast %get3A_1189 : vector<16xi32> to vector<16xf32>
        %mul3A_1195 = vector.broadcast %squeeze3A_1182 : f32 to vector<16xf32>
        %mul3A_1196 = arith.mulf %mul3A_1195, %bitcast3A_1193 : vector<16xf32>
        %add3A_1197 = arith.addf %add3A_1157, %mul3A_1196 : vector<16xf32>
        %mul3A_1198 = vector.broadcast %squeeze3A_1182 : f32 to vector<16xf32>
        %mul3A_1199 = arith.mulf %mul3A_1198, %bitcast3A_1194 : vector<16xf32>
        %add3A_1200 = arith.addf %add3A_1160, %mul3A_1199 : vector<16xf32>
        %slice3A_1201 = vector.extract_strided_slice %bitcast3A {offsets = [11], sizes = [1], strides = [1]} : vector<16xf32> to vector<1xf32>
        %squeeze3A_1202 = vector.extract %slice3A_1201[0] : f32 from vector<1xf32>
        %add3A_1203 = arith.constant 11 : i32
        %add3A_1204 = arith.addi %add3A_983, %add3A_1203 : i32
        %get3A_1205 = arith.constant 1 : i32
        %get3A_1206 = arith.index_cast %get3A_1205 : i32 to index
        %get3A_1207 = arith.index_cast %add3A_1204 : i32 to index
        %get3A_1208 = arith.constant 0 : index
        %get3A_1209 = tpu.vector_load %arg6[%get3A_1206, %get3A_1207, %get3A_1208] {strides = array<i32>} : memref<2x2560x16xi32, #tpu.memory_space<vmem>>, vector<16xi32>,
        %shift_left3A_1210 = arith.constant 16 : i32
        %shift_left3A_1211 = vector.broadcast %shift_left3A_1210 : i32 to vector<16xi32>
        %shift_left3A_1212 = arith.shli %get3A_1209, %shift_left3A_1211 : vector<16xi32>
        %bitcast3A_1213 = vector.bitcast %shift_left3A_1212 : vector<16xi32> to vector<16xf32>
        %bitcast3A_1214 = vector.bitcast %get3A_1209 : vector<16xi32> to vector<16xf32>
        %mul3A_1215 = vector.broadcast %squeeze3A_1202 : f32 to vector<16xf32>
        %mul3A_1216 = arith.mulf %mul3A_1215, %bitcast3A_1213 : vector<16xf32>
        %add3A_1217 = arith.addf %add3A_1177, %mul3A_1216 : vector<16xf32>
        %mul3A_1218 = vector.broadcast %squeeze3A_1202 : f32 to vector<16xf32>
        %mul3A_1219 = arith.mulf %mul3A_1218, %bitcast3A_1214 : vector<16xf32>
        %add3A_1220 = arith.addf %add3A_1180, %mul3A_1219 : vector<16xf32>
        %slice3A_1221 = vector.extract_strided_slice %bitcast3A {offsets = [12], sizes = [1], strides = [1]} : vector<16xf32> to vector<1xf32>
        %squeeze3A_1222 = vector.extract %slice3A_1221[0] : f32 from vector<1xf32>
        %add3A_1223 = arith.constant 12 : i32
        %add3A_1224 = arith.addi %add3A_983, %add3A_1223 : i32
        %get3A_1225 = arith.constant 1 : i32
        %get3A_1226 = arith.index_cast %get3A_1225 : i32 to index
        %get3A_1227 = arith.index_cast %add3A_1224 : i32 to index
        %get3A_1228 = arith.constant 0 : index
        %get3A_1229 = tpu.vector_load %arg6[%get3A_1226, %get3A_1227, %get3A_1228] {strides = array<i32>} : memref<2x2560x16xi32, #tpu.memory_space<vmem>>, vector<16xi32>,
        %shift_left3A_1230 = arith.constant 16 : i32
        %shift_left3A_1231 = vector.broadcast %shift_left3A_1230 : i32 to vector<16xi32>
        %shift_left3A_1232 = arith.shli %get3A_1229, %shift_left3A_1231 : vector<16xi32>
        %bitcast3A_1233 = vector.bitcast %shift_left3A_1232 : vector<16xi32> to vector<16xf32>
        %bitcast3A_1234 = vector.bitcast %get3A_1229 : vector<16xi32> to vector<16xf32>
        %mul3A_1235 = vector.broadcast %squeeze3A_1222 : f32 to vector<16xf32>
        %mul3A_1236 = arith.mulf %mul3A_1235, %bitcast3A_1233 : vector<16xf32>
        %add3A_1237 = arith.addf %add3A_1197, %mul3A_1236 : vector<16xf32>
        %mul3A_1238 = vector.broadcast %squeeze3A_1222 : f32 to vector<16xf32>
        %mul3A_1239 = arith.mulf %mul3A_1238, %bitcast3A_1234 : vector<16xf32>
        %add3A_1240 = arith.addf %add3A_1200, %mul3A_1239 : vector<16xf32>
        %slice3A_1241 = vector.extract_strided_slice %bitcast3A {offsets = [13], sizes = [1], strides = [1]} : vector<16xf32> to vector<1xf32>
        %squeeze3A_1242 = vector.extract %slice3A_1241[0] : f32 from vector<1xf32>
        %add3A_1243 = arith.constant 13 : i32
        %add3A_1244 = arith.addi %add3A_983, %add3A_1243 : i32
        %get3A_1245 = arith.constant 1 : i32
        %get3A_1246 = arith.index_cast %get3A_1245 : i32 to index
        %get3A_1247 = arith.index_cast %add3A_1244 : i32 to index
        %get3A_1248 = arith.constant 0 : index
        %get3A_1249 = tpu.vector_load %arg6[%get3A_1246, %get3A_1247, %get3A_1248] {strides = array<i32>} : memref<2x2560x16xi32, #tpu.memory_space<vmem>>, vector<16xi32>,
        %shift_left3A_1250 = arith.constant 16 : i32
        %shift_left3A_1251 = vector.broadcast %shift_left3A_1250 : i32 to vector<16xi32>
        %shift_left3A_1252 = arith.shli %get3A_1249, %shift_left3A_1251 : vector<16xi32>
        %bitcast3A_1253 = vector.bitcast %shift_left3A_1252 : vector<16xi32> to vector<16xf32>
        %bitcast3A_1254 = vector.bitcast %get3A_1249 : vector<16xi32> to vector<16xf32>
        %mul3A_1255 = vector.broadcast %squeeze3A_1242 : f32 to vector<16xf32>
        %mul3A_1256 = arith.mulf %mul3A_1255, %bitcast3A_1253 : vector<16xf32>
        %add3A_1257 = arith.addf %add3A_1217, %mul3A_1256 : vector<16xf32>
        %mul3A_1258 = vector.broadcast %squeeze3A_1242 : f32 to vector<16xf32>
        %mul3A_1259 = arith.mulf %mul3A_1258, %bitcast3A_1254 : vector<16xf32>
        %add3A_1260 = arith.addf %add3A_1220, %mul3A_1259 : vector<16xf32>
        %slice3A_1261 = vector.extract_strided_slice %bitcast3A {offsets = [14], sizes = [1], strides = [1]} : vector<16xf32> to vector<1xf32>
        %squeeze3A_1262 = vector.extract %slice3A_1261[0] : f32 from vector<1xf32>
        %add3A_1263 = arith.constant 14 : i32
        %add3A_1264 = arith.addi %add3A_983, %add3A_1263 : i32
        %get3A_1265 = arith.constant 1 : i32
        %get3A_1266 = arith.index_cast %get3A_1265 : i32 to index
        %get3A_1267 = arith.index_cast %add3A_1264 : i32 to index
        %get3A_1268 = arith.constant 0 : index
        %get3A_1269 = tpu.vector_load %arg6[%get3A_1266, %get3A_1267, %get3A_1268] {strides = array<i32>} : memref<2x2560x16xi32, #tpu.memory_space<vmem>>, vector<16xi32>,
        %shift_left3A_1270 = arith.constant 16 : i32
        %shift_left3A_1271 = vector.broadcast %shift_left3A_1270 : i32 to vector<16xi32>
        %shift_left3A_1272 = arith.shli %get3A_1269, %shift_left3A_1271 : vector<16xi32>
        %bitcast3A_1273 = vector.bitcast %shift_left3A_1272 : vector<16xi32> to vector<16xf32>
        %bitcast3A_1274 = vector.bitcast %get3A_1269 : vector<16xi32> to vector<16xf32>
        %mul3A_1275 = vector.broadcast %squeeze3A_1262 : f32 to vector<16xf32>
        %mul3A_1276 = arith.mulf %mul3A_1275, %bitcast3A_1273 : vector<16xf32>
        %add3A_1277 = arith.addf %add3A_1237, %mul3A_1276 : vector<16xf32>
        %mul3A_1278 = vector.broadcast %squeeze3A_1262 : f32 to vector<16xf32>
        %mul3A_1279 = arith.mulf %mul3A_1278, %bitcast3A_1274 : vector<16xf32>
        %add3A_1280 = arith.addf %add3A_1240, %mul3A_1279 : vector<16xf32>
        %slice3A_1281 = vector.extract_strided_slice %bitcast3A {offsets = [15], sizes = [1], strides = [1]} : vector<16xf32> to vector<1xf32>
        %squeeze3A_1282 = vector.extract %slice3A_1281[0] : f32 from vector<1xf32>
        %add3A_1283 = arith.constant 15 : i32
        %add3A_1284 = arith.addi %add3A_983, %add3A_1283 : i32
        %get3A_1285 = arith.constant 1 : i32
        %get3A_1286 = arith.index_cast %get3A_1285 : i32 to index
        %get3A_1287 = arith.index_cast %add3A_1284 : i32 to index
        %get3A_1288 = arith.constant 0 : index
        %get3A_1289 = tpu.vector_load %arg6[%get3A_1286, %get3A_1287, %get3A_1288] {strides = array<i32>} : memref<2x2560x16xi32, #tpu.memory_space<vmem>>, vector<16xi32>,
        %shift_left3A_1290 = arith.constant 16 : i32
        %shift_left3A_1291 = vector.broadcast %shift_left3A_1290 : i32 to vector<16xi32>
        %shift_left3A_1292 = arith.shli %get3A_1289, %shift_left3A_1291 : vector<16xi32>
        %bitcast3A_1293 = vector.bitcast %shift_left3A_1292 : vector<16xi32> to vector<16xf32>
        %bitcast3A_1294 = vector.bitcast %get3A_1289 : vector<16xi32> to vector<16xf32>
        %mul3A_1295 = vector.broadcast %squeeze3A_1282 : f32 to vector<16xf32>
        %mul3A_1296 = arith.mulf %mul3A_1295, %bitcast3A_1293 : vector<16xf32>
        %add3A_1297 = arith.addf %add3A_1257, %mul3A_1296 : vector<16xf32>
        %mul3A_1298 = vector.broadcast %squeeze3A_1282 : f32 to vector<16xf32>
        %mul3A_1299 = arith.mulf %mul3A_1298, %bitcast3A_1294 : vector<16xf32>
        %add3A_1300 = arith.addf %add3A_1260, %mul3A_1299 : vector<16xf32>
        %mul3A_1301 = arith.constant 16 : i32
        %mul3A_1302 = arith.muli %and3A_957, %mul3A_1301 : i32
        %mul3A_1303 = arith.constant 8 : i32
        %mul3A_1304 = arith.muli %shift_right_arithmetic3A_956, %mul3A_1303 : i32
        %add3A_1305 = arith.constant 4 : i32
        %add3A_1306 = arith.addi %mul3A_1304, %add3A_1305 : i32
        %add3A_1307 = arith.constant 1 : i32
        %add3A_1308 = arith.addi %add3A_1306, %add3A_1307 : i32
        %get3A_1309 = arith.constant 1 : i32
        %get3A_1310 = arith.index_cast %get3A_1309 : i32 to index
        %get3A_1311 = arith.index_cast %add3A_1308 : i32 to index
        %get3A_1312 = arith.index_cast %mul3A_1302 : i32 to index
        %get3A_1313 = tpu.vector_load %arg5[%get3A_1310, %get3A_1311, %get3A_1312] {strides = array<i32>} : memref<2x40x128xi32, #tpu.memory_space<vmem>>, vector<16xi32>,
        %bitcast3A_1314 = vector.bitcast %get3A_1313 : vector<16xi32> to vector<16xf32>
        %mul3A_1315 = arith.constant 4 : i32
        %mul3A_1316 = arith.muli %shift_right_arithmetic3A_956, %mul3A_1315 : i32
        %add3A_1317 = arith.constant 1 : i32
        %add3A_1318 = arith.addi %mul3A_1316, %add3A_1317 : i32
        %mul3A_1319 = arith.constant 128 : i32
        %mul3A_1320 = arith.muli %add3A_1318, %mul3A_1319 : i32
        %add3A_1321 = arith.addi %mul3A_1320, %mul3A_1302 : i32
        %slice3A_1322 = vector.extract_strided_slice %bitcast3A_1314 {offsets = [0], sizes = [1], strides = [1]} : vector<16xf32> to vector<1xf32>
        %squeeze3A_1323 = vector.extract %slice3A_1322[0] : f32 from vector<1xf32>
        %add3A_1324 = arith.constant 0 : i32
        %add3A_1325 = arith.addi %add3A_1321, %add3A_1324 : i32
        %get3A_1326 = arith.constant 1 : i32
        %get3A_1327 = arith.index_cast %get3A_1326 : i32 to index
        %get3A_1328 = arith.index_cast %add3A_1325 : i32 to index
        %get3A_1329 = arith.constant 0 : index
        %get3A_1330 = tpu.vector_load %arg6[%get3A_1327, %get3A_1328, %get3A_1329] {strides = array<i32>} : memref<2x2560x16xi32, #tpu.memory_space<vmem>>, vector<16xi32>,
        %shift_left3A_1331 = arith.constant 16 : i32
        %shift_left3A_1332 = vector.broadcast %shift_left3A_1331 : i32 to vector<16xi32>
        %shift_left3A_1333 = arith.shli %get3A_1330, %shift_left3A_1332 : vector<16xi32>
        %bitcast3A_1334 = vector.bitcast %shift_left3A_1333 : vector<16xi32> to vector<16xf32>
        %bitcast3A_1335 = vector.bitcast %get3A_1330 : vector<16xi32> to vector<16xf32>
        %mul3A_1336 = vector.broadcast %squeeze3A_1323 : f32 to vector<16xf32>
        %mul3A_1337 = arith.mulf %mul3A_1336, %bitcast3A_1334 : vector<16xf32>
        %add3A_1338 = arith.addf %add3A_1277, %mul3A_1337 : vector<16xf32>
        %mul3A_1339 = vector.broadcast %squeeze3A_1323 : f32 to vector<16xf32>
        %mul3A_1340 = arith.mulf %mul3A_1339, %bitcast3A_1335 : vector<16xf32>
        %add3A_1341 = arith.addf %add3A_1280, %mul3A_1340 : vector<16xf32>
        %slice3A_1342 = vector.extract_strided_slice %bitcast3A_1314 {offsets = [1], sizes = [1], strides = [1]} : vector<16xf32> to vector<1xf32>
        %squeeze3A_1343 = vector.extract %slice3A_1342[0] : f32 from vector<1xf32>
        %add3A_1344 = arith.constant 1 : i32
        %add3A_1345 = arith.addi %add3A_1321, %add3A_1344 : i32
        %get3A_1346 = arith.constant 1 : i32
        %get3A_1347 = arith.index_cast %get3A_1346 : i32 to index
        %get3A_1348 = arith.index_cast %add3A_1345 : i32 to index
        %get3A_1349 = arith.constant 0 : index
        %get3A_1350 = tpu.vector_load %arg6[%get3A_1347, %get3A_1348, %get3A_1349] {strides = array<i32>} : memref<2x2560x16xi32, #tpu.memory_space<vmem>>, vector<16xi32>,
        %shift_left3A_1351 = arith.constant 16 : i32
        %shift_left3A_1352 = vector.broadcast %shift_left3A_1351 : i32 to vector<16xi32>
        %shift_left3A_1353 = arith.shli %get3A_1350, %shift_left3A_1352 : vector<16xi32>
        %bitcast3A_1354 = vector.bitcast %shift_left3A_1353 : vector<16xi32> to vector<16xf32>
        %bitcast3A_1355 = vector.bitcast %get3A_1350 : vector<16xi32> to vector<16xf32>
        %mul3A_1356 = vector.broadcast %squeeze3A_1343 : f32 to vector<16xf32>
        %mul3A_1357 = arith.mulf %mul3A_1356, %bitcast3A_1354 : vector<16xf32>
        %add3A_1358 = arith.addf %add3A_1297, %mul3A_1357 : vector<16xf32>
        %mul3A_1359 = vector.broadcast %squeeze3A_1343 : f32 to vector<16xf32>
        %mul3A_1360 = arith.mulf %mul3A_1359, %bitcast3A_1355 : vector<16xf32>
        %add3A_1361 = arith.addf %add3A_1300, %mul3A_1360 : vector<16xf32>
        %slice3A_1362 = vector.extract_strided_slice %bitcast3A_1314 {offsets = [2], sizes = [1], strides = [1]} : vector<16xf32> to vector<1xf32>
        %squeeze3A_1363 = vector.extract %slice3A_1362[0] : f32 from vector<1xf32>
        %add3A_1364 = arith.constant 2 : i32
        %add3A_1365 = arith.addi %add3A_1321, %add3A_1364 : i32
        %get3A_1366 = arith.constant 1 : i32
        %get3A_1367 = arith.index_cast %get3A_1366 : i32 to index
        %get3A_1368 = arith.index_cast %add3A_1365 : i32 to index
        %get3A_1369 = arith.constant 0 : index
        %get3A_1370 = tpu.vector_load %arg6[%get3A_1367, %get3A_1368, %get3A_1369] {strides = array<i32>} : memref<2x2560x16xi32, #tpu.memory_space<vmem>>, vector<16xi32>,
        %shift_left3A_1371 = arith.constant 16 : i32
        %shift_left3A_1372 = vector.broadcast %shift_left3A_1371 : i32 to vector<16xi32>
        %shift_left3A_1373 = arith.shli %get3A_1370, %shift_left3A_1372 : vector<16xi32>
        %bitcast3A_1374 = vector.bitcast %shift_left3A_1373 : vector<16xi32> to vector<16xf32>
        %bitcast3A_1375 = vector.bitcast %get3A_1370 : vector<16xi32> to vector<16xf32>
        %mul3A_1376 = vector.broadcast %squeeze3A_1363 : f32 to vector<16xf32>
        %mul3A_1377 = arith.mulf %mul3A_1376, %bitcast3A_1374 : vector<16xf32>
        %add3A_1378 = arith.addf %add3A_1338, %mul3A_1377 : vector<16xf32>
        %mul3A_1379 = vector.broadcast %squeeze3A_1363 : f32 to vector<16xf32>
        %mul3A_1380 = arith.mulf %mul3A_1379, %bitcast3A_1375 : vector<16xf32>
        %add3A_1381 = arith.addf %add3A_1341, %mul3A_1380 : vector<16xf32>
        %slice3A_1382 = vector.extract_strided_slice %bitcast3A_1314 {offsets = [3], sizes = [1], strides = [1]} : vector<16xf32> to vector<1xf32>
        %squeeze3A_1383 = vector.extract %slice3A_1382[0] : f32 from vector<1xf32>
        %add3A_1384 = arith.constant 3 : i32
        %add3A_1385 = arith.addi %add3A_1321, %add3A_1384 : i32
        %get3A_1386 = arith.constant 1 : i32
        %get3A_1387 = arith.index_cast %get3A_1386 : i32 to index
        %get3A_1388 = arith.index_cast %add3A_1385 : i32 to index
        %get3A_1389 = arith.constant 0 : index
        %get3A_1390 = tpu.vector_load %arg6[%get3A_1387, %get3A_1388, %get3A_1389] {strides = array<i32>} : memref<2x2560x16xi32, #tpu.memory_space<vmem>>, vector<16xi32>,
        %shift_left3A_1391 = arith.constant 16 : i32
        %shift_left3A_1392 = vector.broadcast %shift_left3A_1391 : i32 to vector<16xi32>
        %shift_left3A_1393 = arith.shli %get3A_1390, %shift_left3A_1392 : vector<16xi32>
        %bitcast3A_1394 = vector.bitcast %shift_left3A_1393 : vector<16xi32> to vector<16xf32>
        %bitcast3A_1395 = vector.bitcast %get3A_1390 : vector<16xi32> to vector<16xf32>
        %mul3A_1396 = vector.broadcast %squeeze3A_1383 : f32 to vector<16xf32>
        %mul3A_1397 = arith.mulf %mul3A_1396, %bitcast3A_1394 : vector<16xf32>
        %add3A_1398 = arith.addf %add3A_1358, %mul3A_1397 : vector<16xf32>
        %mul3A_1399 = vector.broadcast %squeeze3A_1383 : f32 to vector<16xf32>
        %mul3A_1400 = arith.mulf %mul3A_1399, %bitcast3A_1395 : vector<16xf32>
        %add3A_1401 = arith.addf %add3A_1361, %mul3A_1400 : vector<16xf32>
        %slice3A_1402 = vector.extract_strided_slice %bitcast3A_1314 {offsets = [4], sizes = [1], strides = [1]} : vector<16xf32> to vector<1xf32>
        %squeeze3A_1403 = vector.extract %slice3A_1402[0] : f32 from vector<1xf32>
        %add3A_1404 = arith.constant 4 : i32
        %add3A_1405 = arith.addi %add3A_1321, %add3A_1404 : i32
        %get3A_1406 = arith.constant 1 : i32
        %get3A_1407 = arith.index_cast %get3A_1406 : i32 to index
        %get3A_1408 = arith.index_cast %add3A_1405 : i32 to index
        %get3A_1409 = arith.constant 0 : index
        %get3A_1410 = tpu.vector_load %arg6[%get3A_1407, %get3A_1408, %get3A_1409] {strides = array<i32>} : memref<2x2560x16xi32, #tpu.memory_space<vmem>>, vector<16xi32>,
        %shift_left3A_1411 = arith.constant 16 : i32
        %shift_left3A_1412 = vector.broadcast %shift_left3A_1411 : i32 to vector<16xi32>
        %shift_left3A_1413 = arith.shli %get3A_1410, %shift_left3A_1412 : vector<16xi32>
        %bitcast3A_1414 = vector.bitcast %shift_left3A_1413 : vector<16xi32> to vector<16xf32>
        %bitcast3A_1415 = vector.bitcast %get3A_1410 : vector<16xi32> to vector<16xf32>
        %mul3A_1416 = vector.broadcast %squeeze3A_1403 : f32 to vector<16xf32>
        %mul3A_1417 = arith.mulf %mul3A_1416, %bitcast3A_1414 : vector<16xf32>
        %add3A_1418 = arith.addf %add3A_1378, %mul3A_1417 : vector<16xf32>
        %mul3A_1419 = vector.broadcast %squeeze3A_1403 : f32 to vector<16xf32>
        %mul3A_1420 = arith.mulf %mul3A_1419, %bitcast3A_1415 : vector<16xf32>
        %add3A_1421 = arith.addf %add3A_1381, %mul3A_1420 : vector<16xf32>
        %slice3A_1422 = vector.extract_strided_slice %bitcast3A_1314 {offsets = [5], sizes = [1], strides = [1]} : vector<16xf32> to vector<1xf32>
        %squeeze3A_1423 = vector.extract %slice3A_1422[0] : f32 from vector<1xf32>
        %add3A_1424 = arith.constant 5 : i32
        %add3A_1425 = arith.addi %add3A_1321, %add3A_1424 : i32
        %get3A_1426 = arith.constant 1 : i32
        %get3A_1427 = arith.index_cast %get3A_1426 : i32 to index
        %get3A_1428 = arith.index_cast %add3A_1425 : i32 to index
        %get3A_1429 = arith.constant 0 : index
        %get3A_1430 = tpu.vector_load %arg6[%get3A_1427, %get3A_1428, %get3A_1429] {strides = array<i32>} : memref<2x2560x16xi32, #tpu.memory_space<vmem>>, vector<16xi32>,
        %shift_left3A_1431 = arith.constant 16 : i32
        %shift_left3A_1432 = vector.broadcast %shift_left3A_1431 : i32 to vector<16xi32>
        %shift_left3A_1433 = arith.shli %get3A_1430, %shift_left3A_1432 : vector<16xi32>
        %bitcast3A_1434 = vector.bitcast %shift_left3A_1433 : vector<16xi32> to vector<16xf32>
        %bitcast3A_1435 = vector.bitcast %get3A_1430 : vector<16xi32> to vector<16xf32>
        %mul3A_1436 = vector.broadcast %squeeze3A_1423 : f32 to vector<16xf32>
        %mul3A_1437 = arith.mulf %mul3A_1436, %bitcast3A_1434 : vector<16xf32>
        %add3A_1438 = arith.addf %add3A_1398, %mul3A_1437 : vector<16xf32>
        %mul3A_1439 = vector.broadcast %squeeze3A_1423 : f32 to vector<16xf32>
        %mul3A_1440 = arith.mulf %mul3A_1439, %bitcast3A_1435 : vector<16xf32>
        %add3A_1441 = arith.addf %add3A_1401, %mul3A_1440 : vector<16xf32>
        %slice3A_1442 = vector.extract_strided_slice %bitcast3A_1314 {offsets = [6], sizes = [1], strides = [1]} : vector<16xf32> to vector<1xf32>
        %squeeze3A_1443 = vector.extract %slice3A_1442[0] : f32 from vector<1xf32>
        %add3A_1444 = arith.constant 6 : i32
        %add3A_1445 = arith.addi %add3A_1321, %add3A_1444 : i32
        %get3A_1446 = arith.constant 1 : i32
        %get3A_1447 = arith.index_cast %get3A_1446 : i32 to index
        %get3A_1448 = arith.index_cast %add3A_1445 : i32 to index
        %get3A_1449 = arith.constant 0 : index
        %get3A_1450 = tpu.vector_load %arg6[%get3A_1447, %get3A_1448, %get3A_1449] {strides = array<i32>} : memref<2x2560x16xi32, #tpu.memory_space<vmem>>, vector<16xi32>,
        %shift_left3A_1451 = arith.constant 16 : i32
        %shift_left3A_1452 = vector.broadcast %shift_left3A_1451 : i32 to vector<16xi32>
        %shift_left3A_1453 = arith.shli %get3A_1450, %shift_left3A_1452 : vector<16xi32>
        %bitcast3A_1454 = vector.bitcast %shift_left3A_1453 : vector<16xi32> to vector<16xf32>
        %bitcast3A_1455 = vector.bitcast %get3A_1450 : vector<16xi32> to vector<16xf32>
        %mul3A_1456 = vector.broadcast %squeeze3A_1443 : f32 to vector<16xf32>
        %mul3A_1457 = arith.mulf %mul3A_1456, %bitcast3A_1454 : vector<16xf32>
        %add3A_1458 = arith.addf %add3A_1418, %mul3A_1457 : vector<16xf32>
        %mul3A_1459 = vector.broadcast %squeeze3A_1443 : f32 to vector<16xf32>
        %mul3A_1460 = arith.mulf %mul3A_1459, %bitcast3A_1455 : vector<16xf32>
        %add3A_1461 = arith.addf %add3A_1421, %mul3A_1460 : vector<16xf32>
        %slice3A_1462 = vector.extract_strided_slice %bitcast3A_1314 {offsets = [7], sizes = [1], strides = [1]} : vector<16xf32> to vector<1xf32>
        %squeeze3A_1463 = vector.extract %slice3A_1462[0] : f32 from vector<1xf32>
        %add3A_1464 = arith.constant 7 : i32
        %add3A_1465 = arith.addi %add3A_1321, %add3A_1464 : i32
        %get3A_1466 = arith.constant 1 : i32
        %get3A_1467 = arith.index_cast %get3A_1466 : i32 to index
        %get3A_1468 = arith.index_cast %add3A_1465 : i32 to index
        %get3A_1469 = arith.constant 0 : index
        %get3A_1470 = tpu.vector_load %arg6[%get3A_1467, %get3A_1468, %get3A_1469] {strides = array<i32>} : memref<2x2560x16xi32, #tpu.memory_space<vmem>>, vector<16xi32>,
        %shift_left3A_1471 = arith.constant 16 : i32
        %shift_left3A_1472 = vector.broadcast %shift_left3A_1471 : i32 to vector<16xi32>
        %shift_left3A_1473 = arith.shli %get3A_1470, %shift_left3A_1472 : vector<16xi32>
        %bitcast3A_1474 = vector.bitcast %shift_left3A_1473 : vector<16xi32> to vector<16xf32>
        %bitcast3A_1475 = vector.bitcast %get3A_1470 : vector<16xi32> to vector<16xf32>
        %mul3A_1476 = vector.broadcast %squeeze3A_1463 : f32 to vector<16xf32>
        %mul3A_1477 = arith.mulf %mul3A_1476, %bitcast3A_1474 : vector<16xf32>
        %add3A_1478 = arith.addf %add3A_1438, %mul3A_1477 : vector<16xf32>
        %mul3A_1479 = vector.broadcast %squeeze3A_1463 : f32 to vector<16xf32>
        %mul3A_1480 = arith.mulf %mul3A_1479, %bitcast3A_1475 : vector<16xf32>
        %add3A_1481 = arith.addf %add3A_1441, %mul3A_1480 : vector<16xf32>
        %slice3A_1482 = vector.extract_strided_slice %bitcast3A_1314 {offsets = [8], sizes = [1], strides = [1]} : vector<16xf32> to vector<1xf32>
        %squeeze3A_1483 = vector.extract %slice3A_1482[0] : f32 from vector<1xf32>
        %add3A_1484 = arith.constant 8 : i32
        %add3A_1485 = arith.addi %add3A_1321, %add3A_1484 : i32
        %get3A_1486 = arith.constant 1 : i32
        %get3A_1487 = arith.index_cast %get3A_1486 : i32 to index
        %get3A_1488 = arith.index_cast %add3A_1485 : i32 to index
        %get3A_1489 = arith.constant 0 : index
        %get3A_1490 = tpu.vector_load %arg6[%get3A_1487, %get3A_1488, %get3A_1489] {strides = array<i32>} : memref<2x2560x16xi32, #tpu.memory_space<vmem>>, vector<16xi32>,
        %shift_left3A_1491 = arith.constant 16 : i32
        %shift_left3A_1492 = vector.broadcast %shift_left3A_1491 : i32 to vector<16xi32>
        %shift_left3A_1493 = arith.shli %get3A_1490, %shift_left3A_1492 : vector<16xi32>
        %bitcast3A_1494 = vector.bitcast %shift_left3A_1493 : vector<16xi32> to vector<16xf32>
        %bitcast3A_1495 = vector.bitcast %get3A_1490 : vector<16xi32> to vector<16xf32>
        %mul3A_1496 = vector.broadcast %squeeze3A_1483 : f32 to vector<16xf32>
        %mul3A_1497 = arith.mulf %mul3A_1496, %bitcast3A_1494 : vector<16xf32>
        %add3A_1498 = arith.addf %add3A_1458, %mul3A_1497 : vector<16xf32>
        %mul3A_1499 = vector.broadcast %squeeze3A_1483 : f32 to vector<16xf32>
        %mul3A_1500 = arith.mulf %mul3A_1499, %bitcast3A_1495 : vector<16xf32>
        %add3A_1501 = arith.addf %add3A_1461, %mul3A_1500 : vector<16xf32>
        %slice3A_1502 = vector.extract_strided_slice %bitcast3A_1314 {offsets = [9], sizes = [1], strides = [1]} : vector<16xf32> to vector<1xf32>
        %squeeze3A_1503 = vector.extract %slice3A_1502[0] : f32 from vector<1xf32>
        %add3A_1504 = arith.constant 9 : i32
        %add3A_1505 = arith.addi %add3A_1321, %add3A_1504 : i32
        %get3A_1506 = arith.constant 1 : i32
        %get3A_1507 = arith.index_cast %get3A_1506 : i32 to index
        %get3A_1508 = arith.index_cast %add3A_1505 : i32 to index
        %get3A_1509 = arith.constant 0 : index
        %get3A_1510 = tpu.vector_load %arg6[%get3A_1507, %get3A_1508, %get3A_1509] {strides = array<i32>} : memref<2x2560x16xi32, #tpu.memory_space<vmem>>, vector<16xi32>,
        %shift_left3A_1511 = arith.constant 16 : i32
        %shift_left3A_1512 = vector.broadcast %shift_left3A_1511 : i32 to vector<16xi32>
        %shift_left3A_1513 = arith.shli %get3A_1510, %shift_left3A_1512 : vector<16xi32>
        %bitcast3A_1514 = vector.bitcast %shift_left3A_1513 : vector<16xi32> to vector<16xf32>
        %bitcast3A_1515 = vector.bitcast %get3A_1510 : vector<16xi32> to vector<16xf32>
        %mul3A_1516 = vector.broadcast %squeeze3A_1503 : f32 to vector<16xf32>
        %mul3A_1517 = arith.mulf %mul3A_1516, %bitcast3A_1514 : vector<16xf32>
        %add3A_1518 = arith.addf %add3A_1478, %mul3A_1517 : vector<16xf32>
        %mul3A_1519 = vector.broadcast %squeeze3A_1503 : f32 to vector<16xf32>
        %mul3A_1520 = arith.mulf %mul3A_1519, %bitcast3A_1515 : vector<16xf32>
        %add3A_1521 = arith.addf %add3A_1481, %mul3A_1520 : vector<16xf32>
        %slice3A_1522 = vector.extract_strided_slice %bitcast3A_1314 {offsets = [10], sizes = [1], strides = [1]} : vector<16xf32> to vector<1xf32>
        %squeeze3A_1523 = vector.extract %slice3A_1522[0] : f32 from vector<1xf32>
        %add3A_1524 = arith.constant 10 : i32
        %add3A_1525 = arith.addi %add3A_1321, %add3A_1524 : i32
        %get3A_1526 = arith.constant 1 : i32
        %get3A_1527 = arith.index_cast %get3A_1526 : i32 to index
        %get3A_1528 = arith.index_cast %add3A_1525 : i32 to index
        %get3A_1529 = arith.constant 0 : index
        %get3A_1530 = tpu.vector_load %arg6[%get3A_1527, %get3A_1528, %get3A_1529] {strides = array<i32>} : memref<2x2560x16xi32, #tpu.memory_space<vmem>>, vector<16xi32>,
        %shift_left3A_1531 = arith.constant 16 : i32
        %shift_left3A_1532 = vector.broadcast %shift_left3A_1531 : i32 to vector<16xi32>
        %shift_left3A_1533 = arith.shli %get3A_1530, %shift_left3A_1532 : vector<16xi32>
        %bitcast3A_1534 = vector.bitcast %shift_left3A_1533 : vector<16xi32> to vector<16xf32>
        %bitcast3A_1535 = vector.bitcast %get3A_1530 : vector<16xi32> to vector<16xf32>
        %mul3A_1536 = vector.broadcast %squeeze3A_1523 : f32 to vector<16xf32>
        %mul3A_1537 = arith.mulf %mul3A_1536, %bitcast3A_1534 : vector<16xf32>
        %add3A_1538 = arith.addf %add3A_1498, %mul3A_1537 : vector<16xf32>
        %mul3A_1539 = vector.broadcast %squeeze3A_1523 : f32 to vector<16xf32>
        %mul3A_1540 = arith.mulf %mul3A_1539, %bitcast3A_1535 : vector<16xf32>
        %add3A_1541 = arith.addf %add3A_1501, %mul3A_1540 : vector<16xf32>
        %slice3A_1542 = vector.extract_strided_slice %bitcast3A_1314 {offsets = [11], sizes = [1], strides = [1]} : vector<16xf32> to vector<1xf32>
        %squeeze3A_1543 = vector.extract %slice3A_1542[0] : f32 from vector<1xf32>
        %add3A_1544 = arith.constant 11 : i32
        %add3A_1545 = arith.addi %add3A_1321, %add3A_1544 : i32
        %get3A_1546 = arith.constant 1 : i32
        %get3A_1547 = arith.index_cast %get3A_1546 : i32 to index
        %get3A_1548 = arith.index_cast %add3A_1545 : i32 to index
        %get3A_1549 = arith.constant 0 : index
        %get3A_1550 = tpu.vector_load %arg6[%get3A_1547, %get3A_1548, %get3A_1549] {strides = array<i32>} : memref<2x2560x16xi32, #tpu.memory_space<vmem>>, vector<16xi32>,
        %shift_left3A_1551 = arith.constant 16 : i32
        %shift_left3A_1552 = vector.broadcast %shift_left3A_1551 : i32 to vector<16xi32>
        %shift_left3A_1553 = arith.shli %get3A_1550, %shift_left3A_1552 : vector<16xi32>
        %bitcast3A_1554 = vector.bitcast %shift_left3A_1553 : vector<16xi32> to vector<16xf32>
        %bitcast3A_1555 = vector.bitcast %get3A_1550 : vector<16xi32> to vector<16xf32>
        %mul3A_1556 = vector.broadcast %squeeze3A_1543 : f32 to vector<16xf32>
        %mul3A_1557 = arith.mulf %mul3A_1556, %bitcast3A_1554 : vector<16xf32>
        %add3A_1558 = arith.addf %add3A_1518, %mul3A_1557 : vector<16xf32>
        %mul3A_1559 = vector.broadcast %squeeze3A_1543 : f32 to vector<16xf32>
        %mul3A_1560 = arith.mulf %mul3A_1559, %bitcast3A_1555 : vector<16xf32>
        %add3A_1561 = arith.addf %add3A_1521, %mul3A_1560 : vector<16xf32>
        %slice3A_1562 = vector.extract_strided_slice %bitcast3A_1314 {offsets = [12], sizes = [1], strides = [1]} : vector<16xf32> to vector<1xf32>
        %squeeze3A_1563 = vector.extract %slice3A_1562[0] : f32 from vector<1xf32>
        %add3A_1564 = arith.constant 12 : i32
        %add3A_1565 = arith.addi %add3A_1321, %add3A_1564 : i32
        %get3A_1566 = arith.constant 1 : i32
        %get3A_1567 = arith.index_cast %get3A_1566 : i32 to index
        %get3A_1568 = arith.index_cast %add3A_1565 : i32 to index
        %get3A_1569 = arith.constant 0 : index
        %get3A_1570 = tpu.vector_load %arg6[%get3A_1567, %get3A_1568, %get3A_1569] {strides = array<i32>} : memref<2x2560x16xi32, #tpu.memory_space<vmem>>, vector<16xi32>,
        %shift_left3A_1571 = arith.constant 16 : i32
        %shift_left3A_1572 = vector.broadcast %shift_left3A_1571 : i32 to vector<16xi32>
        %shift_left3A_1573 = arith.shli %get3A_1570, %shift_left3A_1572 : vector<16xi32>
        %bitcast3A_1574 = vector.bitcast %shift_left3A_1573 : vector<16xi32> to vector<16xf32>
        %bitcast3A_1575 = vector.bitcast %get3A_1570 : vector<16xi32> to vector<16xf32>
        %mul3A_1576 = vector.broadcast %squeeze3A_1563 : f32 to vector<16xf32>
        %mul3A_1577 = arith.mulf %mul3A_1576, %bitcast3A_1574 : vector<16xf32>
        %add3A_1578 = arith.addf %add3A_1538, %mul3A_1577 : vector<16xf32>
        %mul3A_1579 = vector.broadcast %squeeze3A_1563 : f32 to vector<16xf32>
        %mul3A_1580 = arith.mulf %mul3A_1579, %bitcast3A_1575 : vector<16xf32>
        %add3A_1581 = arith.addf %add3A_1541, %mul3A_1580 : vector<16xf32>
        %slice3A_1582 = vector.extract_strided_slice %bitcast3A_1314 {offsets = [13], sizes = [1], strides = [1]} : vector<16xf32> to vector<1xf32>
        %squeeze3A_1583 = vector.extract %slice3A_1582[0] : f32 from vector<1xf32>
        %add3A_1584 = arith.constant 13 : i32
        %add3A_1585 = arith.addi %add3A_1321, %add3A_1584 : i32
        %get3A_1586 = arith.constant 1 : i32
        %get3A_1587 = arith.index_cast %get3A_1586 : i32 to index
        %get3A_1588 = arith.index_cast %add3A_1585 : i32 to index
        %get3A_1589 = arith.constant 0 : index
        %get3A_1590 = tpu.vector_load %arg6[%get3A_1587, %get3A_1588, %get3A_1589] {strides = array<i32>} : memref<2x2560x16xi32, #tpu.memory_space<vmem>>, vector<16xi32>,
        %shift_left3A_1591 = arith.constant 16 : i32
        %shift_left3A_1592 = vector.broadcast %shift_left3A_1591 : i32 to vector<16xi32>
        %shift_left3A_1593 = arith.shli %get3A_1590, %shift_left3A_1592 : vector<16xi32>
        %bitcast3A_1594 = vector.bitcast %shift_left3A_1593 : vector<16xi32> to vector<16xf32>
        %bitcast3A_1595 = vector.bitcast %get3A_1590 : vector<16xi32> to vector<16xf32>
        %mul3A_1596 = vector.broadcast %squeeze3A_1583 : f32 to vector<16xf32>
        %mul3A_1597 = arith.mulf %mul3A_1596, %bitcast3A_1594 : vector<16xf32>
        %add3A_1598 = arith.addf %add3A_1558, %mul3A_1597 : vector<16xf32>
        %mul3A_1599 = vector.broadcast %squeeze3A_1583 : f32 to vector<16xf32>
        %mul3A_1600 = arith.mulf %mul3A_1599, %bitcast3A_1595 : vector<16xf32>
        %add3A_1601 = arith.addf %add3A_1561, %mul3A_1600 : vector<16xf32>
        %slice3A_1602 = vector.extract_strided_slice %bitcast3A_1314 {offsets = [14], sizes = [1], strides = [1]} : vector<16xf32> to vector<1xf32>
        %squeeze3A_1603 = vector.extract %slice3A_1602[0] : f32 from vector<1xf32>
        %add3A_1604 = arith.constant 14 : i32
        %add3A_1605 = arith.addi %add3A_1321, %add3A_1604 : i32
        %get3A_1606 = arith.constant 1 : i32
        %get3A_1607 = arith.index_cast %get3A_1606 : i32 to index
        %get3A_1608 = arith.index_cast %add3A_1605 : i32 to index
        %get3A_1609 = arith.constant 0 : index
        %get3A_1610 = tpu.vector_load %arg6[%get3A_1607, %get3A_1608, %get3A_1609] {strides = array<i32>} : memref<2x2560x16xi32, #tpu.memory_space<vmem>>, vector<16xi32>,
        %shift_left3A_1611 = arith.constant 16 : i32
        %shift_left3A_1612 = vector.broadcast %shift_left3A_1611 : i32 to vector<16xi32>
        %shift_left3A_1613 = arith.shli %get3A_1610, %shift_left3A_1612 : vector<16xi32>
        %bitcast3A_1614 = vector.bitcast %shift_left3A_1613 : vector<16xi32> to vector<16xf32>
        %bitcast3A_1615 = vector.bitcast %get3A_1610 : vector<16xi32> to vector<16xf32>
        %mul3A_1616 = vector.broadcast %squeeze3A_1603 : f32 to vector<16xf32>
        %mul3A_1617 = arith.mulf %mul3A_1616, %bitcast3A_1614 : vector<16xf32>
        %add3A_1618 = arith.addf %add3A_1578, %mul3A_1617 : vector<16xf32>
        %mul3A_1619 = vector.broadcast %squeeze3A_1603 : f32 to vector<16xf32>
        %mul3A_1620 = arith.mulf %mul3A_1619, %bitcast3A_1615 : vector<16xf32>
        %add3A_1621 = arith.addf %add3A_1581, %mul3A_1620 : vector<16xf32>
        %slice3A_1622 = vector.extract_strided_slice %bitcast3A_1314 {offsets = [15], sizes = [1], strides = [1]} : vector<16xf32> to vector<1xf32>
        %squeeze3A_1623 = vector.extract %slice3A_1622[0] : f32 from vector<1xf32>
        %add3A_1624 = arith.constant 15 : i32
        %add3A_1625 = arith.addi %add3A_1321, %add3A_1624 : i32
        %get3A_1626 = arith.constant 1 : i32
        %get3A_1627 = arith.index_cast %get3A_1626 : i32 to index
        %get3A_1628 = arith.index_cast %add3A_1625 : i32 to index
        %get3A_1629 = arith.constant 0 : index
        %get3A_1630 = tpu.vector_load %arg6[%get3A_1627, %get3A_1628, %get3A_1629] {strides = array<i32>} : memref<2x2560x16xi32, #tpu.memory_space<vmem>>, vector<16xi32>,
        %shift_left3A_1631 = arith.constant 16 : i32
        %shift_left3A_1632 = vector.broadcast %shift_left3A_1631 : i32 to vector<16xi32>
        %shift_left3A_1633 = arith.shli %get3A_1630, %shift_left3A_1632 : vector<16xi32>
        %bitcast3A_1634 = vector.bitcast %shift_left3A_1633 : vector<16xi32> to vector<16xf32>
        %bitcast3A_1635 = vector.bitcast %get3A_1630 : vector<16xi32> to vector<16xf32>
        %mul3A_1636 = vector.broadcast %squeeze3A_1623 : f32 to vector<16xf32>
        %mul3A_1637 = arith.mulf %mul3A_1636, %bitcast3A_1634 : vector<16xf32>
        %add3A_1638 = arith.addf %add3A_1598, %mul3A_1637 : vector<16xf32>
        %mul3A_1639 = vector.broadcast %squeeze3A_1623 : f32 to vector<16xf32>
        %mul3A_1640 = arith.mulf %mul3A_1639, %bitcast3A_1635 : vector<16xf32>
        %add3A_1641 = arith.addf %add3A_1601, %mul3A_1640 : vector<16xf32>
        %mul3A_1642 = arith.constant 16 : i32
        %mul3A_1643 = arith.muli %and3A_957, %mul3A_1642 : i32
        %mul3A_1644 = arith.constant 8 : i32
        %mul3A_1645 = arith.muli %shift_right_arithmetic3A_956, %mul3A_1644 : i32
        %add3A_1646 = arith.constant 4 : i32
        %add3A_1647 = arith.addi %mul3A_1645, %add3A_1646 : i32
        %add3A_1648 = arith.constant 2 : i32
        %add3A_1649 = arith.addi %add3A_1647, %add3A_1648 : i32
        %get3A_1650 = arith.constant 1 : i32
        %get3A_1651 = arith.index_cast %get3A_1650 : i32 to index
        %get3A_1652 = arith.index_cast %add3A_1649 : i32 to index
        %get3A_1653 = arith.index_cast %mul3A_1643 : i32 to index
        %get3A_1654 = tpu.vector_load %arg5[%get3A_1651, %get3A_1652, %get3A_1653] {strides = array<i32>} : memref<2x40x128xi32, #tpu.memory_space<vmem>>, vector<16xi32>,
        %bitcast3A_1655 = vector.bitcast %get3A_1654 : vector<16xi32> to vector<16xf32>
        %mul3A_1656 = arith.constant 4 : i32
        %mul3A_1657 = arith.muli %shift_right_arithmetic3A_956, %mul3A_1656 : i32
        %add3A_1658 = arith.constant 2 : i32
        %add3A_1659 = arith.addi %mul3A_1657, %add3A_1658 : i32
        %mul3A_1660 = arith.constant 128 : i32
        %mul3A_1661 = arith.muli %add3A_1659, %mul3A_1660 : i32
        %add3A_1662 = arith.addi %mul3A_1661, %mul3A_1643 : i32
        %slice3A_1663 = vector.extract_strided_slice %bitcast3A_1655 {offsets = [0], sizes = [1], strides = [1]} : vector<16xf32> to vector<1xf32>
        %squeeze3A_1664 = vector.extract %slice3A_1663[0] : f32 from vector<1xf32>
        %add3A_1665 = arith.constant 0 : i32
        %add3A_1666 = arith.addi %add3A_1662, %add3A_1665 : i32
        %get3A_1667 = arith.constant 1 : i32
        %get3A_1668 = arith.index_cast %get3A_1667 : i32 to index
        %get3A_1669 = arith.index_cast %add3A_1666 : i32 to index
        %get3A_1670 = arith.constant 0 : index
        %get3A_1671 = tpu.vector_load %arg6[%get3A_1668, %get3A_1669, %get3A_1670] {strides = array<i32>} : memref<2x2560x16xi32, #tpu.memory_space<vmem>>, vector<16xi32>,
        %shift_left3A_1672 = arith.constant 16 : i32
        %shift_left3A_1673 = vector.broadcast %shift_left3A_1672 : i32 to vector<16xi32>
        %shift_left3A_1674 = arith.shli %get3A_1671, %shift_left3A_1673 : vector<16xi32>
        %bitcast3A_1675 = vector.bitcast %shift_left3A_1674 : vector<16xi32> to vector<16xf32>
        %bitcast3A_1676 = vector.bitcast %get3A_1671 : vector<16xi32> to vector<16xf32>
        %mul3A_1677 = vector.broadcast %squeeze3A_1664 : f32 to vector<16xf32>
        %mul3A_1678 = arith.mulf %mul3A_1677, %bitcast3A_1675 : vector<16xf32>
        %add3A_1679 = arith.addf %add3A_1618, %mul3A_1678 : vector<16xf32>
        %mul3A_1680 = vector.broadcast %squeeze3A_1664 : f32 to vector<16xf32>
        %mul3A_1681 = arith.mulf %mul3A_1680, %bitcast3A_1676 : vector<16xf32>
        %add3A_1682 = arith.addf %add3A_1621, %mul3A_1681 : vector<16xf32>
        %slice3A_1683 = vector.extract_strided_slice %bitcast3A_1655 {offsets = [1], sizes = [1], strides = [1]} : vector<16xf32> to vector<1xf32>
        %squeeze3A_1684 = vector.extract %slice3A_1683[0] : f32 from vector<1xf32>
        %add3A_1685 = arith.constant 1 : i32
        %add3A_1686 = arith.addi %add3A_1662, %add3A_1685 : i32
        %get3A_1687 = arith.constant 1 : i32
        %get3A_1688 = arith.index_cast %get3A_1687 : i32 to index
        %get3A_1689 = arith.index_cast %add3A_1686 : i32 to index
        %get3A_1690 = arith.constant 0 : index
        %get3A_1691 = tpu.vector_load %arg6[%get3A_1688, %get3A_1689, %get3A_1690] {strides = array<i32>} : memref<2x2560x16xi32, #tpu.memory_space<vmem>>, vector<16xi32>,
        %shift_left3A_1692 = arith.constant 16 : i32
        %shift_left3A_1693 = vector.broadcast %shift_left3A_1692 : i32 to vector<16xi32>
        %shift_left3A_1694 = arith.shli %get3A_1691, %shift_left3A_1693 : vector<16xi32>
        %bitcast3A_1695 = vector.bitcast %shift_left3A_1694 : vector<16xi32> to vector<16xf32>
        %bitcast3A_1696 = vector.bitcast %get3A_1691 : vector<16xi32> to vector<16xf32>
        %mul3A_1697 = vector.broadcast %squeeze3A_1684 : f32 to vector<16xf32>
        %mul3A_1698 = arith.mulf %mul3A_1697, %bitcast3A_1695 : vector<16xf32>
        %add3A_1699 = arith.addf %add3A_1638, %mul3A_1698 : vector<16xf32>
        %mul3A_1700 = vector.broadcast %squeeze3A_1684 : f32 to vector<16xf32>
        %mul3A_1701 = arith.mulf %mul3A_1700, %bitcast3A_1696 : vector<16xf32>
        %add3A_1702 = arith.addf %add3A_1641, %mul3A_1701 : vector<16xf32>
        %slice3A_1703 = vector.extract_strided_slice %bitcast3A_1655 {offsets = [2], sizes = [1], strides = [1]} : vector<16xf32> to vector<1xf32>
        %squeeze3A_1704 = vector.extract %slice3A_1703[0] : f32 from vector<1xf32>
        %add3A_1705 = arith.constant 2 : i32
        %add3A_1706 = arith.addi %add3A_1662, %add3A_1705 : i32
        %get3A_1707 = arith.constant 1 : i32
        %get3A_1708 = arith.index_cast %get3A_1707 : i32 to index
        %get3A_1709 = arith.index_cast %add3A_1706 : i32 to index
        %get3A_1710 = arith.constant 0 : index
        %get3A_1711 = tpu.vector_load %arg6[%get3A_1708, %get3A_1709, %get3A_1710] {strides = array<i32>} : memref<2x2560x16xi32, #tpu.memory_space<vmem>>, vector<16xi32>,
        %shift_left3A_1712 = arith.constant 16 : i32
        %shift_left3A_1713 = vector.broadcast %shift_left3A_1712 : i32 to vector<16xi32>
        %shift_left3A_1714 = arith.shli %get3A_1711, %shift_left3A_1713 : vector<16xi32>
        %bitcast3A_1715 = vector.bitcast %shift_left3A_1714 : vector<16xi32> to vector<16xf32>
        %bitcast3A_1716 = vector.bitcast %get3A_1711 : vector<16xi32> to vector<16xf32>
        %mul3A_1717 = vector.broadcast %squeeze3A_1704 : f32 to vector<16xf32>
        %mul3A_1718 = arith.mulf %mul3A_1717, %bitcast3A_1715 : vector<16xf32>
        %add3A_1719 = arith.addf %add3A_1679, %mul3A_1718 : vector<16xf32>
        %mul3A_1720 = vector.broadcast %squeeze3A_1704 : f32 to vector<16xf32>
        %mul3A_1721 = arith.mulf %mul3A_1720, %bitcast3A_1716 : vector<16xf32>
        %add3A_1722 = arith.addf %add3A_1682, %mul3A_1721 : vector<16xf32>
        %slice3A_1723 = vector.extract_strided_slice %bitcast3A_1655 {offsets = [3], sizes = [1], strides = [1]} : vector<16xf32> to vector<1xf32>
        %squeeze3A_1724 = vector.extract %slice3A_1723[0] : f32 from vector<1xf32>
        %add3A_1725 = arith.constant 3 : i32
        %add3A_1726 = arith.addi %add3A_1662, %add3A_1725 : i32
        %get3A_1727 = arith.constant 1 : i32
        %get3A_1728 = arith.index_cast %get3A_1727 : i32 to index
        %get3A_1729 = arith.index_cast %add3A_1726 : i32 to index
        %get3A_1730 = arith.constant 0 : index
        %get3A_1731 = tpu.vector_load %arg6[%get3A_1728, %get3A_1729, %get3A_1730] {strides = array<i32>} : memref<2x2560x16xi32, #tpu.memory_space<vmem>>, vector<16xi32>,
        %shift_left3A_1732 = arith.constant 16 : i32
        %shift_left3A_1733 = vector.broadcast %shift_left3A_1732 : i32 to vector<16xi32>
        %shift_left3A_1734 = arith.shli %get3A_1731, %shift_left3A_1733 : vector<16xi32>
        %bitcast3A_1735 = vector.bitcast %shift_left3A_1734 : vector<16xi32> to vector<16xf32>
        %bitcast3A_1736 = vector.bitcast %get3A_1731 : vector<16xi32> to vector<16xf32>
        %mul3A_1737 = vector.broadcast %squeeze3A_1724 : f32 to vector<16xf32>
        %mul3A_1738 = arith.mulf %mul3A_1737, %bitcast3A_1735 : vector<16xf32>
        %add3A_1739 = arith.addf %add3A_1699, %mul3A_1738 : vector<16xf32>
        %mul3A_1740 = vector.broadcast %squeeze3A_1724 : f32 to vector<16xf32>
        %mul3A_1741 = arith.mulf %mul3A_1740, %bitcast3A_1736 : vector<16xf32>
        %add3A_1742 = arith.addf %add3A_1702, %mul3A_1741 : vector<16xf32>
        %slice3A_1743 = vector.extract_strided_slice %bitcast3A_1655 {offsets = [4], sizes = [1], strides = [1]} : vector<16xf32> to vector<1xf32>
        %squeeze3A_1744 = vector.extract %slice3A_1743[0] : f32 from vector<1xf32>
        %add3A_1745 = arith.constant 4 : i32
        %add3A_1746 = arith.addi %add3A_1662, %add3A_1745 : i32
        %get3A_1747 = arith.constant 1 : i32
        %get3A_1748 = arith.index_cast %get3A_1747 : i32 to index
        %get3A_1749 = arith.index_cast %add3A_1746 : i32 to index
        %get3A_1750 = arith.constant 0 : index
        %get3A_1751 = tpu.vector_load %arg6[%get3A_1748, %get3A_1749, %get3A_1750] {strides = array<i32>} : memref<2x2560x16xi32, #tpu.memory_space<vmem>>, vector<16xi32>,
        %shift_left3A_1752 = arith.constant 16 : i32
        %shift_left3A_1753 = vector.broadcast %shift_left3A_1752 : i32 to vector<16xi32>
        %shift_left3A_1754 = arith.shli %get3A_1751, %shift_left3A_1753 : vector<16xi32>
        %bitcast3A_1755 = vector.bitcast %shift_left3A_1754 : vector<16xi32> to vector<16xf32>
        %bitcast3A_1756 = vector.bitcast %get3A_1751 : vector<16xi32> to vector<16xf32>
        %mul3A_1757 = vector.broadcast %squeeze3A_1744 : f32 to vector<16xf32>
        %mul3A_1758 = arith.mulf %mul3A_1757, %bitcast3A_1755 : vector<16xf32>
        %add3A_1759 = arith.addf %add3A_1719, %mul3A_1758 : vector<16xf32>
        %mul3A_1760 = vector.broadcast %squeeze3A_1744 : f32 to vector<16xf32>
        %mul3A_1761 = arith.mulf %mul3A_1760, %bitcast3A_1756 : vector<16xf32>
        %add3A_1762 = arith.addf %add3A_1722, %mul3A_1761 : vector<16xf32>
        %slice3A_1763 = vector.extract_strided_slice %bitcast3A_1655 {offsets = [5], sizes = [1], strides = [1]} : vector<16xf32> to vector<1xf32>
        %squeeze3A_1764 = vector.extract %slice3A_1763[0] : f32 from vector<1xf32>
        %add3A_1765 = arith.constant 5 : i32
        %add3A_1766 = arith.addi %add3A_1662, %add3A_1765 : i32
        %get3A_1767 = arith.constant 1 : i32
        %get3A_1768 = arith.index_cast %get3A_1767 : i32 to index
        %get3A_1769 = arith.index_cast %add3A_1766 : i32 to index
        %get3A_1770 = arith.constant 0 : index
        %get3A_1771 = tpu.vector_load %arg6[%get3A_1768, %get3A_1769, %get3A_1770] {strides = array<i32>} : memref<2x2560x16xi32, #tpu.memory_space<vmem>>, vector<16xi32>,
        %shift_left3A_1772 = arith.constant 16 : i32
        %shift_left3A_1773 = vector.broadcast %shift_left3A_1772 : i32 to vector<16xi32>
        %shift_left3A_1774 = arith.shli %get3A_1771, %shift_left3A_1773 : vector<16xi32>
        %bitcast3A_1775 = vector.bitcast %shift_left3A_1774 : vector<16xi32> to vector<16xf32>
        %bitcast3A_1776 = vector.bitcast %get3A_1771 : vector<16xi32> to vector<16xf32>
        %mul3A_1777 = vector.broadcast %squeeze3A_1764 : f32 to vector<16xf32>
        %mul3A_1778 = arith.mulf %mul3A_1777, %bitcast3A_1775 : vector<16xf32>
        %add3A_1779 = arith.addf %add3A_1739, %mul3A_1778 : vector<16xf32>
        %mul3A_1780 = vector.broadcast %squeeze3A_1764 : f32 to vector<16xf32>
        %mul3A_1781 = arith.mulf %mul3A_1780, %bitcast3A_1776 : vector<16xf32>
        %add3A_1782 = arith.addf %add3A_1742, %mul3A_1781 : vector<16xf32>
        %slice3A_1783 = vector.extract_strided_slice %bitcast3A_1655 {offsets = [6], sizes = [1], strides = [1]} : vector<16xf32> to vector<1xf32>
        %squeeze3A_1784 = vector.extract %slice3A_1783[0] : f32 from vector<1xf32>
        %add3A_1785 = arith.constant 6 : i32
        %add3A_1786 = arith.addi %add3A_1662, %add3A_1785 : i32
        %get3A_1787 = arith.constant 1 : i32
        %get3A_1788 = arith.index_cast %get3A_1787 : i32 to index
        %get3A_1789 = arith.index_cast %add3A_1786 : i32 to index
        %get3A_1790 = arith.constant 0 : index
        %get3A_1791 = tpu.vector_load %arg6[%get3A_1788, %get3A_1789, %get3A_1790] {strides = array<i32>} : memref<2x2560x16xi32, #tpu.memory_space<vmem>>, vector<16xi32>,
        %shift_left3A_1792 = arith.constant 16 : i32
        %shift_left3A_1793 = vector.broadcast %shift_left3A_1792 : i32 to vector<16xi32>
        %shift_left3A_1794 = arith.shli %get3A_1791, %shift_left3A_1793 : vector<16xi32>
        %bitcast3A_1795 = vector.bitcast %shift_left3A_1794 : vector<16xi32> to vector<16xf32>
        %bitcast3A_1796 = vector.bitcast %get3A_1791 : vector<16xi32> to vector<16xf32>
        %mul3A_1797 = vector.broadcast %squeeze3A_1784 : f32 to vector<16xf32>
        %mul3A_1798 = arith.mulf %mul3A_1797, %bitcast3A_1795 : vector<16xf32>
        %add3A_1799 = arith.addf %add3A_1759, %mul3A_1798 : vector<16xf32>
        %mul3A_1800 = vector.broadcast %squeeze3A_1784 : f32 to vector<16xf32>
        %mul3A_1801 = arith.mulf %mul3A_1800, %bitcast3A_1796 : vector<16xf32>
        %add3A_1802 = arith.addf %add3A_1762, %mul3A_1801 : vector<16xf32>
        %slice3A_1803 = vector.extract_strided_slice %bitcast3A_1655 {offsets = [7], sizes = [1], strides = [1]} : vector<16xf32> to vector<1xf32>
        %squeeze3A_1804 = vector.extract %slice3A_1803[0] : f32 from vector<1xf32>
        %add3A_1805 = arith.constant 7 : i32
        %add3A_1806 = arith.addi %add3A_1662, %add3A_1805 : i32
        %get3A_1807 = arith.constant 1 : i32
        %get3A_1808 = arith.index_cast %get3A_1807 : i32 to index
        %get3A_1809 = arith.index_cast %add3A_1806 : i32 to index
        %get3A_1810 = arith.constant 0 : index
        %get3A_1811 = tpu.vector_load %arg6[%get3A_1808, %get3A_1809, %get3A_1810] {strides = array<i32>} : memref<2x2560x16xi32, #tpu.memory_space<vmem>>, vector<16xi32>,
        %shift_left3A_1812 = arith.constant 16 : i32
        %shift_left3A_1813 = vector.broadcast %shift_left3A_1812 : i32 to vector<16xi32>
        %shift_left3A_1814 = arith.shli %get3A_1811, %shift_left3A_1813 : vector<16xi32>
        %bitcast3A_1815 = vector.bitcast %shift_left3A_1814 : vector<16xi32> to vector<16xf32>
        %bitcast3A_1816 = vector.bitcast %get3A_1811 : vector<16xi32> to vector<16xf32>
        %mul3A_1817 = vector.broadcast %squeeze3A_1804 : f32 to vector<16xf32>
        %mul3A_1818 = arith.mulf %mul3A_1817, %bitcast3A_1815 : vector<16xf32>
        %add3A_1819 = arith.addf %add3A_1779, %mul3A_1818 : vector<16xf32>
        %mul3A_1820 = vector.broadcast %squeeze3A_1804 : f32 to vector<16xf32>
        %mul3A_1821 = arith.mulf %mul3A_1820, %bitcast3A_1816 : vector<16xf32>
        %add3A_1822 = arith.addf %add3A_1782, %mul3A_1821 : vector<16xf32>
        %slice3A_1823 = vector.extract_strided_slice %bitcast3A_1655 {offsets = [8], sizes = [1], strides = [1]} : vector<16xf32> to vector<1xf32>
        %squeeze3A_1824 = vector.extract %slice3A_1823[0] : f32 from vector<1xf32>
        %add3A_1825 = arith.constant 8 : i32
        %add3A_1826 = arith.addi %add3A_1662, %add3A_1825 : i32
        %get3A_1827 = arith.constant 1 : i32
        %get3A_1828 = arith.index_cast %get3A_1827 : i32 to index
        %get3A_1829 = arith.index_cast %add3A_1826 : i32 to index
        %get3A_1830 = arith.constant 0 : index
        %get3A_1831 = tpu.vector_load %arg6[%get3A_1828, %get3A_1829, %get3A_1830] {strides = array<i32>} : memref<2x2560x16xi32, #tpu.memory_space<vmem>>, vector<16xi32>,
        %shift_left3A_1832 = arith.constant 16 : i32
        %shift_left3A_1833 = vector.broadcast %shift_left3A_1832 : i32 to vector<16xi32>
        %shift_left3A_1834 = arith.shli %get3A_1831, %shift_left3A_1833 : vector<16xi32>
        %bitcast3A_1835 = vector.bitcast %shift_left3A_1834 : vector<16xi32> to vector<16xf32>
        %bitcast3A_1836 = vector.bitcast %get3A_1831 : vector<16xi32> to vector<16xf32>
        %mul3A_1837 = vector.broadcast %squeeze3A_1824 : f32 to vector<16xf32>
        %mul3A_1838 = arith.mulf %mul3A_1837, %bitcast3A_1835 : vector<16xf32>
        %add3A_1839 = arith.addf %add3A_1799, %mul3A_1838 : vector<16xf32>
        %mul3A_1840 = vector.broadcast %squeeze3A_1824 : f32 to vector<16xf32>
        %mul3A_1841 = arith.mulf %mul3A_1840, %bitcast3A_1836 : vector<16xf32>
        %add3A_1842 = arith.addf %add3A_1802, %mul3A_1841 : vector<16xf32>
        %slice3A_1843 = vector.extract_strided_slice %bitcast3A_1655 {offsets = [9], sizes = [1], strides = [1]} : vector<16xf32> to vector<1xf32>
        %squeeze3A_1844 = vector.extract %slice3A_1843[0] : f32 from vector<1xf32>
        %add3A_1845 = arith.constant 9 : i32
        %add3A_1846 = arith.addi %add3A_1662, %add3A_1845 : i32
        %get3A_1847 = arith.constant 1 : i32
        %get3A_1848 = arith.index_cast %get3A_1847 : i32 to index
        %get3A_1849 = arith.index_cast %add3A_1846 : i32 to index
        %get3A_1850 = arith.constant 0 : index
        %get3A_1851 = tpu.vector_load %arg6[%get3A_1848, %get3A_1849, %get3A_1850] {strides = array<i32>} : memref<2x2560x16xi32, #tpu.memory_space<vmem>>, vector<16xi32>,
        %shift_left3A_1852 = arith.constant 16 : i32
        %shift_left3A_1853 = vector.broadcast %shift_left3A_1852 : i32 to vector<16xi32>
        %shift_left3A_1854 = arith.shli %get3A_1851, %shift_left3A_1853 : vector<16xi32>
        %bitcast3A_1855 = vector.bitcast %shift_left3A_1854 : vector<16xi32> to vector<16xf32>
        %bitcast3A_1856 = vector.bitcast %get3A_1851 : vector<16xi32> to vector<16xf32>
        %mul3A_1857 = vector.broadcast %squeeze3A_1844 : f32 to vector<16xf32>
        %mul3A_1858 = arith.mulf %mul3A_1857, %bitcast3A_1855 : vector<16xf32>
        %add3A_1859 = arith.addf %add3A_1819, %mul3A_1858 : vector<16xf32>
        %mul3A_1860 = vector.broadcast %squeeze3A_1844 : f32 to vector<16xf32>
        %mul3A_1861 = arith.mulf %mul3A_1860, %bitcast3A_1856 : vector<16xf32>
        %add3A_1862 = arith.addf %add3A_1822, %mul3A_1861 : vector<16xf32>
        %slice3A_1863 = vector.extract_strided_slice %bitcast3A_1655 {offsets = [10], sizes = [1], strides = [1]} : vector<16xf32> to vector<1xf32>
        %squeeze3A_1864 = vector.extract %slice3A_1863[0] : f32 from vector<1xf32>
        %add3A_1865 = arith.constant 10 : i32
        %add3A_1866 = arith.addi %add3A_1662, %add3A_1865 : i32
        %get3A_1867 = arith.constant 1 : i32
        %get3A_1868 = arith.index_cast %get3A_1867 : i32 to index
        %get3A_1869 = arith.index_cast %add3A_1866 : i32 to index
        %get3A_1870 = arith.constant 0 : index
        %get3A_1871 = tpu.vector_load %arg6[%get3A_1868, %get3A_1869, %get3A_1870] {strides = array<i32>} : memref<2x2560x16xi32, #tpu.memory_space<vmem>>, vector<16xi32>,
        %shift_left3A_1872 = arith.constant 16 : i32
        %shift_left3A_1873 = vector.broadcast %shift_left3A_1872 : i32 to vector<16xi32>
        %shift_left3A_1874 = arith.shli %get3A_1871, %shift_left3A_1873 : vector<16xi32>
        %bitcast3A_1875 = vector.bitcast %shift_left3A_1874 : vector<16xi32> to vector<16xf32>
        %bitcast3A_1876 = vector.bitcast %get3A_1871 : vector<16xi32> to vector<16xf32>
        %mul3A_1877 = vector.broadcast %squeeze3A_1864 : f32 to vector<16xf32>
        %mul3A_1878 = arith.mulf %mul3A_1877, %bitcast3A_1875 : vector<16xf32>
        %add3A_1879 = arith.addf %add3A_1839, %mul3A_1878 : vector<16xf32>
        %mul3A_1880 = vector.broadcast %squeeze3A_1864 : f32 to vector<16xf32>
        %mul3A_1881 = arith.mulf %mul3A_1880, %bitcast3A_1876 : vector<16xf32>
        %add3A_1882 = arith.addf %add3A_1842, %mul3A_1881 : vector<16xf32>
        %slice3A_1883 = vector.extract_strided_slice %bitcast3A_1655 {offsets = [11], sizes = [1], strides = [1]} : vector<16xf32> to vector<1xf32>
        %squeeze3A_1884 = vector.extract %slice3A_1883[0] : f32 from vector<1xf32>
        %add3A_1885 = arith.constant 11 : i32
        %add3A_1886 = arith.addi %add3A_1662, %add3A_1885 : i32
        %get3A_1887 = arith.constant 1 : i32
        %get3A_1888 = arith.index_cast %get3A_1887 : i32 to index
        %get3A_1889 = arith.index_cast %add3A_1886 : i32 to index
        %get3A_1890 = arith.constant 0 : index
        %get3A_1891 = tpu.vector_load %arg6[%get3A_1888, %get3A_1889, %get3A_1890] {strides = array<i32>} : memref<2x2560x16xi32, #tpu.memory_space<vmem>>, vector<16xi32>,
        %shift_left3A_1892 = arith.constant 16 : i32
        %shift_left3A_1893 = vector.broadcast %shift_left3A_1892 : i32 to vector<16xi32>
        %shift_left3A_1894 = arith.shli %get3A_1891, %shift_left3A_1893 : vector<16xi32>
        %bitcast3A_1895 = vector.bitcast %shift_left3A_1894 : vector<16xi32> to vector<16xf32>
        %bitcast3A_1896 = vector.bitcast %get3A_1891 : vector<16xi32> to vector<16xf32>
        %mul3A_1897 = vector.broadcast %squeeze3A_1884 : f32 to vector<16xf32>
        %mul3A_1898 = arith.mulf %mul3A_1897, %bitcast3A_1895 : vector<16xf32>
        %add3A_1899 = arith.addf %add3A_1859, %mul3A_1898 : vector<16xf32>
        %mul3A_1900 = vector.broadcast %squeeze3A_1884 : f32 to vector<16xf32>
        %mul3A_1901 = arith.mulf %mul3A_1900, %bitcast3A_1896 : vector<16xf32>
        %add3A_1902 = arith.addf %add3A_1862, %mul3A_1901 : vector<16xf32>
        %slice3A_1903 = vector.extract_strided_slice %bitcast3A_1655 {offsets = [12], sizes = [1], strides = [1]} : vector<16xf32> to vector<1xf32>
        %squeeze3A_1904 = vector.extract %slice3A_1903[0] : f32 from vector<1xf32>
        %add3A_1905 = arith.constant 12 : i32
        %add3A_1906 = arith.addi %add3A_1662, %add3A_1905 : i32
        %get3A_1907 = arith.constant 1 : i32
        %get3A_1908 = arith.index_cast %get3A_1907 : i32 to index
        %get3A_1909 = arith.index_cast %add3A_1906 : i32 to index
        %get3A_1910 = arith.constant 0 : index
        %get3A_1911 = tpu.vector_load %arg6[%get3A_1908, %get3A_1909, %get3A_1910] {strides = array<i32>} : memref<2x2560x16xi32, #tpu.memory_space<vmem>>, vector<16xi32>,
        %shift_left3A_1912 = arith.constant 16 : i32
        %shift_left3A_1913 = vector.broadcast %shift_left3A_1912 : i32 to vector<16xi32>
        %shift_left3A_1914 = arith.shli %get3A_1911, %shift_left3A_1913 : vector<16xi32>
        %bitcast3A_1915 = vector.bitcast %shift_left3A_1914 : vector<16xi32> to vector<16xf32>
        %bitcast3A_1916 = vector.bitcast %get3A_1911 : vector<16xi32> to vector<16xf32>
        %mul3A_1917 = vector.broadcast %squeeze3A_1904 : f32 to vector<16xf32>
        %mul3A_1918 = arith.mulf %mul3A_1917, %bitcast3A_1915 : vector<16xf32>
        %add3A_1919 = arith.addf %add3A_1879, %mul3A_1918 : vector<16xf32>
        %mul3A_1920 = vector.broadcast %squeeze3A_1904 : f32 to vector<16xf32>
        %mul3A_1921 = arith.mulf %mul3A_1920, %bitcast3A_1916 : vector<16xf32>
        %add3A_1922 = arith.addf %add3A_1882, %mul3A_1921 : vector<16xf32>
        %slice3A_1923 = vector.extract_strided_slice %bitcast3A_1655 {offsets = [13], sizes = [1], strides = [1]} : vector<16xf32> to vector<1xf32>
        %squeeze3A_1924 = vector.extract %slice3A_1923[0] : f32 from vector<1xf32>
        %add3A_1925 = arith.constant 13 : i32
        %add3A_1926 = arith.addi %add3A_1662, %add3A_1925 : i32
        %get3A_1927 = arith.constant 1 : i32
        %get3A_1928 = arith.index_cast %get3A_1927 : i32 to index
        %get3A_1929 = arith.index_cast %add3A_1926 : i32 to index
        %get3A_1930 = arith.constant 0 : index
        %get3A_1931 = tpu.vector_load %arg6[%get3A_1928, %get3A_1929, %get3A_1930] {strides = array<i32>} : memref<2x2560x16xi32, #tpu.memory_space<vmem>>, vector<16xi32>,
        %shift_left3A_1932 = arith.constant 16 : i32
        %shift_left3A_1933 = vector.broadcast %shift_left3A_1932 : i32 to vector<16xi32>
        %shift_left3A_1934 = arith.shli %get3A_1931, %shift_left3A_1933 : vector<16xi32>
        %bitcast3A_1935 = vector.bitcast %shift_left3A_1934 : vector<16xi32> to vector<16xf32>
        %bitcast3A_1936 = vector.bitcast %get3A_1931 : vector<16xi32> to vector<16xf32>
        %mul3A_1937 = vector.broadcast %squeeze3A_1924 : f32 to vector<16xf32>
        %mul3A_1938 = arith.mulf %mul3A_1937, %bitcast3A_1935 : vector<16xf32>
        %add3A_1939 = arith.addf %add3A_1899, %mul3A_1938 : vector<16xf32>
        %mul3A_1940 = vector.broadcast %squeeze3A_1924 : f32 to vector<16xf32>
        %mul3A_1941 = arith.mulf %mul3A_1940, %bitcast3A_1936 : vector<16xf32>
        %add3A_1942 = arith.addf %add3A_1902, %mul3A_1941 : vector<16xf32>
        %slice3A_1943 = vector.extract_strided_slice %bitcast3A_1655 {offsets = [14], sizes = [1], strides = [1]} : vector<16xf32> to vector<1xf32>
        %squeeze3A_1944 = vector.extract %slice3A_1943[0] : f32 from vector<1xf32>
        %add3A_1945 = arith.constant 14 : i32
        %add3A_1946 = arith.addi %add3A_1662, %add3A_1945 : i32
        %get3A_1947 = arith.constant 1 : i32
        %get3A_1948 = arith.index_cast %get3A_1947 : i32 to index
        %get3A_1949 = arith.index_cast %add3A_1946 : i32 to index
        %get3A_1950 = arith.constant 0 : index
        %get3A_1951 = tpu.vector_load %arg6[%get3A_1948, %get3A_1949, %get3A_1950] {strides = array<i32>} : memref<2x2560x16xi32, #tpu.memory_space<vmem>>, vector<16xi32>,
        %shift_left3A_1952 = arith.constant 16 : i32
        %shift_left3A_1953 = vector.broadcast %shift_left3A_1952 : i32 to vector<16xi32>
        %shift_left3A_1954 = arith.shli %get3A_1951, %shift_left3A_1953 : vector<16xi32>
        %bitcast3A_1955 = vector.bitcast %shift_left3A_1954 : vector<16xi32> to vector<16xf32>
        %bitcast3A_1956 = vector.bitcast %get3A_1951 : vector<16xi32> to vector<16xf32>
        %mul3A_1957 = vector.broadcast %squeeze3A_1944 : f32 to vector<16xf32>
        %mul3A_1958 = arith.mulf %mul3A_1957, %bitcast3A_1955 : vector<16xf32>
        %add3A_1959 = arith.addf %add3A_1919, %mul3A_1958 : vector<16xf32>
        %mul3A_1960 = vector.broadcast %squeeze3A_1944 : f32 to vector<16xf32>
        %mul3A_1961 = arith.mulf %mul3A_1960, %bitcast3A_1956 : vector<16xf32>
        %add3A_1962 = arith.addf %add3A_1922, %mul3A_1961 : vector<16xf32>
        %slice3A_1963 = vector.extract_strided_slice %bitcast3A_1655 {offsets = [15], sizes = [1], strides = [1]} : vector<16xf32> to vector<1xf32>
        %squeeze3A_1964 = vector.extract %slice3A_1963[0] : f32 from vector<1xf32>
        %add3A_1965 = arith.constant 15 : i32
        %add3A_1966 = arith.addi %add3A_1662, %add3A_1965 : i32
        %get3A_1967 = arith.constant 1 : i32
        %get3A_1968 = arith.index_cast %get3A_1967 : i32 to index
        %get3A_1969 = arith.index_cast %add3A_1966 : i32 to index
        %get3A_1970 = arith.constant 0 : index
        %get3A_1971 = tpu.vector_load %arg6[%get3A_1968, %get3A_1969, %get3A_1970] {strides = array<i32>} : memref<2x2560x16xi32, #tpu.memory_space<vmem>>, vector<16xi32>,
        %shift_left3A_1972 = arith.constant 16 : i32
        %shift_left3A_1973 = vector.broadcast %shift_left3A_1972 : i32 to vector<16xi32>
        %shift_left3A_1974 = arith.shli %get3A_1971, %shift_left3A_1973 : vector<16xi32>
        %bitcast3A_1975 = vector.bitcast %shift_left3A_1974 : vector<16xi32> to vector<16xf32>
        %bitcast3A_1976 = vector.bitcast %get3A_1971 : vector<16xi32> to vector<16xf32>
        %mul3A_1977 = vector.broadcast %squeeze3A_1964 : f32 to vector<16xf32>
        %mul3A_1978 = arith.mulf %mul3A_1977, %bitcast3A_1975 : vector<16xf32>
        %add3A_1979 = arith.addf %add3A_1939, %mul3A_1978 : vector<16xf32>
        %mul3A_1980 = vector.broadcast %squeeze3A_1964 : f32 to vector<16xf32>
        %mul3A_1981 = arith.mulf %mul3A_1980, %bitcast3A_1976 : vector<16xf32>
        %add3A_1982 = arith.addf %add3A_1942, %mul3A_1981 : vector<16xf32>
        %mul3A_1983 = arith.constant 16 : i32
        %mul3A_1984 = arith.muli %and3A_957, %mul3A_1983 : i32
        %mul3A_1985 = arith.constant 8 : i32
        %mul3A_1986 = arith.muli %shift_right_arithmetic3A_956, %mul3A_1985 : i32
        %add3A_1987 = arith.constant 4 : i32
        %add3A_1988 = arith.addi %mul3A_1986, %add3A_1987 : i32
        %add3A_1989 = arith.constant 3 : i32
        %add3A_1990 = arith.addi %add3A_1988, %add3A_1989 : i32
        %get3A_1991 = arith.constant 1 : i32
        %get3A_1992 = arith.index_cast %get3A_1991 : i32 to index
        %get3A_1993 = arith.index_cast %add3A_1990 : i32 to index
        %get3A_1994 = arith.index_cast %mul3A_1984 : i32 to index
        %get3A_1995 = tpu.vector_load %arg5[%get3A_1992, %get3A_1993, %get3A_1994] {strides = array<i32>} : memref<2x40x128xi32, #tpu.memory_space<vmem>>, vector<16xi32>,
        %bitcast3A_1996 = vector.bitcast %get3A_1995 : vector<16xi32> to vector<16xf32>
        %mul3A_1997 = arith.constant 4 : i32
        %mul3A_1998 = arith.muli %shift_right_arithmetic3A_956, %mul3A_1997 : i32
        %add3A_1999 = arith.constant 3 : i32
        %add3A_2000 = arith.addi %mul3A_1998, %add3A_1999 : i32
        %mul3A_2001 = arith.constant 128 : i32
        %mul3A_2002 = arith.muli %add3A_2000, %mul3A_2001 : i32
        %add3A_2003 = arith.addi %mul3A_2002, %mul3A_1984 : i32
        %slice3A_2004 = vector.extract_strided_slice %bitcast3A_1996 {offsets = [0], sizes = [1], strides = [1]} : vector<16xf32> to vector<1xf32>
        %squeeze3A_2005 = vector.extract %slice3A_2004[0] : f32 from vector<1xf32>
        %add3A_2006 = arith.constant 0 : i32
        %add3A_2007 = arith.addi %add3A_2003, %add3A_2006 : i32
        %get3A_2008 = arith.constant 1 : i32
        %get3A_2009 = arith.index_cast %get3A_2008 : i32 to index
        %get3A_2010 = arith.index_cast %add3A_2007 : i32 to index
        %get3A_2011 = arith.constant 0 : index
        %get3A_2012 = tpu.vector_load %arg6[%get3A_2009, %get3A_2010, %get3A_2011] {strides = array<i32>} : memref<2x2560x16xi32, #tpu.memory_space<vmem>>, vector<16xi32>,
        %shift_left3A_2013 = arith.constant 16 : i32
        %shift_left3A_2014 = vector.broadcast %shift_left3A_2013 : i32 to vector<16xi32>
        %shift_left3A_2015 = arith.shli %get3A_2012, %shift_left3A_2014 : vector<16xi32>
        %bitcast3A_2016 = vector.bitcast %shift_left3A_2015 : vector<16xi32> to vector<16xf32>
        %bitcast3A_2017 = vector.bitcast %get3A_2012 : vector<16xi32> to vector<16xf32>
        %mul3A_2018 = vector.broadcast %squeeze3A_2005 : f32 to vector<16xf32>
        %mul3A_2019 = arith.mulf %mul3A_2018, %bitcast3A_2016 : vector<16xf32>
        %add3A_2020 = arith.addf %add3A_1959, %mul3A_2019 : vector<16xf32>
        %mul3A_2021 = vector.broadcast %squeeze3A_2005 : f32 to vector<16xf32>
        %mul3A_2022 = arith.mulf %mul3A_2021, %bitcast3A_2017 : vector<16xf32>
        %add3A_2023 = arith.addf %add3A_1962, %mul3A_2022 : vector<16xf32>
        %slice3A_2024 = vector.extract_strided_slice %bitcast3A_1996 {offsets = [1], sizes = [1], strides = [1]} : vector<16xf32> to vector<1xf32>
        %squeeze3A_2025 = vector.extract %slice3A_2024[0] : f32 from vector<1xf32>
        %add3A_2026 = arith.constant 1 : i32
        %add3A_2027 = arith.addi %add3A_2003, %add3A_2026 : i32
        %get3A_2028 = arith.constant 1 : i32
        %get3A_2029 = arith.index_cast %get3A_2028 : i32 to index
        %get3A_2030 = arith.index_cast %add3A_2027 : i32 to index
        %get3A_2031 = arith.constant 0 : index
        %get3A_2032 = tpu.vector_load %arg6[%get3A_2029, %get3A_2030, %get3A_2031] {strides = array<i32>} : memref<2x2560x16xi32, #tpu.memory_space<vmem>>, vector<16xi32>,
        %shift_left3A_2033 = arith.constant 16 : i32
        %shift_left3A_2034 = vector.broadcast %shift_left3A_2033 : i32 to vector<16xi32>
        %shift_left3A_2035 = arith.shli %get3A_2032, %shift_left3A_2034 : vector<16xi32>
        %bitcast3A_2036 = vector.bitcast %shift_left3A_2035 : vector<16xi32> to vector<16xf32>
        %bitcast3A_2037 = vector.bitcast %get3A_2032 : vector<16xi32> to vector<16xf32>
        %mul3A_2038 = vector.broadcast %squeeze3A_2025 : f32 to vector<16xf32>
        %mul3A_2039 = arith.mulf %mul3A_2038, %bitcast3A_2036 : vector<16xf32>
        %add3A_2040 = arith.addf %add3A_1979, %mul3A_2039 : vector<16xf32>
        %mul3A_2041 = vector.broadcast %squeeze3A_2025 : f32 to vector<16xf32>
        %mul3A_2042 = arith.mulf %mul3A_2041, %bitcast3A_2037 : vector<16xf32>
        %add3A_2043 = arith.addf %add3A_1982, %mul3A_2042 : vector<16xf32>
        %slice3A_2044 = vector.extract_strided_slice %bitcast3A_1996 {offsets = [2], sizes = [1], strides = [1]} : vector<16xf32> to vector<1xf32>
        %squeeze3A_2045 = vector.extract %slice3A_2044[0] : f32 from vector<1xf32>
        %add3A_2046 = arith.constant 2 : i32
        %add3A_2047 = arith.addi %add3A_2003, %add3A_2046 : i32
        %get3A_2048 = arith.constant 1 : i32
        %get3A_2049 = arith.index_cast %get3A_2048 : i32 to index
        %get3A_2050 = arith.index_cast %add3A_2047 : i32 to index
        %get3A_2051 = arith.constant 0 : index
        %get3A_2052 = tpu.vector_load %arg6[%get3A_2049, %get3A_2050, %get3A_2051] {strides = array<i32>} : memref<2x2560x16xi32, #tpu.memory_space<vmem>>, vector<16xi32>,
        %shift_left3A_2053 = arith.constant 16 : i32
        %shift_left3A_2054 = vector.broadcast %shift_left3A_2053 : i32 to vector<16xi32>
        %shift_left3A_2055 = arith.shli %get3A_2052, %shift_left3A_2054 : vector<16xi32>
        %bitcast3A_2056 = vector.bitcast %shift_left3A_2055 : vector<16xi32> to vector<16xf32>
        %bitcast3A_2057 = vector.bitcast %get3A_2052 : vector<16xi32> to vector<16xf32>
        %mul3A_2058 = vector.broadcast %squeeze3A_2045 : f32 to vector<16xf32>
        %mul3A_2059 = arith.mulf %mul3A_2058, %bitcast3A_2056 : vector<16xf32>
        %add3A_2060 = arith.addf %add3A_2020, %mul3A_2059 : vector<16xf32>
        %mul3A_2061 = vector.broadcast %squeeze3A_2045 : f32 to vector<16xf32>
        %mul3A_2062 = arith.mulf %mul3A_2061, %bitcast3A_2057 : vector<16xf32>
        %add3A_2063 = arith.addf %add3A_2023, %mul3A_2062 : vector<16xf32>
        %slice3A_2064 = vector.extract_strided_slice %bitcast3A_1996 {offsets = [3], sizes = [1], strides = [1]} : vector<16xf32> to vector<1xf32>
        %squeeze3A_2065 = vector.extract %slice3A_2064[0] : f32 from vector<1xf32>
        %add3A_2066 = arith.constant 3 : i32
        %add3A_2067 = arith.addi %add3A_2003, %add3A_2066 : i32
        %get3A_2068 = arith.constant 1 : i32
        %get3A_2069 = arith.index_cast %get3A_2068 : i32 to index
        %get3A_2070 = arith.index_cast %add3A_2067 : i32 to index
        %get3A_2071 = arith.constant 0 : index
        %get3A_2072 = tpu.vector_load %arg6[%get3A_2069, %get3A_2070, %get3A_2071] {strides = array<i32>} : memref<2x2560x16xi32, #tpu.memory_space<vmem>>, vector<16xi32>,
        %shift_left3A_2073 = arith.constant 16 : i32
        %shift_left3A_2074 = vector.broadcast %shift_left3A_2073 : i32 to vector<16xi32>
        %shift_left3A_2075 = arith.shli %get3A_2072, %shift_left3A_2074 : vector<16xi32>
        %bitcast3A_2076 = vector.bitcast %shift_left3A_2075 : vector<16xi32> to vector<16xf32>
        %bitcast3A_2077 = vector.bitcast %get3A_2072 : vector<16xi32> to vector<16xf32>
        %mul3A_2078 = vector.broadcast %squeeze3A_2065 : f32 to vector<16xf32>
        %mul3A_2079 = arith.mulf %mul3A_2078, %bitcast3A_2076 : vector<16xf32>
        %add3A_2080 = arith.addf %add3A_2040, %mul3A_2079 : vector<16xf32>
        %mul3A_2081 = vector.broadcast %squeeze3A_2065 : f32 to vector<16xf32>
        %mul3A_2082 = arith.mulf %mul3A_2081, %bitcast3A_2077 : vector<16xf32>
        %add3A_2083 = arith.addf %add3A_2043, %mul3A_2082 : vector<16xf32>
        %slice3A_2084 = vector.extract_strided_slice %bitcast3A_1996 {offsets = [4], sizes = [1], strides = [1]} : vector<16xf32> to vector<1xf32>
        %squeeze3A_2085 = vector.extract %slice3A_2084[0] : f32 from vector<1xf32>
        %add3A_2086 = arith.constant 4 : i32
        %add3A_2087 = arith.addi %add3A_2003, %add3A_2086 : i32
        %get3A_2088 = arith.constant 1 : i32
        %get3A_2089 = arith.index_cast %get3A_2088 : i32 to index
        %get3A_2090 = arith.index_cast %add3A_2087 : i32 to index
        %get3A_2091 = arith.constant 0 : index
        %get3A_2092 = tpu.vector_load %arg6[%get3A_2089, %get3A_2090, %get3A_2091] {strides = array<i32>} : memref<2x2560x16xi32, #tpu.memory_space<vmem>>, vector<16xi32>,
        %shift_left3A_2093 = arith.constant 16 : i32
        %shift_left3A_2094 = vector.broadcast %shift_left3A_2093 : i32 to vector<16xi32>
        %shift_left3A_2095 = arith.shli %get3A_2092, %shift_left3A_2094 : vector<16xi32>
        %bitcast3A_2096 = vector.bitcast %shift_left3A_2095 : vector<16xi32> to vector<16xf32>
        %bitcast3A_2097 = vector.bitcast %get3A_2092 : vector<16xi32> to vector<16xf32>
        %mul3A_2098 = vector.broadcast %squeeze3A_2085 : f32 to vector<16xf32>
        %mul3A_2099 = arith.mulf %mul3A_2098, %bitcast3A_2096 : vector<16xf32>
        %add3A_2100 = arith.addf %add3A_2060, %mul3A_2099 : vector<16xf32>
        %mul3A_2101 = vector.broadcast %squeeze3A_2085 : f32 to vector<16xf32>
        %mul3A_2102 = arith.mulf %mul3A_2101, %bitcast3A_2097 : vector<16xf32>
        %add3A_2103 = arith.addf %add3A_2063, %mul3A_2102 : vector<16xf32>
        %slice3A_2104 = vector.extract_strided_slice %bitcast3A_1996 {offsets = [5], sizes = [1], strides = [1]} : vector<16xf32> to vector<1xf32>
        %squeeze3A_2105 = vector.extract %slice3A_2104[0] : f32 from vector<1xf32>
        %add3A_2106 = arith.constant 5 : i32
        %add3A_2107 = arith.addi %add3A_2003, %add3A_2106 : i32
        %get3A_2108 = arith.constant 1 : i32
        %get3A_2109 = arith.index_cast %get3A_2108 : i32 to index
        %get3A_2110 = arith.index_cast %add3A_2107 : i32 to index
        %get3A_2111 = arith.constant 0 : index
        %get3A_2112 = tpu.vector_load %arg6[%get3A_2109, %get3A_2110, %get3A_2111] {strides = array<i32>} : memref<2x2560x16xi32, #tpu.memory_space<vmem>>, vector<16xi32>,
        %shift_left3A_2113 = arith.constant 16 : i32
        %shift_left3A_2114 = vector.broadcast %shift_left3A_2113 : i32 to vector<16xi32>
        %shift_left3A_2115 = arith.shli %get3A_2112, %shift_left3A_2114 : vector<16xi32>
        %bitcast3A_2116 = vector.bitcast %shift_left3A_2115 : vector<16xi32> to vector<16xf32>
        %bitcast3A_2117 = vector.bitcast %get3A_2112 : vector<16xi32> to vector<16xf32>
        %mul3A_2118 = vector.broadcast %squeeze3A_2105 : f32 to vector<16xf32>
        %mul3A_2119 = arith.mulf %mul3A_2118, %bitcast3A_2116 : vector<16xf32>
        %add3A_2120 = arith.addf %add3A_2080, %mul3A_2119 : vector<16xf32>
        %mul3A_2121 = vector.broadcast %squeeze3A_2105 : f32 to vector<16xf32>
        %mul3A_2122 = arith.mulf %mul3A_2121, %bitcast3A_2117 : vector<16xf32>
        %add3A_2123 = arith.addf %add3A_2083, %mul3A_2122 : vector<16xf32>
        %slice3A_2124 = vector.extract_strided_slice %bitcast3A_1996 {offsets = [6], sizes = [1], strides = [1]} : vector<16xf32> to vector<1xf32>
        %squeeze3A_2125 = vector.extract %slice3A_2124[0] : f32 from vector<1xf32>
        %add3A_2126 = arith.constant 6 : i32
        %add3A_2127 = arith.addi %add3A_2003, %add3A_2126 : i32
        %get3A_2128 = arith.constant 1 : i32
        %get3A_2129 = arith.index_cast %get3A_2128 : i32 to index
        %get3A_2130 = arith.index_cast %add3A_2127 : i32 to index
        %get3A_2131 = arith.constant 0 : index
        %get3A_2132 = tpu.vector_load %arg6[%get3A_2129, %get3A_2130, %get3A_2131] {strides = array<i32>} : memref<2x2560x16xi32, #tpu.memory_space<vmem>>, vector<16xi32>,
        %shift_left3A_2133 = arith.constant 16 : i32
        %shift_left3A_2134 = vector.broadcast %shift_left3A_2133 : i32 to vector<16xi32>
        %shift_left3A_2135 = arith.shli %get3A_2132, %shift_left3A_2134 : vector<16xi32>
        %bitcast3A_2136 = vector.bitcast %shift_left3A_2135 : vector<16xi32> to vector<16xf32>
        %bitcast3A_2137 = vector.bitcast %get3A_2132 : vector<16xi32> to vector<16xf32>
        %mul3A_2138 = vector.broadcast %squeeze3A_2125 : f32 to vector<16xf32>
        %mul3A_2139 = arith.mulf %mul3A_2138, %bitcast3A_2136 : vector<16xf32>
        %add3A_2140 = arith.addf %add3A_2100, %mul3A_2139 : vector<16xf32>
        %mul3A_2141 = vector.broadcast %squeeze3A_2125 : f32 to vector<16xf32>
        %mul3A_2142 = arith.mulf %mul3A_2141, %bitcast3A_2137 : vector<16xf32>
        %add3A_2143 = arith.addf %add3A_2103, %mul3A_2142 : vector<16xf32>
        %slice3A_2144 = vector.extract_strided_slice %bitcast3A_1996 {offsets = [7], sizes = [1], strides = [1]} : vector<16xf32> to vector<1xf32>
        %squeeze3A_2145 = vector.extract %slice3A_2144[0] : f32 from vector<1xf32>
        %add3A_2146 = arith.constant 7 : i32
        %add3A_2147 = arith.addi %add3A_2003, %add3A_2146 : i32
        %get3A_2148 = arith.constant 1 : i32
        %get3A_2149 = arith.index_cast %get3A_2148 : i32 to index
        %get3A_2150 = arith.index_cast %add3A_2147 : i32 to index
        %get3A_2151 = arith.constant 0 : index
        %get3A_2152 = tpu.vector_load %arg6[%get3A_2149, %get3A_2150, %get3A_2151] {strides = array<i32>} : memref<2x2560x16xi32, #tpu.memory_space<vmem>>, vector<16xi32>,
        %shift_left3A_2153 = arith.constant 16 : i32
        %shift_left3A_2154 = vector.broadcast %shift_left3A_2153 : i32 to vector<16xi32>
        %shift_left3A_2155 = arith.shli %get3A_2152, %shift_left3A_2154 : vector<16xi32>
        %bitcast3A_2156 = vector.bitcast %shift_left3A_2155 : vector<16xi32> to vector<16xf32>
        %bitcast3A_2157 = vector.bitcast %get3A_2152 : vector<16xi32> to vector<16xf32>
        %mul3A_2158 = vector.broadcast %squeeze3A_2145 : f32 to vector<16xf32>
        %mul3A_2159 = arith.mulf %mul3A_2158, %bitcast3A_2156 : vector<16xf32>
        %add3A_2160 = arith.addf %add3A_2120, %mul3A_2159 : vector<16xf32>
        %mul3A_2161 = vector.broadcast %squeeze3A_2145 : f32 to vector<16xf32>
        %mul3A_2162 = arith.mulf %mul3A_2161, %bitcast3A_2157 : vector<16xf32>
        %add3A_2163 = arith.addf %add3A_2123, %mul3A_2162 : vector<16xf32>
        %slice3A_2164 = vector.extract_strided_slice %bitcast3A_1996 {offsets = [8], sizes = [1], strides = [1]} : vector<16xf32> to vector<1xf32>
        %squeeze3A_2165 = vector.extract %slice3A_2164[0] : f32 from vector<1xf32>
        %add3A_2166 = arith.constant 8 : i32
        %add3A_2167 = arith.addi %add3A_2003, %add3A_2166 : i32
        %get3A_2168 = arith.constant 1 : i32
        %get3A_2169 = arith.index_cast %get3A_2168 : i32 to index
        %get3A_2170 = arith.index_cast %add3A_2167 : i32 to index
        %get3A_2171 = arith.constant 0 : index
        %get3A_2172 = tpu.vector_load %arg6[%get3A_2169, %get3A_2170, %get3A_2171] {strides = array<i32>} : memref<2x2560x16xi32, #tpu.memory_space<vmem>>, vector<16xi32>,
        %shift_left3A_2173 = arith.constant 16 : i32
        %shift_left3A_2174 = vector.broadcast %shift_left3A_2173 : i32 to vector<16xi32>
        %shift_left3A_2175 = arith.shli %get3A_2172, %shift_left3A_2174 : vector<16xi32>
        %bitcast3A_2176 = vector.bitcast %shift_left3A_2175 : vector<16xi32> to vector<16xf32>
        %bitcast3A_2177 = vector.bitcast %get3A_2172 : vector<16xi32> to vector<16xf32>
        %mul3A_2178 = vector.broadcast %squeeze3A_2165 : f32 to vector<16xf32>
        %mul3A_2179 = arith.mulf %mul3A_2178, %bitcast3A_2176 : vector<16xf32>
        %add3A_2180 = arith.addf %add3A_2140, %mul3A_2179 : vector<16xf32>
        %mul3A_2181 = vector.broadcast %squeeze3A_2165 : f32 to vector<16xf32>
        %mul3A_2182 = arith.mulf %mul3A_2181, %bitcast3A_2177 : vector<16xf32>
        %add3A_2183 = arith.addf %add3A_2143, %mul3A_2182 : vector<16xf32>
        %slice3A_2184 = vector.extract_strided_slice %bitcast3A_1996 {offsets = [9], sizes = [1], strides = [1]} : vector<16xf32> to vector<1xf32>
        %squeeze3A_2185 = vector.extract %slice3A_2184[0] : f32 from vector<1xf32>
        %add3A_2186 = arith.constant 9 : i32
        %add3A_2187 = arith.addi %add3A_2003, %add3A_2186 : i32
        %get3A_2188 = arith.constant 1 : i32
        %get3A_2189 = arith.index_cast %get3A_2188 : i32 to index
        %get3A_2190 = arith.index_cast %add3A_2187 : i32 to index
        %get3A_2191 = arith.constant 0 : index
        %get3A_2192 = tpu.vector_load %arg6[%get3A_2189, %get3A_2190, %get3A_2191] {strides = array<i32>} : memref<2x2560x16xi32, #tpu.memory_space<vmem>>, vector<16xi32>,
        %shift_left3A_2193 = arith.constant 16 : i32
        %shift_left3A_2194 = vector.broadcast %shift_left3A_2193 : i32 to vector<16xi32>
        %shift_left3A_2195 = arith.shli %get3A_2192, %shift_left3A_2194 : vector<16xi32>
        %bitcast3A_2196 = vector.bitcast %shift_left3A_2195 : vector<16xi32> to vector<16xf32>
        %bitcast3A_2197 = vector.bitcast %get3A_2192 : vector<16xi32> to vector<16xf32>
        %mul3A_2198 = vector.broadcast %squeeze3A_2185 : f32 to vector<16xf32>
        %mul3A_2199 = arith.mulf %mul3A_2198, %bitcast3A_2196 : vector<16xf32>
        %add3A_2200 = arith.addf %add3A_2160, %mul3A_2199 : vector<16xf32>
        %mul3A_2201 = vector.broadcast %squeeze3A_2185 : f32 to vector<16xf32>
        %mul3A_2202 = arith.mulf %mul3A_2201, %bitcast3A_2197 : vector<16xf32>
        %add3A_2203 = arith.addf %add3A_2163, %mul3A_2202 : vector<16xf32>
        %slice3A_2204 = vector.extract_strided_slice %bitcast3A_1996 {offsets = [10], sizes = [1], strides = [1]} : vector<16xf32> to vector<1xf32>
        %squeeze3A_2205 = vector.extract %slice3A_2204[0] : f32 from vector<1xf32>
        %add3A_2206 = arith.constant 10 : i32
        %add3A_2207 = arith.addi %add3A_2003, %add3A_2206 : i32
        %get3A_2208 = arith.constant 1 : i32
        %get3A_2209 = arith.index_cast %get3A_2208 : i32 to index
        %get3A_2210 = arith.index_cast %add3A_2207 : i32 to index
        %get3A_2211 = arith.constant 0 : index
        %get3A_2212 = tpu.vector_load %arg6[%get3A_2209, %get3A_2210, %get3A_2211] {strides = array<i32>} : memref<2x2560x16xi32, #tpu.memory_space<vmem>>, vector<16xi32>,
        %shift_left3A_2213 = arith.constant 16 : i32
        %shift_left3A_2214 = vector.broadcast %shift_left3A_2213 : i32 to vector<16xi32>
        %shift_left3A_2215 = arith.shli %get3A_2212, %shift_left3A_2214 : vector<16xi32>
        %bitcast3A_2216 = vector.bitcast %shift_left3A_2215 : vector<16xi32> to vector<16xf32>
        %bitcast3A_2217 = vector.bitcast %get3A_2212 : vector<16xi32> to vector<16xf32>
        %mul3A_2218 = vector.broadcast %squeeze3A_2205 : f32 to vector<16xf32>
        %mul3A_2219 = arith.mulf %mul3A_2218, %bitcast3A_2216 : vector<16xf32>
        %add3A_2220 = arith.addf %add3A_2180, %mul3A_2219 : vector<16xf32>
        %mul3A_2221 = vector.broadcast %squeeze3A_2205 : f32 to vector<16xf32>
        %mul3A_2222 = arith.mulf %mul3A_2221, %bitcast3A_2217 : vector<16xf32>
        %add3A_2223 = arith.addf %add3A_2183, %mul3A_2222 : vector<16xf32>
        %slice3A_2224 = vector.extract_strided_slice %bitcast3A_1996 {offsets = [11], sizes = [1], strides = [1]} : vector<16xf32> to vector<1xf32>
        %squeeze3A_2225 = vector.extract %slice3A_2224[0] : f32 from vector<1xf32>
        %add3A_2226 = arith.constant 11 : i32
        %add3A_2227 = arith.addi %add3A_2003, %add3A_2226 : i32
        %get3A_2228 = arith.constant 1 : i32
        %get3A_2229 = arith.index_cast %get3A_2228 : i32 to index
        %get3A_2230 = arith.index_cast %add3A_2227 : i32 to index
        %get3A_2231 = arith.constant 0 : index
        %get3A_2232 = tpu.vector_load %arg6[%get3A_2229, %get3A_2230, %get3A_2231] {strides = array<i32>} : memref<2x2560x16xi32, #tpu.memory_space<vmem>>, vector<16xi32>,
        %shift_left3A_2233 = arith.constant 16 : i32
        %shift_left3A_2234 = vector.broadcast %shift_left3A_2233 : i32 to vector<16xi32>
        %shift_left3A_2235 = arith.shli %get3A_2232, %shift_left3A_2234 : vector<16xi32>
        %bitcast3A_2236 = vector.bitcast %shift_left3A_2235 : vector<16xi32> to vector<16xf32>
        %bitcast3A_2237 = vector.bitcast %get3A_2232 : vector<16xi32> to vector<16xf32>
        %mul3A_2238 = vector.broadcast %squeeze3A_2225 : f32 to vector<16xf32>
        %mul3A_2239 = arith.mulf %mul3A_2238, %bitcast3A_2236 : vector<16xf32>
        %add3A_2240 = arith.addf %add3A_2200, %mul3A_2239 : vector<16xf32>
        %mul3A_2241 = vector.broadcast %squeeze3A_2225 : f32 to vector<16xf32>
        %mul3A_2242 = arith.mulf %mul3A_2241, %bitcast3A_2237 : vector<16xf32>
        %add3A_2243 = arith.addf %add3A_2203, %mul3A_2242 : vector<16xf32>
        %slice3A_2244 = vector.extract_strided_slice %bitcast3A_1996 {offsets = [12], sizes = [1], strides = [1]} : vector<16xf32> to vector<1xf32>
        %squeeze3A_2245 = vector.extract %slice3A_2244[0] : f32 from vector<1xf32>
        %add3A_2246 = arith.constant 12 : i32
        %add3A_2247 = arith.addi %add3A_2003, %add3A_2246 : i32
        %get3A_2248 = arith.constant 1 : i32
        %get3A_2249 = arith.index_cast %get3A_2248 : i32 to index
        %get3A_2250 = arith.index_cast %add3A_2247 : i32 to index
        %get3A_2251 = arith.constant 0 : index
        %get3A_2252 = tpu.vector_load %arg6[%get3A_2249, %get3A_2250, %get3A_2251] {strides = array<i32>} : memref<2x2560x16xi32, #tpu.memory_space<vmem>>, vector<16xi32>,
        %shift_left3A_2253 = arith.constant 16 : i32
        %shift_left3A_2254 = vector.broadcast %shift_left3A_2253 : i32 to vector<16xi32>
        %shift_left3A_2255 = arith.shli %get3A_2252, %shift_left3A_2254 : vector<16xi32>
        %bitcast3A_2256 = vector.bitcast %shift_left3A_2255 : vector<16xi32> to vector<16xf32>
        %bitcast3A_2257 = vector.bitcast %get3A_2252 : vector<16xi32> to vector<16xf32>
        %mul3A_2258 = vector.broadcast %squeeze3A_2245 : f32 to vector<16xf32>
        %mul3A_2259 = arith.mulf %mul3A_2258, %bitcast3A_2256 : vector<16xf32>
        %add3A_2260 = arith.addf %add3A_2220, %mul3A_2259 : vector<16xf32>
        %mul3A_2261 = vector.broadcast %squeeze3A_2245 : f32 to vector<16xf32>
        %mul3A_2262 = arith.mulf %mul3A_2261, %bitcast3A_2257 : vector<16xf32>
        %add3A_2263 = arith.addf %add3A_2223, %mul3A_2262 : vector<16xf32>
        %slice3A_2264 = vector.extract_strided_slice %bitcast3A_1996 {offsets = [13], sizes = [1], strides = [1]} : vector<16xf32> to vector<1xf32>
        %squeeze3A_2265 = vector.extract %slice3A_2264[0] : f32 from vector<1xf32>
        %add3A_2266 = arith.constant 13 : i32
        %add3A_2267 = arith.addi %add3A_2003, %add3A_2266 : i32
        %get3A_2268 = arith.constant 1 : i32
        %get3A_2269 = arith.index_cast %get3A_2268 : i32 to index
        %get3A_2270 = arith.index_cast %add3A_2267 : i32 to index
        %get3A_2271 = arith.constant 0 : index
        %get3A_2272 = tpu.vector_load %arg6[%get3A_2269, %get3A_2270, %get3A_2271] {strides = array<i32>} : memref<2x2560x16xi32, #tpu.memory_space<vmem>>, vector<16xi32>,
        %shift_left3A_2273 = arith.constant 16 : i32
        %shift_left3A_2274 = vector.broadcast %shift_left3A_2273 : i32 to vector<16xi32>
        %shift_left3A_2275 = arith.shli %get3A_2272, %shift_left3A_2274 : vector<16xi32>
        %bitcast3A_2276 = vector.bitcast %shift_left3A_2275 : vector<16xi32> to vector<16xf32>
        %bitcast3A_2277 = vector.bitcast %get3A_2272 : vector<16xi32> to vector<16xf32>
        %mul3A_2278 = vector.broadcast %squeeze3A_2265 : f32 to vector<16xf32>
        %mul3A_2279 = arith.mulf %mul3A_2278, %bitcast3A_2276 : vector<16xf32>
        %add3A_2280 = arith.addf %add3A_2240, %mul3A_2279 : vector<16xf32>
        %mul3A_2281 = vector.broadcast %squeeze3A_2265 : f32 to vector<16xf32>
        %mul3A_2282 = arith.mulf %mul3A_2281, %bitcast3A_2277 : vector<16xf32>
        %add3A_2283 = arith.addf %add3A_2243, %mul3A_2282 : vector<16xf32>
        %slice3A_2284 = vector.extract_strided_slice %bitcast3A_1996 {offsets = [14], sizes = [1], strides = [1]} : vector<16xf32> to vector<1xf32>
        %squeeze3A_2285 = vector.extract %slice3A_2284[0] : f32 from vector<1xf32>
        %add3A_2286 = arith.constant 14 : i32
        %add3A_2287 = arith.addi %add3A_2003, %add3A_2286 : i32
        %get3A_2288 = arith.constant 1 : i32
        %get3A_2289 = arith.index_cast %get3A_2288 : i32 to index
        %get3A_2290 = arith.index_cast %add3A_2287 : i32 to index
        %get3A_2291 = arith.constant 0 : index
        %get3A_2292 = tpu.vector_load %arg6[%get3A_2289, %get3A_2290, %get3A_2291] {strides = array<i32>} : memref<2x2560x16xi32, #tpu.memory_space<vmem>>, vector<16xi32>,
        %shift_left3A_2293 = arith.constant 16 : i32
        %shift_left3A_2294 = vector.broadcast %shift_left3A_2293 : i32 to vector<16xi32>
        %shift_left3A_2295 = arith.shli %get3A_2292, %shift_left3A_2294 : vector<16xi32>
        %bitcast3A_2296 = vector.bitcast %shift_left3A_2295 : vector<16xi32> to vector<16xf32>
        %bitcast3A_2297 = vector.bitcast %get3A_2292 : vector<16xi32> to vector<16xf32>
        %mul3A_2298 = vector.broadcast %squeeze3A_2285 : f32 to vector<16xf32>
        %mul3A_2299 = arith.mulf %mul3A_2298, %bitcast3A_2296 : vector<16xf32>
        %add3A_2300 = arith.addf %add3A_2260, %mul3A_2299 : vector<16xf32>
        %mul3A_2301 = vector.broadcast %squeeze3A_2285 : f32 to vector<16xf32>
        %mul3A_2302 = arith.mulf %mul3A_2301, %bitcast3A_2297 : vector<16xf32>
        %add3A_2303 = arith.addf %add3A_2263, %mul3A_2302 : vector<16xf32>
        %slice3A_2304 = vector.extract_strided_slice %bitcast3A_1996 {offsets = [15], sizes = [1], strides = [1]} : vector<16xf32> to vector<1xf32>
        %squeeze3A_2305 = vector.extract %slice3A_2304[0] : f32 from vector<1xf32>
        %add3A_2306 = arith.constant 15 : i32
        %add3A_2307 = arith.addi %add3A_2003, %add3A_2306 : i32
        %get3A_2308 = arith.constant 1 : i32
        %get3A_2309 = arith.index_cast %get3A_2308 : i32 to index
        %get3A_2310 = arith.index_cast %add3A_2307 : i32 to index
        %get3A_2311 = arith.constant 0 : index
        %get3A_2312 = tpu.vector_load %arg6[%get3A_2309, %get3A_2310, %get3A_2311] {strides = array<i32>} : memref<2x2560x16xi32, #tpu.memory_space<vmem>>, vector<16xi32>,
        %shift_left3A_2313 = arith.constant 16 : i32
        %shift_left3A_2314 = vector.broadcast %shift_left3A_2313 : i32 to vector<16xi32>
        %shift_left3A_2315 = arith.shli %get3A_2312, %shift_left3A_2314 : vector<16xi32>
        %bitcast3A_2316 = vector.bitcast %shift_left3A_2315 : vector<16xi32> to vector<16xf32>
        %bitcast3A_2317 = vector.bitcast %get3A_2312 : vector<16xi32> to vector<16xf32>
        %mul3A_2318 = vector.broadcast %squeeze3A_2305 : f32 to vector<16xf32>
        %mul3A_2319 = arith.mulf %mul3A_2318, %bitcast3A_2316 : vector<16xf32>
        %add3A_2320 = arith.addf %add3A_2280, %mul3A_2319 : vector<16xf32>
        %mul3A_2321 = vector.broadcast %squeeze3A_2305 : f32 to vector<16xf32>
        %mul3A_2322 = arith.mulf %mul3A_2321, %bitcast3A_2317 : vector<16xf32>
        %add3A_2323 = arith.addf %add3A_2283, %mul3A_2322 : vector<16xf32>
        %add3A_2324 = arith.addf %add3A_2300, %add3A_2320 : vector<16xf32>
        %swap3A = arith.constant 1 : i32
        %swap3A_2325 = arith.index_cast %swap3A : i32 to index
        %swap3A_2326 = arith.index_cast %scan3A_955 : i32 to index
        %swap3A_2327 = arith.constant 0 : index
        %swap3A_2328 = tpu.vector_load %arg7[%swap3A_2325, %swap3A_2326, %swap3A_2327] {strides = array<i32>} : memref<2x40x32xf32, #tpu.memory_space<vmem>>, vector<16xf32>,
        tpu.vector_store %arg7[%swap3A_2325, %swap3A_2326, %swap3A_2327], %add3A_2324 {strides = array<i32>} : memref<2x40x32xf32, #tpu.memory_space<vmem>>, vector<16xf32>,
        %add3A_2329 = arith.addf %add3A_2303, %add3A_2323 : vector<16xf32>
        %swap3A_2330 = arith.constant 1 : i32
        %swap3A_2331 = arith.index_cast %swap3A_2330 : i32 to index
        %swap3A_2332 = arith.index_cast %scan3A_955 : i32 to index
        %swap3A_2333 = arith.constant 16 : index
        %swap3A_2334 = tpu.vector_load %arg7[%swap3A_2331, %swap3A_2332, %swap3A_2333] {strides = array<i32>} : memref<2x40x32xf32, #tpu.memory_space<vmem>>, vector<16xf32>,
        tpu.vector_store %arg7[%swap3A_2331, %swap3A_2332, %swap3A_2333], %add3A_2329 {strides = array<i32>} : memref<2x40x32xf32, #tpu.memory_space<vmem>>, vector<16xf32>,
      }
      %scan3A_930 = arith.constant 40 : i32
      %add3A_931 = arith.constant 2 : i32
      %add3A_932 = arith.addi %add3A_654, %add3A_931 : i32
      %lt3A_933 = arith.constant 68 : i32
      %lt3A_934 = arith.cmpi slt, %add3A_932, %lt3A_933 : i32
      %convert_element_type3A_935 = arith.extui %lt3A_934 : i1 to i32
      %cond3A_936 = arith.constant 0 : i32
      %cond3A_937 = arith.cmpi ne, %convert_element_type3A_935, %cond3A_936 : i32
      scf.if %cond3A_937 {
        %add3A_955 = arith.constant 2 : i32
        %add3A_956 = arith.addi %add3A_654, %add3A_955 : i32
        %dma_start3A_957 = arith.constant 1 : i32
        %dma_start3A_958 = arith.constant 0 : i32
        %dma_start3A_959 = arith.constant 0 : i32
        %dma_start3A_960 = tpu.memref_slice %arg5[%dma_start3A_957, %dma_start3A_958, %dma_start3A_959] : memref<2x40x128xi32, #tpu.memory_space<vmem>> -> memref<1x40x128xi32, #tpu.memory_space<vmem>>
        %dma_start3A_961 = tpu.memref_squeeze %dma_start3A_960 : memref<1x40x128xi32, #tpu.memory_space<vmem>> -> memref<40x128xi32, #tpu.memory_space<vmem>>
        %dma_start3A_962 = arith.constant 0 : i32
        %dma_start3A_963 = arith.constant 0 : i32
        %dma_start3A_964 = tpu.memref_slice %arg3[%add3A, %add3A_956, %dma_start3A_962, %dma_start3A_963] : memref<32x68x40x128xi32, #tpu.memory_space<hbm>> -> memref<1x1x40x128xi32, #tpu.memory_space<hbm>>
        %dma_start3A_965 = tpu.memref_squeeze %dma_start3A_964 : memref<1x1x40x128xi32, #tpu.memory_space<hbm>> -> memref<40x128xi32, #tpu.memory_space<hbm>>
        %dma_start3A_966 = arith.constant 0 : i32
        %dma_start3A_967 = arith.constant 0 : i32
        %dma_start3A_968 = tpu.memref_slice %arg5[%dma_start3A_957, %dma_start3A_966, %dma_start3A_967] : memref<2x40x128xi32, #tpu.memory_space<vmem>> -> memref<1x40x128xi32, #tpu.memory_space<vmem>>
        %dma_start3A_969 = tpu.memref_squeeze %dma_start3A_968 : memref<1x40x128xi32, #tpu.memory_space<vmem>> -> memref<40x128xi32, #tpu.memory_space<vmem>>
        %dma_start3A_970 = arith.constant 0 : i32
        %dma_start3A_971 = arith.constant 0 : i32
        %dma_start3A_972 = tpu.memref_slice %arg3[%add3A, %add3A_956, %dma_start3A_970, %dma_start3A_971] : memref<32x68x40x128xi32, #tpu.memory_space<hbm>> -> memref<1x1x40x128xi32, #tpu.memory_space<hbm>>
        %dma_start3A_973 = tpu.memref_squeeze %dma_start3A_972 : memref<1x1x40x128xi32, #tpu.memory_space<hbm>> -> memref<40x128xi32, #tpu.memory_space<hbm>>
        tpu.enqueue_dma source(%dma_start3A_973 : memref<40x128xi32, #tpu.memory_space<hbm>>) target(%dma_start3A_969 : memref<40x128xi32, #tpu.memory_space<vmem>>) target_semaphore(%arg11 : memref<!tpu.dma_semaphore, #tpu.memory_space<semaphore_mem>>)
      } else {
      }
      %dma_start3A_938 = arith.constant 1 : i32
      %dma_start3A_939 = arith.constant 0 : i32
      %dma_start3A_940 = arith.constant 0 : i32
      %dma_start3A_941 = tpu.memref_slice %arg7[%dma_start3A_938, %dma_start3A_939, %dma_start3A_940] : memref<2x40x32xf32, #tpu.memory_space<vmem>> -> memref<1x40x32xf32, #tpu.memory_space<vmem>>
      %dma_start3A_942 = tpu.memref_squeeze %dma_start3A_941 : memref<1x40x32xf32, #tpu.memory_space<vmem>> -> memref<40x32xf32, #tpu.memory_space<vmem>>
      %dma_start3A_943 = arith.constant 0 : i32
      %dma_start3A_944 = arith.constant 0 : i32
      %dma_start3A_945 = tpu.memref_slice %arg4[%add3A, %add3A_654, %dma_start3A_943, %dma_start3A_944] : memref<32x68x40x32xf32, #tpu.memory_space<hbm>> -> memref<1x1x40x32xf32, #tpu.memory_space<hbm>>
      %dma_start3A_946 = tpu.memref_squeeze %dma_start3A_945 : memref<1x1x40x32xf32, #tpu.memory_space<hbm>> -> memref<40x32xf32, #tpu.memory_space<hbm>>
      %dma_start3A_947 = arith.constant 0 : i32
      %dma_start3A_948 = arith.constant 0 : i32
      %dma_start3A_949 = tpu.memref_slice %arg4[%add3A, %add3A_654, %dma_start3A_947, %dma_start3A_948] : memref<32x68x40x32xf32, #tpu.memory_space<hbm>> -> memref<1x1x40x32xf32, #tpu.memory_space<hbm>>
      %dma_start3A_950 = tpu.memref_squeeze %dma_start3A_949 : memref<1x1x40x32xf32, #tpu.memory_space<hbm>> -> memref<40x32xf32, #tpu.memory_space<hbm>>
      %dma_start3A_951 = arith.constant 0 : i32
      %dma_start3A_952 = arith.constant 0 : i32
      %dma_start3A_953 = tpu.memref_slice %arg7[%dma_start3A_938, %dma_start3A_951, %dma_start3A_952] : memref<2x40x32xf32, #tpu.memory_space<vmem>> -> memref<1x40x32xf32, #tpu.memory_space<vmem>>
      %dma_start3A_954 = tpu.memref_squeeze %dma_start3A_953 : memref<1x40x32xf32, #tpu.memory_space<vmem>> -> memref<40x32xf32, #tpu.memory_space<vmem>>
      tpu.enqueue_dma source(%dma_start3A_954 : memref<40x32xf32, #tpu.memory_space<vmem>>) target(%dma_start3A_950 : memref<40x32xf32, #tpu.memory_space<hbm>>) target_semaphore(%arg10 : memref<!tpu.dma_semaphore, #tpu.memory_space<semaphore_mem>>)
    }
    %scan3A_317 = arith.constant 34 : i32
    %dma_wait3A_318 = arith.constant 0 : i32
    %dma_wait3A_319 = arith.constant 66 : i32
    %dma_wait3A_320 = arith.constant 0 : i32
    %dma_wait3A_321 = arith.constant 0 : i32
    %dma_wait3A_322 = tpu.memref_slice %arg7[%dma_wait3A_318, %dma_wait3A_320, %dma_wait3A_321] : memref<2x40x32xf32, #tpu.memory_space<vmem>> -> memref<1x40x32xf32, #tpu.memory_space<vmem>>
    %dma_wait3A_323 = tpu.memref_squeeze %dma_wait3A_322 : memref<1x40x32xf32, #tpu.memory_space<vmem>> -> memref<40x32xf32, #tpu.memory_space<vmem>>
    %dma_wait3A_324 = arith.constant 0 : i32
    %dma_wait3A_325 = arith.constant 0 : i32
    %dma_wait3A_326 = tpu.memref_slice %arg4[%add3A, %dma_wait3A_319, %dma_wait3A_324, %dma_wait3A_325] : memref<32x68x40x32xf32, #tpu.memory_space<hbm>> -> memref<1x1x40x32xf32, #tpu.memory_space<hbm>>
    %dma_wait3A_327 = tpu.memref_squeeze %dma_wait3A_326 : memref<1x1x40x32xf32, #tpu.memory_space<hbm>> -> memref<40x32xf32, #tpu.memory_space<hbm>>
    %dma_wait3A_328 = arith.constant 0 : i32
    %dma_wait3A_329 = arith.constant 0 : i32
    %dma_wait3A_330 = tpu.memref_slice %arg4[%add3A, %dma_wait3A_319, %dma_wait3A_328, %dma_wait3A_329] : memref<32x68x40x32xf32, #tpu.memory_space<hbm>> -> memref<1x1x40x32xf32, #tpu.memory_space<hbm>>
    %dma_wait3A_331 = tpu.memref_squeeze %dma_wait3A_330 : memref<1x1x40x32xf32, #tpu.memory_space<hbm>> -> memref<40x32xf32, #tpu.memory_space<hbm>>
    %dma_wait3A_332 = arith.constant 0 : i32
    %dma_wait3A_333 = arith.constant 0 : i32
    %dma_wait3A_334 = tpu.memref_slice %arg7[%dma_wait3A_318, %dma_wait3A_332, %dma_wait3A_333] : memref<2x40x32xf32, #tpu.memory_space<vmem>> -> memref<1x40x32xf32, #tpu.memory_space<vmem>>
    %dma_wait3A_335 = tpu.memref_squeeze %dma_wait3A_334 : memref<1x40x32xf32, #tpu.memory_space<vmem>> -> memref<40x32xf32, #tpu.memory_space<vmem>>
    tpu.wait_dma2 semaphore(%arg10 : memref<!tpu.dma_semaphore, #tpu.memory_space<semaphore_mem>>) src(%dma_wait3A_335 : memref<40x32xf32, #tpu.memory_space<vmem>>) dst(%dma_wait3A_331 : memref<40x32xf32, #tpu.memory_space<hbm>>)
    %dma_wait3A_336 = arith.constant 1 : i32
    %dma_wait3A_337 = arith.constant 67 : i32
    %dma_wait3A_338 = arith.constant 0 : i32
    %dma_wait3A_339 = arith.constant 0 : i32
    %dma_wait3A_340 = tpu.memref_slice %arg7[%dma_wait3A_336, %dma_wait3A_338, %dma_wait3A_339] : memref<2x40x32xf32, #tpu.memory_space<vmem>> -> memref<1x40x32xf32, #tpu.memory_space<vmem>>
    %dma_wait3A_341 = tpu.memref_squeeze %dma_wait3A_340 : memref<1x40x32xf32, #tpu.memory_space<vmem>> -> memref<40x32xf32, #tpu.memory_space<vmem>>
    %dma_wait3A_342 = arith.constant 0 : i32
    %dma_wait3A_343 = arith.constant 0 : i32
    %dma_wait3A_344 = tpu.memref_slice %arg4[%add3A, %dma_wait3A_337, %dma_wait3A_342, %dma_wait3A_343] : memref<32x68x40x32xf32, #tpu.memory_space<hbm>> -> memref<1x1x40x32xf32, #tpu.memory_space<hbm>>
    %dma_wait3A_345 = tpu.memref_squeeze %dma_wait3A_344 : memref<1x1x40x32xf32, #tpu.memory_space<hbm>> -> memref<40x32xf32, #tpu.memory_space<hbm>>
    %dma_wait3A_346 = arith.constant 0 : i32
    %dma_wait3A_347 = arith.constant 0 : i32
    %dma_wait3A_348 = tpu.memref_slice %arg4[%add3A, %dma_wait3A_337, %dma_wait3A_346, %dma_wait3A_347] : memref<32x68x40x32xf32, #tpu.memory_space<hbm>> -> memref<1x1x40x32xf32, #tpu.memory_space<hbm>>
    %dma_wait3A_349 = tpu.memref_squeeze %dma_wait3A_348 : memref<1x1x40x32xf32, #tpu.memory_space<hbm>> -> memref<40x32xf32, #tpu.memory_space<hbm>>
    %dma_wait3A_350 = arith.constant 0 : i32
    %dma_wait3A_351 = arith.constant 0 : i32
    %dma_wait3A_352 = tpu.memref_slice %arg7[%dma_wait3A_336, %dma_wait3A_350, %dma_wait3A_351] : memref<2x40x32xf32, #tpu.memory_space<vmem>> -> memref<1x40x32xf32, #tpu.memory_space<vmem>>
    %dma_wait3A_353 = tpu.memref_squeeze %dma_wait3A_352 : memref<1x40x32xf32, #tpu.memory_space<vmem>> -> memref<40x32xf32, #tpu.memory_space<vmem>>
    tpu.wait_dma2 semaphore(%arg10 : memref<!tpu.dma_semaphore, #tpu.memory_space<semaphore_mem>>) src(%dma_wait3A_353 : memref<40x32xf32, #tpu.memory_space<vmem>>) dst(%dma_wait3A_349 : memref<40x32xf32, #tpu.memory_space<hbm>>)
    return
  }
}

module attributes {stable_mosaic.version = 14 : i64} {
  func.func @_post_body(%arg0: i32, %arg1: i32, %arg2: memref<1x680x256xf32, #tpu.memory_space<vmem>>, %arg3: memref<256x256xf32, #tpu.memory_space<vmem>>, %arg4: memref<1x256xf32, #tpu.memory_space<vmem>>, %arg5: memref<1x680x256xf32, #tpu.memory_space<vmem>>, %arg6: memref<1x680x256xf32, #tpu.memory_space<vmem>>) attributes {dimension_semantics = [#tpu.dimension_semantics<arbitrary>, #tpu.dimension_semantics<arbitrary>], iteration_bounds = array<i64: 2, 8>, scalar_prefetch = 0 : i64, scratch_operands = 0 : i64, tpu.core_type = #tpu.core_type<tc>, window_params = [{transform_indices = @transform_0, window_bounds = array<i64: 1, 680, 256>}, {pipeline_mode = #tpu.pipeline_mode<synchronous>, transform_indices = @transform_1, window_bounds = array<i64: 256, 256>}, {pipeline_mode = #tpu.pipeline_mode<synchronous>, transform_indices = @transform_2, window_bounds = array<i64: 1, 256>}, {transform_indices = @transform_3, window_bounds = array<i64: 1, 680, 256>}, {transform_indices = @transform_4, window_bounds = array<i64: 1, 680, 256>}]} {
    %get3A = arith.constant 0 : index
    %get3A_0 = arith.constant 0 : index
    %get3A_1 = arith.constant 0 : index
    %get3A_2 = vector.load %arg2[%get3A, %get3A_0, %get3A_1] : memref<1x680x256xf32, #tpu.memory_space<vmem>>, vector<1x680x256xf32>
    %get3A_3 = vector.shape_cast %get3A_2 : vector<1x680x256xf32> to vector<680x256xf32>
    %get3A_4 = arith.constant 0 : index
    %get3A_5 = arith.constant 0 : index
    %get3A_6 = vector.load %arg3[%get3A_4, %get3A_5] : memref<256x256xf32, #tpu.memory_space<vmem>>, vector<256x256xf32>
    %dot_general3A = arith.constant dense<0.000000e+00> : vector<680x256xf32>
    %dot_general3A_7 = tpu.matmul %get3A_3, %get3A_6, %dot_general3A {dimension_numbers = #tpu.dot_dimension_numbers<[1], [0], [0], [1], [0, 0, 1, 1], [], []>, transpose_lhs_hint = false} : vector<680x256xf32>, vector<256x256xf32>, vector<680x256xf32> -> vector<680x256xf32>
    %get3A_8 = arith.constant 0 : index
    %get3A_9 = arith.constant 0 : index
    %get3A_10 = vector.load %arg4[%get3A_8, %get3A_9] : memref<1x256xf32, #tpu.memory_space<vmem>>, vector<1x256xf32>
    %get3A_11 = vector.shape_cast %get3A_10 : vector<1x256xf32> to vector<256xf32>
    %broadcast_in_dim3A = vector.shape_cast %get3A_11 : vector<256xf32> to vector<1x256xf32>
    %add3A = vector.broadcast %broadcast_in_dim3A : vector<1x256xf32> to vector<680x256xf32>
    %add3A_12 = arith.addf %dot_general3A_7, %add3A : vector<680x256xf32>
    %get3A_13 = arith.constant 0 : index
    %get3A_14 = arith.constant 0 : index
    %get3A_15 = arith.constant 0 : index
    %get3A_16 = vector.load %arg5[%get3A_13, %get3A_14, %get3A_15] : memref<1x680x256xf32, #tpu.memory_space<vmem>>, vector<1x680x256xf32>
    %get3A_17 = vector.shape_cast %get3A_16 : vector<1x680x256xf32> to vector<680x256xf32>
    %add3A_18 = arith.addf %add3A_12, %get3A_17 : vector<680x256xf32>
    %swap3A = arith.constant 0 : index
    %swap3A_19 = arith.constant 0 : index
    %swap3A_20 = arith.constant 0 : index
    %swap3A_21 = vector.load %arg6[%swap3A, %swap3A_19, %swap3A_20] : memref<1x680x256xf32, #tpu.memory_space<vmem>>, vector<1x680x256xf32>
    %swap3A_22 = vector.shape_cast %swap3A_21 : vector<1x680x256xf32> to vector<680x256xf32>
    %swap3A_23 = vector.shape_cast %add3A_18 : vector<680x256xf32> to vector<1x680x256xf32>
    tpu.vector_store %arg6[%swap3A, %swap3A_19, %swap3A_20], %swap3A_23 {strides = array<i32>} : memref<1x680x256xf32, #tpu.memory_space<vmem>>, vector<1x680x256xf32>,
    return
  }
  func.func @transform_0(%arg0: i32, %arg1: i32) -> (i32, i32, i32) {
    %c0_i32 = arith.constant 0 : i32
    %c0_i32_0 = arith.constant 0 : i32
    return %arg0, %arg1, %c0_i32 : i32, i32, i32
  }
  func.func @transform_1(%arg0: i32, %arg1: i32) -> (i32, i32) {
    %c0_i32 = arith.constant 0 : i32
    %c0_i32_0 = arith.constant 0 : i32
    %c0_i32_1 = arith.constant 0 : i32
    return %c0_i32, %c0_i32_0 : i32, i32
  }
  func.func @transform_2(%arg0: i32, %arg1: i32) -> (i32, i32) {
    %c0_i32 = arith.constant 0 : i32
    %c0_i32_0 = arith.constant 0 : i32
    %c0_i32_1 = arith.constant 0 : i32
    return %c0_i32, %c0_i32_0 : i32, i32
  }
  func.func @transform_3(%arg0: i32, %arg1: i32) -> (i32, i32, i32) {
    %c0_i32 = arith.constant 0 : i32
    %c0_i32_0 = arith.constant 0 : i32
    return %arg0, %arg1, %c0_i32 : i32, i32, i32
  }
  func.func @transform_4(%arg0: i32, %arg1: i32) -> (i32, i32, i32) {
    %c0_i32 = arith.constant 0 : i32
    %c0_i32_0 = arith.constant 0 : i32
    return %arg0, %arg1, %c0_i32 : i32, i32, i32
  }
}

module attributes {stable_mosaic.version = 14 : i64} {
  func.func @_fused_body(%arg0: i32, %arg1: i32, %arg2: memref<1x680x256xf32, #tpu.memory_space<vmem>>, %arg3: memref<1x680x256xf32, #tpu.memory_space<vmem>>, %arg4: memref<256x256xf32, #tpu.memory_space<vmem>>, %arg5: memref<1x256xf32, #tpu.memory_space<vmem>>, %arg6: memref<256x384xf32, #tpu.memory_space<vmem>>, %arg7: memref<1x384xf32, #tpu.memory_space<vmem>>, %arg8: memref<1x680x128xf32, #tpu.memory_space<vmem>>, %arg9: memref<1x680x128xf32, #tpu.memory_space<vmem>>, %arg10: memref<1x128xf32, #tpu.memory_space<vmem>>, %arg11: memref<1x128xf32, #tpu.memory_space<vmem>>, %arg12: memref<1x128xi32, #tpu.memory_space<vmem>>, %arg13: memref<1x128xi32, #tpu.memory_space<vmem>>, %arg14: memref<128x128xf32, #tpu.memory_space<vmem>>, %arg15: memref<1x680x128xi32, #tpu.memory_space<vmem>>, %arg16: memref<1x680x8x128xi32, #tpu.memory_space<vmem>>) attributes {dimension_semantics = [#tpu.dimension_semantics<arbitrary>, #tpu.dimension_semantics<arbitrary>], iteration_bounds = array<i64: 2, 8>, scalar_prefetch = 0 : i64, scratch_operands = 0 : i64, tpu.core_type = #tpu.core_type<tc>, window_params = [{transform_indices = @transform_0, window_bounds = array<i64: 1, 680, 256>}, {transform_indices = @transform_1, window_bounds = array<i64: 1, 680, 256>}, {pipeline_mode = #tpu.pipeline_mode<synchronous>, transform_indices = @transform_2, window_bounds = array<i64: 256, 256>}, {pipeline_mode = #tpu.pipeline_mode<synchronous>, transform_indices = @transform_3, window_bounds = array<i64: 1, 256>}, {pipeline_mode = #tpu.pipeline_mode<synchronous>, transform_indices = @transform_4, window_bounds = array<i64: 256, 384>}, {pipeline_mode = #tpu.pipeline_mode<synchronous>, transform_indices = @transform_5, window_bounds = array<i64: 1, 384>}, {transform_indices = @transform_6, window_bounds = array<i64: 1, 680, 128>}, {transform_indices = @transform_7, window_bounds = array<i64: 1, 680, 128>}, {pipeline_mode = #tpu.pipeline_mode<synchronous>, transform_indices = @transform_8, window_bounds = array<i64: 1, 128>}, {pipeline_mode = #tpu.pipeline_mode<synchronous>, transform_indices = @transform_9, window_bounds = array<i64: 1, 128>}, {pipeline_mode = #tpu.pipeline_mode<synchronous>, transform_indices = @transform_10, window_bounds = array<i64: 1, 128>}, {pipeline_mode = #tpu.pipeline_mode<synchronous>, transform_indices = @transform_11, window_bounds = array<i64: 1, 128>}, {pipeline_mode = #tpu.pipeline_mode<synchronous>, transform_indices = @transform_12, window_bounds = array<i64: 128, 128>}, {transform_indices = @transform_13, window_bounds = array<i64: 1, 680, 128>}, {transform_indices = @transform_14, window_bounds = array<i64: 1, 680, 8, 128>}]} {
    %get3A = arith.constant 0 : index
    %get3A_0 = arith.constant 0 : index
    %get3A_1 = arith.constant 0 : index
    %get3A_2 = vector.load %arg2[%get3A, %get3A_0, %get3A_1] : memref<1x680x256xf32, #tpu.memory_space<vmem>>, vector<1x680x256xf32>
    %get3A_3 = vector.shape_cast %get3A_2 : vector<1x680x256xf32> to vector<680x256xf32>
    %get3A_4 = arith.constant 0 : index
    %get3A_5 = arith.constant 0 : index
    %get3A_6 = vector.load %arg4[%get3A_4, %get3A_5] : memref<256x256xf32, #tpu.memory_space<vmem>>, vector<256x256xf32>
    %dot_general3A = arith.constant dense<0.000000e+00> : vector<680x256xf32>
    %dot_general3A_7 = tpu.matmul %get3A_3, %get3A_6, %dot_general3A {dimension_numbers = #tpu.dot_dimension_numbers<[1], [0], [0], [1], [0, 0, 1, 1], [], []>, transpose_lhs_hint = false} : vector<680x256xf32>, vector<256x256xf32>, vector<680x256xf32> -> vector<680x256xf32>
    %get3A_8 = arith.constant 0 : index
    %get3A_9 = arith.constant 0 : index
    %get3A_10 = vector.load %arg5[%get3A_8, %get3A_9] : memref<1x256xf32, #tpu.memory_space<vmem>>, vector<1x256xf32>
    %get3A_11 = vector.shape_cast %get3A_10 : vector<1x256xf32> to vector<256xf32>
    %broadcast_in_dim3A = vector.shape_cast %get3A_11 : vector<256xf32> to vector<1x256xf32>
    %add3A = vector.broadcast %broadcast_in_dim3A : vector<1x256xf32> to vector<680x256xf32>
    %add3A_12 = arith.addf %dot_general3A_7, %add3A : vector<680x256xf32>
    %bitcast_convert_type3A = tpu.bitcast %add3A_12 : vector<680x256xf32> -> vector<680x256xi32>
    %add3A_13 = arith.constant 32767 : i32
    %add3A_14 = vector.broadcast %add3A_13 : i32 to vector<680x256xi32>
    %add3A_15 = arith.addi %bitcast_convert_type3A, %add3A_14 : vector<680x256xi32>
    %shift_right_logical3A = arith.constant 16 : i32
    %shift_right_logical3A_16 = vector.broadcast %shift_right_logical3A : i32 to vector<680x256xi32>
    %shift_right_logical3A_17 = arith.shrui %bitcast_convert_type3A, %shift_right_logical3A_16 : vector<680x256xi32>
    %and3A = arith.constant 1 : i32
    %and3A_18 = vector.broadcast %and3A : i32 to vector<680x256xi32>
    %and3A_19 = arith.andi %shift_right_logical3A_17, %and3A_18 : vector<680x256xi32>
    %add3A_20 = arith.addi %add3A_15, %and3A_19 : vector<680x256xi32>
    %shift_right_logical3A_21 = arith.constant 16 : i32
    %shift_right_logical3A_22 = vector.broadcast %shift_right_logical3A_21 : i32 to vector<680x256xi32>
    %shift_right_logical3A_23 = arith.shrui %add3A_20, %shift_right_logical3A_22 : vector<680x256xi32>
    %slice3A = vector.extract_strided_slice %shift_right_logical3A_23 {offsets = [0, 0], sizes = [680, 16], strides = [1, 1]} : vector<680x256xi32> to vector<680x16xi32>
    %slice3A_24 = vector.extract_strided_slice %shift_right_logical3A_23 {offsets = [0, 16], sizes = [680, 16], strides = [1, 1]} : vector<680x256xi32> to vector<680x16xi32>
    %shift_left3A = arith.constant 16 : i32
    %shift_left3A_25 = vector.broadcast %shift_left3A : i32 to vector<680x16xi32>
    %shift_left3A_26 = arith.shli %slice3A_24, %shift_left3A_25 : vector<680x16xi32>
    %or3A = arith.ori %slice3A, %shift_left3A_26 : vector<680x16xi32>
    %slice3A_27 = vector.extract_strided_slice %shift_right_logical3A_23 {offsets = [0, 32], sizes = [680, 16], strides = [1, 1]} : vector<680x256xi32> to vector<680x16xi32>
    %slice3A_28 = vector.extract_strided_slice %shift_right_logical3A_23 {offsets = [0, 48], sizes = [680, 16], strides = [1, 1]} : vector<680x256xi32> to vector<680x16xi32>
    %shift_left3A_29 = arith.constant 16 : i32
    %shift_left3A_30 = vector.broadcast %shift_left3A_29 : i32 to vector<680x16xi32>
    %shift_left3A_31 = arith.shli %slice3A_28, %shift_left3A_30 : vector<680x16xi32>
    %or3A_32 = arith.ori %slice3A_27, %shift_left3A_31 : vector<680x16xi32>
    %slice3A_33 = vector.extract_strided_slice %shift_right_logical3A_23 {offsets = [0, 64], sizes = [680, 16], strides = [1, 1]} : vector<680x256xi32> to vector<680x16xi32>
    %slice3A_34 = vector.extract_strided_slice %shift_right_logical3A_23 {offsets = [0, 80], sizes = [680, 16], strides = [1, 1]} : vector<680x256xi32> to vector<680x16xi32>
    %shift_left3A_35 = arith.constant 16 : i32
    %shift_left3A_36 = vector.broadcast %shift_left3A_35 : i32 to vector<680x16xi32>
    %shift_left3A_37 = arith.shli %slice3A_34, %shift_left3A_36 : vector<680x16xi32>
    %or3A_38 = arith.ori %slice3A_33, %shift_left3A_37 : vector<680x16xi32>
    %slice3A_39 = vector.extract_strided_slice %shift_right_logical3A_23 {offsets = [0, 96], sizes = [680, 16], strides = [1, 1]} : vector<680x256xi32> to vector<680x16xi32>
    %slice3A_40 = vector.extract_strided_slice %shift_right_logical3A_23 {offsets = [0, 112], sizes = [680, 16], strides = [1, 1]} : vector<680x256xi32> to vector<680x16xi32>
    %shift_left3A_41 = arith.constant 16 : i32
    %shift_left3A_42 = vector.broadcast %shift_left3A_41 : i32 to vector<680x16xi32>
    %shift_left3A_43 = arith.shli %slice3A_40, %shift_left3A_42 : vector<680x16xi32>
    %or3A_44 = arith.ori %slice3A_39, %shift_left3A_43 : vector<680x16xi32>
    %slice3A_45 = vector.extract_strided_slice %shift_right_logical3A_23 {offsets = [0, 128], sizes = [680, 16], strides = [1, 1]} : vector<680x256xi32> to vector<680x16xi32>
    %slice3A_46 = vector.extract_strided_slice %shift_right_logical3A_23 {offsets = [0, 144], sizes = [680, 16], strides = [1, 1]} : vector<680x256xi32> to vector<680x16xi32>
    %shift_left3A_47 = arith.constant 16 : i32
    %shift_left3A_48 = vector.broadcast %shift_left3A_47 : i32 to vector<680x16xi32>
    %shift_left3A_49 = arith.shli %slice3A_46, %shift_left3A_48 : vector<680x16xi32>
    %or3A_50 = arith.ori %slice3A_45, %shift_left3A_49 : vector<680x16xi32>
    %slice3A_51 = vector.extract_strided_slice %shift_right_logical3A_23 {offsets = [0, 160], sizes = [680, 16], strides = [1, 1]} : vector<680x256xi32> to vector<680x16xi32>
    %slice3A_52 = vector.extract_strided_slice %shift_right_logical3A_23 {offsets = [0, 176], sizes = [680, 16], strides = [1, 1]} : vector<680x256xi32> to vector<680x16xi32>
    %shift_left3A_53 = arith.constant 16 : i32
    %shift_left3A_54 = vector.broadcast %shift_left3A_53 : i32 to vector<680x16xi32>
    %shift_left3A_55 = arith.shli %slice3A_52, %shift_left3A_54 : vector<680x16xi32>
    %or3A_56 = arith.ori %slice3A_51, %shift_left3A_55 : vector<680x16xi32>
    %slice3A_57 = vector.extract_strided_slice %shift_right_logical3A_23 {offsets = [0, 192], sizes = [680, 16], strides = [1, 1]} : vector<680x256xi32> to vector<680x16xi32>
    %slice3A_58 = vector.extract_strided_slice %shift_right_logical3A_23 {offsets = [0, 208], sizes = [680, 16], strides = [1, 1]} : vector<680x256xi32> to vector<680x16xi32>
    %shift_left3A_59 = arith.constant 16 : i32
    %shift_left3A_60 = vector.broadcast %shift_left3A_59 : i32 to vector<680x16xi32>
    %shift_left3A_61 = arith.shli %slice3A_58, %shift_left3A_60 : vector<680x16xi32>
    %or3A_62 = arith.ori %slice3A_57, %shift_left3A_61 : vector<680x16xi32>
    %slice3A_63 = vector.extract_strided_slice %shift_right_logical3A_23 {offsets = [0, 224], sizes = [680, 16], strides = [1, 1]} : vector<680x256xi32> to vector<680x16xi32>
    %slice3A_64 = vector.extract_strided_slice %shift_right_logical3A_23 {offsets = [0, 240], sizes = [680, 16], strides = [1, 1]} : vector<680x256xi32> to vector<680x16xi32>
    %shift_left3A_65 = arith.constant 16 : i32
    %shift_left3A_66 = vector.broadcast %shift_left3A_65 : i32 to vector<680x16xi32>
    %shift_left3A_67 = arith.shli %slice3A_64, %shift_left3A_66 : vector<680x16xi32>
    %or3A_68 = arith.ori %slice3A_63, %shift_left3A_67 : vector<680x16xi32>
    %concatenate3A = tpu.concatenate %or3A, %or3A_32, %or3A_38, %or3A_44, %or3A_50, %or3A_56, %or3A_62, %or3A_68 in 1 : vector<680x16xi32>, vector<680x16xi32>, vector<680x16xi32>, vector<680x16xi32>, vector<680x16xi32>, vector<680x16xi32>, vector<680x16xi32>, vector<680x16xi32> -> vector<680x128xi32>
    %swap3A = arith.constant 0 : index
    %swap3A_69 = arith.constant 0 : index
    %swap3A_70 = arith.constant 0 : index
    %swap3A_71 = vector.load %arg15[%swap3A, %swap3A_69, %swap3A_70] : memref<1x680x128xi32, #tpu.memory_space<vmem>>, vector<1x680x128xi32>
    %swap3A_72 = vector.shape_cast %swap3A_71 : vector<1x680x128xi32> to vector<680x128xi32>
    %swap3A_73 = vector.shape_cast %concatenate3A : vector<680x128xi32> to vector<1x680x128xi32>
    tpu.vector_store %arg15[%swap3A, %swap3A_69, %swap3A_70], %swap3A_73 {strides = array<i32>} : memref<1x680x128xi32, #tpu.memory_space<vmem>>, vector<1x680x128xi32>,
    %get3A_74 = arith.constant 0 : index
    %get3A_75 = arith.constant 0 : index
    %get3A_76 = arith.constant 0 : index
    %get3A_77 = vector.load %arg3[%get3A_74, %get3A_75, %get3A_76] : memref<1x680x256xf32, #tpu.memory_space<vmem>>, vector<1x680x256xf32>
    %get3A_78 = vector.shape_cast %get3A_77 : vector<1x680x256xf32> to vector<680x256xf32>
    %get3A_79 = arith.constant 0 : index
    %get3A_80 = arith.constant 0 : index
    %get3A_81 = vector.load %arg6[%get3A_79, %get3A_80] : memref<256x384xf32, #tpu.memory_space<vmem>>, vector<256x384xf32>
    %dot_general3A_82 = arith.constant dense<0.000000e+00> : vector<680x384xf32>
    %dot_general3A_83 = tpu.matmul %get3A_78, %get3A_81, %dot_general3A_82 {dimension_numbers = #tpu.dot_dimension_numbers<[1], [0], [0], [1], [0, 0, 1, 1], [], []>, transpose_lhs_hint = false} : vector<680x256xf32>, vector<256x384xf32>, vector<680x384xf32> -> vector<680x384xf32>
    %get3A_84 = arith.constant 0 : index
    %get3A_85 = arith.constant 0 : index
    %get3A_86 = vector.load %arg7[%get3A_84, %get3A_85] : memref<1x384xf32, #tpu.memory_space<vmem>>, vector<1x384xf32>
    %get3A_87 = vector.shape_cast %get3A_86 : vector<1x384xf32> to vector<384xf32>
    %broadcast_in_dim3A_88 = vector.shape_cast %get3A_87 : vector<384xf32> to vector<1x384xf32>
    %add3A_89 = vector.broadcast %broadcast_in_dim3A_88 : vector<1x384xf32> to vector<680x384xf32>
    %add3A_90 = arith.addf %dot_general3A_83, %add3A_89 : vector<680x384xf32>
    %slice3A_91 = vector.extract_strided_slice %add3A_90 {offsets = [0, 0], sizes = [680, 128], strides = [1, 1]} : vector<680x384xf32> to vector<680x128xf32>
    %slice3A_92 = vector.extract_strided_slice %add3A_90 {offsets = [0, 128], sizes = [680, 128], strides = [1, 1]} : vector<680x384xf32> to vector<680x128xf32>
    %slice3A_93 = vector.extract_strided_slice %add3A_90 {offsets = [0, 256], sizes = [680, 128], strides = [1, 1]} : vector<680x384xf32> to vector<680x128xf32>
    %exp3A = math.exp %slice3A_93 : vector<680x128xf32>
    %get3A_94 = arith.constant 0 : index
    %get3A_95 = arith.constant 0 : index
    %get3A_96 = vector.load %arg14[%get3A_94, %get3A_95] : memref<128x128xf32, #tpu.memory_space<vmem>>, vector<128x128xf32>
    %dot_general3A_97 = arith.constant dense<0.000000e+00> : vector<680x128xf32>
    %dot_general3A_98 = tpu.matmul %exp3A, %get3A_96, %dot_general3A_97 {dimension_numbers = #tpu.dot_dimension_numbers<[1], [0], [0], [1], [0, 0, 1, 1], [], []>, transpose_lhs_hint = false} : vector<680x128xf32>, vector<128x128xf32>, vector<680x128xf32> -> vector<680x128xf32>
    %div3A = arith.divf %exp3A, %dot_general3A_98 : vector<680x128xf32>
    %get3A_99 = arith.constant 0 : index
    %get3A_100 = arith.constant 0 : index
    %get3A_101 = vector.load %arg10[%get3A_99, %get3A_100] : memref<1x128xf32, #tpu.memory_space<vmem>>, vector<1x128xf32>
    %get3A_102 = vector.shape_cast %get3A_101 : vector<1x128xf32> to vector<128xf32>
    %get3A_103 = arith.constant 0 : index
    %get3A_104 = arith.constant 0 : index
    %get3A_105 = vector.load %arg11[%get3A_103, %get3A_104] : memref<1x128xf32, #tpu.memory_space<vmem>>, vector<1x128xf32>
    %get3A_106 = vector.shape_cast %get3A_105 : vector<1x128xf32> to vector<128xf32>
    %get3A_107 = arith.constant 0 : index
    %get3A_108 = arith.constant 0 : index
    %get3A_109 = arith.constant 0 : index
    %get3A_110 = vector.load %arg8[%get3A_107, %get3A_108, %get3A_109] : memref<1x680x128xf32, #tpu.memory_space<vmem>>, vector<1x680x128xf32>
    %get3A_111 = vector.shape_cast %get3A_110 : vector<1x680x128xf32> to vector<680x128xf32>
    %broadcast_in_dim3A_112 = vector.shape_cast %get3A_102 : vector<128xf32> to vector<1x128xf32>
    %mul3A = vector.broadcast %broadcast_in_dim3A_112 : vector<1x128xf32> to vector<680x128xf32>
    %mul3A_113 = arith.mulf %get3A_111, %mul3A : vector<680x128xf32>
    %add3A_114 = arith.addf %mul3A_113, %slice3A_91 : vector<680x128xf32>
    %sub3A = arith.constant 5.000000e-01 : f32
    %sub3A_115 = vector.broadcast %sub3A : f32 to vector<680x128xf32>
    %sub3A_116 = arith.subf %add3A_114, %sub3A_115 : vector<680x128xf32>
    %get3A_117 = arith.constant 0 : index
    %get3A_118 = arith.constant 0 : index
    %get3A_119 = arith.constant 0 : index
    %get3A_120 = vector.load %arg9[%get3A_117, %get3A_118, %get3A_119] : memref<1x680x128xf32, #tpu.memory_space<vmem>>, vector<1x680x128xf32>
    %get3A_121 = vector.shape_cast %get3A_120 : vector<1x680x128xf32> to vector<680x128xf32>
    %broadcast_in_dim3A_122 = vector.shape_cast %get3A_106 : vector<128xf32> to vector<1x128xf32>
    %mul3A_123 = vector.broadcast %broadcast_in_dim3A_122 : vector<1x128xf32> to vector<680x128xf32>
    %mul3A_124 = arith.mulf %get3A_121, %mul3A_123 : vector<680x128xf32>
    %add3A_125 = arith.addf %mul3A_124, %slice3A_92 : vector<680x128xf32>
    %sub3A_126 = arith.constant 5.000000e-01 : f32
    %sub3A_127 = vector.broadcast %sub3A_126 : f32 to vector<680x128xf32>
    %sub3A_128 = arith.subf %add3A_125, %sub3A_127 : vector<680x128xf32>
    %floor3A = math.floor %sub3A_116 : vector<680x128xf32>
    %floor3A_129 = math.floor %sub3A_128 : vector<680x128xf32>
    %sub3A_130 = arith.subf %sub3A_116, %floor3A : vector<680x128xf32>
    %sub3A_131 = arith.constant 1.000000e+00 : f32
    %sub3A_132 = vector.broadcast %sub3A_131 : f32 to vector<680x128xf32>
    %sub3A_133 = arith.subf %sub3A_132, %sub3A_130 : vector<680x128xf32>
    %sub3A_134 = arith.subf %sub3A_128, %floor3A_129 : vector<680x128xf32>
    %sub3A_135 = arith.constant 1.000000e+00 : f32
    %sub3A_136 = vector.broadcast %sub3A_135 : f32 to vector<680x128xf32>
    %sub3A_137 = arith.subf %sub3A_136, %sub3A_134 : vector<680x128xf32>
    %ge3A = arith.constant 0.000000e+00 : f32
    %ge3A_138 = vector.broadcast %ge3A : f32 to vector<680x128xf32>
    %ge3A_139 = arith.cmpf oge, %floor3A, %ge3A_138 : vector<680x128xf32>
    %broadcast_in_dim3A_140 = vector.shape_cast %get3A_102 : vector<128xf32> to vector<1x128xf32>
    %lt3A = vector.broadcast %broadcast_in_dim3A_140 : vector<1x128xf32> to vector<680x128xf32>
    %lt3A_141 = arith.cmpf olt, %floor3A, %lt3A : vector<680x128xf32>
    %and3A_142 = arith.andi %ge3A_139, %lt3A_141 : vector<680x128xi1>
    %convert_element_type3A = arith.extui %and3A_142 : vector<680x128xi1> to vector<680x128xi32>
    %convert_element_type3A_143 = arith.sitofp %convert_element_type3A : vector<680x128xi32> to vector<680x128xf32>
    %ge3A_144 = arith.constant -1.000000e+00 : f32
    %ge3A_145 = vector.broadcast %ge3A_144 : f32 to vector<680x128xf32>
    %ge3A_146 = arith.cmpf oge, %floor3A, %ge3A_145 : vector<680x128xf32>
    %sub3A_147 = arith.constant 1.000000e+00 : f32
    %sub3A_148 = vector.broadcast %sub3A_147 : f32 to vector<128xf32>
    %sub3A_149 = arith.subf %get3A_102, %sub3A_148 : vector<128xf32>
    %broadcast_in_dim3A_150 = vector.shape_cast %sub3A_149 : vector<128xf32> to vector<1x128xf32>
    %lt3A_151 = vector.broadcast %broadcast_in_dim3A_150 : vector<1x128xf32> to vector<680x128xf32>
    %lt3A_152 = arith.cmpf olt, %floor3A, %lt3A_151 : vector<680x128xf32>
    %and3A_153 = arith.andi %ge3A_146, %lt3A_152 : vector<680x128xi1>
    %convert_element_type3A_154 = arith.extui %and3A_153 : vector<680x128xi1> to vector<680x128xi32>
    %convert_element_type3A_155 = arith.sitofp %convert_element_type3A_154 : vector<680x128xi32> to vector<680x128xf32>
    %ge3A_156 = arith.constant 0.000000e+00 : f32
    %ge3A_157 = vector.broadcast %ge3A_156 : f32 to vector<680x128xf32>
    %ge3A_158 = arith.cmpf oge, %floor3A_129, %ge3A_157 : vector<680x128xf32>
    %broadcast_in_dim3A_159 = vector.shape_cast %get3A_106 : vector<128xf32> to vector<1x128xf32>
    %lt3A_160 = vector.broadcast %broadcast_in_dim3A_159 : vector<1x128xf32> to vector<680x128xf32>
    %lt3A_161 = arith.cmpf olt, %floor3A_129, %lt3A_160 : vector<680x128xf32>
    %and3A_162 = arith.andi %ge3A_158, %lt3A_161 : vector<680x128xi1>
    %convert_element_type3A_163 = arith.extui %and3A_162 : vector<680x128xi1> to vector<680x128xi32>
    %convert_element_type3A_164 = arith.sitofp %convert_element_type3A_163 : vector<680x128xi32> to vector<680x128xf32>
    %ge3A_165 = arith.constant -1.000000e+00 : f32
    %ge3A_166 = vector.broadcast %ge3A_165 : f32 to vector<680x128xf32>
    %ge3A_167 = arith.cmpf oge, %floor3A_129, %ge3A_166 : vector<680x128xf32>
    %sub3A_168 = arith.constant 1.000000e+00 : f32
    %sub3A_169 = vector.broadcast %sub3A_168 : f32 to vector<128xf32>
    %sub3A_170 = arith.subf %get3A_106, %sub3A_169 : vector<128xf32>
    %broadcast_in_dim3A_171 = vector.shape_cast %sub3A_170 : vector<128xf32> to vector<1x128xf32>
    %lt3A_172 = vector.broadcast %broadcast_in_dim3A_171 : vector<1x128xf32> to vector<680x128xf32>
    %lt3A_173 = arith.cmpf olt, %floor3A_129, %lt3A_172 : vector<680x128xf32>
    %and3A_174 = arith.andi %ge3A_167, %lt3A_173 : vector<680x128xi1>
    %convert_element_type3A_175 = arith.extui %and3A_174 : vector<680x128xi1> to vector<680x128xi32>
    %convert_element_type3A_176 = arith.sitofp %convert_element_type3A_175 : vector<680x128xi32> to vector<680x128xf32>
    %convert_element_type3A_177 = arith.fptosi %get3A_102 : vector<128xf32> to vector<128xi32>
    %sub3A_178 = arith.constant 1.000000e+00 : f32
    %sub3A_179 = vector.broadcast %sub3A_178 : f32 to vector<128xf32>
    %sub3A_180 = arith.subf %get3A_102, %sub3A_179 : vector<128xf32>
    %jit3A = arith.constant 0.000000e+00 : f32
    %max3A = vector.broadcast %jit3A : f32 to vector<680x128xf32>
    %max3A_181 = arith.maximumf %max3A, %floor3A : vector<680x128xf32>
    %broadcast_in_dim3A_182 = vector.shape_cast %sub3A_180 : vector<128xf32> to vector<1x128xf32>
    %min3A = vector.broadcast %broadcast_in_dim3A_182 : vector<1x128xf32> to vector<680x128xf32>
    %min3A_183 = arith.minimumf %min3A, %max3A_181 : vector<680x128xf32>
    %convert_element_type3A_184 = arith.fptosi %min3A_183 : vector<680x128xf32> to vector<680x128xi32>
    %add3A_185 = arith.constant 1.000000e+00 : f32
    %add3A_186 = vector.broadcast %add3A_185 : f32 to vector<680x128xf32>
    %add3A_187 = arith.addf %floor3A, %add3A_186 : vector<680x128xf32>
    %sub3A_188 = arith.constant 1.000000e+00 : f32
    %sub3A_189 = vector.broadcast %sub3A_188 : f32 to vector<128xf32>
    %sub3A_190 = arith.subf %get3A_102, %sub3A_189 : vector<128xf32>
    %jit3A_191 = arith.constant 0.000000e+00 : f32
    %max3A_192 = vector.broadcast %jit3A_191 : f32 to vector<680x128xf32>
    %max3A_193 = arith.maximumf %max3A_192, %add3A_187 : vector<680x128xf32>
    %broadcast_in_dim3A_194 = vector.shape_cast %sub3A_190 : vector<128xf32> to vector<1x128xf32>
    %min3A_195 = vector.broadcast %broadcast_in_dim3A_194 : vector<1x128xf32> to vector<680x128xf32>
    %min3A_196 = arith.minimumf %min3A_195, %max3A_193 : vector<680x128xf32>
    %convert_element_type3A_197 = arith.fptosi %min3A_196 : vector<680x128xf32> to vector<680x128xi32>
    %sub3A_198 = arith.constant 1.000000e+00 : f32
    %sub3A_199 = vector.broadcast %sub3A_198 : f32 to vector<128xf32>
    %sub3A_200 = arith.subf %get3A_106, %sub3A_199 : vector<128xf32>
    %jit3A_201 = arith.constant 0.000000e+00 : f32
    %max3A_202 = vector.broadcast %jit3A_201 : f32 to vector<680x128xf32>
    %max3A_203 = arith.maximumf %max3A_202, %floor3A_129 : vector<680x128xf32>
    %broadcast_in_dim3A_204 = vector.shape_cast %sub3A_200 : vector<128xf32> to vector<1x128xf32>
    %min3A_205 = vector.broadcast %broadcast_in_dim3A_204 : vector<1x128xf32> to vector<680x128xf32>
    %min3A_206 = arith.minimumf %min3A_205, %max3A_203 : vector<680x128xf32>
    %convert_element_type3A_207 = arith.fptosi %min3A_206 : vector<680x128xf32> to vector<680x128xi32>
    %add3A_208 = arith.constant 1.000000e+00 : f32
    %add3A_209 = vector.broadcast %add3A_208 : f32 to vector<680x128xf32>
    %add3A_210 = arith.addf %floor3A_129, %add3A_209 : vector<680x128xf32>
    %sub3A_211 = arith.constant 1.000000e+00 : f32
    %sub3A_212 = vector.broadcast %sub3A_211 : f32 to vector<128xf32>
    %sub3A_213 = arith.subf %get3A_106, %sub3A_212 : vector<128xf32>
    %jit3A_214 = arith.constant 0.000000e+00 : f32
    %max3A_215 = vector.broadcast %jit3A_214 : f32 to vector<680x128xf32>
    %max3A_216 = arith.maximumf %max3A_215, %add3A_210 : vector<680x128xf32>
    %broadcast_in_dim3A_217 = vector.shape_cast %sub3A_213 : vector<128xf32> to vector<1x128xf32>
    %min3A_218 = vector.broadcast %broadcast_in_dim3A_217 : vector<1x128xf32> to vector<680x128xf32>
    %min3A_219 = arith.minimumf %min3A_218, %max3A_216 : vector<680x128xf32>
    %convert_element_type3A_220 = arith.fptosi %min3A_219 : vector<680x128xf32> to vector<680x128xi32>
    %mul3A_221 = arith.constant 5440 : i32
    %mul3A_222 = arith.muli %arg0, %mul3A_221 : i32
    %get3A_223 = arith.constant 0 : index
    %get3A_224 = arith.constant 0 : index
    %get3A_225 = vector.load %arg12[%get3A_223, %get3A_224] : memref<1x128xi32, #tpu.memory_space<vmem>>, vector<1x128xi32>
    %get3A_226 = vector.shape_cast %get3A_225 : vector<1x128xi32> to vector<128xi32>
    %broadcast_in_dim3A_227 = vector.shape_cast %convert_element_type3A_177 : vector<128xi32> to vector<1x128xi32>
    %mul3A_228 = vector.broadcast %broadcast_in_dim3A_227 : vector<1x128xi32> to vector<680x128xi32>
    %mul3A_229 = arith.muli %convert_element_type3A_207, %mul3A_228 : vector<680x128xi32>
    %broadcast_in_dim3A_230 = vector.shape_cast %get3A_226 : vector<128xi32> to vector<1x128xi32>
    %add3A_231 = vector.broadcast %broadcast_in_dim3A_230 : vector<1x128xi32> to vector<680x128xi32>
    %add3A_232 = arith.addi %add3A_231, %mul3A_229 : vector<680x128xi32>
    %add3A_233 = vector.broadcast %mul3A_222 : i32 to vector<680x128xi32>
    %add3A_234 = arith.addi %add3A_232, %add3A_233 : vector<680x128xi32>
    %get3A_235 = arith.constant 0 : index
    %get3A_236 = arith.constant 0 : index
    %get3A_237 = vector.load %arg12[%get3A_235, %get3A_236] : memref<1x128xi32, #tpu.memory_space<vmem>>, vector<1x128xi32>
    %get3A_238 = vector.shape_cast %get3A_237 : vector<1x128xi32> to vector<128xi32>
    %broadcast_in_dim3A_239 = vector.shape_cast %convert_element_type3A_177 : vector<128xi32> to vector<1x128xi32>
    %mul3A_240 = vector.broadcast %broadcast_in_dim3A_239 : vector<1x128xi32> to vector<680x128xi32>
    %mul3A_241 = arith.muli %convert_element_type3A_220, %mul3A_240 : vector<680x128xi32>
    %broadcast_in_dim3A_242 = vector.shape_cast %get3A_238 : vector<128xi32> to vector<1x128xi32>
    %add3A_243 = vector.broadcast %broadcast_in_dim3A_242 : vector<1x128xi32> to vector<680x128xi32>
    %add3A_244 = arith.addi %add3A_243, %mul3A_241 : vector<680x128xi32>
    %add3A_245 = vector.broadcast %mul3A_222 : i32 to vector<680x128xi32>
    %add3A_246 = arith.addi %add3A_244, %add3A_245 : vector<680x128xi32>
    %get3A_247 = arith.constant 0 : index
    %get3A_248 = arith.constant 0 : index
    %get3A_249 = vector.load %arg13[%get3A_247, %get3A_248] : memref<1x128xi32, #tpu.memory_space<vmem>>, vector<1x128xi32>
    %get3A_250 = vector.shape_cast %get3A_249 : vector<1x128xi32> to vector<128xi32>
    %add3A_251 = arith.addi %add3A_234, %convert_element_type3A_184 : vector<680x128xi32>
    %mul3A_252 = arith.constant 8 : i32
    %mul3A_253 = vector.broadcast %mul3A_252 : i32 to vector<680x128xi32>
    %mul3A_254 = arith.muli %add3A_251, %mul3A_253 : vector<680x128xi32>
    %broadcast_in_dim3A_255 = vector.shape_cast %get3A_250 : vector<128xi32> to vector<1x128xi32>
    %add3A_256 = vector.broadcast %broadcast_in_dim3A_255 : vector<1x128xi32> to vector<680x128xi32>
    %add3A_257 = arith.addi %mul3A_254, %add3A_256 : vector<680x128xi32>
    %jit3A_258 = arith.constant 0 : i32
    %jit3A_259 = arith.constant 87039 : i32
    %max3A_260 = vector.broadcast %jit3A_258 : i32 to vector<680x128xi32>
    %max3A_261 = arith.maxsi %max3A_260, %add3A_257 : vector<680x128xi32>
    %min3A_262 = vector.broadcast %jit3A_259 : i32 to vector<680x128xi32>
    %min3A_263 = arith.minsi %min3A_262, %max3A_261 : vector<680x128xi32>
    %swap3A_264 = arith.constant 0 : index
    %swap3A_265 = arith.constant 0 : index
    %swap3A_266 = arith.constant 0 : index
    %swap3A_267 = arith.constant 0 : index
    %swap3A_268 = vector.load %arg16[%swap3A_264, %swap3A_265, %swap3A_266, %swap3A_267] : memref<1x680x8x128xi32, #tpu.memory_space<vmem>>, vector<1x680x1x128xi32>
    %swap3A_269 = vector.shape_cast %swap3A_268 : vector<1x680x1x128xi32> to vector<680x128xi32>
    %swap3A_270 = vector.shape_cast %min3A_263 : vector<680x128xi32> to vector<1x680x1x128xi32>
    tpu.vector_store %arg16[%swap3A_264, %swap3A_265, %swap3A_266, %swap3A_267], %swap3A_270 {strides = array<i32>} : memref<1x680x8x128xi32, #tpu.memory_space<vmem>>, vector<1x680x1x128xi32>,
    %add3A_271 = arith.addi %add3A_234, %convert_element_type3A_197 : vector<680x128xi32>
    %mul3A_272 = arith.constant 8 : i32
    %mul3A_273 = vector.broadcast %mul3A_272 : i32 to vector<680x128xi32>
    %mul3A_274 = arith.muli %add3A_271, %mul3A_273 : vector<680x128xi32>
    %broadcast_in_dim3A_275 = vector.shape_cast %get3A_250 : vector<128xi32> to vector<1x128xi32>
    %add3A_276 = vector.broadcast %broadcast_in_dim3A_275 : vector<1x128xi32> to vector<680x128xi32>
    %add3A_277 = arith.addi %mul3A_274, %add3A_276 : vector<680x128xi32>
    %jit3A_278 = arith.constant 0 : i32
    %jit3A_279 = arith.constant 87039 : i32
    %max3A_280 = vector.broadcast %jit3A_278 : i32 to vector<680x128xi32>
    %max3A_281 = arith.maxsi %max3A_280, %add3A_277 : vector<680x128xi32>
    %min3A_282 = vector.broadcast %jit3A_279 : i32 to vector<680x128xi32>
    %min3A_283 = arith.minsi %min3A_282, %max3A_281 : vector<680x128xi32>
    %swap3A_284 = arith.constant 0 : index
    %swap3A_285 = arith.constant 0 : index
    %swap3A_286 = arith.constant 1 : index
    %swap3A_287 = arith.constant 0 : index
    %swap3A_288 = vector.load %arg16[%swap3A_284, %swap3A_285, %swap3A_286, %swap3A_287] : memref<1x680x8x128xi32, #tpu.memory_space<vmem>>, vector<1x680x1x128xi32>
    %swap3A_289 = vector.shape_cast %swap3A_288 : vector<1x680x1x128xi32> to vector<680x128xi32>
    %swap3A_290 = vector.shape_cast %min3A_283 : vector<680x128xi32> to vector<1x680x1x128xi32>
    tpu.vector_store %arg16[%swap3A_284, %swap3A_285, %swap3A_286, %swap3A_287], %swap3A_290 {strides = array<i32>} : memref<1x680x8x128xi32, #tpu.memory_space<vmem>>, vector<1x680x1x128xi32>,
    %add3A_291 = arith.addi %add3A_246, %convert_element_type3A_184 : vector<680x128xi32>
    %mul3A_292 = arith.constant 8 : i32
    %mul3A_293 = vector.broadcast %mul3A_292 : i32 to vector<680x128xi32>
    %mul3A_294 = arith.muli %add3A_291, %mul3A_293 : vector<680x128xi32>
    %broadcast_in_dim3A_295 = vector.shape_cast %get3A_250 : vector<128xi32> to vector<1x128xi32>
    %add3A_296 = vector.broadcast %broadcast_in_dim3A_295 : vector<1x128xi32> to vector<680x128xi32>
    %add3A_297 = arith.addi %mul3A_294, %add3A_296 : vector<680x128xi32>
    %jit3A_298 = arith.constant 0 : i32
    %jit3A_299 = arith.constant 87039 : i32
    %max3A_300 = vector.broadcast %jit3A_298 : i32 to vector<680x128xi32>
    %max3A_301 = arith.maxsi %max3A_300, %add3A_297 : vector<680x128xi32>
    %min3A_302 = vector.broadcast %jit3A_299 : i32 to vector<680x128xi32>
    %min3A_303 = arith.minsi %min3A_302, %max3A_301 : vector<680x128xi32>
    %swap3A_304 = arith.constant 0 : index
    %swap3A_305 = arith.constant 0 : index
    %swap3A_306 = arith.constant 2 : index
    %swap3A_307 = arith.constant 0 : index
    %swap3A_308 = vector.load %arg16[%swap3A_304, %swap3A_305, %swap3A_306, %swap3A_307] : memref<1x680x8x128xi32, #tpu.memory_space<vmem>>, vector<1x680x1x128xi32>
    %swap3A_309 = vector.shape_cast %swap3A_308 : vector<1x680x1x128xi32> to vector<680x128xi32>
    %swap3A_310 = vector.shape_cast %min3A_303 : vector<680x128xi32> to vector<1x680x1x128xi32>
    tpu.vector_store %arg16[%swap3A_304, %swap3A_305, %swap3A_306, %swap3A_307], %swap3A_310 {strides = array<i32>} : memref<1x680x8x128xi32, #tpu.memory_space<vmem>>, vector<1x680x1x128xi32>,
    %add3A_311 = arith.addi %add3A_246, %convert_element_type3A_197 : vector<680x128xi32>
    %mul3A_312 = arith.constant 8 : i32
    %mul3A_313 = vector.broadcast %mul3A_312 : i32 to vector<680x128xi32>
    %mul3A_314 = arith.muli %add3A_311, %mul3A_313 : vector<680x128xi32>
    %broadcast_in_dim3A_315 = vector.shape_cast %get3A_250 : vector<128xi32> to vector<1x128xi32>
    %add3A_316 = vector.broadcast %broadcast_in_dim3A_315 : vector<1x128xi32> to vector<680x128xi32>
    %add3A_317 = arith.addi %mul3A_314, %add3A_316 : vector<680x128xi32>
    %jit3A_318 = arith.constant 0 : i32
    %jit3A_319 = arith.constant 87039 : i32
    %max3A_320 = vector.broadcast %jit3A_318 : i32 to vector<680x128xi32>
    %max3A_321 = arith.maxsi %max3A_320, %add3A_317 : vector<680x128xi32>
    %min3A_322 = vector.broadcast %jit3A_319 : i32 to vector<680x128xi32>
    %min3A_323 = arith.minsi %min3A_322, %max3A_321 : vector<680x128xi32>
    %swap3A_324 = arith.constant 0 : index
    %swap3A_325 = arith.constant 0 : index
    %swap3A_326 = arith.constant 3 : index
    %swap3A_327 = arith.constant 0 : index
    %swap3A_328 = vector.load %arg16[%swap3A_324, %swap3A_325, %swap3A_326, %swap3A_327] : memref<1x680x8x128xi32, #tpu.memory_space<vmem>>, vector<1x680x1x128xi32>
    %swap3A_329 = vector.shape_cast %swap3A_328 : vector<1x680x1x128xi32> to vector<680x128xi32>
    %swap3A_330 = vector.shape_cast %min3A_323 : vector<680x128xi32> to vector<1x680x1x128xi32>
    tpu.vector_store %arg16[%swap3A_324, %swap3A_325, %swap3A_326, %swap3A_327], %swap3A_330 {strides = array<i32>} : memref<1x680x8x128xi32, #tpu.memory_space<vmem>>, vector<1x680x1x128xi32>,
    %mul3A_331 = arith.mulf %sub3A_133, %sub3A_137 : vector<680x128xf32>
    %mul3A_332 = arith.mulf %div3A, %mul3A_331 : vector<680x128xf32>
    %mul3A_333 = arith.mulf %convert_element_type3A_143, %convert_element_type3A_164 : vector<680x128xf32>
    %mul3A_334 = arith.mulf %mul3A_332, %mul3A_333 : vector<680x128xf32>
    %bitcast_convert_type3A_335 = tpu.bitcast %mul3A_334 : vector<680x128xf32> -> vector<680x128xi32>
    %swap3A_336 = arith.constant 0 : index
    %swap3A_337 = arith.constant 0 : index
    %swap3A_338 = arith.constant 4 : index
    %swap3A_339 = arith.constant 0 : index
    %swap3A_340 = vector.load %arg16[%swap3A_336, %swap3A_337, %swap3A_338, %swap3A_339] : memref<1x680x8x128xi32, #tpu.memory_space<vmem>>, vector<1x680x1x128xi32>
    %swap3A_341 = vector.shape_cast %swap3A_340 : vector<1x680x1x128xi32> to vector<680x128xi32>
    %swap3A_342 = vector.shape_cast %bitcast_convert_type3A_335 : vector<680x128xi32> to vector<1x680x1x128xi32>
    tpu.vector_store %arg16[%swap3A_336, %swap3A_337, %swap3A_338, %swap3A_339], %swap3A_342 {strides = array<i32>} : memref<1x680x8x128xi32, #tpu.memory_space<vmem>>, vector<1x680x1x128xi32>,
    %mul3A_343 = arith.mulf %sub3A_130, %sub3A_137 : vector<680x128xf32>
    %mul3A_344 = arith.mulf %div3A, %mul3A_343 : vector<680x128xf32>
    %mul3A_345 = arith.mulf %convert_element_type3A_155, %convert_element_type3A_164 : vector<680x128xf32>
    %mul3A_346 = arith.mulf %mul3A_344, %mul3A_345 : vector<680x128xf32>
    %bitcast_convert_type3A_347 = tpu.bitcast %mul3A_346 : vector<680x128xf32> -> vector<680x128xi32>
    %swap3A_348 = arith.constant 0 : index
    %swap3A_349 = arith.constant 0 : index
    %swap3A_350 = arith.constant 5 : index
    %swap3A_351 = arith.constant 0 : index
    %swap3A_352 = vector.load %arg16[%swap3A_348, %swap3A_349, %swap3A_350, %swap3A_351] : memref<1x680x8x128xi32, #tpu.memory_space<vmem>>, vector<1x680x1x128xi32>
    %swap3A_353 = vector.shape_cast %swap3A_352 : vector<1x680x1x128xi32> to vector<680x128xi32>
    %swap3A_354 = vector.shape_cast %bitcast_convert_type3A_347 : vector<680x128xi32> to vector<1x680x1x128xi32>
    tpu.vector_store %arg16[%swap3A_348, %swap3A_349, %swap3A_350, %swap3A_351], %swap3A_354 {strides = array<i32>} : memref<1x680x8x128xi32, #tpu.memory_space<vmem>>, vector<1x680x1x128xi32>,
    %mul3A_355 = arith.mulf %sub3A_133, %sub3A_134 : vector<680x128xf32>
    %mul3A_356 = arith.mulf %div3A, %mul3A_355 : vector<680x128xf32>
    %mul3A_357 = arith.mulf %convert_element_type3A_143, %convert_element_type3A_176 : vector<680x128xf32>
    %mul3A_358 = arith.mulf %mul3A_356, %mul3A_357 : vector<680x128xf32>
    %bitcast_convert_type3A_359 = tpu.bitcast %mul3A_358 : vector<680x128xf32> -> vector<680x128xi32>
    %swap3A_360 = arith.constant 0 : index
    %swap3A_361 = arith.constant 0 : index
    %swap3A_362 = arith.constant 6 : index
    %swap3A_363 = arith.constant 0 : index
    %swap3A_364 = vector.load %arg16[%swap3A_360, %swap3A_361, %swap3A_362, %swap3A_363] : memref<1x680x8x128xi32, #tpu.memory_space<vmem>>, vector<1x680x1x128xi32>
    %swap3A_365 = vector.shape_cast %swap3A_364 : vector<1x680x1x128xi32> to vector<680x128xi32>
    %swap3A_366 = vector.shape_cast %bitcast_convert_type3A_359 : vector<680x128xi32> to vector<1x680x1x128xi32>
    tpu.vector_store %arg16[%swap3A_360, %swap3A_361, %swap3A_362, %swap3A_363], %swap3A_366 {strides = array<i32>} : memref<1x680x8x128xi32, #tpu.memory_space<vmem>>, vector<1x680x1x128xi32>,
    %mul3A_367 = arith.mulf %sub3A_130, %sub3A_134 : vector<680x128xf32>
    %mul3A_368 = arith.mulf %div3A, %mul3A_367 : vector<680x128xf32>
    %mul3A_369 = arith.mulf %convert_element_type3A_155, %convert_element_type3A_176 : vector<680x128xf32>
    %mul3A_370 = arith.mulf %mul3A_368, %mul3A_369 : vector<680x128xf32>
    %bitcast_convert_type3A_371 = tpu.bitcast %mul3A_370 : vector<680x128xf32> -> vector<680x128xi32>
    %swap3A_372 = arith.constant 0 : index
    %swap3A_373 = arith.constant 0 : index
    %swap3A_374 = arith.constant 7 : index
    %swap3A_375 = arith.constant 0 : index
    %swap3A_376 = vector.load %arg16[%swap3A_372, %swap3A_373, %swap3A_374, %swap3A_375] : memref<1x680x8x128xi32, #tpu.memory_space<vmem>>, vector<1x680x1x128xi32>
    %swap3A_377 = vector.shape_cast %swap3A_376 : vector<1x680x1x128xi32> to vector<680x128xi32>
    %swap3A_378 = vector.shape_cast %bitcast_convert_type3A_371 : vector<680x128xi32> to vector<1x680x1x128xi32>
    tpu.vector_store %arg16[%swap3A_372, %swap3A_373, %swap3A_374, %swap3A_375], %swap3A_378 {strides = array<i32>} : memref<1x680x8x128xi32, #tpu.memory_space<vmem>>, vector<1x680x1x128xi32>,
    return
  }
  func.func @transform_0(%arg0: i32, %arg1: i32) -> (i32, i32, i32) {
    %c0_i32 = arith.constant 0 : i32
    %c0_i32_0 = arith.constant 0 : i32
    return %arg0, %arg1, %c0_i32 : i32, i32, i32
  }
  func.func @transform_1(%arg0: i32, %arg1: i32) -> (i32, i32, i32) {
    %c0_i32 = arith.constant 0 : i32
    %c0_i32_0 = arith.constant 0 : i32
    return %arg0, %arg1, %c0_i32 : i32, i32, i32
  }
  func.func @transform_2(%arg0: i32, %arg1: i32) -> (i32, i32) {
    %c0_i32 = arith.constant 0 : i32
    %c0_i32_0 = arith.constant 0 : i32
    %c0_i32_1 = arith.constant 0 : i32
    return %c0_i32, %c0_i32_0 : i32, i32
  }
  func.func @transform_3(%arg0: i32, %arg1: i32) -> (i32, i32) {
    %c0_i32 = arith.constant 0 : i32
    %c0_i32_0 = arith.constant 0 : i32
    %c0_i32_1 = arith.constant 0 : i32
    return %c0_i32, %c0_i32_0 : i32, i32
  }
  func.func @transform_4(%arg0: i32, %arg1: i32) -> (i32, i32) {
    %c0_i32 = arith.constant 0 : i32
    %c0_i32_0 = arith.constant 0 : i32
    %c0_i32_1 = arith.constant 0 : i32
    return %c0_i32, %c0_i32_0 : i32, i32
  }
  func.func @transform_5(%arg0: i32, %arg1: i32) -> (i32, i32) {
    %c0_i32 = arith.constant 0 : i32
    %c0_i32_0 = arith.constant 0 : i32
    %c0_i32_1 = arith.constant 0 : i32
    return %c0_i32, %c0_i32_0 : i32, i32
  }
  func.func @transform_6(%arg0: i32, %arg1: i32) -> (i32, i32, i32) {
    %c0_i32 = arith.constant 0 : i32
    %c0_i32_0 = arith.constant 0 : i32
    return %arg0, %arg1, %c0_i32 : i32, i32, i32
  }
  func.func @transform_7(%arg0: i32, %arg1: i32) -> (i32, i32, i32) {
    %c0_i32 = arith.constant 0 : i32
    %c0_i32_0 = arith.constant 0 : i32
    return %arg0, %arg1, %c0_i32 : i32, i32, i32
  }
  func.func @transform_8(%arg0: i32, %arg1: i32) -> (i32, i32) {
    %c0_i32 = arith.constant 0 : i32
    %c0_i32_0 = arith.constant 0 : i32
    %c0_i32_1 = arith.constant 0 : i32
    return %c0_i32, %c0_i32_0 : i32, i32
  }
  func.func @transform_9(%arg0: i32, %arg1: i32) -> (i32, i32) {
    %c0_i32 = arith.constant 0 : i32
    %c0_i32_0 = arith.constant 0 : i32
    %c0_i32_1 = arith.constant 0 : i32
    return %c0_i32, %c0_i32_0 : i32, i32
  }
  func.func @transform_10(%arg0: i32, %arg1: i32) -> (i32, i32) {
    %c0_i32 = arith.constant 0 : i32
    %c0_i32_0 = arith.constant 0 : i32
    %c0_i32_1 = arith.constant 0 : i32
    return %c0_i32, %c0_i32_0 : i32, i32
  }
  func.func @transform_11(%arg0: i32, %arg1: i32) -> (i32, i32) {
    %c0_i32 = arith.constant 0 : i32
    %c0_i32_0 = arith.constant 0 : i32
    %c0_i32_1 = arith.constant 0 : i32
    return %c0_i32, %c0_i32_0 : i32, i32
  }
  func.func @transform_12(%arg0: i32, %arg1: i32) -> (i32, i32) {
    %c0_i32 = arith.constant 0 : i32
    %c0_i32_0 = arith.constant 0 : i32
    %c0_i32_1 = arith.constant 0 : i32
    return %c0_i32, %c0_i32_0 : i32, i32
  }
  func.func @transform_13(%arg0: i32, %arg1: i32) -> (i32, i32, i32) {
    %c0_i32 = arith.constant 0 : i32
    %c0_i32_0 = arith.constant 0 : i32
    return %arg0, %arg1, %c0_i32 : i32, i32, i32
  }
  func.func @transform_14(%arg0: i32, %arg1: i32) -> (i32, i32, i32, i32) {
    %c0_i32 = arith.constant 0 : i32
    %c0_i32_0 = arith.constant 0 : i32
    %c0_i32_1 = arith.constant 0 : i32
    return %arg0, %arg1, %c0_i32, %c0_i32_0 : i32, i32, i32, i32
  }
}

</mosaic_0001>

<sc_bundles>
// kernel: kernel.5.cloned.1.call-start
scs
__scs_entry_jumppad:
0x0: {  	(pc) =	sbr.rel $0x88, $3  }
0x1: {  	(tag) =	ssettag $0x0;
	lr =	simm.s32 $0x1  }
0x2: {  	[smem:$0x3F96] =	sst lr;
	_ =	strace $0xD0000000  }
0x3: {  	_ = 	snop  }
0x4: {  	_ = 	snop  }
0x5: {  	_ = 	snop  }
0x6: {  	_ = 	snop  }
0x7: {  	_ = 	snop  }
__scs_overlays_trampoline_lowered:
0x8: {  	[smem:$0x3FA5] =	sst s0  }
0x9: {  	[smem:$0x3FA6] =	sst s1  }
0xa: {  	[smem:$0x3FA7] =	sst s2  }
0xb: {  	[smem:$0x3FA8] =	sst s3  }
0xc: {  	[smem:$0x3FA9] =	sst s4  }
0xd: {  	[smem:$0x3FAA] =	sst s5  }
0xe: {  	[smem:$0x3FAB] =	sst s6  }
0xf: {  	[smem:$0x3FAC] =	sst s7  }
0x10: {  	[smem:$0x3FAD] =	sst s8  }
0x11: {  	[smem:$0x3FAE] =	sst s9;
	s0 =	simm.s32 @!p0 $0x0  }
0x12: {  	s1 =	sld [smem:$0x3F94];
	s0 =	simm.s32 @p0 $0x1  }
0x13: {  	[smem:$0x3FAF] =	sst s0;
	s0 =	simm.s32 @!p1 $0x0  }
0x14: {  	s2 =	sld [smem:$0x3F93];
	s0 =	simm.s32 @p1 $0x1  }
0x15: {  	[smem:$0x3FB0] =	sst s0;
	s0 =	simm.s32 @!p2 $0x0  }
0x16: {  	s3 =	sld [smem:$0x3FDB];
	s0 =	simm.s32 @p2 $0x1  }
0x17: {  	s4 =	simm.s32 $0x1BF5;
	[smem:$0x3FB2] =	sst s0  }
0x18: {  	s0 =	sld [smem:$0x3F95];
	_ =	swait.ge [sflag:s4], $0x0  }
0x19: {  	s7 =	sld [smem:$0x3F96]  }
0x1a: {  	s8 =	sadd.s32 $0xFFFFE003, lr  }
0x1b: {  	s9 =	sadd.s32 $0xFFFFFEF7, lr;
	s5 =	simm.s32 $0xFFFFFFFF;
	p2 =	slt.u32 s8, $0xFFFFF086  }
0x1c: {  	p1 =	slt.u32 s9, $0xF7A;
	s5 =	simm.s32 @!p2 $0x0  }
0x1d: {  	s5 =	simm.s32 @p1 $0x1;
	p0 =	seq.s32 s7, s2  }
0x1e: {  	s7 =	smul.u32 @!p0 $0xF7A, s2;
	p2 =	seq.s32 @!p0 s5, $0x0  }
0x1f: {  	s9 =	smul.u32 $0xF7A, s1;
	s8 =	simm.s32 @!p0 $0x1BF5;
	p2 =	por !p2, p0  }
0x20: {  	[sflag:s8] =	ssyncset.s32 @!p0 $0xFFFFF086;
	s6 =	sadd.s32 @!p0 s3, s7;
	s7 =	simm.s32 @!p0 $0x108  }
0x21: {  	s3 =	sadd.s32 s3, s9;
	s6 =	sadd.s32 @!p0 $0x88, s6;
	s7 =	simm.s32 @p2 $0x1082  }
0x22: {  	[simem:s7], [sflag:s8] =	dma.local @!p0 [hbm:s6], $0xF7A  }
0x23: {  	s9 =	sor.u32 $0xD0000000, s2;
	s6 =	simm.s32 $0x108;
	_ =	swait.ge @!p0 [sflag:s8], $0x0  }
0x24: {  	s3 =	sadd.s32 $0x88, s3;
	s6 =	simm.s32 @!p1 $0x1082;
	[sflag:s4] =	ssyncset.s32 $0xFFFFF086  }
0x25: {  	[simem:s6], [sflag:s4] =	dma.local [hbm:s3], $0xF7A  }
0x26: {  	[smem:$0x3F96] =	sst s1;
	(tag) =	ssettag s2;
	_ =	strace s9  }
0x27: {  	s1 =	sld [smem:$0x3FA6]  }
0x28: {  	s2 =	sld [smem:$0x3FA7]  }
0x29: {  	s4 =	sld [smem:$0x3FA9]  }
0x2a: {  	p0 =	seq.s32 s5, $0x0;
	s5 =	sld [smem:$0x3FAA]  }
0x2b: {  	s6 =	sld [smem:$0x3FAB]  }
0x2c: {  	s7 =	sld [smem:$0x3FAC]  }
0x2d: {  	s3 =	simm.s32 $0x108;
	s8 =	sld [smem:$0x3FAD]  }
0x2e: {  	s3 =	simm.s32 @!p0 $0x1082;
	s9 =	sld [smem:$0x3FAE]  }
0x2f: {  	lr =	sadd.s32 s0, s3;
	s0 =	sld [smem:$0x3FA5]  }
0x30: {  	s3 =	sld [smem:$0x3FA8]  }
0x31: {  	[smem:$0x3FB1] =	sst s10  }
0x32: {  	s10 =	sld [smem:$0x3FAF];
	_ =	sdelay $0x3  }
0x33: {  	p0 =	seq.s32 s10, $0x1;
	s10 =	sld [smem:$0x3FB1];
	_ =	sdelay $0x3  }
0x34: {  	[smem:$0x3FB1] =	sst s10  }
0x35: {  	s10 =	sld [smem:$0x3FB0];
	_ =	sdelay $0x3  }
0x36: {  	p1 =	seq.s32 s10, $0x1;
	s10 =	sld [smem:$0x3FB1];
	_ =	sdelay $0x3  }
0x37: {  	[smem:$0x3FB1] =	sst s10  }
0x38: {  	s10 =	sld [smem:$0x3FB2]  }
0x39: {  	_ = 	snop;
	(pc) =	sbr.ind lr, $3  }
0x3a: {  	_ = 	snop  }
0x3b: {  	_ = 	snop  }
0x3c: {  	p2 =	seq.s32 s10, $0x1;
	s10 =	sld [smem:$0x3FB1]  }
0x3d: {  	_ =	shalt  }
0x3e: {  	_ =	shalt  }
0x3f: {  	_ =	shalt  }
0x40: {  	_ =	shalt  }
0x41: {  	_ =	shalt  }
0x42: {  	_ =	shalt  }
0x43: {  	_ =	shalt  }
0x44: {  	_ =	shalt  }
0x45: {  	_ =	shalt  }
0x46: {  	_ =	shalt  }
0x47: {  	_ =	shalt  }
0x48: {  	_ =	shalt  }
0x49: {  	_ =	shalt  }
0x4a: {  	_ =	shalt  }
0x4b: {  	_ =	shalt  }
0x4c: {  	_ =	shalt  }
0x4d: {  	_ =	shalt  }
0x4e: {  	_ =	shalt  }
0x4f: {  	_ =	shalt  }
0x50: {  	_ =	shalt  }
0x51: {  	_ =	shalt  }
0x52: {  	_ =	shalt  }
0x53: {  	_ =	shalt  }
0x54: {  	_ =	shalt  }
0x55: {  	_ =	shalt  }
0x56: {  	_ =	shalt  }
0x57: {  	_ =	shalt  }
0x58: {  	_ =	shalt  }
0x59: {  	_ =	shalt  }
0x5a: {  	_ =	shalt  }
0x5b: {  	_ =	shalt  }
0x5c: {  	_ =	shalt  }
0x5d: {  	_ =	shalt  }
0x5e: {  	_ =	shalt  }
0x5f: {  	_ =	shalt  }
0x60: {  	_ =	shalt  }
0x61: {  	_ =	shalt  }
0x62: {  	_ =	shalt  }
0x63: {  	_ =	shalt  }
0x64: {  	_ =	shalt  }
0x65: {  	_ =	shalt  }
0x66: {  	_ =	shalt  }
0x67: {  	_ =	shalt  }
0x68: {  	_ =	shalt  }
0x69: {  	_ =	shalt  }
0x6a: {  	_ =	shalt  }
0x6b: {  	_ =	shalt  }
0x6c: {  	_ =	shalt  }
0x6d: {  	_ =	shalt  }
0x6e: {  	_ =	shalt  }
0x6f: {  	_ =	shalt  }
0x70: {  	_ =	shalt  }
0x71: {  	_ =	shalt  }
0x72: {  	_ =	shalt  }
0x73: {  	_ =	shalt  }
0x74: {  	_ =	shalt  }
0x75: {  	_ =	shalt  }
0x76: {  	_ =	shalt  }
0x77: {  	_ =	shalt  }
0x78: {  	_ =	shalt  }
0x79: {  	_ =	shalt  }
0x7a: {  	_ =	shalt  }
0x7b: {  	_ =	shalt  }
0x7c: {  	_ =	shalt  }
0x7d: {  	_ =	shalt  }
0x7e: {  	_ =	shalt  }
0x7f: {  	_ =	shalt  }
0x80: {  	_ =	shalt  }
0x81: {  	_ =	shalt  }
0x82: {  	_ =	shalt  }
0x83: {  	_ =	shalt  }
0x84: {  	_ =	shalt  }
0x85: {  	_ =	shalt  }
0x86: {  	_ =	shalt  }
0x87: {  	_ =	shalt  }
.Lfunc_end0:
.L_simem_size_0:
called_computation_lowered:
.L_overlay_start_0:
0x88: {  	s2 =	sld [smem:$0x3FD9]  }
0x89: {  	s3 =	sld [smem:$0x3FFE];
	_ =	sdelay $0x1  }
0x8a: {  	s1 =	srdreg.scid  }
0x8b: {  	s0 =	sand.u32 $0x1, s1  }
0x8c: {  	s17 =	sshll.u32 s0, $0xA;
	s2 =	sadd.s32 s3, s2  }
0x8d: {  	s2 =	sadd.s32 s2, s17  }
0x8e: {  	[smem:$0x3FBD] =	sst s2  }
0x8f: {  	_ = 	snop  }
0x90: {  	s2 =	sld [smem:$0x3FD0];
	(tm) =	ssettm $0x1  }
0x91: {  	s18 =	sld [smem:$0x3FFB];
	_ =	sdelay $0x3  }
0x92: {  	_ =	strace s18  }
0x93: {  	s3 =	sld [smem:$0x3FFC];
	_ =	sdelay $0x3  }
0x94: {  	_ =	strace s3  }
0x95: {  	s3 =	sld [smem:$0x3FFD];
	_ =	sdelay $0x3  }
0x96: {  	_ =	strace s3  }
0x97: {  	_ =	strace $0x8FFFFFFF  }
0x98: {  	s19 =	sld [smem:$0x3FDB];
	_ =	sdelay $0x1  }
0x99: {  	s4 =	simm.s32 $_scs_section_size  }
0x9a: {  	s5 =	simm.s32 $_size__tile_overlayer_lowered;
	s6 =	simm.s32 $_tile_overlayer_lowered  }
0x9b: {  	s22 =	simm.s32 $0x1BFF;
	s21 =	sshll.u32 s6, $0x1;
	s3 =	sadd.s32 s4, s19  }
0x9c: {  	s7 =	simm.s32 $0x0;
	s20 =	sshll.u32 s5, $0x1;
	s5 =	sadd.s32 s21, s3  }
0x9d: {  	[timem:s7], [sflag:s22] =	dma.local [hbm:s5], s20  }
0x9e: {  	_ =	swait.ge [sflag:s22], s20  }
0x9f: {  	s4 =	ssub.s32 $0x0, s20;
	[sflag:s22] =	ssyncset.done $0x0  }
0xa0: {  	[sflag:s22] =	ssyncadd.s32 s4;
	_ =	sdelay $0x1  }
0xa1: {  	s23 =	simm.s32 $0x1B8B  }
0xa2: {  	_ =	swait.ge [sflag:s23], $0x1  }
0xa3: {  	[sflag:s23] =	ssyncset.done $0x0  }
0xa4: {  	s25 =	simm.s32 $0x1B8E;
	s24 =	sld [smem:$0x3FFE];
	[sflag:s23] =	ssyncadd.s32 $0xFFFFFFFF  }
0xa5: {  	s26 =	simm.s32 $execute0_lowered;
	[smem:$0x3FD2] =	sst s25  }
0xa6: {  	s5 =	sshll.u32 s26, $0x1;
	_ =	strace $0x80000046;
	[dreg:$0x1] =	wrdreg $0xFFFFFFFF  }
0xa7: {  	s28 =	simm.s32 $_size_execute0_lowered;
	s3 =	sadd.s32 s3, s5;
	[dreg:$0x0] =	wrdreg $0x0  }
0xa8: {  	s5 =	sshll.u32 s28, $0x1;
	[dreg:$0x2] =	wrdreg s3  }
0xa9: {  	[dreg:$0x3] =	wrdreg s5  }
0xaa: {  	[dreg:$0x4] =	wrdreg $0xC0  }
0xab: {  	_ =	task [dreg:s7], $0x5FFFF  }
0xac: {  	[dreg:$0x1] =	wrdreg $0xFFFFFFFF  }
0xad: {  	[dreg:$0x0] =	wrdreg $0x60  }
0xae: {  	[dreg:$0x2] =	wrdreg s24  }
0xaf: {  	[dreg:$0x3] =	wrdreg s2  }
0xb0: {  	[dreg:$0x4] =	wrdreg $0x9  }
0xb1: {  	_ =	task.clear_ibuf [dreg:s7], $0x5FFFF;
	_ =	strace $0x90000046  }
0xb2: {  	s29 =	simm.s32 $0x9;
	_ =	strace $0x80000048  }
0xb3: {  	_ =	swait.ge [sflag:s29], $0x1  }
0xb4: {  	[sflag:s29] =	ssyncadd.s32 $0xFFFFFFFF  }
0xb5: {  	_ =	strace $0x90000048  }
0xb6: {  	_ =	sfence  }
0xb7: {  	s30 =	sld [smem:$0x0];
	_ =	sdelay $0x2  }
0xb8: {  	s31 =	sshll.u32 s1, $0xD;
	s1 =	sshrl.u32 s1, $0x2  }
0xb9: {  	s3 =	sand.u32 $0x4000, s31;
	s1 =	sadd.s32 s1, s30  }
0xba: {  	s0 =	sor.u32 s3, s0;
	s1 =	sshll.u32 s1, $0x11  }
0xbb: {  	s0 =	sor.u32 s1, s0  }
0xbc: {  	s0 =	sadd.s32 $0x8F2B, s0  }
0xbd: {  	[sflag:s0] =	ssyncadd.remote.s32 $0x1  }
0xbe: {  	_ =	sfence.sel $0xFFFF  }
0xbf: {  	[dreg:$0x0] =	wrdreg $0xFFFFFFFF;
	(pc) =	sbr.abs _section_cstart, $3  }
0xc0: {  	[dreg:$0x1] =	wrdreg $0xFFFFFFFF  }
0xc1: {  	_ =	task.clear_ibuf [dreg:s7], $0x2FFFF;
	_ =	strace $0x9FFFFFFF  }
0xc2: {  	(tm) =	ssettm $0x7FFFFFFF  }
0xc3: {  	_ =	shalt  }
tec
execute0_lowered:
.L_overlay_start_1:
0x0: {  	(tag) =	ssettag $0x1  }
0x1: {  	s0 =	srdreg.scid  }
0x2: {  	s2 =	stileid.u32;
	s1 =	rddreg [dreg:$0x0];
	s12 =	simm.s32 $0x4  }
0x3: {  	s13 =	simm.s32 $0x80;
	s14 =	simm.s32 $0x1400;
	s28 =	simm.s32 $0x2480  }
0x4: {  	s29 =	simm.s32 $0x15000;
	s30 =	simm.s32 $0x2500;
	s31 =	simm.s32 $0x15800  }
0x5: {  	s11 =	simm.s32 $0x16800;
	s15 =	simm.s32 $0x16D00;
	s18 =	simm.s32 $0x0  }
0x6: {  	s0 =	sand.u32 $0x1, s0;
	s3 =	sshll.u32 s2, $0x1;
	s2 =	rddreg [dreg:$0x1]  }
0x7: {  	s5 =	sor.u32 s0, s3;
	s3 =	simm.s32 $0x0;
	s0 =	ssub.s32 $0x2, s0  }
0x8: {  	s7 =	smul.u32 $0x55000, s5;
	[smem:$0x7FF] =	sst s3;
	s8 =	sshrl.u32 s0, $0x1  }
0x9: {  	s4 =	sadd.s32 $0x2200, s1;
	_ =	strace $0x80000047;
	s0 =	ssub.s32 s0, s8  }
0xa: {  	s6 =	sshrl.u32 s7, $0x3;
	s8 =	sadd.s32 $0x2800, s7;
	s10 =	sadd.s32 $0x3C00, s7  }
0xb: {  	s0 =	smax.u32 s0, $0x1;
	s7 =	simm.s32 $0x1;
	s9 =	sadd.s32 s4, s6  }
0xc: {  	s6 =	sadd.s32 $0x156200, s1;
	[dreg:$0x5] =	wrdreg s0;
	s1 =	simm.s32 $0x2580  }
0xd: {  	s0 =	simm.s32 $0x16000;
	[dreg:$0x3] =	wrdreg s9;
	s26 =	sadd.s32 $0x280, s9  }
0xe: {  	s9 =	smul.u32 $0x15400, s5;
	s5 =	simm.s32 $0x2;
	[dreg:$0x4] =	wrdreg s26  }
.LBB2_1:
0xf: {  	[dreg:$0x6] =	wrdreg s18  }
0x10: {  	s16 =	rddreg [dreg:$0x3]  }
0x11: {  	[tilespmem:s3], [sflag:$0x4] =	stream.linear.gather [hbm4b:s16+s3], $0x1400, $0x38;
	[tilespmem:$0x17200] =	vst v63  }
0x12: {  	_ =	swait.ge [sflag:s12], $0x1400  }
0x13: {  	[sflag:s12] =	ssyncset.done $0x0  }
0x14: {  	s18 =	simm.s32 $0x2800;
	[sflag:s12] =	ssyncadd.s32 $0xFFFFEC00  }
0x15: {  	[tilespmem:s18], [sflag:$0x1] =	stream.indirect.gather [hbm4b:s6+s13], $0x10, s3, s13, $0xb8;
	[tilespmem:$0x17200] =	vst v63  }
0x16: {  	s19 =	simm.s32 $0x3000  }
0x17: {  	[tilespmem:s19], [sflag:$0x1] =	stream.indirect.gather [hbm4b:s6+s13], $0x10, s13, s13, $0xb8;
	[tilespmem:$0x17200] =	vst v63  }
0x18: {  	s20 =	simm.s32 $0x100;
	s17 =	simm.s32 $0x3800  }
0x19: {  	[tilespmem:s17], [sflag:$0x1] =	stream.indirect.gather [hbm4b:s6+s13], $0x10, s20, s13, $0xb8;
	[tilespmem:$0x17200] =	vst v63  }
0x1a: {  	s21 =	simm.s32 $0x180;
	s22 =	simm.s32 $0x4000  }
0x1b: {  	[tilespmem:s22], [sflag:$0x1] =	stream.indirect.gather [hbm4b:s6+s13], $0x10, s21, s13, $0xb8;
	[tilespmem:$0x17200] =	vst v63  }
0x1c: {  	s23 =	simm.s32 $0x400;
	s24 =	simm.s32 $0x4800  }
0x1d: {  	[tilespmem:s24], [sflag:$0x1] =	stream.indirect.gather [hbm4b:s6+s13], $0x10, s23, s13, $0xb8;
	[tilespmem:$0x17200] =	vst v63  }
0x1e: {  	s25 =	simm.s32 $0x480;
	s26 =	simm.s32 $0x5000  }
0x1f: {  	[tilespmem:s26], [sflag:$0x1] =	stream.indirect.gather [hbm4b:s6+s13], $0x10, s25, s13, $0xb8;
	[tilespmem:$0x17200] =	vst v63  }
0x20: {  	s18 =	simm.s32 $0x5800;
	s17 =	simm.s32 $0x500  }
0x21: {  	[tilespmem:s18], [sflag:$0x1] =	stream.indirect.gather [hbm4b:s6+s13], $0x10, s17, s13, $0xb8;
	[tilespmem:$0x17200] =	vst v63  }
0x22: {  	s19 =	simm.s32 $0x580;
	s20 =	simm.s32 $0x6000  }
0x23: {  	[tilespmem:s20], [sflag:$0x1] =	stream.indirect.gather [hbm4b:s6+s13], $0x10, s19, s13, $0xb8;
	[tilespmem:$0x17200] =	vst v63  }
0x24: {  	s21 =	simm.s32 $0x800;
	s22 =	simm.s32 $0x6800  }
0x25: {  	[tilespmem:s22], [sflag:$0x1] =	stream.indirect.gather [hbm4b:s6+s13], $0x10, s21, s13, $0xb8;
	[tilespmem:$0x17200] =	vst v63  }
0x26: {  	s23 =	simm.s32 $0x880;
	s24 =	simm.s32 $0x7000  }
0x27: {  	[tilespmem:s24], [sflag:$0x1] =	stream.indirect.gather [hbm4b:s6+s13], $0x10, s23, s13, $0xb8;
	[tilespmem:$0x17200] =	vst v63  }
0x28: {  	s25 =	simm.s32 $0x900;
	s26 =	simm.s32 $0x7800  }
0x29: {  	[tilespmem:s26], [sflag:$0x1] =	stream.indirect.gather [hbm4b:s6+s13], $0x10, s25, s13, $0xb8;
	[tilespmem:$0x17200] =	vst v63  }
0x2a: {  	s17 =	simm.s32 $0x980;
	s18 =	simm.s32 $0x8000  }
0x2b: {  	[tilespmem:s18], [sflag:$0x1] =	stream.indirect.gather [hbm4b:s6+s13], $0x10, s17, s13, $0xb8;
	[tilespmem:$0x17200] =	vst v63  }
0x2c: {  	s19 =	simm.s32 $0xC00;
	s20 =	simm.s32 $0x8800  }
0x2d: {  	[tilespmem:s20], [sflag:$0x1] =	stream.indirect.gather [hbm4b:s6+s13], $0x10, s19, s13, $0xb8;
	[tilespmem:$0x17200] =	vst v63  }
0x2e: {  	s21 =	simm.s32 $0xC80;
	s22 =	simm.s32 $0x9000  }
0x2f: {  	[tilespmem:s22], [sflag:$0x1] =	stream.indirect.gather [hbm4b:s6+s13], $0x10, s21, s13, $0xb8;
	[tilespmem:$0x17200] =	vst v63  }
0x30: {  	s23 =	simm.s32 $0xD00;
	s24 =	simm.s32 $0x9800  }
0x31: {  	[tilespmem:s24], [sflag:$0x1] =	stream.indirect.gather [hbm4b:s6+s13], $0x10, s23, s13, $0xb8;
	[tilespmem:$0x17200] =	vst v63  }
0x32: {  	s25 =	simm.s32 $0xD80;
	s26 =	simm.s32 $0xA000  }
0x33: {  	[tilespmem:s26], [sflag:$0x1] =	stream.indirect.gather [hbm4b:s6+s13], $0x10, s25, s13, $0xb8;
	[tilespmem:$0x17200] =	vst v63  }
0x34: {  	s18 =	simm.s32 $0x1000;
	s19 =	simm.s32 $0xA800  }
0x35: {  	[tilespmem:s19], [sflag:$0x1] =	stream.indirect.gather [hbm4b:s6+s13], $0x10, s18, s13, $0xb8;
	[tilespmem:$0x17200] =	vst v63  }
0x36: {  	s20 =	simm.s32 $0x1080;
	s21 =	simm.s32 $0xB000  }
0x37: {  	[tilespmem:s21], [sflag:$0x1] =	stream.indirect.gather [hbm4b:s6+s13], $0x10, s20, s13, $0xb8;
	[tilespmem:$0x17200] =	vst v63  }
0x38: {  	s22 =	simm.s32 $0x1100;
	s23 =	simm.s32 $0xB800  }
0x39: {  	[tilespmem:s23], [sflag:$0x1] =	stream.indirect.gather [hbm4b:s6+s13], $0x10, s22, s13, $0xb8;
	[tilespmem:$0x17200] =	vst v63  }
0x3a: {  	s24 =	simm.s32 $0x1180;
	s25 =	simm.s32 $0xC000  }
0x3b: {  	[tilespmem:s25], [sflag:$0x1] =	stream.indirect.gather [hbm4b:s6+s13], $0x10, s24, s13, $0xb8;
	[tilespmem:$0x17200] =	vst v63  }
0x3c: {  	s16 =	simm.s32 $0x0;
	s26 =	rddreg [dreg:$0x4]  }
0x3d: {  	[tilespmem:s14], [sflag:$0x4] =	stream.linear.gather [hbm4b:s26+s3], $0x1400, $0x38;
	[tilespmem:$0x17200] =	vst v63  }
.LBB2_2:
0x3e: {  	_ =	swait.ge [sflag:s12], $0x1400  }
0x3f: {  	[sflag:s12] =	ssyncset.done $0x0  }
0x40: {  	s17 =	simm.s32 $0xC800;
	[sflag:s12] =	ssyncadd.s32 $0xFFFFEC00  }
0x41: {  	[tilespmem:s17], [sflag:$0x2] =	stream.indirect.gather [hbm4b:s6+s13], $0x10, s14, s13, $0xb8;
	[tilespmem:$0x17200] =	vst v63  }
0x42: {  	s20 =	simm.s32 $0x1480;
	s18 =	simm.s32 $0xD000  }
0x43: {  	[tilespmem:s18], [sflag:$0x2] =	stream.indirect.gather [hbm4b:s6+s13], $0x10, s20, s13, $0xb8;
	[tilespmem:$0x17200] =	vst v63  }
0x44: {  	s21 =	simm.s32 $0x1500;
	s22 =	simm.s32 $0xD800  }
0x45: {  	[tilespmem:s22], [sflag:$0x2] =	stream.indirect.gather [hbm4b:s6+s13], $0x10, s21, s13, $0xb8;
	[tilespmem:$0x17200] =	vst v63  }
0x46: {  	s23 =	simm.s32 $0x1580;
	s24 =	simm.s32 $0xE000  }
0x47: {  	[tilespmem:s24], [sflag:$0x2] =	stream.indirect.gather [hbm4b:s6+s13], $0x10, s23, s13, $0xb8;
	[tilespmem:$0x17200] =	vst v63  }
0x48: {  	s25 =	simm.s32 $0x1800;
	s26 =	simm.s32 $0xE800  }
0x49: {  	[tilespmem:s26], [sflag:$0x2] =	stream.indirect.gather [hbm4b:s6+s13], $0x10, s25, s13, $0xb8;
	[tilespmem:$0x17200] =	vst v63  }
0x4a: {  	s19 =	simm.s32 $0x1880;
	s20 =	simm.s32 $0xF000  }
0x4b: {  	[tilespmem:s20], [sflag:$0x2] =	stream.indirect.gather [hbm4b:s6+s13], $0x10, s19, s13, $0xb8;
	[tilespmem:$0x17200] =	vst v63  }
0x4c: {  	s21 =	simm.s32 $0x1900;
	s22 =	simm.s32 $0xF800  }
0x4d: {  	[tilespmem:s22], [sflag:$0x2] =	stream.indirect.gather [hbm4b:s6+s13], $0x10, s21, s13, $0xb8;
	[tilespmem:$0x17200] =	vst v63  }
0x4e: {  	s23 =	simm.s32 $0x1980;
	s24 =	simm.s32 $0x10000  }
0x4f: {  	[tilespmem:s24], [sflag:$0x2] =	stream.indirect.gather [hbm4b:s6+s13], $0x10, s23, s13, $0xb8;
	[tilespmem:$0x17200] =	vst v63  }
0x50: {  	s25 =	simm.s32 $0x1C00;
	s26 =	simm.s32 $0x10800  }
0x51: {  	[tilespmem:s26], [sflag:$0x2] =	stream.indirect.gather [hbm4b:s6+s13], $0x10, s25, s13, $0xb8;
	[tilespmem:$0x17200] =	vst v63  }
0x52: {  	s19 =	simm.s32 $0x1C80;
	s20 =	simm.s32 $0x11000  }
0x53: {  	[tilespmem:s20], [sflag:$0x2] =	stream.indirect.gather [hbm4b:s6+s13], $0x10, s19, s13, $0xb8;
	[tilespmem:$0x17200] =	vst v63  }
0x54: {  	s21 =	simm.s32 $0x1D00;
	s22 =	simm.s32 $0x11800  }
0x55: {  	[tilespmem:s22], [sflag:$0x2] =	stream.indirect.gather [hbm4b:s6+s13], $0x10, s21, s13, $0xb8;
	[tilespmem:$0x17200] =	vst v63  }
0x56: {  	s23 =	simm.s32 $0x1D80;
	s24 =	simm.s32 $0x12000  }
0x57: {  	[tilespmem:s24], [sflag:$0x2] =	stream.indirect.gather [hbm4b:s6+s13], $0x10, s23, s13, $0xb8;
	[tilespmem:$0x17200] =	vst v63  }
0x58: {  	s25 =	simm.s32 $0x2000;
	s26 =	simm.s32 $0x12800  }
0x59: {  	[tilespmem:s26], [sflag:$0x2] =	stream.indirect.gather [hbm4b:s6+s13], $0x10, s25, s13, $0xb8;
	[tilespmem:$0x17200] =	vst v63  }
0x5a: {  	s19 =	simm.s32 $0x2080;
	s20 =	simm.s32 $0x13000  }
0x5b: {  	[tilespmem:s20], [sflag:$0x2] =	stream.indirect.gather [hbm4b:s6+s13], $0x10, s19, s13, $0xb8;
	[tilespmem:$0x17200] =	vst v63  }
0x5c: {  	s21 =	simm.s32 $0x2100;
	s22 =	simm.s32 $0x13800  }
0x5d: {  	[tilespmem:s22], [sflag:$0x2] =	stream.indirect.gather [hbm4b:s6+s13], $0x10, s21, s13, $0xb8;
	[tilespmem:$0x17200] =	vst v63  }
0x5e: {  	s23 =	simm.s32 $0x2180;
	s24 =	simm.s32 $0x14000  }
0x5f: {  	[tilespmem:s24], [sflag:$0x2] =	stream.indirect.gather [hbm4b:s6+s13], $0x10, s23, s13, $0xb8;
	[tilespmem:$0x17200] =	vst v63  }
0x60: {  	s25 =	simm.s32 $0x2400;
	s26 =	simm.s32 $0x14800  }
0x61: {  	[tilespmem:s26], [sflag:$0x2] =	stream.indirect.gather [hbm4b:s6+s13], $0x10, s25, s13, $0xb8;
	[tilespmem:$0x17200] =	vst v63  }
0x62: {  	_ = 	snop  }
0x63: {  	[tilespmem:s29], [sflag:$0x2] =	stream.indirect.gather [hbm4b:s6+s13], $0x10, s28, s13, $0xb8;
	[tilespmem:$0x17200] =	vst v63  }
0x64: {  	_ = 	snop  }
0x65: {  	[tilespmem:s31], [sflag:$0x2] =	stream.indirect.gather [hbm4b:s6+s13], $0x10, s30, s13, $0xb8;
	[tilespmem:$0x17200] =	vst v63  }
0x66: {  	_ = 	snop  }
0x67: {  	[tilespmem:s0], [sflag:$0x2] =	stream.indirect.gather [hbm4b:s6+s13], $0x10, s1, s13, $0xb8;
	[tilespmem:$0x17200] =	vst v63  }
0x68: {  	_ =	swait.ge [sflag:s7], $0x800  }
0x69: {  	[sflag:s7] =	ssyncset.done $0x0  }
0x6a: {  	[sflag:s7] =	ssyncadd.s32 $0xFFFFF800  }
0x6b: {  	_ =	swait.ge [sflag:s7], $0x800  }
0x6c: {  	[sflag:s7] =	ssyncset.done $0x0  }
0x6d: {  	[sflag:s7] =	ssyncadd.s32 $0xFFFFF800  }
0x6e: {  	_ =	swait.ge [sflag:s7], $0x800  }
0x6f: {  	[sflag:s7] =	ssyncset.done $0x0  }
0x70: {  	[sflag:s7] =	ssyncadd.s32 $0xFFFFF800  }
0x71: {  	_ =	swait.ge [sflag:s7], $0x800  }
0x72: {  	[sflag:s7] =	ssyncset.done $0x0  }
0x73: {  	[sflag:s7] =	ssyncadd.s32 $0xFFFFF800  }
0x74: {  	_ =	swait.ge [sflag:s7], $0x800  }
0x75: {  	[sflag:s7] =	ssyncset.done $0x0  }
0x76: {  	[sflag:s7] =	ssyncadd.s32 $0xFFFFF800  }
0x77: {  	_ =	swait.ge [sflag:s7], $0x800  }
0x78: {  	[sflag:s7] =	ssyncset.done $0x0  }
0x79: {  	[sflag:s7] =	ssyncadd.s32 $0xFFFFF800  }
0x7a: {  	_ =	swait.ge [sflag:s7], $0x800  }
0x7b: {  	[sflag:s7] =	ssyncset.done $0x0  }
0x7c: {  	[sflag:s7] =	ssyncadd.s32 $0xFFFFF800  }
0x7d: {  	_ =	swait.ge [sflag:s7], $0x800  }
0x7e: {  	[sflag:s7] =	ssyncset.done $0x0  }
0x7f: {  	[sflag:s7] =	ssyncadd.s32 $0xFFFFF800  }
0x80: {  	_ =	swait.ge [sflag:s7], $0x800  }
0x81: {  	[sflag:s7] =	ssyncset.done $0x0  }
0x82: {  	[sflag:s7] =	ssyncadd.s32 $0xFFFFF800  }
0x83: {  	_ =	swait.ge [sflag:s7], $0x800  }
0x84: {  	[sflag:s7] =	ssyncset.done $0x0  }
0x85: {  	[sflag:s7] =	ssyncadd.s32 $0xFFFFF800  }
0x86: {  	_ =	swait.ge [sflag:s7], $0x800  }
0x87: {  	[sflag:s7] =	ssyncset.done $0x0  }
0x88: {  	[sflag:s7] =	ssyncadd.s32 $0xFFFFF800  }
0x89: {  	_ =	swait.ge [sflag:s7], $0x800  }
0x8a: {  	[sflag:s7] =	ssyncset.done $0x0  }
0x8b: {  	[sflag:s7] =	ssyncadd.s32 $0xFFFFF800  }
0x8c: {  	_ =	swait.ge [sflag:s7], $0x800  }
0x8d: {  	[sflag:s7] =	ssyncset.done $0x0  }
0x8e: {  	[sflag:s7] =	ssyncadd.s32 $0xFFFFF800  }
0x8f: {  	_ =	swait.ge [sflag:s7], $0x800  }
0x90: {  	[sflag:s7] =	ssyncset.done $0x0  }
0x91: {  	[sflag:s7] =	ssyncadd.s32 $0xFFFFF800  }
0x92: {  	_ =	swait.ge [sflag:s7], $0x800  }
0x93: {  	[sflag:s7] =	ssyncset.done $0x0  }
0x94: {  	[sflag:s7] =	ssyncadd.s32 $0xFFFFF800  }
0x95: {  	_ =	swait.ge [sflag:s7], $0x800  }
0x96: {  	[sflag:s7] =	ssyncset.done $0x0  }
0x97: {  	[sflag:s7] =	ssyncadd.s32 $0xFFFFF800  }
0x98: {  	_ =	swait.ge [sflag:s7], $0x800  }
0x99: {  	[sflag:s7] =	ssyncset.done $0x0  }
0x9a: {  	[sflag:s7] =	ssyncadd.s32 $0xFFFFF800  }
0x9b: {  	_ =	swait.ge [sflag:s7], $0x800  }
0x9c: {  	[sflag:s7] =	ssyncset.done $0x0  }
0x9d: {  	[sflag:s7] =	ssyncadd.s32 $0xFFFFF800  }
0x9e: {  	_ =	swait.ge [sflag:s7], $0x800  }
0x9f: {  	[sflag:s7] =	ssyncset.done $0x0  }
0xa0: {  	[sflag:s7] =	ssyncadd.s32 $0xFFFFF800  }
0xa1: {  	_ =	swait.ge [sflag:s7], $0x800  }
0xa2: {  	p0 =	seq.s32 s16, $0x0;
	[sflag:s7] =	ssyncset.done $0x0  }
0xa3: {  	s17 =	simm.s32 @!p0 $0x3;
	[sflag:s7] =	ssyncadd.s32 $0xFFFFF800  }
0xa4: {  	s18 =	sshll.u32 s16, $0x1;
	_ =	swait.ge @!p0 [sflag:s17], $0x500  }
0xa5: {  	s19 =	simm.s32 $0x0;
	s20 =	simm.s32 $0x0;
	[sflag:s17] =	ssyncset.done @!p0 $0x0  }
0xa6: {  	s21 =	simm.s32 $0x0;
	[sflag:s17] =	ssyncadd.s32 @!p0 $0xFFFFFB00;
	s17 =	simm.s32 $0x0  }
.LBB2_3:
0xa7: {  	s22 =	sand.u32 $0x7000, s17  }
0xa8: {  	s24 =	sand.u32 $0x70, s19;
	s22 =	sshrl.u32 s22, $0x2  }
0xa9: {  	s23 =	sor.u32 s24, s22  }
0xaa: {  	v0 =	vld [tilespmem:s23+$0x200];
	_ =	sdelay $0x1  }
0xab: {  	s25 =	sand.u32 $0xE00, s21  }
0xac: {  	s24 =	sor.u32 s24, s25  }
0xad: {  	s22 =	sshll.u32 s24, $0x4;
	v15 =	vld [tilespmem:s23+$0x280]  }
0xae: {  	v1 =	vld [tilespmem:s22+$0x2800];
	v3 =	vbroadcast v0, $0x0  }
0xaf: {  	v2 =	vld [tilespmem:s22+$0x2810];
	v5 =	vbroadcast v0, $0x1;
	v16 =	vbroadcast v0, $0x2  }
0xb0: {  	v6 =	vld [tilespmem:s22+$0x2820];
	v10 =	vbroadcast v0, $0x3;
	v12 =	vbroadcast v0, $0x4  }
0xb1: {  	v8 =	vld [tilespmem:s22+$0x2830];
	v22 =	vbroadcast v0, $0x5;
	v24 =	vbroadcast v0, $0x6  }
0xb2: {  	v63 =	vld [tilespmem:s22+$0x2840];
	v26 =	vbroadcast v0, $0x7;
	v34 =	vbroadcast v0, $0x8  }
0xb3: {  	v13 =	vld [tilespmem:s22+$0x2850];
	v36 =	vbroadcast v0, $0x9;
	v38 =	vbroadcast v0, $0xA  }
0xb4: {  	v14 =	vld [tilespmem:s22+$0x2860];
	v46 =	vbroadcast v0, $0xB;
	v48 =	vbroadcast v0, $0xC  }
0xb5: {  	v20 =	vld [tilespmem:s22+$0x2870];
	v51 =	vbroadcast v0, $0xD;
	v58 =	vbroadcast v0, $0xE  }
0xb6: {  	v27 =	vld [tilespmem:s22+$0x2880];
	v0 =	vbroadcast v0, $0xF;
	v61 =	vbroadcast v15, $0x0  }
0xb7: {  	v29 =	vld [tilespmem:s22+$0x2890];
	v4 =	vshll.u32 v1, $0x10;
	v7 =	vshll.u32 v2, $0x10;
	v9 =	vshll.u32 v6, $0x10  }
0xb8: {  	v32 =	vld [tilespmem:s22+$0x28A0];
	v11 =	vshll.u32 v8, $0x10;
	v18 =	vshll.u32 v63, $0x10;
	v23 =	vshll.u32 v13, $0x10  }
0xb9: {  	v39 =	vld [tilespmem:s22+$0x28B0];
	v25 =	vshll.u32 v14, $0x10;
	v4 =	vmul.f32 v4, v3;
	v1 =	vmul.f32 v1, v3  }
0xba: {  	v41 =	vld [tilespmem:s22+$0x28C0];
	v28 =	vshll.u32 v20, $0x10;
	v62 =	vmul.f32 v7, v5;
	v2 =	vmul.f32 v2, v5  }
0xbb: {  	v44 =	vld [tilespmem:s22+$0x28D0];
	v35 =	vshll.u32 v27, $0x10;
	v9 =	vmul.f32 v9, v16;
	v5 =	vmul.f32 v6, v16  }
0xbc: {  	v49 =	vld [tilespmem:s22+$0x28E0];
	v37 =	vshll.u32 v29, $0x10;
	v17 =	vmul.f32 v11, v10;
	v8 =	vmul.f32 v8, v10  }
0xbd: {  	v52 =	vld [tilespmem:s22+$0x28F0];
	v40 =	vshll.u32 v32, $0x10;
	v19 =	vmul.f32 v18, v12;
	v21 =	vmul.f32 v63, v12  }
0xbe: {  	v47 =	vshll.u32 v39, $0x10;
	v6 =	vmul.f32 v13, v22;
	v30 =	vmul.f32 v14, v24  }
0xbf: {  	v50 =	vshll.u32 v41, $0x10;
	v31 =	vmul.f32 v28, v26;
	v33 =	vmul.f32 v20, v26  }
0xc0: {  	v56 =	vld [tilespmem:s22+$0x3000];
	v53 =	vshll.u32 v44, $0x10;
	v42 =	vmul.f32 v29, v36;
	v43 =	vmul.f32 v40, v38  }
0xc1: {  	v59 =	vshll.u32 v49, $0x10;
	v45 =	vmul.f32 v32, v38;
	v54 =	vmul.f32 v41, v48  }
0xc2: {  	v60 =	vshll.u32 v52, $0x10;
	v55 =	vmul.f32 v53, v51;
	v57 =	vmul.f32 v44, v51;
	v16 =	vld [tilespmem:s22+$0x3020]  }
0xc3: {  	v7 =	vmul.f32 v60, v0;
	v40 =	vld [tilespmem:s22+$0x3080];
	v4 =	vadd.f32 $0.0e+00, v4;
	v1 =	vadd.f32 $0.0e+00, v1  }
0xc4: {  	v0 =	vmul.f32 v52, v0;
	v52 =	vld [tilespmem:s22+$0x30B0];
	v3 =	vadd.f32 $0.0e+00, v62;
	v2 =	vadd.f32 $0.0e+00, v2  }
0xc5: {  	v63 =	vshll.u32 v56, $0x10;
	v4 =	vadd.f32 v9, v4;
	v1 =	vadd.f32 v5, v1  }
0xc6: {  	v2 =	vadd.f32 v8, v2;
	v5 =	vmul.f32 v23, v22;
	v8 =	vmul.f32 v25, v24  }
0xc7: {  	v18 =	vld [tilespmem:s22+$0x3030];
	v3 =	vadd.f32 v17, v3;
	v9 =	vmul.f32 v50, v48;
	v17 =	vmul.f32 v63, v61  }
0xc8: {  	v26 =	vld [tilespmem:s22+$0x3040];
	v23 =	vbroadcast v15, $0x2;
	v25 =	vbroadcast v15, $0x3;
	v24 =	vshll.u32 v16, $0x10  }
0xc9: {  	v62 =	vld [tilespmem:s22+$0x3010];
	v48 =	vshll.u32 v40, $0x10;
	v60 =	vshll.u32 v52, $0x10;
	v4 =	vadd.f32 v19, v4  }
0xca: {  	v1 =	vadd.f32 v21, v1;
	v2 =	vadd.f32 v6, v2;
	v6 =	vmul.f32 v35, v34  }
0xcb: {  	v3 =	vadd.f32 v5, v3;
	v5 =	vmul.f32 v27, v34;
	v19 =	vmul.f32 v56, v61  }
0xcc: {  	v28 =	vld [tilespmem:s22+$0x3050];
	v21 =	vbroadcast v15, $0x1;
	v27 =	vshll.u32 v18, $0x10;
	v29 =	vmul.f32 v16, v23  }
0xcd: {  	v32 =	vmul.f32 v18, v25;
	v34 =	vshll.u32 v26, $0x10;
	v35 =	vbroadcast v15, $0x5  }
0xce: {  	v61 =	vbroadcast v15, $0xC;
	v22 =	vshll.u32 v62, $0x10;
	v4 =	vadd.f32 v8, v4  }
0xcf: {  	v38 =	vld [tilespmem:s22+$0x3070];
	v1 =	vadd.f32 v30, v1;
	v3 =	vadd.f32 v31, v3;
	v8 =	vmul.f32 v37, v36  }
0xd0: {  	v2 =	vadd.f32 v33, v2;
	v30 =	vmul.f32 v27, v25;
	v33 =	vbroadcast v15, $0x4  }
0xd1: {  	v36 =	vshll.u32 v28, $0x10;
	v37 =	vbroadcast v15, $0x6;
	v41 =	vmul.f32 v28, v35  }
0xd2: {  	v50 =	vld [tilespmem:s22+$0x30A0];
	v25 =	vbroadcast v15, $0xF;
	v4 =	vadd.f32 v6, v4;
	v1 =	vadd.f32 v5, v1  }
0xd3: {  	v31 =	vld [tilespmem:s22+$0x3060];
	v3 =	vadd.f32 v8, v3;
	v2 =	vadd.f32 v42, v2;
	v6 =	vmul.f32 v39, v46  }
0xd4: {  	v5 =	vmul.f32 v47, v46;
	v46 =	vshll.u32 v38, $0x10;
	v47 =	vbroadcast v15, $0x8  }
0xd5: {  	v1 =	vadd.f32 v45, v1;
	v2 =	vadd.f32 v6, v2;
	v6 =	vmul.f32 v59, v58  }
0xd6: {  	v3 =	vadd.f32 v5, v3;
	v5 =	vmul.f32 v49, v58;
	v45 =	vbroadcast v15, $0x7  }
0xd7: {  	v4 =	vadd.f32 v43, v4;
	v49 =	vbroadcast v15, $0x9;
	v53 =	vmul.f32 v40, v47  }
0xd8: {  	v16 =	vld [tilespmem:s22+$0x30E0];
	v58 =	vshll.u32 v50, $0x10;
	v59 =	vbroadcast v15, $0xB;
	v39 =	vshll.u32 v31, $0x10  }
0xd9: {  	v43 =	vld [tilespmem:s22+$0x3090];
	v44 =	vmul.f32 v31, v37;
	v4 =	vadd.f32 v9, v4;
	v1 =	vadd.f32 v54, v1  }
0xda: {  	v3 =	vadd.f32 v55, v3;
	v2 =	vadd.f32 v57, v2;
	v42 =	vmul.f32 v39, v37  }
0xdb: {  	v57 =	vbroadcast v15, $0xA;
	v4 =	vadd.f32 v6, v4;
	v1 =	vadd.f32 v5, v1  }
0xdc: {  	v55 =	vld [tilespmem:s22+$0x30C0];
	v3 =	vadd.f32 v7, v3;
	v0 =	vadd.f32 v0, v2;
	v5 =	vmul.f32 v22, v21  }
0xdd: {  	v7 =	vmul.f32 v24, v23;
	v23 =	vbroadcast v15, $0xE;
	v24 =	vshll.u32 v16, $0x10  }
0xde: {  	v51 =	vshll.u32 v43, $0x10;
	v56 =	vmul.f32 v43, v49;
	v20 =	vadd.f32 v17, v4  }
0xdf: {  	v31 =	vld [tilespmem:s22+$0x3820];
	v4 =	vmul.f32 v62, v21;
	v3 =	vadd.f32 v5, v3;
	v5 =	vmul.f32 v26, v33  }
0xe0: {  	v1 =	vadd.f32 v19, v1;
	v54 =	vmul.f32 v51, v49;
	v17 =	vmul.f32 v52, v59  }
0xe1: {  	v28 =	vld [tilespmem:s22+$0x3810];
	v21 =	vbroadcast v15, $0xD;
	v8 =	vmul.f32 v24, v23;
	v63 =	vshll.u32 v55, $0x10  }
0xe2: {  	v0 =	vadd.f32 v4, v0;
	v2 =	vadd.f32 v7, v20;
	v4 =	vmul.f32 v34, v33  }
0xe3: {  	v40 =	vld [tilespmem:s22+$0x3840];
	v1 =	vadd.f32 v29, v1;
	v3 =	vadd.f32 v30, v3;
	v7 =	vmul.f32 v36, v35  }
0xe4: {  	v43 =	vld [tilespmem:s22+$0x3850];
	v39 =	vshll.u32 v31, $0x10;
	v18 =	vmul.f32 v63, v61;
	v2 =	vadd.f32 v4, v2  }
0xe5: {  	v62 =	vld [tilespmem:s22+$0x30D0];
	v1 =	vadd.f32 v5, v1;
	v3 =	vadd.f32 v7, v3;
	v5 =	vmul.f32 v46, v45  }
0xe6: {  	v19 =	vld [tilespmem:s22+$0x30F0];
	v20 =	vmul.f32 v55, v61;
	v29 =	vmul.f32 v16, v23;
	v36 =	vshll.u32 v28, $0x10  }
0xe7: {  	v7 =	vmul.f32 v48, v47;
	v2 =	vadd.f32 v42, v2;
	v3 =	vadd.f32 v5, v3  }
0xe8: {  	v26 =	vld [tilespmem:s22+$0x3800];
	v0 =	vadd.f32 v32, v0;
	v4 =	vmul.f32 v38, v45;
	v48 =	vshll.u32 v40, $0x10  }
0xe9: {  	v55 =	vld [tilespmem:s22+$0x3880];
	v2 =	vadd.f32 v7, v2;
	v3 =	vadd.f32 v54, v3;
	v7 =	vmul.f32 v60, v59  }
0xea: {  	v16 =	vld [tilespmem:s22+$0x38A0];
	v51 =	vshll.u32 v43, $0x10;
	v22 =	vshll.u32 v62, $0x10;
	v0 =	vadd.f32 v41, v0  }
0xeb: {  	v27 =	vshll.u32 v19, $0x10;
	v1 =	vadd.f32 v44, v1;
	v3 =	vadd.f32 v7, v3;
	v7 =	vld [tilespmem:s23+$0x300]  }
0xec: {  	v32 =	vmul.f32 v19, v25;
	v0 =	vadd.f32 v4, v0;
	v4 =	vmul.f32 v58, v57  }
0xed: {  	v52 =	vld [tilespmem:s22+$0x3870];
	v34 =	vshll.u32 v26, $0x10;
	v5 =	vmul.f32 v50, v57;
	v1 =	vadd.f32 v53, v1  }
0xee: {  	v30 =	vmul.f32 v27, v25;
	v63 =	vshll.u32 v55, $0x10;
	v2 =	vadd.f32 v4, v2  }
0xef: {  	v1 =	vadd.f32 v5, v1;
	v5 =	vmul.f32 v22, v21;
	v4 =	vmul.f32 v62, v21  }
0xf0: {  	v24 =	vshll.u32 v16, $0x10;
	v33 =	vbroadcast v7, $0x0;
	v35 =	vbroadcast v7, $0x1  }
0xf1: {  	v0 =	vadd.f32 v56, v0;
	v37 =	vbroadcast v7, $0x2;
	v45 =	vbroadcast v7, $0x3  }
0xf2: {  	v60 =	vshll.u32 v52, $0x10;
	v47 =	vbroadcast v7, $0x4;
	v49 =	vbroadcast v7, $0x5  }
0xf3: {  	v38 =	vld [tilespmem:s22+$0x3830];
	v0 =	vadd.f32 v17, v0;
	v57 =	vbroadcast v7, $0x6;
	v59 =	vbroadcast v7, $0x7  }
0xf4: {  	v2 =	vadd.f32 v18, v2;
	v61 =	vbroadcast v7, $0x8;
	v21 =	vbroadcast v7, $0x9  }
0xf5: {  	v19 =	vld [tilespmem:s22+$0x38B0];
	v3 =	vadd.f32 v5, v3;
	v23 =	vbroadcast v7, $0xA;
	v25 =	vbroadcast v7, $0xB  }
0xf6: {  	v0 =	vadd.f32 v4, v0;
	v4 =	vmul.f32 v34, v33;
	v5 =	vmul.f32 v26, v33  }
0xf7: {  	s25 =	sor.u32 s20, s19;
	v2 =	vadd.f32 v8, v2;
	v8 =	vmul.f32 v36, v35;
	v41 =	vmul.f32 v28, v35  }
0xf8: {  	v50 =	vld [tilespmem:s22+$0x3860];
	v46 =	vshll.u32 v38, $0x10;
	s23 =	sor.u32 $0x380, s25;
	v42 =	vmul.f32 v39, v37;
	v44 =	vmul.f32 v31, v37  }
0xf9: {  	v13 =	vld [tilespmem:s23+$0x0];
	v1 =	vadd.f32 v20, v1;
	v53 =	vmul.f32 v40, v47;
	v54 =	vmul.f32 v51, v49  }
0xfa: {  	v62 =	vld [tilespmem:s22+$0x3890];
	v27 =	vshll.u32 v19, $0x10;
	v56 =	vmul.f32 v43, v49;
	v17 =	vmul.f32 v52, v59  }
0xfb: {  	v1 =	vadd.f32 v29, v1;
	v18 =	vmul.f32 v63, v61;
	v20 =	vmul.f32 v55, v61  }
0xfc: {  	v3 =	vadd.f32 v30, v3;
	v26 =	vld [tilespmem:s22+$0x38C0];
	v29 =	vmul.f32 v16, v23;
	v30 =	vmul.f32 v27, v25  }
0xfd: {  	v0 =	vadd.f32 v32, v0;
	v28 =	vld [tilespmem:s22+$0x38D0];
	v32 =	vmul.f32 v19, v25;
	v33 =	vbroadcast v7, $0xC  }
0xfe: {  	v58 =	vshll.u32 v50, $0x10;
	v31 =	vld [tilespmem:s22+$0x38E0];
	v35 =	vbroadcast v7, $0xD;
	v49 =	vbroadcast v13, $0x1  }
0xff: {  	v22 =	vshll.u32 v62, $0x10;
	v36 =	vld [tilespmem:s22+$0x38F0];
	v61 =	vbroadcast v13, $0x4;
	v25 =	vbroadcast v13, $0x7  }
0x100: {  	v40 =	vld [tilespmem:s22+$0x4000];
	v2 =	vadd.f32 v4, v2;
	v1 =	vadd.f32 v5, v1;
	v5 =	vmul.f32 v46, v45  }
0x101: {  	v43 =	vld [tilespmem:s22+$0x4010];
	v3 =	vadd.f32 v8, v3;
	v4 =	vmul.f32 v38, v45;
	v8 =	vmul.f32 v48, v47  }
0x102: {  	v55 =	vld [tilespmem:s22+$0x4040];
	v0 =	vadd.f32 v41, v0;
	v38 =	vbroadcast v7, $0xE;
	v45 =	vbroadcast v7, $0xF  }
0x103: {  	v19 =	vld [tilespmem:s22+$0x4070];
	v47 =	vbroadcast v13, $0x0;
	v2 =	vadd.f32 v42, v2;
	v1 =	vadd.f32 v44, v1  }
0x104: {  	v3 =	vadd.f32 v5, v3;
	v0 =	vadd.f32 v4, v0;
	v4 =	vmul.f32 v58, v57  }
0x105: {  	v5 =	vmul.f32 v50, v57;
	v57 =	vbroadcast v13, $0x2;
	v34 =	vshll.u32 v26, $0x10  }
0x106: {  	v37 =	vshll.u32 v28, $0x10;
	v39 =	vshll.u32 v31, $0x10;
	v41 =	vmul.f32 v28, v35  }
0x107: {  	v44 =	vmul.f32 v31, v38;
	v46 =	vshll.u32 v36, $0x10;
	v48 =	vshll.u32 v40, $0x10  }
0x108: {  	v52 =	vld [tilespmem:s22+$0x4030];
	v51 =	vshll.u32 v43, $0x10;
	v63 =	vshll.u32 v55, $0x10;
	v27 =	vshll.u32 v19, $0x10  }
0x109: {  	v2 =	vadd.f32 v8, v2;
	v8 =	vmul.f32 v60, v59;
	v9 =	vmul.f32 v37, v35  }
0x10a: {  	v1 =	vadd.f32 v53, v1;
	v42 =	vmul.f32 v39, v38;
	v7 =	vmul.f32 v48, v47  }
0x10b: {  	v3 =	vadd.f32 v54, v3;
	v53 =	vmul.f32 v40, v47;
	v54 =	vmul.f32 v51, v49  }
0x10c: {  	v16 =	vld [tilespmem:s22+$0x4060];
	v0 =	vadd.f32 v56, v0;
	v56 =	vmul.f32 v43, v49;
	v59 =	vbroadcast v13, $0x3  }
0x10d: {  	v50 =	vld [tilespmem:s22+$0x4020];
	v60 =	vshll.u32 v52, $0x10;
	v35 =	vbroadcast v13, $0x9;
	v37 =	vbroadcast v13, $0xA  }
0x10e: {  	v47 =	vbroadcast v13, $0xC;
	v2 =	vadd.f32 v4, v2;
	v1 =	vadd.f32 v5, v1  }
0x10f: {  	v3 =	vadd.f32 v8, v3;
	v5 =	vmul.f32 v22, v21;
	v4 =	vmul.f32 v62, v21  }
0x110: {  	v31 =	vld [tilespmem:s22+$0x40A0];
	v0 =	vadd.f32 v17, v0;
	v8 =	vmul.f32 v24, v23;
	v17 =	vmul.f32 v52, v59  }
0x111: {  	v40 =	vld [tilespmem:s22+$0x40C0];
	v21 =	vbroadcast v13, $0x5;
	v23 =	vbroadcast v13, $0x6;
	v24 =	vshll.u32 v16, $0x10  }
0x112: {  	v52 =	vbroadcast v13, $0xD;
	v58 =	vshll.u32 v50, $0x10;
	v2 =	vadd.f32 v18, v2  }
0x113: {  	v1 =	vadd.f32 v20, v1;
	v0 =	vadd.f32 v4, v0;
	v4 =	vmul.f32 v34, v33  }
0x114: {  	v62 =	vld [tilespmem:s22+$0x4050];
	v3 =	vadd.f32 v5, v3;
	v5 =	vmul.f32 v26, v33;
	v18 =	vmul.f32 v63, v61  }
0x115: {  	v20 =	vmul.f32 v55, v61;
	v33 =	vbroadcast v13, $0x8;
	v39 =	vshll.u32 v31, $0x10  }
0x116: {  	v28 =	vld [tilespmem:s22+$0x4090];
	v49 =	vshll.u32 v40, $0x10;
	v2 =	vadd.f32 v8, v2;
	v1 =	vadd.f32 v29, v1  }
0x117: {  	v38 =	vld [tilespmem:s22+$0x40B0];
	v3 =	vadd.f32 v30, v3;
	v29 =	vmul.f32 v16, v23;
	v30 =	vmul.f32 v27, v25  }
0x118: {  	v0 =	vadd.f32 v32, v0;
	v32 =	vmul.f32 v19, v25;
	v51 =	vmul.f32 v49, v47  }
0x119: {  	v22 =	vshll.u32 v62, $0x10;
	v2 =	vadd.f32 v4, v2;
	v1 =	vadd.f32 v5, v1  }
0x11a: {  	v26 =	vld [tilespmem:s22+$0x4080];
	v3 =	vadd.f32 v9, v3;
	v0 =	vadd.f32 v41, v0;
	v5 =	vmul.f32 v46, v45  }
0x11b: {  	v48 =	vld [tilespmem:s22+$0x40E0];
	v4 =	vmul.f32 v36, v45;
	v36 =	vshll.u32 v28, $0x10;
	v41 =	vmul.f32 v28, v35  }
0x11c: {  	v45 =	vmul.f32 v31, v37;
	v46 =	vshll.u32 v38, $0x10;
	v2 =	vadd.f32 v42, v2  }
0x11d: {  	v43 =	vld [tilespmem:s22+$0x40D0];
	v1 =	vadd.f32 v44, v1;
	v0 =	vadd.f32 v4, v0;
	v4 =	vmul.f32 v58, v57  }
0x11e: {  	v3 =	vadd.f32 v5, v3;
	v5 =	vmul.f32 v50, v57;
	v42 =	vmul.f32 v39, v37  }
0x11f: {  	v34 =	vshll.u32 v26, $0x10;
	v44 =	vbroadcast v13, $0xB;
	v57 =	vbroadcast v13, $0xF  }
0x120: {  	v58 =	vshll.u32 v48, $0x10;
	v2 =	vadd.f32 v7, v2;
	v1 =	vadd.f32 v53, v1  }
0x121: {  	v3 =	vadd.f32 v54, v3;
	v0 =	vadd.f32 v56, v0;
	v7 =	vmul.f32 v60, v59  }
0x122: {  	v53 =	vmul.f32 v40, v47;
	v54 =	vshll.u32 v43, $0x10;
	v56 =	vbroadcast v13, $0xE  }
0x123: {  	v55 =	vmul.f32 v54, v52;
	v2 =	vadd.f32 v4, v2;
	v1 =	vadd.f32 v5, v1  }
0x124: {  	v3 =	vadd.f32 v7, v3;
	v5 =	vmul.f32 v22, v21;
	v4 =	vmul.f32 v62, v21  }
0x125: {  	v0 =	vadd.f32 v17, v0;
	v7 =	vmul.f32 v24, v23;
	v60 =	vmul.f32 v58, v56  }
0x126: {  	v62 =	vmul.f32 v48, v56;
	v2 =	vadd.f32 v18, v2;
	v3 =	vadd.f32 v5, v3  }
0x127: {  	v50 =	vld [tilespmem:s22+$0x40F0];
	v1 =	vadd.f32 v20, v1;
	v0 =	vadd.f32 v4, v0;
	v4 =	vmul.f32 v34, v33  }
0x128: {  	v2 =	vadd.f32 v7, v2;
	v3 =	vadd.f32 v30, v3;
	v7 =	vmul.f32 v36, v35  }
0x129: {  	v5 =	vmul.f32 v26, v33;
	v1 =	vadd.f32 v29, v1;
	v0 =	vadd.f32 v32, v0  }
0x12a: {  	v2 =	vadd.f32 v4, v2;
	v3 =	vadd.f32 v7, v3;
	v7 =	vmul.f32 v46, v44  }
0x12b: {  	v1 =	vadd.f32 v5, v1;
	v0 =	vadd.f32 v41, v0;
	v4 =	vmul.f32 v38, v44  }
0x12c: {  	v59 =	vshll.u32 v50, $0x10;
	v2 =	vadd.f32 v42, v2;
	v3 =	vadd.f32 v7, v3  }
0x12d: {  	v5 =	vmul.f32 v43, v52;
	v1 =	vadd.f32 v45, v1;
	v0 =	vadd.f32 v4, v0  }
0x12e: {  	v61 =	vmul.f32 v59, v57;
	v2 =	vadd.f32 v51, v2;
	v3 =	vadd.f32 v55, v3  }
0x12f: {  	v63 =	vmul.f32 v50, v57;
	v1 =	vadd.f32 v53, v1;
	v0 =	vadd.f32 v5, v0  }
0x130: {  	p1 =	sne.s32 s21, $0x9C0;
	v2 =	vadd.f32 v60, v2;
	v3 =	vadd.f32 v61, v3  }
.Ltmp0:
0x131: {  	v1 =	vadd.f32 v62, v1;
	v0 =	vadd.f32 v63, v0;
	(pc) =	sbr.rel @p1 .LBB2_3-.Ltmp0, $4  }
0x132: {  	v2 =	vadd.f32 v3, v2  }
0x133: {  	s26 =	sshra.s32 s20, $0x2;
	v0 =	vadd.f32 v0, v1  }
0x134: {  	s17 =	sadd.s32 $0x200, s17;
	[tilespmem:s26+$0x16800] =	vst v2  }
0x135: {  	s21 =	sadd.s32 $0x40, s21;
	s20 =	sadd.s32 $0x80, s20;
	s19 =	sadd.s32 $0x10, s19;
	[tilespmem:s26+$0x16810] =	vst v0  }
0x136: {  	p1 =	seq.s32 s16, $0x21  }
0x137: {  	s17 =	smul.u32 @!p1 $0x2800, s16;
	_ =	sdelay $0x1  }
0x138: {  	s21 =	smul.u32 $0xA00, s16;
	s19 =	sadd.s32 @!p1 s17, s8  }
0x139: {  	s19 =	sshrl.u32 @!p1 s19, $0x3  }
0x13a: {  	s20 =	simm.s32 @!p1 $0x0;
	s26 =	sadd.s32 s9, s21;
	s19 =	sadd.s32 @!p1 s4, s19  }
0x13b: {  	[tilespmem:s20], [sflag:$0x4] =	stream.linear.gather @!p1 [hbm4b:s19+s20], $0x1400, $0x38;
	[tilespmem:$0x17200] =	vst v63  }
0x13c: {  	s18 =	sor.u32 $0x1, s18;
	s19 =	sshrl.u32 s26, $0x3  }
0x13d: {  	p2 =	sgt.u32 s18, $0x42;
	s19 =	sadd.s32 s2, s19  }
0x13e: {  	[hbm4b:s19+s3] =	stream.linear.scatter [tilespmem:s11], [sflag:$0x3], $0x500, $0x38;
	[tilespmem:$0x17200] =	vst v63  }
0x13f: {  	s19 =	simm.s32 @!p2 $0x4  }
0x140: {  	_ =	swait.ge @!p2 [sflag:s19], $0x1400  }
0x141: {  	s21 =	simm.s32 @!p2 $0x2800;
	[sflag:s19] =	ssyncset.done @!p2 $0x0  }
0x142: {  	s20 =	simm.s32 @!p2 $0x0;
	[sflag:s19] =	ssyncadd.s32 @!p2 $0xFFFFEC00;
	s19 =	simm.s32 @!p2 $0x80  }
0x143: {  	[tilespmem:s21], [sflag:$0x1] =	stream.indirect.gather @!p2 [hbm4b:s6+s19], $0x10, s20, s19, $0xb8;
	[tilespmem:$0x17200] =	vst v63  }
0x144: {  	s20 =	simm.s32 @!p2 $0x3000  }
0x145: {  	[tilespmem:s20], [sflag:$0x1] =	stream.indirect.gather @!p2 [hbm4b:s6+s19], $0x10, s19, s19, $0xb8;
	[tilespmem:$0x17200] =	vst v63  }
0x146: {  	s21 =	simm.s32 @!p2 $0x3800;
	s20 =	simm.s32 @!p2 $0x100  }
0x147: {  	[tilespmem:s21], [sflag:$0x1] =	stream.indirect.gather @!p2 [hbm4b:s6+s19], $0x10, s20, s19, $0xb8;
	[tilespmem:$0x17200] =	vst v63  }
0x148: {  	s20 =	simm.s32 @!p2 $0x180;
	s21 =	simm.s32 @!p2 $0x4000  }
0x149: {  	[tilespmem:s21], [sflag:$0x1] =	stream.indirect.gather @!p2 [hbm4b:s6+s19], $0x10, s20, s19, $0xb8;
	[tilespmem:$0x17200] =	vst v63  }
0x14a: {  	s20 =	simm.s32 @!p2 $0x400;
	s21 =	simm.s32 @!p2 $0x4800  }
0x14b: {  	[tilespmem:s21], [sflag:$0x1] =	stream.indirect.gather @!p2 [hbm4b:s6+s19], $0x10, s20, s19, $0xb8;
	[tilespmem:$0x17200] =	vst v63  }
0x14c: {  	s20 =	simm.s32 @!p2 $0x480;
	s21 =	simm.s32 @!p2 $0x5000  }
0x14d: {  	[tilespmem:s21], [sflag:$0x1] =	stream.indirect.gather @!p2 [hbm4b:s6+s19], $0x10, s20, s19, $0xb8;
	[tilespmem:$0x17200] =	vst v63  }
0x14e: {  	s20 =	simm.s32 @!p2 $0x500;
	s21 =	simm.s32 @!p2 $0x5800  }
0x14f: {  	[tilespmem:s21], [sflag:$0x1] =	stream.indirect.gather @!p2 [hbm4b:s6+s19], $0x10, s20, s19, $0xb8;
	[tilespmem:$0x17200] =	vst v63  }
0x150: {  	s20 =	simm.s32 @!p2 $0x580;
	s21 =	simm.s32 @!p2 $0x6000  }
0x151: {  	[tilespmem:s21], [sflag:$0x1] =	stream.indirect.gather @!p2 [hbm4b:s6+s19], $0x10, s20, s19, $0xb8;
	[tilespmem:$0x17200] =	vst v63  }
0x152: {  	s20 =	simm.s32 @!p2 $0x800;
	s21 =	simm.s32 @!p2 $0x6800  }
0x153: {  	[tilespmem:s21], [sflag:$0x1] =	stream.indirect.gather @!p2 [hbm4b:s6+s19], $0x10, s20, s19, $0xb8;
	[tilespmem:$0x17200] =	vst v63  }
0x154: {  	s20 =	simm.s32 @!p2 $0x880;
	s21 =	simm.s32 @!p2 $0x7000  }
0x155: {  	[tilespmem:s21], [sflag:$0x1] =	stream.indirect.gather @!p2 [hbm4b:s6+s19], $0x10, s20, s19, $0xb8;
	[tilespmem:$0x17200] =	vst v63  }
0x156: {  	s20 =	simm.s32 @!p2 $0x900;
	s21 =	simm.s32 @!p2 $0x7800  }
0x157: {  	[tilespmem:s21], [sflag:$0x1] =	stream.indirect.gather @!p2 [hbm4b:s6+s19], $0x10, s20, s19, $0xb8;
	[tilespmem:$0x17200] =	vst v63  }
0x158: {  	s20 =	simm.s32 @!p2 $0x980;
	s21 =	simm.s32 @!p2 $0x8000  }
0x159: {  	[tilespmem:s21], [sflag:$0x1] =	stream.indirect.gather @!p2 [hbm4b:s6+s19], $0x10, s20, s19, $0xb8;
	[tilespmem:$0x17200] =	vst v63  }
0x15a: {  	s20 =	simm.s32 @!p2 $0xC00;
	s21 =	simm.s32 @!p2 $0x8800  }
0x15b: {  	[tilespmem:s21], [sflag:$0x1] =	stream.indirect.gather @!p2 [hbm4b:s6+s19], $0x10, s20, s19, $0xb8;
	[tilespmem:$0x17200] =	vst v63  }
0x15c: {  	s20 =	simm.s32 @!p2 $0xC80;
	s21 =	simm.s32 @!p2 $0x9000  }
0x15d: {  	[tilespmem:s21], [sflag:$0x1] =	stream.indirect.gather @!p2 [hbm4b:s6+s19], $0x10, s20, s19, $0xb8;
	[tilespmem:$0x17200] =	vst v63  }
0x15e: {  	s20 =	simm.s32 @!p2 $0xD00;
	s21 =	simm.s32 @!p2 $0x9800  }
0x15f: {  	[tilespmem:s21], [sflag:$0x1] =	stream.indirect.gather @!p2 [hbm4b:s6+s19], $0x10, s20, s19, $0xb8;
	[tilespmem:$0x17200] =	vst v63  }
0x160: {  	s20 =	simm.s32 @!p2 $0xD80;
	s21 =	simm.s32 @!p2 $0xA000  }
0x161: {  	[tilespmem:s21], [sflag:$0x1] =	stream.indirect.gather @!p2 [hbm4b:s6+s19], $0x10, s20, s19, $0xb8;
	[tilespmem:$0x17200] =	vst v63  }
0x162: {  	s20 =	simm.s32 @!p2 $0x1000;
	s21 =	simm.s32 @!p2 $0xA800  }
0x163: {  	[tilespmem:s21], [sflag:$0x1] =	stream.indirect.gather @!p2 [hbm4b:s6+s19], $0x10, s20, s19, $0xb8;
	[tilespmem:$0x17200] =	vst v63  }
0x164: {  	s20 =	simm.s32 @!p2 $0x1080;
	s21 =	simm.s32 @!p2 $0xB000  }
0x165: {  	[tilespmem:s21], [sflag:$0x1] =	stream.indirect.gather @!p2 [hbm4b:s6+s19], $0x10, s20, s19, $0xb8;
	[tilespmem:$0x17200] =	vst v63  }
0x166: {  	s20 =	simm.s32 @!p2 $0x1100;
	s21 =	simm.s32 @!p2 $0xB800  }
0x167: {  	[tilespmem:s21], [sflag:$0x1] =	stream.indirect.gather @!p2 [hbm4b:s6+s19], $0x10, s20, s19, $0xb8;
	[tilespmem:$0x17200] =	vst v63  }
0x168: {  	s20 =	simm.s32 @!p2 $0x1180;
	s21 =	simm.s32 @!p2 $0xC000  }
0x169: {  	[tilespmem:s21], [sflag:$0x1] =	stream.indirect.gather @!p2 [hbm4b:s6+s19], $0x10, s20, s19, $0xb8;
	[tilespmem:$0x17200] =	vst v63  }
0x16a: {  	_ =	swait.ge [sflag:s5], $0x800  }
0x16b: {  	[sflag:s5] =	ssyncset.done $0x0  }
0x16c: {  	[sflag:s5] =	ssyncadd.s32 $0xFFFFF800  }
0x16d: {  	_ =	swait.ge [sflag:s5], $0x800  }
0x16e: {  	[sflag:s5] =	ssyncset.done $0x0  }
0x16f: {  	[sflag:s5] =	ssyncadd.s32 $0xFFFFF800  }
0x170: {  	_ =	swait.ge [sflag:s5], $0x800  }
0x171: {  	[sflag:s5] =	ssyncset.done $0x0  }
0x172: {  	[sflag:s5] =	ssyncadd.s32 $0xFFFFF800  }
0x173: {  	_ =	swait.ge [sflag:s5], $0x800  }
0x174: {  	[sflag:s5] =	ssyncset.done $0x0  }
0x175: {  	[sflag:s5] =	ssyncadd.s32 $0xFFFFF800  }
0x176: {  	_ =	swait.ge [sflag:s5], $0x800  }
0x177: {  	[sflag:s5] =	ssyncset.done $0x0  }
0x178: {  	[sflag:s5] =	ssyncadd.s32 $0xFFFFF800  }
0x179: {  	_ =	swait.ge [sflag:s5], $0x800  }
0x17a: {  	[sflag:s5] =	ssyncset.done $0x0  }
0x17b: {  	[sflag:s5] =	ssyncadd.s32 $0xFFFFF800  }
0x17c: {  	_ =	swait.ge [sflag:s5], $0x800  }
0x17d: {  	[sflag:s5] =	ssyncset.done $0x0  }
0x17e: {  	[sflag:s5] =	ssyncadd.s32 $0xFFFFF800  }
0x17f: {  	_ =	swait.ge [sflag:s5], $0x800  }
0x180: {  	[sflag:s5] =	ssyncset.done $0x0  }
0x181: {  	[sflag:s5] =	ssyncadd.s32 $0xFFFFF800  }
0x182: {  	_ =	swait.ge [sflag:s5], $0x800  }
0x183: {  	[sflag:s5] =	ssyncset.done $0x0  }
0x184: {  	[sflag:s5] =	ssyncadd.s32 $0xFFFFF800  }
0x185: {  	_ =	swait.ge [sflag:s5], $0x800  }
0x186: {  	[sflag:s5] =	ssyncset.done $0x0  }
0x187: {  	[sflag:s5] =	ssyncadd.s32 $0xFFFFF800  }
0x188: {  	_ =	swait.ge [sflag:s5], $0x800  }
0x189: {  	[sflag:s5] =	ssyncset.done $0x0  }
0x18a: {  	[sflag:s5] =	ssyncadd.s32 $0xFFFFF800  }
0x18b: {  	_ =	swait.ge [sflag:s5], $0x800  }
0x18c: {  	[sflag:s5] =	ssyncset.done $0x0  }
0x18d: {  	[sflag:s5] =	ssyncadd.s32 $0xFFFFF800  }
0x18e: {  	_ =	swait.ge [sflag:s5], $0x800  }
0x18f: {  	[sflag:s5] =	ssyncset.done $0x0  }
0x190: {  	[sflag:s5] =	ssyncadd.s32 $0xFFFFF800  }
0x191: {  	_ =	swait.ge [sflag:s5], $0x800  }
0x192: {  	[sflag:s5] =	ssyncset.done $0x0  }
0x193: {  	[sflag:s5] =	ssyncadd.s32 $0xFFFFF800  }
0x194: {  	_ =	swait.ge [sflag:s5], $0x800  }
0x195: {  	[sflag:s5] =	ssyncset.done $0x0  }
0x196: {  	[sflag:s5] =	ssyncadd.s32 $0xFFFFF800  }
0x197: {  	_ =	swait.ge [sflag:s5], $0x800  }
0x198: {  	[sflag:s5] =	ssyncset.done $0x0  }
0x199: {  	[sflag:s5] =	ssyncadd.s32 $0xFFFFF800  }
0x19a: {  	_ =	swait.ge [sflag:s5], $0x800  }
0x19b: {  	[sflag:s5] =	ssyncset.done $0x0  }
0x19c: {  	[sflag:s5] =	ssyncadd.s32 $0xFFFFF800  }
0x19d: {  	_ =	swait.ge [sflag:s5], $0x800  }
0x19e: {  	[sflag:s5] =	ssyncset.done $0x0  }
0x19f: {  	[sflag:s5] =	ssyncadd.s32 $0xFFFFF800  }
0x1a0: {  	_ =	swait.ge [sflag:s5], $0x800  }
0x1a1: {  	[sflag:s5] =	ssyncset.done $0x0  }
0x1a2: {  	[sflag:s5] =	ssyncadd.s32 $0xFFFFF800  }
0x1a3: {  	_ =	swait.ge [sflag:s5], $0x800  }
0x1a4: {  	[sflag:s5] =	ssyncset.done $0x0  }
0x1a5: {  	s19 =	simm.s32 @!p0 $0x3;
	[sflag:s5] =	ssyncadd.s32 $0xFFFFF800  }
0x1a6: {  	_ =	swait.ge @!p0 [sflag:s19], $0x500  }
0x1a7: {  	s22 =	simm.s32 $0x0;
	s20 =	simm.s32 $0x0;
	[sflag:s19] =	ssyncset.done @!p0 $0x0  }
0x1a8: {  	s21 =	simm.s32 $0x0;
	[sflag:s19] =	ssyncadd.s32 @!p0 $0xFFFFFB00;
	s19 =	simm.s32 $0x0  }
.LBB2_5:
0x1a9: {  	s23 =	sand.u32 $0x7000, s19  }
0x1aa: {  	s24 =	sand.u32 $0x70, s20;
	s23 =	sshrl.u32 s23, $0x2  }
0x1ab: {  	s26 =	sand.u32 $0xE00, s22;
	s25 =	sor.u32 s24, s23  }
0x1ac: {  	s26 =	sor.u32 s24, s26;
	v0 =	vld [tilespmem:s25+$0x1600]  }
0x1ad: {  	s23 =	sshll.u32 s26, $0x4  }
0x1ae: {  	v1 =	vld [tilespmem:s23+$0xC800]  }
0x1af: {  	v2 =	vld [tilespmem:s23+$0xC810]  }
0x1b0: {  	v6 =	vld [tilespmem:s23+$0xC820]  }
0x1b1: {  	v8 =	vld [tilespmem:s23+$0xC830];
	v3 =	vbroadcast v0, $0x0  }
0x1b2: {  	v63 =	vld [tilespmem:s23+$0xC840];
	v5 =	vbroadcast v0, $0x1;
	v16 =	vbroadcast v0, $0x2  }
0x1b3: {  	v13 =	vld [tilespmem:s23+$0xC850];
	v10 =	vbroadcast v0, $0x3;
	v12 =	vbroadcast v0, $0x4  }
0x1b4: {  	v15 =	vld [tilespmem:s25+$0x1680];
	v4 =	vshll.u32 v1, $0x10;
	v22 =	vbroadcast v0, $0x5;
	v24 =	vbroadcast v0, $0x6  }
0x1b5: {  	v14 =	vld [tilespmem:s23+$0xC860];
	v7 =	vshll.u32 v2, $0x10;
	v26 =	vbroadcast v0, $0x7;
	v34 =	vbroadcast v0, $0x8  }
0x1b6: {  	v20 =	vld [tilespmem:s23+$0xC870];
	v9 =	vshll.u32 v6, $0x10;
	v36 =	vbroadcast v0, $0x9;
	v38 =	vbroadcast v0, $0xA  }
0x1b7: {  	v27 =	vld [tilespmem:s23+$0xC880];
	v11 =	vshll.u32 v8, $0x10;
	v46 =	vbroadcast v0, $0xB;
	v48 =	vbroadcast v0, $0xC  }
0x1b8: {  	v29 =	vld [tilespmem:s23+$0xC890];
	v18 =	vshll.u32 v63, $0x10;
	v51 =	vbroadcast v0, $0xD;
	v58 =	vbroadcast v0, $0xE  }
0x1b9: {  	v32 =	vld [tilespmem:s23+$0xC8A0];
	v23 =	vshll.u32 v13, $0x10;
	v0 =	vbroadcast v0, $0xF;
	v61 =	vbroadcast v15, $0x0  }
0x1ba: {  	v39 =	vld [tilespmem:s23+$0xC8B0];
	v25 =	vshll.u32 v14, $0x10;
	v4 =	vmul.f32 v4, v3;
	v1 =	vmul.f32 v1, v3  }
0x1bb: {  	v41 =	vld [tilespmem:s23+$0xC8C0];
	v28 =	vshll.u32 v20, $0x10;
	v62 =	vmul.f32 v7, v5;
	v2 =	vmul.f32 v2, v5  }
0x1bc: {  	v44 =	vld [tilespmem:s23+$0xC8D0];
	v35 =	vshll.u32 v27, $0x10;
	v9 =	vmul.f32 v9, v16;
	v5 =	vmul.f32 v6, v16  }
0x1bd: {  	v49 =	vld [tilespmem:s23+$0xC8E0];
	v37 =	vshll.u32 v29, $0x10;
	v17 =	vmul.f32 v11, v10;
	v8 =	vmul.f32 v8, v10  }
0x1be: {  	v52 =	vld [tilespmem:s23+$0xC8F0];
	v40 =	vshll.u32 v32, $0x10;
	v19 =	vmul.f32 v18, v12;
	v21 =	vmul.f32 v63, v12  }
0x1bf: {  	v47 =	vshll.u32 v39, $0x10;
	v6 =	vmul.f32 v13, v22;
	v30 =	vmul.f32 v14, v24  }
0x1c0: {  	v50 =	vshll.u32 v41, $0x10;
	v31 =	vmul.f32 v28, v26;
	v33 =	vmul.f32 v20, v26  }
0x1c1: {  	v56 =	vld [tilespmem:s23+$0xD000];
	v53 =	vshll.u32 v44, $0x10;
	v42 =	vmul.f32 v29, v36;
	v43 =	vmul.f32 v40, v38  }
0x1c2: {  	v59 =	vshll.u32 v49, $0x10;
	v45 =	vmul.f32 v32, v38;
	v54 =	vmul.f32 v41, v48  }
0x1c3: {  	v60 =	vshll.u32 v52, $0x10;
	v55 =	vmul.f32 v53, v51;
	v57 =	vmul.f32 v44, v51;
	v16 =	vld [tilespmem:s23+$0xD020]  }
0x1c4: {  	v7 =	vmul.f32 v60, v0;
	v40 =	vld [tilespmem:s23+$0xD080];
	v4 =	vadd.f32 $0.0e+00, v4;
	v1 =	vadd.f32 $0.0e+00, v1  }
0x1c5: {  	v0 =	vmul.f32 v52, v0;
	v52 =	vld [tilespmem:s23+$0xD0B0];
	v3 =	vadd.f32 $0.0e+00, v62;
	v2 =	vadd.f32 $0.0e+00, v2  }
0x1c6: {  	v63 =	vshll.u32 v56, $0x10;
	v4 =	vadd.f32 v9, v4;
	v1 =	vadd.f32 v5, v1  }
0x1c7: {  	v2 =	vadd.f32 v8, v2;
	v5 =	vmul.f32 v23, v22;
	v8 =	vmul.f32 v25, v24  }
0x1c8: {  	v18 =	vld [tilespmem:s23+$0xD030];
	v3 =	vadd.f32 v17, v3;
	v9 =	vmul.f32 v50, v48;
	v17 =	vmul.f32 v63, v61  }
0x1c9: {  	v26 =	vld [tilespmem:s23+$0xD040];
	v23 =	vbroadcast v15, $0x2;
	v25 =	vbroadcast v15, $0x3;
	v24 =	vshll.u32 v16, $0x10  }
0x1ca: {  	v62 =	vld [tilespmem:s23+$0xD010];
	v48 =	vshll.u32 v40, $0x10;
	v60 =	vshll.u32 v52, $0x10;
	v4 =	vadd.f32 v19, v4  }
0x1cb: {  	v1 =	vadd.f32 v21, v1;
	v2 =	vadd.f32 v6, v2;
	v6 =	vmul.f32 v35, v34  }
0x1cc: {  	v3 =	vadd.f32 v5, v3;
	v5 =	vmul.f32 v27, v34;
	v19 =	vmul.f32 v56, v61  }
0x1cd: {  	v28 =	vld [tilespmem:s23+$0xD050];
	v21 =	vbroadcast v15, $0x1;
	v27 =	vshll.u32 v18, $0x10;
	v29 =	vmul.f32 v16, v23  }
0x1ce: {  	v32 =	vmul.f32 v18, v25;
	v34 =	vshll.u32 v26, $0x10;
	v35 =	vbroadcast v15, $0x5  }
0x1cf: {  	v61 =	vbroadcast v15, $0xC;
	v22 =	vshll.u32 v62, $0x10;
	v4 =	vadd.f32 v8, v4  }
0x1d0: {  	v38 =	vld [tilespmem:s23+$0xD070];
	v1 =	vadd.f32 v30, v1;
	v3 =	vadd.f32 v31, v3;
	v8 =	vmul.f32 v37, v36  }
0x1d1: {  	v2 =	vadd.f32 v33, v2;
	v30 =	vmul.f32 v27, v25;
	v33 =	vbroadcast v15, $0x4  }
0x1d2: {  	v36 =	vshll.u32 v28, $0x10;
	v37 =	vbroadcast v15, $0x6;
	v41 =	vmul.f32 v28, v35  }
0x1d3: {  	v50 =	vld [tilespmem:s23+$0xD0A0];
	v25 =	vbroadcast v15, $0xF;
	v4 =	vadd.f32 v6, v4;
	v1 =	vadd.f32 v5, v1  }
0x1d4: {  	v31 =	vld [tilespmem:s23+$0xD060];
	v3 =	vadd.f32 v8, v3;
	v2 =	vadd.f32 v42, v2;
	v6 =	vmul.f32 v39, v46  }
0x1d5: {  	v5 =	vmul.f32 v47, v46;
	v46 =	vshll.u32 v38, $0x10;
	v47 =	vbroadcast v15, $0x8  }
0x1d6: {  	v1 =	vadd.f32 v45, v1;
	v2 =	vadd.f32 v6, v2;
	v6 =	vmul.f32 v59, v58  }
0x1d7: {  	v3 =	vadd.f32 v5, v3;
	v5 =	vmul.f32 v49, v58;
	v45 =	vbroadcast v15, $0x7  }
0x1d8: {  	v4 =	vadd.f32 v43, v4;
	v49 =	vbroadcast v15, $0x9;
	v53 =	vmul.f32 v40, v47  }
0x1d9: {  	v16 =	vld [tilespmem:s23+$0xD0E0];
	v58 =	vshll.u32 v50, $0x10;
	v59 =	vbroadcast v15, $0xB;
	v39 =	vshll.u32 v31, $0x10  }
0x1da: {  	v43 =	vld [tilespmem:s23+$0xD090];
	v44 =	vmul.f32 v31, v37;
	v4 =	vadd.f32 v9, v4;
	v1 =	vadd.f32 v54, v1  }
0x1db: {  	v3 =	vadd.f32 v55, v3;
	v2 =	vadd.f32 v57, v2;
	v42 =	vmul.f32 v39, v37  }
0x1dc: {  	v57 =	vbroadcast v15, $0xA;
	v4 =	vadd.f32 v6, v4;
	v1 =	vadd.f32 v5, v1  }
0x1dd: {  	v55 =	vld [tilespmem:s23+$0xD0C0];
	v3 =	vadd.f32 v7, v3;
	v0 =	vadd.f32 v0, v2;
	v5 =	vmul.f32 v22, v21  }
0x1de: {  	v7 =	vmul.f32 v24, v23;
	v23 =	vbroadcast v15, $0xE;
	v24 =	vshll.u32 v16, $0x10  }
0x1df: {  	v51 =	vshll.u32 v43, $0x10;
	v56 =	vmul.f32 v43, v49;
	v20 =	vadd.f32 v17, v4  }
0x1e0: {  	v31 =	vld [tilespmem:s23+$0xD820];
	v4 =	vmul.f32 v62, v21;
	v3 =	vadd.f32 v5, v3;
	v5 =	vmul.f32 v26, v33  }
0x1e1: {  	v1 =	vadd.f32 v19, v1;
	v54 =	vmul.f32 v51, v49;
	v17 =	vmul.f32 v52, v59  }
0x1e2: {  	v28 =	vld [tilespmem:s23+$0xD810];
	v21 =	vbroadcast v15, $0xD;
	v8 =	vmul.f32 v24, v23;
	v63 =	vshll.u32 v55, $0x10  }
0x1e3: {  	v0 =	vadd.f32 v4, v0;
	v2 =	vadd.f32 v7, v20;
	v4 =	vmul.f32 v34, v33  }
0x1e4: {  	v40 =	vld [tilespmem:s23+$0xD840];
	v1 =	vadd.f32 v29, v1;
	v3 =	vadd.f32 v30, v3;
	v7 =	vmul.f32 v36, v35  }
0x1e5: {  	v43 =	vld [tilespmem:s23+$0xD850];
	v39 =	vshll.u32 v31, $0x10;
	v18 =	vmul.f32 v63, v61;
	v2 =	vadd.f32 v4, v2  }
0x1e6: {  	v62 =	vld [tilespmem:s23+$0xD0D0];
	v1 =	vadd.f32 v5, v1;
	v3 =	vadd.f32 v7, v3;
	v5 =	vmul.f32 v46, v45  }
0x1e7: {  	v19 =	vld [tilespmem:s23+$0xD0F0];
	v20 =	vmul.f32 v55, v61;
	v29 =	vmul.f32 v16, v23;
	v36 =	vshll.u32 v28, $0x10  }
0x1e8: {  	v7 =	vmul.f32 v48, v47;
	v2 =	vadd.f32 v42, v2;
	v3 =	vadd.f32 v5, v3  }
0x1e9: {  	v26 =	vld [tilespmem:s23+$0xD800];
	v0 =	vadd.f32 v32, v0;
	v4 =	vmul.f32 v38, v45;
	v48 =	vshll.u32 v40, $0x10  }
0x1ea: {  	v55 =	vld [tilespmem:s23+$0xD880];
	v2 =	vadd.f32 v7, v2;
	v3 =	vadd.f32 v54, v3;
	v7 =	vmul.f32 v60, v59  }
0x1eb: {  	v16 =	vld [tilespmem:s23+$0xD8A0];
	v51 =	vshll.u32 v43, $0x10;
	v22 =	vshll.u32 v62, $0x10;
	v0 =	vadd.f32 v41, v0  }
0x1ec: {  	v27 =	vshll.u32 v19, $0x10;
	v1 =	vadd.f32 v44, v1;
	v3 =	vadd.f32 v7, v3;
	v7 =	vld [tilespmem:s25+$0x1700]  }
0x1ed: {  	v32 =	vmul.f32 v19, v25;
	v0 =	vadd.f32 v4, v0;
	v4 =	vmul.f32 v58, v57  }
0x1ee: {  	v52 =	vld [tilespmem:s23+$0xD870];
	v34 =	vshll.u32 v26, $0x10;
	v5 =	vmul.f32 v50, v57;
	v1 =	vadd.f32 v53, v1  }
0x1ef: {  	v30 =	vmul.f32 v27, v25;
	v63 =	vshll.u32 v55, $0x10;
	v2 =	vadd.f32 v4, v2  }
0x1f0: {  	v1 =	vadd.f32 v5, v1;
	v5 =	vmul.f32 v22, v21;
	v4 =	vmul.f32 v62, v21  }
0x1f1: {  	v24 =	vshll.u32 v16, $0x10;
	v33 =	vbroadcast v7, $0x0;
	v35 =	vbroadcast v7, $0x1  }
0x1f2: {  	v0 =	vadd.f32 v56, v0;
	v37 =	vbroadcast v7, $0x2;
	v45 =	vbroadcast v7, $0x3  }
0x1f3: {  	v60 =	vshll.u32 v52, $0x10;
	v47 =	vbroadcast v7, $0x4;
	v49 =	vbroadcast v7, $0x5  }
0x1f4: {  	v38 =	vld [tilespmem:s23+$0xD830];
	v0 =	vadd.f32 v17, v0;
	v57 =	vbroadcast v7, $0x6;
	v59 =	vbroadcast v7, $0x7  }
0x1f5: {  	v2 =	vadd.f32 v18, v2;
	v61 =	vbroadcast v7, $0x8;
	v21 =	vbroadcast v7, $0x9  }
0x1f6: {  	v19 =	vld [tilespmem:s23+$0xD8B0];
	v3 =	vadd.f32 v5, v3;
	v23 =	vbroadcast v7, $0xA;
	v25 =	vbroadcast v7, $0xB  }
0x1f7: {  	s26 =	sor.u32 $0x380, s21;
	v0 =	vadd.f32 v4, v0;
	v4 =	vmul.f32 v34, v33;
	v5 =	vmul.f32 v26, v33  }
0x1f8: {  	s24 =	sadd.s32 s24, s26;
	v2 =	vadd.f32 v8, v2;
	v8 =	vmul.f32 v36, v35;
	v41 =	vmul.f32 v28, v35  }
0x1f9: {  	v13 =	vld [tilespmem:s24+$0x1400];
	v46 =	vshll.u32 v38, $0x10;
	v42 =	vmul.f32 v39, v37;
	v44 =	vmul.f32 v31, v37  }
0x1fa: {  	v50 =	vld [tilespmem:s23+$0xD860];
	v1 =	vadd.f32 v20, v1;
	v53 =	vmul.f32 v40, v47;
	v54 =	vmul.f32 v51, v49  }
0x1fb: {  	v62 =	vld [tilespmem:s23+$0xD890];
	v27 =	vshll.u32 v19, $0x10;
	v56 =	vmul.f32 v43, v49;
	v17 =	vmul.f32 v52, v59  }
0x1fc: {  	v1 =	vadd.f32 v29, v1;
	v18 =	vmul.f32 v63, v61;
	v20 =	vmul.f32 v55, v61  }
0x1fd: {  	v3 =	vadd.f32 v30, v3;
	v26 =	vld [tilespmem:s23+$0xD8C0];
	v29 =	vmul.f32 v16, v23;
	v30 =	vmul.f32 v27, v25  }
0x1fe: {  	v0 =	vadd.f32 v32, v0;
	v28 =	vld [tilespmem:s23+$0xD8D0];
	v32 =	vmul.f32 v19, v25;
	v33 =	vbroadcast v7, $0xC  }
0x1ff: {  	v58 =	vshll.u32 v50, $0x10;
	v31 =	vld [tilespmem:s23+$0xD8E0];
	v35 =	vbroadcast v7, $0xD;
	v49 =	vbroadcast v13, $0x1  }
0x200: {  	v22 =	vshll.u32 v62, $0x10;
	v36 =	vld [tilespmem:s23+$0xD8F0];
	v61 =	vbroadcast v13, $0x4;
	v25 =	vbroadcast v13, $0x7  }
0x201: {  	v40 =	vld [tilespmem:s23+$0xE000];
	v2 =	vadd.f32 v4, v2;
	v1 =	vadd.f32 v5, v1;
	v5 =	vmul.f32 v46, v45  }
0x202: {  	v43 =	vld [tilespmem:s23+$0xE010];
	v3 =	vadd.f32 v8, v3;
	v4 =	vmul.f32 v38, v45;
	v8 =	vmul.f32 v48, v47  }
0x203: {  	v55 =	vld [tilespmem:s23+$0xE040];
	v0 =	vadd.f32 v41, v0;
	v38 =	vbroadcast v7, $0xE;
	v45 =	vbroadcast v7, $0xF  }
0x204: {  	v19 =	vld [tilespmem:s23+$0xE070];
	v47 =	vbroadcast v13, $0x0;
	v2 =	vadd.f32 v42, v2;
	v1 =	vadd.f32 v44, v1  }
0x205: {  	v3 =	vadd.f32 v5, v3;
	v0 =	vadd.f32 v4, v0;
	v4 =	vmul.f32 v58, v57  }
0x206: {  	v5 =	vmul.f32 v50, v57;
	v57 =	vbroadcast v13, $0x2;
	v34 =	vshll.u32 v26, $0x10  }
0x207: {  	v37 =	vshll.u32 v28, $0x10;
	v39 =	vshll.u32 v31, $0x10;
	v41 =	vmul.f32 v28, v35  }
0x208: {  	v44 =	vmul.f32 v31, v38;
	v46 =	vshll.u32 v36, $0x10;
	v48 =	vshll.u32 v40, $0x10  }
0x209: {  	v52 =	vld [tilespmem:s23+$0xE030];
	v51 =	vshll.u32 v43, $0x10;
	v63 =	vshll.u32 v55, $0x10;
	v27 =	vshll.u32 v19, $0x10  }
0x20a: {  	v2 =	vadd.f32 v8, v2;
	v8 =	vmul.f32 v60, v59;
	v9 =	vmul.f32 v37, v35  }
0x20b: {  	v1 =	vadd.f32 v53, v1;
	v42 =	vmul.f32 v39, v38;
	v7 =	vmul.f32 v48, v47  }
0x20c: {  	v3 =	vadd.f32 v54, v3;
	v53 =	vmul.f32 v40, v47;
	v54 =	vmul.f32 v51, v49  }
0x20d: {  	v16 =	vld [tilespmem:s23+$0xE060];
	v0 =	vadd.f32 v56, v0;
	v56 =	vmul.f32 v43, v49;
	v59 =	vbroadcast v13, $0x3  }
0x20e: {  	v50 =	vld [tilespmem:s23+$0xE020];
	v60 =	vshll.u32 v52, $0x10;
	v35 =	vbroadcast v13, $0x9;
	v37 =	vbroadcast v13, $0xA  }
0x20f: {  	v47 =	vbroadcast v13, $0xC;
	v2 =	vadd.f32 v4, v2;
	v1 =	vadd.f32 v5, v1  }
0x210: {  	v3 =	vadd.f32 v8, v3;
	v5 =	vmul.f32 v22, v21;
	v4 =	vmul.f32 v62, v21  }
0x211: {  	v31 =	vld [tilespmem:s23+$0xE0A0];
	v0 =	vadd.f32 v17, v0;
	v8 =	vmul.f32 v24, v23;
	v17 =	vmul.f32 v52, v59  }
0x212: {  	v40 =	vld [tilespmem:s23+$0xE0C0];
	v21 =	vbroadcast v13, $0x5;
	v23 =	vbroadcast v13, $0x6;
	v24 =	vshll.u32 v16, $0x10  }
0x213: {  	v52 =	vbroadcast v13, $0xD;
	v58 =	vshll.u32 v50, $0x10;
	v2 =	vadd.f32 v18, v2  }
0x214: {  	v1 =	vadd.f32 v20, v1;
	v0 =	vadd.f32 v4, v0;
	v4 =	vmul.f32 v34, v33  }
0x215: {  	v62 =	vld [tilespmem:s23+$0xE050];
	v3 =	vadd.f32 v5, v3;
	v5 =	vmul.f32 v26, v33;
	v18 =	vmul.f32 v63, v61  }
0x216: {  	v20 =	vmul.f32 v55, v61;
	v33 =	vbroadcast v13, $0x8;
	v39 =	vshll.u32 v31, $0x10  }
0x217: {  	v28 =	vld [tilespmem:s23+$0xE090];
	v49 =	vshll.u32 v40, $0x10;
	v2 =	vadd.f32 v8, v2;
	v1 =	vadd.f32 v29, v1  }
0x218: {  	v38 =	vld [tilespmem:s23+$0xE0B0];
	v3 =	vadd.f32 v30, v3;
	v29 =	vmul.f32 v16, v23;
	v30 =	vmul.f32 v27, v25  }
0x219: {  	v0 =	vadd.f32 v32, v0;
	v32 =	vmul.f32 v19, v25;
	v51 =	vmul.f32 v49, v47  }
0x21a: {  	v22 =	vshll.u32 v62, $0x10;
	v2 =	vadd.f32 v4, v2;
	v1 =	vadd.f32 v5, v1  }
0x21b: {  	v26 =	vld [tilespmem:s23+$0xE080];
	v3 =	vadd.f32 v9, v3;
	v0 =	vadd.f32 v41, v0;
	v5 =	vmul.f32 v46, v45  }
0x21c: {  	v48 =	vld [tilespmem:s23+$0xE0E0];
	v4 =	vmul.f32 v36, v45;
	v36 =	vshll.u32 v28, $0x10;
	v41 =	vmul.f32 v28, v35  }
0x21d: {  	v45 =	vmul.f32 v31, v37;
	v46 =	vshll.u32 v38, $0x10;
	v2 =	vadd.f32 v42, v2  }
0x21e: {  	v43 =	vld [tilespmem:s23+$0xE0D0];
	v1 =	vadd.f32 v44, v1;
	v0 =	vadd.f32 v4, v0;
	v4 =	vmul.f32 v58, v57  }
0x21f: {  	v3 =	vadd.f32 v5, v3;
	v5 =	vmul.f32 v50, v57;
	v42 =	vmul.f32 v39, v37  }
0x220: {  	v34 =	vshll.u32 v26, $0x10;
	v44 =	vbroadcast v13, $0xB;
	v57 =	vbroadcast v13, $0xF  }
0x221: {  	v58 =	vshll.u32 v48, $0x10;
	v2 =	vadd.f32 v7, v2;
	v1 =	vadd.f32 v53, v1  }
0x222: {  	v3 =	vadd.f32 v54, v3;
	v0 =	vadd.f32 v56, v0;
	v7 =	vmul.f32 v60, v59  }
0x223: {  	v53 =	vmul.f32 v40, v47;
	v54 =	vshll.u32 v43, $0x10;
	v56 =	vbroadcast v13, $0xE  }
0x224: {  	v55 =	vmul.f32 v54, v52;
	v2 =	vadd.f32 v4, v2;
	v1 =	vadd.f32 v5, v1  }
0x225: {  	v3 =	vadd.f32 v7, v3;
	v5 =	vmul.f32 v22, v21;
	v4 =	vmul.f32 v62, v21  }
0x226: {  	v0 =	vadd.f32 v17, v0;
	v7 =	vmul.f32 v24, v23;
	v60 =	vmul.f32 v58, v56  }
0x227: {  	v62 =	vmul.f32 v48, v56;
	v2 =	vadd.f32 v18, v2;
	v3 =	vadd.f32 v5, v3  }
0x228: {  	v50 =	vld [tilespmem:s23+$0xE0F0];
	v1 =	vadd.f32 v20, v1;
	v0 =	vadd.f32 v4, v0;
	v4 =	vmul.f32 v34, v33  }
0x229: {  	v2 =	vadd.f32 v7, v2;
	v3 =	vadd.f32 v30, v3;
	v7 =	vmul.f32 v36, v35  }
0x22a: {  	v5 =	vmul.f32 v26, v33;
	v1 =	vadd.f32 v29, v1;
	v0 =	vadd.f32 v32, v0  }
0x22b: {  	v2 =	vadd.f32 v4, v2;
	v3 =	vadd.f32 v7, v3;
	v7 =	vmul.f32 v46, v44  }
0x22c: {  	v1 =	vadd.f32 v5, v1;
	v0 =	vadd.f32 v41, v0;
	v4 =	vmul.f32 v38, v44  }
0x22d: {  	v59 =	vshll.u32 v50, $0x10;
	v2 =	vadd.f32 v42, v2;
	v3 =	vadd.f32 v7, v3  }
0x22e: {  	v5 =	vmul.f32 v43, v52;
	v1 =	vadd.f32 v45, v1;
	v0 =	vadd.f32 v4, v0  }
0x22f: {  	v61 =	vmul.f32 v59, v57;
	v2 =	vadd.f32 v51, v2;
	v3 =	vadd.f32 v55, v3  }
0x230: {  	v63 =	vmul.f32 v50, v57;
	v1 =	vadd.f32 v53, v1;
	v0 =	vadd.f32 v5, v0  }
0x231: {  	p0 =	sne.s32 s22, $0x9C0;
	v2 =	vadd.f32 v60, v2;
	v3 =	vadd.f32 v61, v3  }
.Ltmp1:
0x232: {  	v1 =	vadd.f32 v62, v1;
	v0 =	vadd.f32 v63, v0;
	(pc) =	sbr.rel @p0 .LBB2_5-.Ltmp1, $4  }
0x233: {  	v2 =	vadd.f32 v3, v2  }
0x234: {  	s26 =	sshra.s32 s21, $0x2;
	v0 =	vadd.f32 v0, v1  }
0x235: {  	s20 =	sadd.s32 $0x10, s20;
	[tilespmem:s26+$0x16D00] =	vst v2  }
0x236: {  	s19 =	sadd.s32 $0x200, s19;
	s22 =	sadd.s32 $0x40, s22;
	s21 =	sadd.s32 $0x80, s21;
	[tilespmem:s26+$0x16D10] =	vst v0  }
0x237: {  	s17 =	sadd.s32 @!p1 s17, s10  }
0x238: {  	s19 =	simm.s32 @!p1 $0x0;
	s18 =	smul.u32 $0x500, s18;
	s16 =	sadd.s32 $0x1, s16  }
0x239: {  	s20 =	simm.s32 @!p1 $0x1400;
	s17 =	sshrl.u32 @!p1 s17, $0x3;
	p0 =	sne.s32 s16, $0x22  }
.Ltmp2:
0x23a: {  	s17 =	sadd.s32 @!p1 s4, s17;
	s26 =	sadd.s32 s9, s18;
	(pc) =	sbr.rel @p0 .LBB2_2-.Ltmp2, $4  }
0x23b: {  	[tilespmem:s20], [sflag:$0x4] =	stream.linear.gather @!p1 [hbm4b:s17+s19], $0x1400, $0x38;
	[tilespmem:$0x17200] =	vst v63  }
0x23c: {  	s17 =	sshrl.u32 s26, $0x3  }
0x23d: {  	s17 =	sadd.s32 s2, s17  }
0x23e: {  	[hbm4b:s17+s3] =	stream.linear.scatter [tilespmem:s15], [sflag:$0x3], $0x500, $0x38;
	[tilespmem:$0x17200] =	vst v63  }
0x23f: {  	s17 =	simm.s32 $0x3  }
0x240: {  	_ =	swait.ge [sflag:s17], $0x500  }
0x241: {  	[sflag:s17] =	ssyncset.done $0x0  }
0x242: {  	[sflag:s17] =	ssyncadd.s32 $0xFFFFFB00  }
0x243: {  	_ =	swait.ge [sflag:s17], $0x500  }
0x244: {  	s18 =	rddreg [dreg:$0x6]  }
0x245: {  	s16 =	rddreg [dreg:$0x5];
	s18 =	sadd.s32 $0x1, s18  }
0x246: {  	p0 =	sne.s32 s18, s16  }
.Ltmp3:
0x247: {  	_ = 	snop;
	(pc) =	sbr.rel @p0 .LBB2_1-.Ltmp3, $3  }
0x248: {  	_ =	sdelay $0x1  }
0x249: {  	[sflag:s17] =	ssyncset.done $0x0  }
0x24a: {  	[sflag:s17] =	ssyncadd.s32 $0xFFFFFB00  }
0x24b: {  	_ =	sfence.sel $0x180000  }
0x24c: {  	[bflag:$0x0] =	sbarrier.arrive $0xFFFF  }
0x24d: {  	_ =	strace $0x90000047  }
0x24e: {  	s0 =	stileid.u32;
	[bflag:$0x2] =	sbarrier.arrive $0xFFFF  }
0x24f: {  	p0 =	sne.s32 s0, $0x0;
	s0 =	rddreg [dreg:$0x2]  }
0x250: {  	s0 =	sadd.s32 @!p0 $0x100000, s0  }
0x251: {  	[sflag:s0] =	ssyncadd.tile.s32 @!p0 $0x1;
	_ =	shalt  }
.Lfunc_end2:
_tile_overlayer_lowered:
.L_overlay_start_2:
0x252: {  	(tag) =	ssettag $0x2  }
0x253: {  	s0 =	rddreg [dreg:$0x0];
	s2 =	stileid.u32  }
0x254: {  	s1 =	rddreg [dreg:$0x1];
	p0 =	sne.s32 s2, $0x0  }
0x255: {  	s3 =	rddreg [dreg:$0x2];
	[bflag:$0x3] =	sbarrier.arrive $0xFFFF;
	s2 =	simm.s32 @!p0 $0x1C05  }
0x256: {  	[timem:s3], [sflag:s2] =	dma.local @!p0 [hbm:s0], s1  }
0x257: {  	s0 =	simm.s32 @!p0 $0x5  }
0x258: {  	_ =	swait.ge @!p0 [sflag:s0], s1  }
0x259: {  	s1 =	ssub.s32 @!p0 $0x0, s1;
	[sflag:s0] =	ssyncset.done @!p0 $0x0  }
0x25a: {  	[sflag:s0] =	ssyncadd.s32 @!p0 s1  }
0x25b: {  	[bflag:$0x3] =	sbarrier.arrive $0xFFFF  }
0x25c: {  	_ =	shalt  }

</sc_bundles>
